<compile_context>
chip_gen: v7x
topology: tpu7x:2x2x1
jax: 0.10.2.dev20260603
libtpu: 0.0.44.dev20260713+nightly
codegen_flags: <defaults>
</compile_context>

<pallas_src>
import functools

import jax
import jax.numpy as jnp
from jax import lax
from jax.experimental import pallas as pl
from jax.experimental.pallas import tpu as pltpu
from jax.experimental.pallas import tpu_sc as plsc

N = 10000
D = 128
E = 320000
C = 40

NC, NS = 2, 16
NW = NC * NS
CH = 64
CPT = 160
CPT2 = CPT + 2
EPW = CH * CPT
E_PAD = NW * EPW
DCH = 128
DCPT = 80
RPT = 624
TAIL = N - NS * RPT
DUMP = N
N_ACC = N + 16
DEG_W = 16

_sc_mesh = plsc.VectorSubcoreMesh(
    core_axis_name="c", subcore_axis_name="s", num_cores=NC, num_subcores=NS)


@functools.partial(
    pl.kernel,
    out_type=jax.ShapeDtypeStruct((NC, N, DEG_W), jnp.float32),
    mesh=_sc_mesh,
    scratch_types=[
        pltpu.VMEM((DCPT, DCH), jnp.int32),
        pltpu.VMEM((DCH, DEG_W), jnp.float32),
        pltpu.VMEM_SHARED((N_ACC, DEG_W), jnp.float32),
        pltpu.SemaphoreType.DMA,
    ],
)
def _sc_degrees(ones_hbm, dst_hbm, out_hbm, dsts, ones_v, acc, dsem):
    cid = lax.axis_index("c")
    sid = lax.axis_index("s")
    wid = cid * NS + sid
    r0 = sid * RPT
    pltpu.sync_copy(dst_hbm.at[wid], dsts)
    pltpu.sync_copy(ones_hbm.at[pl.ds(0, RPT)], acc.at[pl.ds(r0, RPT)])

    @pl.when(sid == NS - 1)
    def _():
        pltpu.sync_copy(ones_hbm.at[pl.ds(0, TAIL)], acc.at[pl.ds(NS * RPT, TAIL)])

    pltpu.sync_copy(ones_hbm.at[pl.ds(0, DCH)], ones_v)
    plsc.subcore_barrier()

    @pl.loop(0, DCPT, step=16)
    def _(g):
        for b in range(16):
            pltpu.async_copy(ones_v, acc.at[dsts.at[g + b]], dsem, add=True)
        for b in range(16):
            pltpu.make_async_copy(ones_v, acc.at[dsts.at[g + b]], dsem).wait()

    plsc.subcore_barrier()
    pltpu.sync_copy(acc.at[pl.ds(r0, RPT)], out_hbm.at[cid, pl.ds(r0, RPT)])

    @pl.when(sid == NS - 1)
    def _():
        pltpu.sync_copy(acc.at[pl.ds(NS * RPT, TAIL)],
                        out_hbm.at[cid, pl.ds(NS * RPT, TAIL)])


@functools.partial(
    pl.kernel,
    out_type=jax.ShapeDtypeStruct((NC, N, D), jnp.float32),
    mesh=_sc_mesh,
    scratch_types=[
        pltpu.VMEM((CPT2 * CH,), jnp.int32),
        pltpu.VMEM((4, CH), jnp.int32),
        pltpu.VMEM((4, CH), jnp.int32),
        pltpu.VMEM((CH, D), jnp.float32),
        pltpu.VMEM((CH, D), jnp.float32),
        pltpu.VMEM((CH, D), jnp.float32),
        pltpu.VMEM((CH, D), jnp.float32),
        pltpu.VMEM_SHARED((N_ACC, D), jnp.float32),
        pltpu.SemaphoreType.DMA,
        pltpu.SemaphoreType.DMA,
        pltpu.SemaphoreType.DMA,
        pltpu.SemaphoreType.DMA,
        pltpu.SemaphoreType.DMA,
        pltpu.SemaphoreType.DMA,
        pltpu.SemaphoreType.DMA,
        pltpu.SemaphoreType.DMA,
    ],
)
def _sc_edge_agg(u_hbm, pk_hbm, out_hbm, packed, srcu, dstu,
                 rb0, rb1, rb2, rb3, acc, gs0, gs1, gs2, gs3, ss0, ss1, ss2, ss3):
    rows = [rb0, rb1, rb2, rb3]
    gsem = [gs0, gs1, gs2, gs3]
    ssem = [ss0, ss1, ss2, ss3]
    cid = lax.axis_index("c")
    sid = lax.axis_index("s")
    wid = cid * NS + sid
    r0 = sid * RPT
    pltpu.sync_copy(pk_hbm.at[wid], packed)
    pltpu.sync_copy(u_hbm.at[pl.ds(r0, RPT)], acc.at[pl.ds(r0, RPT)])

    @pl.when(sid == NS - 1)
    def _():
        pltpu.sync_copy(u_hbm.at[pl.ds(NS * RPT, TAIL)],
                        acc.at[pl.ds(NS * RPT, TAIL)])

    plsc.subcore_barrier()

    def unpack(i, b):
        for j in range(CH // 16):
            p = packed[pl.ds(i * CH + j * 16, 16)]
            srcu[b, pl.ds(j * 16, 16)] = jnp.bitwise_and(p, 0xFFFF)
            dstu[b, pl.ds(j * 16, 16)] = jnp.right_shift(p, 16)

    def gather(i, b):
        unpack(i, b)
        pltpu.async_copy(u_hbm.at[srcu.at[b]], rows[b], gsem[b])

    def gwait(b):
        pltpu.make_async_copy(u_hbm.at[srcu.at[b]], rows[b], gsem[b]).wait()

    def scat(b):
        pltpu.async_copy(rows[b], acc.at[dstu.at[b]], ssem[b], add=True)

    def swait(b):
        pltpu.make_async_copy(rows[b], acc.at[dstu.at[b]], ssem[b]).wait()

    gather(0, 0)
    gather(1, 1)
    gwait(0); scat(0); gather(2, 2)
    gwait(1); scat(1); gather(3, 3)
    gwait(2); scat(2); swait(0); gather(4, 0)
    gwait(3); scat(3); swait(1); gather(5, 1)

    @pl.loop(4, CPT, step=4)
    def _(g):
        for b in range(4):
            b2 = (b + 2) % 4
            gwait(b)
            scat(b)
            swait(b2)
            gather(g + b + 2, b2)

    swait(2)
    swait(3)
    gwait(0)
    gwait(1)

    plsc.subcore_barrier()
    pltpu.sync_copy(acc.at[pl.ds(r0, RPT)], out_hbm.at[cid, pl.ds(r0, RPT)])

    @pl.when(sid == NS - 1)
    def _():
        pltpu.sync_copy(acc.at[pl.ds(NS * RPT, TAIL)],
                        out_hbm.at[cid, pl.ds(NS * RPT, TAIL)])


BR = 2000


def _dinv(dg_ref):
    return lax.rsqrt(dg_ref[0, :, :1] + dg_ref[1, :, :1] - 1.0)


def _tc1_body(x_ref, w1_ref, wd_ref, bd_ref, dg_ref, u1_ref, ox_ref):
    x = x_ref[...]
    u1_ref[...] = _dinv(dg_ref) * jnp.dot(
        x, w1_ref[...], preferred_element_type=jnp.float32)
    ox_ref[...] = jnp.dot(
        x, wd_ref[...], preferred_element_type=jnp.float32) + bd_ref[...]


def _tc2_body(s_ref, u1_ref, dg_ref, b1_ref, w2_ref, u2_ref):
    di = _dinv(dg_ref)
    h = di * (s_ref[0] + s_ref[1] - u1_ref[...]) + b1_ref[...]
    h = jnp.maximum(h, 0.0)
    u2_ref[...] = di * jnp.dot(h, w2_ref[...], preferred_element_type=jnp.float32)


def _tc3_body(s_ref, u2_ref, dg_ref, b2_ref, ox_ref,
              wh_ref, bh_ref, o1_ref, o2_ref, o3_ref):
    di = _dinv(dg_ref)
    h = di * (s_ref[0] + s_ref[1] - u2_ref[...]) + b2_ref[...] + ox_ref[...]
    z = jnp.dot(h, wh_ref[...], preferred_element_type=jnp.float32) + bh_ref[...]
    zc = z[:, :C]
    m = jnp.max(zc, axis=1, keepdims=True)
    o1_ref[...] = zc - m - jnp.log(jnp.sum(jnp.exp(zc - m), axis=1, keepdims=True))
    o2_ref[...] = z[:, C:C + 1]
    o3_ref[...] = z[:, C + 1:C + 2]


def _row_spec(w):
    return pl.BlockSpec((BR, w), lambda i: (i, 0))


def _pair_spec(w):
    return pl.BlockSpec((NC, BR, w), lambda i: (0, i, 0))


def _const_spec(shape):
    return pl.BlockSpec(shape, lambda i: (0,) * len(shape))


def kernel(x, edge_index, W_down, b_down, W1, b1, W2, b2, Wc, bc, Wd2, bd2, Wd3, bd3):
    pad = E_PAD - E
    pad_src = (jnp.arange(pad, dtype=jnp.int32) * 61) % N
    pad_dst = DUMP + (jnp.arange(pad, dtype=jnp.int32) % 16)
    src_p = jnp.concatenate([edge_index[0], pad_src])
    dst_p = jnp.concatenate([edge_index[1], pad_dst])
    packed = jnp.bitwise_or(src_p, jnp.left_shift(dst_p, 16)).reshape(NW, CPT, CH)
    la = jnp.bitwise_or((jnp.arange(NW * 2 * CH, dtype=jnp.int32) * 61) % N,
                        jnp.left_shift(DUMP + (jnp.arange(NW * 2 * CH) % 16), 16)
                        ).reshape(NW, 2, CH).astype(jnp.int32)
    packed = jnp.concatenate([packed, la], axis=1).reshape(NW, CPT2 * CH)
    dst3 = dst_p.reshape(NW, DCPT, DCH)
    ones = jnp.ones((RPT, DEG_W), jnp.float32)

    degp = _sc_degrees(ones, dst3)

    grid = (N // BR,)
    u1, ox = pl.pallas_call(
        _tc1_body,
        grid=grid,
        in_specs=[_row_spec(D), _const_spec((D, D)), _const_spec((D, D)),
                  _const_spec((1, D)), _pair_spec(DEG_W)],
        out_specs=[_row_spec(D), _row_spec(D)],
        out_shape=[jax.ShapeDtypeStruct((N, D), jnp.float32)] * 2,
    )(x, W1, W_down, b_down.reshape(1, D), degp)

    s1 = _sc_edge_agg(u1, packed)

    u2 = pl.pallas_call(
        _tc2_body,
        grid=grid,
        in_specs=[_pair_spec(D), _row_spec(D), _pair_spec(DEG_W),
                  _const_spec((1, D)), _const_spec((D, D))],
        out_specs=_row_spec(D),
        out_shape=jax.ShapeDtypeStruct((N, D), jnp.float32),
    )(s1, u1, degp, b1.reshape(1, D), W2)

    s2 = _sc_edge_agg(u2, packed)

    Wh = jnp.concatenate([Wc, Wd2, Wd3], axis=1)
    bh = jnp.concatenate([bc, bd2, bd3]).reshape(1, C + 2)
    o1, o2, o3 = pl.pallas_call(
        _tc3_body,
        grid=grid,
        in_specs=[_pair_spec(D), _row_spec(D), _pair_spec(DEG_W),
                  _const_spec((1, D)), _row_spec(D),
                  _const_spec((D, C + 2)), _const_spec((1, C + 2))],
        out_specs=[_row_spec(C), _row_spec(1), _row_spec(1)],
        out_shape=[jax.ShapeDtypeStruct((N, C), jnp.float32),
                   jax.ShapeDtypeStruct((N, 1), jnp.float32),
                   jax.ShapeDtypeStruct((N, 1), jnp.float32)],
    )(s2, u2, degp, b2.reshape(1, D), ox, Wh, bh)

    return (o1, jnp.squeeze(o2, -1), jnp.squeeze(o3, -1))

# --- scband reference (transcript-rebuilt; emitter-appended) ---
"""Pipeline reference for scband-gnn-9620726743150 (READ-ONLY COPY).

The authoritative reference and input builder live on the scoring server;
editing this copy changes nothing except your own understanding.
"""

import jax, jax.numpy as jnp
import numpy as np

N = 10000
E = 320000
D = 128
H = 128
C = 40


def setup_inputs(seed: int = 0) -> dict:
    key = jax.random.key(seed)
    ks = jax.random.split(key, 16)
    x = jax.random.normal(ks[0], (N, D), dtype=jnp.float32)
    edge_index = jax.random.randint(ks[1], (2, E), 0, N, dtype=jnp.int32)
    def lin(k, fi, fo):
        k1, k2 = jax.random.split(k)
        s = 1.0 / np.sqrt(fi)
        W = jax.random.uniform(k1, (fi, fo), jnp.float32, -s, s)
        b = jax.random.uniform(k2, (fo,), jnp.float32, -s, s)
        return W, b
    W1, b1 = lin(ks[2], D, H)
    W2, b2 = lin(ks[3], H, H)
    W_down, b_down = lin(ks[4], D, H)
    Wc, bc = lin(ks[5], H, C)
    Wd2, bd2 = lin(ks[6], H, 1)
    Wd3, bd3 = lin(ks[7], H, 1)
    return {"x": x, "edge_index": edge_index, "W_down": W_down, "b_down": b_down,
            "W1": W1, "b1": b1, "W2": W2, "b2": b2,
            "Wc": Wc, "bc": bc, "Wd2": Wd2, "bd2": bd2, "Wd3": Wd3, "bd3": bd3}


def _gcn_conv(x, edge_index, W, b):
    # PyG GCNConv: linear transform, add self-loops, symmetric deg normalization,
    # scatter-add aggregation by destination node, then bias.
    h = x @ W
    loop = jnp.arange(N, dtype=edge_index.dtype)
    src = jnp.concatenate([edge_index[0], loop])
    dst = jnp.concatenate([edge_index[1], loop])
    deg = jax.ops.segment_sum(jnp.ones(src.shape[0], dtype=h.dtype), dst, num_segments=N)
    dinv = jnp.where(deg > 0, jax.lax.rsqrt(deg), 0.0)
    norm = dinv[src] * dinv[dst]
    msg = h[src] * norm[:, None]
    out = jax.ops.segment_sum(msg, dst, num_segments=N)
    return out + b


def reference(x, edge_index, W_down, b_down, W1, b1, W2, b2, Wc, bc, Wd2, bd2, Wd3, bd3):
    original_x = x @ W_down + b_down
    h = _gcn_conv(x, edge_index, W1, b1)
    h = jax.nn.relu(h)
    # dropout is a no-op in eval mode
    h = _gcn_conv(h, edge_index, W2, b2)
    h = h + original_x
    result1 = jax.nn.log_softmax(h @ Wc + bc, axis=1)
    result2 = (h @ Wd2 + bd2).squeeze(-1)
    result3 = (h @ Wd3 + bd3).squeeze(-1)
    return (result1, result2, result3)

if __name__ == "__main__":
    import jax
    _d = setup_inputs()
    print(jax.jit(kernel)(*tuple(_d.values())))

</pallas_src>

<mosaic_0001>
#map = affine_map<(d0, d1) -> (0, 0)>
#map1 = affine_map<(d0, d1) -> (0, 0, 0)>
module attributes {stable_mosaic.version = 14 : i64} {
  func.func @_sc_degrees(%arg0: i32, %arg1: i32, %arg2: memref<624x16xf32, #tpu.memory_space<hbm>>, %arg3: memref<32x80x128xi32, #tpu.memory_space<hbm>>, %arg4: memref<2x10000x16xf32, #tpu.memory_space<hbm>>, %arg5: memref<80x128xi32, #tpu.memory_space<vmem>>, %arg6: memref<128x16xf32, #tpu.memory_space<vmem>>, %arg7: memref<10016x16xf32, #tpu.memory_space<vmem_shared>>, %arg8: memref<!tpu.dma_semaphore, #tpu.memory_space<semaphore_mem>>) attributes {dimension_semantics = [#tpu.dimension_semantics<core_parallel>, #tpu.dimension_semantics<subcore_parallel>], iteration_bounds = array<i64: 2, 16>, scalar_prefetch = 0 : i64, scratch_operands = 4 : i64, tpu.core_type = #tpu.core_type<sc_vector_subcore>, window_params = [{transform_indices = #map}, {transform_indices = #map1}, {transform_indices = #map1}]} {
    %mul3A = arith.constant 16 : i32
    %mul3A_0 = arith.muli %arg0, %mul3A : i32
    %add3A = arith.addi %mul3A_0, %arg1 : i32
    %mul3A_1 = arith.constant 624 : i32
    %mul3A_2 = arith.muli %arg1, %mul3A_1 : i32
    "tpu.region"() ({
      %run_scoped3A = tpu.sem_alloc : memref<!tpu.dma_semaphore, #tpu.memory_space<semaphore_mem>>
      %dma_start3A = arith.constant 0 : i32
      %dma_start3A_15 = arith.constant 0 : i32
      %dma_start3A_16 = tpu.memref_slice %arg3[%add3A, %dma_start3A, %dma_start3A_15] : memref<32x80x128xi32, #tpu.memory_space<hbm>> -> memref<1x80x128xi32, #tpu.memory_space<hbm>>
      %dma_start3A_17 = tpu.memref_squeeze %dma_start3A_16 : memref<1x80x128xi32, #tpu.memory_space<hbm>> -> memref<80x128xi32, #tpu.memory_space<hbm>>
      %dma_start3A_18 = arith.constant 0 : i32
      %dma_start3A_19 = arith.constant 0 : i32
      %dma_start3A_20 = tpu.memref_slice %arg3[%add3A, %dma_start3A_18, %dma_start3A_19] : memref<32x80x128xi32, #tpu.memory_space<hbm>> -> memref<1x80x128xi32, #tpu.memory_space<hbm>>
      %dma_start3A_21 = tpu.memref_squeeze %dma_start3A_20 : memref<1x80x128xi32, #tpu.memory_space<hbm>> -> memref<80x128xi32, #tpu.memory_space<hbm>>
      tpu.enqueue_dma source(%dma_start3A_21 : memref<80x128xi32, #tpu.memory_space<hbm>>) target(%arg5 : memref<80x128xi32, #tpu.memory_space<vmem>>) target_semaphore(%run_scoped3A : memref<!tpu.dma_semaphore, #tpu.memory_space<semaphore_mem>>)
      %dma_wait3A = arith.constant 0 : i32
      %dma_wait3A_22 = arith.constant 0 : i32
      %dma_wait3A_23 = tpu.memref_slice %arg3[%add3A, %dma_wait3A, %dma_wait3A_22] : memref<32x80x128xi32, #tpu.memory_space<hbm>> -> memref<1x80x128xi32, #tpu.memory_space<hbm>>
      %dma_wait3A_24 = tpu.memref_squeeze %dma_wait3A_23 : memref<1x80x128xi32, #tpu.memory_space<hbm>> -> memref<80x128xi32, #tpu.memory_space<hbm>>
      %dma_wait3A_25 = arith.constant 0 : i32
      %dma_wait3A_26 = arith.constant 0 : i32
      %dma_wait3A_27 = tpu.memref_slice %arg3[%add3A, %dma_wait3A_25, %dma_wait3A_26] : memref<32x80x128xi32, #tpu.memory_space<hbm>> -> memref<1x80x128xi32, #tpu.memory_space<hbm>>
      %dma_wait3A_28 = tpu.memref_squeeze %dma_wait3A_27 : memref<1x80x128xi32, #tpu.memory_space<hbm>> -> memref<80x128xi32, #tpu.memory_space<hbm>>
      tpu.wait_dma2 semaphore(%run_scoped3A : memref<!tpu.dma_semaphore, #tpu.memory_space<semaphore_mem>>) src(%dma_wait3A_28 : memref<80x128xi32, #tpu.memory_space<hbm>>) dst(%arg5 : memref<80x128xi32, #tpu.memory_space<vmem>>)
      tpu.yield
    }) : () -> ()
    "tpu.region"() ({
      %run_scoped3A = tpu.sem_alloc : memref<!tpu.dma_semaphore, #tpu.memory_space<semaphore_mem>>
      %dma_start3A = arith.constant 0 : i32
      %dma_start3A_15 = tpu.memref_slice %arg7[%mul3A_2, %dma_start3A] : memref<10016x16xf32, #tpu.memory_space<vmem_shared>> -> memref<624x16xf32, #tpu.memory_space<vmem_shared>>
      %dma_start3A_16 = arith.constant 0 : i32
      %dma_start3A_17 = arith.constant 0 : i32
      %dma_start3A_18 = tpu.memref_slice %arg2[%dma_start3A_16, %dma_start3A_17] : memref<624x16xf32, #tpu.memory_space<hbm>> -> memref<624x16xf32, #tpu.memory_space<hbm>>
      tpu.enqueue_dma source(%dma_start3A_18 : memref<624x16xf32, #tpu.memory_space<hbm>>) target(%dma_start3A_15 : memref<624x16xf32, #tpu.memory_space<vmem_shared>>) target_semaphore(%run_scoped3A : memref<!tpu.dma_semaphore, #tpu.memory_space<semaphore_mem>>)
      %dma_wait3A = arith.constant 0 : i32
      %dma_wait3A_19 = tpu.memref_slice %arg7[%mul3A_2, %dma_wait3A] : memref<10016x16xf32, #tpu.memory_space<vmem_shared>> -> memref<624x16xf32, #tpu.memory_space<vmem_shared>>
      %dma_wait3A_20 = arith.constant 0 : i32
      %dma_wait3A_21 = arith.constant 0 : i32
      %dma_wait3A_22 = tpu.memref_slice %arg2[%dma_wait3A_20, %dma_wait3A_21] : memref<624x16xf32, #tpu.memory_space<hbm>> -> memref<624x16xf32, #tpu.memory_space<hbm>>
      tpu.wait_dma2 semaphore(%run_scoped3A : memref<!tpu.dma_semaphore, #tpu.memory_space<semaphore_mem>>) src(%dma_wait3A_22 : memref<624x16xf32, #tpu.memory_space<hbm>>) dst(%dma_wait3A_19 : memref<624x16xf32, #tpu.memory_space<vmem_shared>>)
      tpu.yield
    }) : () -> ()
    %eq3A = arith.constant 15 : i32
    %eq3A_3 = arith.cmpi eq, %arg1, %eq3A : i32
    %convert_element_type3A = arith.extui %eq3A_3 : i1 to i32
    %cond3A = arith.constant 0 : i32
    %cond3A_4 = arith.cmpi ne, %convert_element_type3A, %cond3A : i32
    scf.if %cond3A_4 {
      "tpu.region"() ({
        %run_scoped3A = tpu.sem_alloc : memref<!tpu.dma_semaphore, #tpu.memory_space<semaphore_mem>>
        %dma_start3A = arith.constant 9984 : i32
        %dma_start3A_15 = arith.constant 0 : i32
        %dma_start3A_16 = tpu.memref_slice %arg7[%dma_start3A, %dma_start3A_15] : memref<10016x16xf32, #tpu.memory_space<vmem_shared>> -> memref<16x16xf32, #tpu.memory_space<vmem_shared>>
        %dma_start3A_17 = arith.constant 0 : i32
        %dma_start3A_18 = arith.constant 0 : i32
        %dma_start3A_19 = tpu.memref_slice %arg2[%dma_start3A_17, %dma_start3A_18] : memref<624x16xf32, #tpu.memory_space<hbm>> -> memref<16x16xf32, #tpu.memory_space<hbm>>
        tpu.enqueue_dma source(%dma_start3A_19 : memref<16x16xf32, #tpu.memory_space<hbm>>) target(%dma_start3A_16 : memref<16x16xf32, #tpu.memory_space<vmem_shared>>) target_semaphore(%run_scoped3A : memref<!tpu.dma_semaphore, #tpu.memory_space<semaphore_mem>>)
        %dma_wait3A = arith.constant 9984 : i32
        %dma_wait3A_20 = arith.constant 0 : i32
        %dma_wait3A_21 = tpu.memref_slice %arg7[%dma_wait3A, %dma_wait3A_20] : memref<10016x16xf32, #tpu.memory_space<vmem_shared>> -> memref<16x16xf32, #tpu.memory_space<vmem_shared>>
        %dma_wait3A_22 = arith.constant 0 : i32
        %dma_wait3A_23 = arith.constant 0 : i32
        %dma_wait3A_24 = tpu.memref_slice %arg2[%dma_wait3A_22, %dma_wait3A_23] : memref<624x16xf32, #tpu.memory_space<hbm>> -> memref<16x16xf32, #tpu.memory_space<hbm>>
        tpu.wait_dma2 semaphore(%run_scoped3A : memref<!tpu.dma_semaphore, #tpu.memory_space<semaphore_mem>>) src(%dma_wait3A_24 : memref<16x16xf32, #tpu.memory_space<hbm>>) dst(%dma_wait3A_21 : memref<16x16xf32, #tpu.memory_space<vmem_shared>>)
        tpu.yield
      }) : () -> ()
    } else {
    }
    "tpu.region"() ({
      %run_scoped3A = tpu.sem_alloc : memref<!tpu.dma_semaphore, #tpu.memory_space<semaphore_mem>>
      %dma_start3A = arith.constant 0 : i32
      %dma_start3A_15 = arith.constant 0 : i32
      %dma_start3A_16 = tpu.memref_slice %arg2[%dma_start3A, %dma_start3A_15] : memref<624x16xf32, #tpu.memory_space<hbm>> -> memref<128x16xf32, #tpu.memory_space<hbm>>
      %dma_start3A_17 = arith.constant 0 : i32
      %dma_start3A_18 = arith.constant 0 : i32
      %dma_start3A_19 = tpu.memref_slice %arg2[%dma_start3A_17, %dma_start3A_18] : memref<624x16xf32, #tpu.memory_space<hbm>> -> memref<128x16xf32, #tpu.memory_space<hbm>>
      tpu.enqueue_dma source(%dma_start3A_19 : memref<128x16xf32, #tpu.memory_space<hbm>>) target(%arg6 : memref<128x16xf32, #tpu.memory_space<vmem>>) target_semaphore(%run_scoped3A : memref<!tpu.dma_semaphore, #tpu.memory_space<semaphore_mem>>)
      %dma_wait3A = arith.constant 0 : i32
      %dma_wait3A_20 = arith.constant 0 : i32
      %dma_wait3A_21 = tpu.memref_slice %arg2[%dma_wait3A, %dma_wait3A_20] : memref<624x16xf32, #tpu.memory_space<hbm>> -> memref<128x16xf32, #tpu.memory_space<hbm>>
      %dma_wait3A_22 = arith.constant 0 : i32
      %dma_wait3A_23 = arith.constant 0 : i32
      %dma_wait3A_24 = tpu.memref_slice %arg2[%dma_wait3A_22, %dma_wait3A_23] : memref<624x16xf32, #tpu.memory_space<hbm>> -> memref<128x16xf32, #tpu.memory_space<hbm>>
      tpu.wait_dma2 semaphore(%run_scoped3A : memref<!tpu.dma_semaphore, #tpu.memory_space<semaphore_mem>>) src(%dma_wait3A_24 : memref<128x16xf32, #tpu.memory_space<hbm>>) dst(%arg6 : memref<128x16xf32, #tpu.memory_space<vmem>>)
      tpu.yield
    }) : () -> ()
    %barrier3A = arith.constant 0 : index
    tpu.barrier barrier_id(%barrier3A)
    %scan3A = arith.constant 0 : i32
    %scan3A_5 = arith.constant 5 : i32
    %scan3A_6 = arith.addi %scan3A, %scan3A_5 : i32
    %scan3A_7 = arith.constant 1 : i32
    scf.for %scan3A_15 = %scan3A to %scan3A_6 step %scan3A_7  : i32 {
      %mul3A_16 = arith.constant 16 : i32
      %mul3A_17 = arith.muli %scan3A_15, %mul3A_16 : i32
      %add3A_18 = arith.constant 0 : i32
      %add3A_19 = arith.addi %add3A_18, %mul3A_17 : i32
      %add3A_20 = arith.constant 0 : i32
      %add3A_21 = arith.addi %add3A_19, %add3A_20 : i32
      %dma_start3A = arith.constant 0 : i32
      %dma_start3A_22 = tpu.memref_slice %arg5[%add3A_21, %dma_start3A] : memref<80x128xi32, #tpu.memory_space<vmem>> -> memref<1x128xi32, #tpu.memory_space<vmem>>
      %dma_start3A_23 = tpu.memref_squeeze %dma_start3A_22 : memref<1x128xi32, #tpu.memory_space<vmem>> -> memref<128xi32, #tpu.memory_space<vmem>>
      %dma_start3A_24 = arith.constant 0 : i32
      %dma_start3A_25 = arith.constant 0 : i32
      %dma_start3A_26 = tpu.memref_slice %arg7[%dma_start3A_24, %dma_start3A_25] : memref<10016x16xf32, #tpu.memory_space<vmem_shared>> -> memref<10016x16xf32, #tpu.memory_space<vmem_shared>>
      tpu.enqueue_indirect_dma source(%arg6 : memref<128x16xf32, #tpu.memory_space<vmem>>) target(%dma_start3A_26 : memref<10016x16xf32, #tpu.memory_space<vmem_shared>>) offsets(%dma_start3A_23 : memref<128xi32, #tpu.memory_space<vmem>>) semaphore(%arg8 : memref<!tpu.dma_semaphore, #tpu.memory_space<semaphore_mem>>) {add = true}
      %add3A_27 = arith.constant 1 : i32
      %add3A_28 = arith.addi %add3A_19, %add3A_27 : i32
      %dma_start3A_29 = arith.constant 0 : i32
      %dma_start3A_30 = tpu.memref_slice %arg5[%add3A_28, %dma_start3A_29] : memref<80x128xi32, #tpu.memory_space<vmem>> -> memref<1x128xi32, #tpu.memory_space<vmem>>
      %dma_start3A_31 = tpu.memref_squeeze %dma_start3A_30 : memref<1x128xi32, #tpu.memory_space<vmem>> -> memref<128xi32, #tpu.memory_space<vmem>>
      %dma_start3A_32 = arith.constant 0 : i32
      %dma_start3A_33 = arith.constant 0 : i32
      %dma_start3A_34 = tpu.memref_slice %arg7[%dma_start3A_32, %dma_start3A_33] : memref<10016x16xf32, #tpu.memory_space<vmem_shared>> -> memref<10016x16xf32, #tpu.memory_space<vmem_shared>>
      tpu.enqueue_indirect_dma source(%arg6 : memref<128x16xf32, #tpu.memory_space<vmem>>) target(%dma_start3A_34 : memref<10016x16xf32, #tpu.memory_space<vmem_shared>>) offsets(%dma_start3A_31 : memref<128xi32, #tpu.memory_space<vmem>>) semaphore(%arg8 : memref<!tpu.dma_semaphore, #tpu.memory_space<semaphore_mem>>) {add = true}
      %add3A_35 = arith.constant 2 : i32
      %add3A_36 = arith.addi %add3A_19, %add3A_35 : i32
      %dma_start3A_37 = arith.constant 0 : i32
      %dma_start3A_38 = tpu.memref_slice %arg5[%add3A_36, %dma_start3A_37] : memref<80x128xi32, #tpu.memory_space<vmem>> -> memref<1x128xi32, #tpu.memory_space<vmem>>
      %dma_start3A_39 = tpu.memref_squeeze %dma_start3A_38 : memref<1x128xi32, #tpu.memory_space<vmem>> -> memref<128xi32, #tpu.memory_space<vmem>>
      %dma_start3A_40 = arith.constant 0 : i32
      %dma_start3A_41 = arith.constant 0 : i32
      %dma_start3A_42 = tpu.memref_slice %arg7[%dma_start3A_40, %dma_start3A_41] : memref<10016x16xf32, #tpu.memory_space<vmem_shared>> -> memref<10016x16xf32, #tpu.memory_space<vmem_shared>>
      tpu.enqueue_indirect_dma source(%arg6 : memref<128x16xf32, #tpu.memory_space<vmem>>) target(%dma_start3A_42 : memref<10016x16xf32, #tpu.memory_space<vmem_shared>>) offsets(%dma_start3A_39 : memref<128xi32, #tpu.memory_space<vmem>>) semaphore(%arg8 : memref<!tpu.dma_semaphore, #tpu.memory_space<semaphore_mem>>) {add = true}
      %add3A_43 = arith.constant 3 : i32
      %add3A_44 = arith.addi %add3A_19, %add3A_43 : i32
      %dma_start3A_45 = arith.constant 0 : i32
      %dma_start3A_46 = tpu.memref_slice %arg5[%add3A_44, %dma_start3A_45] : memref<80x128xi32, #tpu.memory_space<vmem>> -> memref<1x128xi32, #tpu.memory_space<vmem>>
      %dma_start3A_47 = tpu.memref_squeeze %dma_start3A_46 : memref<1x128xi32, #tpu.memory_space<vmem>> -> memref<128xi32, #tpu.memory_space<vmem>>
      %dma_start3A_48 = arith.constant 0 : i32
      %dma_start3A_49 = arith.constant 0 : i32
      %dma_start3A_50 = tpu.memref_slice %arg7[%dma_start3A_48, %dma_start3A_49] : memref<10016x16xf32, #tpu.memory_space<vmem_shared>> -> memref<10016x16xf32, #tpu.memory_space<vmem_shared>>
      tpu.enqueue_indirect_dma source(%arg6 : memref<128x16xf32, #tpu.memory_space<vmem>>) target(%dma_start3A_50 : memref<10016x16xf32, #tpu.memory_space<vmem_shared>>) offsets(%dma_start3A_47 : memref<128xi32, #tpu.memory_space<vmem>>) semaphore(%arg8 : memref<!tpu.dma_semaphore, #tpu.memory_space<semaphore_mem>>) {add = true}
      %add3A_51 = arith.constant 4 : i32
      %add3A_52 = arith.addi %add3A_19, %add3A_51 : i32
      %dma_start3A_53 = arith.constant 0 : i32
      %dma_start3A_54 = tpu.memref_slice %arg5[%add3A_52, %dma_start3A_53] : memref<80x128xi32, #tpu.memory_space<vmem>> -> memref<1x128xi32, #tpu.memory_space<vmem>>
      %dma_start3A_55 = tpu.memref_squeeze %dma_start3A_54 : memref<1x128xi32, #tpu.memory_space<vmem>> -> memref<128xi32, #tpu.memory_space<vmem>>
      %dma_start3A_56 = arith.constant 0 : i32
      %dma_start3A_57 = arith.constant 0 : i32
      %dma_start3A_58 = tpu.memref_slice %arg7[%dma_start3A_56, %dma_start3A_57] : memref<10016x16xf32, #tpu.memory_space<vmem_shared>> -> memref<10016x16xf32, #tpu.memory_space<vmem_shared>>
      tpu.enqueue_indirect_dma source(%arg6 : memref<128x16xf32, #tpu.memory_space<vmem>>) target(%dma_start3A_58 : memref<10016x16xf32, #tpu.memory_space<vmem_shared>>) offsets(%dma_start3A_55 : memref<128xi32, #tpu.memory_space<vmem>>) semaphore(%arg8 : memref<!tpu.dma_semaphore, #tpu.memory_space<semaphore_mem>>) {add = true}
      %add3A_59 = arith.constant 5 : i32
      %add3A_60 = arith.addi %add3A_19, %add3A_59 : i32
      %dma_start3A_61 = arith.constant 0 : i32
      %dma_start3A_62 = tpu.memref_slice %arg5[%add3A_60, %dma_start3A_61] : memref<80x128xi32, #tpu.memory_space<vmem>> -> memref<1x128xi32, #tpu.memory_space<vmem>>
      %dma_start3A_63 = tpu.memref_squeeze %dma_start3A_62 : memref<1x128xi32, #tpu.memory_space<vmem>> -> memref<128xi32, #tpu.memory_space<vmem>>
      %dma_start3A_64 = arith.constant 0 : i32
      %dma_start3A_65 = arith.constant 0 : i32
      %dma_start3A_66 = tpu.memref_slice %arg7[%dma_start3A_64, %dma_start3A_65] : memref<10016x16xf32, #tpu.memory_space<vmem_shared>> -> memref<10016x16xf32, #tpu.memory_space<vmem_shared>>
      tpu.enqueue_indirect_dma source(%arg6 : memref<128x16xf32, #tpu.memory_space<vmem>>) target(%dma_start3A_66 : memref<10016x16xf32, #tpu.memory_space<vmem_shared>>) offsets(%dma_start3A_63 : memref<128xi32, #tpu.memory_space<vmem>>) semaphore(%arg8 : memref<!tpu.dma_semaphore, #tpu.memory_space<semaphore_mem>>) {add = true}
      %add3A_67 = arith.constant 6 : i32
      %add3A_68 = arith.addi %add3A_19, %add3A_67 : i32
      %dma_start3A_69 = arith.constant 0 : i32
      %dma_start3A_70 = tpu.memref_slice %arg5[%add3A_68, %dma_start3A_69] : memref<80x128xi32, #tpu.memory_space<vmem>> -> memref<1x128xi32, #tpu.memory_space<vmem>>
      %dma_start3A_71 = tpu.memref_squeeze %dma_start3A_70 : memref<1x128xi32, #tpu.memory_space<vmem>> -> memref<128xi32, #tpu.memory_space<vmem>>
      %dma_start3A_72 = arith.constant 0 : i32
      %dma_start3A_73 = arith.constant 0 : i32
      %dma_start3A_74 = tpu.memref_slice %arg7[%dma_start3A_72, %dma_start3A_73] : memref<10016x16xf32, #tpu.memory_space<vmem_shared>> -> memref<10016x16xf32, #tpu.memory_space<vmem_shared>>
      tpu.enqueue_indirect_dma source(%arg6 : memref<128x16xf32, #tpu.memory_space<vmem>>) target(%dma_start3A_74 : memref<10016x16xf32, #tpu.memory_space<vmem_shared>>) offsets(%dma_start3A_71 : memref<128xi32, #tpu.memory_space<vmem>>) semaphore(%arg8 : memref<!tpu.dma_semaphore, #tpu.memory_space<semaphore_mem>>) {add = true}
      %add3A_75 = arith.constant 7 : i32
      %add3A_76 = arith.addi %add3A_19, %add3A_75 : i32
      %dma_start3A_77 = arith.constant 0 : i32
      %dma_start3A_78 = tpu.memref_slice %arg5[%add3A_76, %dma_start3A_77] : memref<80x128xi32, #tpu.memory_space<vmem>> -> memref<1x128xi32, #tpu.memory_space<vmem>>
      %dma_start3A_79 = tpu.memref_squeeze %dma_start3A_78 : memref<1x128xi32, #tpu.memory_space<vmem>> -> memref<128xi32, #tpu.memory_space<vmem>>
      %dma_start3A_80 = arith.constant 0 : i32
      %dma_start3A_81 = arith.constant 0 : i32
      %dma_start3A_82 = tpu.memref_slice %arg7[%dma_start3A_80, %dma_start3A_81] : memref<10016x16xf32, #tpu.memory_space<vmem_shared>> -> memref<10016x16xf32, #tpu.memory_space<vmem_shared>>
      tpu.enqueue_indirect_dma source(%arg6 : memref<128x16xf32, #tpu.memory_space<vmem>>) target(%dma_start3A_82 : memref<10016x16xf32, #tpu.memory_space<vmem_shared>>) offsets(%dma_start3A_79 : memref<128xi32, #tpu.memory_space<vmem>>) semaphore(%arg8 : memref<!tpu.dma_semaphore, #tpu.memory_space<semaphore_mem>>) {add = true}
      %add3A_83 = arith.constant 8 : i32
      %add3A_84 = arith.addi %add3A_19, %add3A_83 : i32
      %dma_start3A_85 = arith.constant 0 : i32
      %dma_start3A_86 = tpu.memref_slice %arg5[%add3A_84, %dma_start3A_85] : memref<80x128xi32, #tpu.memory_space<vmem>> -> memref<1x128xi32, #tpu.memory_space<vmem>>
      %dma_start3A_87 = tpu.memref_squeeze %dma_start3A_86 : memref<1x128xi32, #tpu.memory_space<vmem>> -> memref<128xi32, #tpu.memory_space<vmem>>
      %dma_start3A_88 = arith.constant 0 : i32
      %dma_start3A_89 = arith.constant 0 : i32
      %dma_start3A_90 = tpu.memref_slice %arg7[%dma_start3A_88, %dma_start3A_89] : memref<10016x16xf32, #tpu.memory_space<vmem_shared>> -> memref<10016x16xf32, #tpu.memory_space<vmem_shared>>
      tpu.enqueue_indirect_dma source(%arg6 : memref<128x16xf32, #tpu.memory_space<vmem>>) target(%dma_start3A_90 : memref<10016x16xf32, #tpu.memory_space<vmem_shared>>) offsets(%dma_start3A_87 : memref<128xi32, #tpu.memory_space<vmem>>) semaphore(%arg8 : memref<!tpu.dma_semaphore, #tpu.memory_space<semaphore_mem>>) {add = true}
      %add3A_91 = arith.constant 9 : i32
      %add3A_92 = arith.addi %add3A_19, %add3A_91 : i32
      %dma_start3A_93 = arith.constant 0 : i32
      %dma_start3A_94 = tpu.memref_slice %arg5[%add3A_92, %dma_start3A_93] : memref<80x128xi32, #tpu.memory_space<vmem>> -> memref<1x128xi32, #tpu.memory_space<vmem>>
      %dma_start3A_95 = tpu.memref_squeeze %dma_start3A_94 : memref<1x128xi32, #tpu.memory_space<vmem>> -> memref<128xi32, #tpu.memory_space<vmem>>
      %dma_start3A_96 = arith.constant 0 : i32
      %dma_start3A_97 = arith.constant 0 : i32
      %dma_start3A_98 = tpu.memref_slice %arg7[%dma_start3A_96, %dma_start3A_97] : memref<10016x16xf32, #tpu.memory_space<vmem_shared>> -> memref<10016x16xf32, #tpu.memory_space<vmem_shared>>
      tpu.enqueue_indirect_dma source(%arg6 : memref<128x16xf32, #tpu.memory_space<vmem>>) target(%dma_start3A_98 : memref<10016x16xf32, #tpu.memory_space<vmem_shared>>) offsets(%dma_start3A_95 : memref<128xi32, #tpu.memory_space<vmem>>) semaphore(%arg8 : memref<!tpu.dma_semaphore, #tpu.memory_space<semaphore_mem>>) {add = true}
      %add3A_99 = arith.constant 10 : i32
      %add3A_100 = arith.addi %add3A_19, %add3A_99 : i32
      %dma_start3A_101 = arith.constant 0 : i32
      %dma_start3A_102 = tpu.memref_slice %arg5[%add3A_100, %dma_start3A_101] : memref<80x128xi32, #tpu.memory_space<vmem>> -> memref<1x128xi32, #tpu.memory_space<vmem>>
      %dma_start3A_103 = tpu.memref_squeeze %dma_start3A_102 : memref<1x128xi32, #tpu.memory_space<vmem>> -> memref<128xi32, #tpu.memory_space<vmem>>
      %dma_start3A_104 = arith.constant 0 : i32
      %dma_start3A_105 = arith.constant 0 : i32
      %dma_start3A_106 = tpu.memref_slice %arg7[%dma_start3A_104, %dma_start3A_105] : memref<10016x16xf32, #tpu.memory_space<vmem_shared>> -> memref<10016x16xf32, #tpu.memory_space<vmem_shared>>
      tpu.enqueue_indirect_dma source(%arg6 : memref<128x16xf32, #tpu.memory_space<vmem>>) target(%dma_start3A_106 : memref<10016x16xf32, #tpu.memory_space<vmem_shared>>) offsets(%dma_start3A_103 : memref<128xi32, #tpu.memory_space<vmem>>) semaphore(%arg8 : memref<!tpu.dma_semaphore, #tpu.memory_space<semaphore_mem>>) {add = true}
      %add3A_107 = arith.constant 11 : i32
      %add3A_108 = arith.addi %add3A_19, %add3A_107 : i32
      %dma_start3A_109 = arith.constant 0 : i32
      %dma_start3A_110 = tpu.memref_slice %arg5[%add3A_108, %dma_start3A_109] : memref<80x128xi32, #tpu.memory_space<vmem>> -> memref<1x128xi32, #tpu.memory_space<vmem>>
      %dma_start3A_111 = tpu.memref_squeeze %dma_start3A_110 : memref<1x128xi32, #tpu.memory_space<vmem>> -> memref<128xi32, #tpu.memory_space<vmem>>
      %dma_start3A_112 = arith.constant 0 : i32
      %dma_start3A_113 = arith.constant 0 : i32
      %dma_start3A_114 = tpu.memref_slice %arg7[%dma_start3A_112, %dma_start3A_113] : memref<10016x16xf32, #tpu.memory_space<vmem_shared>> -> memref<10016x16xf32, #tpu.memory_space<vmem_shared>>
      tpu.enqueue_indirect_dma source(%arg6 : memref<128x16xf32, #tpu.memory_space<vmem>>) target(%dma_start3A_114 : memref<10016x16xf32, #tpu.memory_space<vmem_shared>>) offsets(%dma_start3A_111 : memref<128xi32, #tpu.memory_space<vmem>>) semaphore(%arg8 : memref<!tpu.dma_semaphore, #tpu.memory_space<semaphore_mem>>) {add = true}
      %add3A_115 = arith.constant 12 : i32
      %add3A_116 = arith.addi %add3A_19, %add3A_115 : i32
      %dma_start3A_117 = arith.constant 0 : i32
      %dma_start3A_118 = tpu.memref_slice %arg5[%add3A_116, %dma_start3A_117] : memref<80x128xi32, #tpu.memory_space<vmem>> -> memref<1x128xi32, #tpu.memory_space<vmem>>
      %dma_start3A_119 = tpu.memref_squeeze %dma_start3A_118 : memref<1x128xi32, #tpu.memory_space<vmem>> -> memref<128xi32, #tpu.memory_space<vmem>>
      %dma_start3A_120 = arith.constant 0 : i32
      %dma_start3A_121 = arith.constant 0 : i32
      %dma_start3A_122 = tpu.memref_slice %arg7[%dma_start3A_120, %dma_start3A_121] : memref<10016x16xf32, #tpu.memory_space<vmem_shared>> -> memref<10016x16xf32, #tpu.memory_space<vmem_shared>>
      tpu.enqueue_indirect_dma source(%arg6 : memref<128x16xf32, #tpu.memory_space<vmem>>) target(%dma_start3A_122 : memref<10016x16xf32, #tpu.memory_space<vmem_shared>>) offsets(%dma_start3A_119 : memref<128xi32, #tpu.memory_space<vmem>>) semaphore(%arg8 : memref<!tpu.dma_semaphore, #tpu.memory_space<semaphore_mem>>) {add = true}
      %add3A_123 = arith.constant 13 : i32
      %add3A_124 = arith.addi %add3A_19, %add3A_123 : i32
      %dma_start3A_125 = arith.constant 0 : i32
      %dma_start3A_126 = tpu.memref_slice %arg5[%add3A_124, %dma_start3A_125] : memref<80x128xi32, #tpu.memory_space<vmem>> -> memref<1x128xi32, #tpu.memory_space<vmem>>
      %dma_start3A_127 = tpu.memref_squeeze %dma_start3A_126 : memref<1x128xi32, #tpu.memory_space<vmem>> -> memref<128xi32, #tpu.memory_space<vmem>>
      %dma_start3A_128 = arith.constant 0 : i32
      %dma_start3A_129 = arith.constant 0 : i32
      %dma_start3A_130 = tpu.memref_slice %arg7[%dma_start3A_128, %dma_start3A_129] : memref<10016x16xf32, #tpu.memory_space<vmem_shared>> -> memref<10016x16xf32, #tpu.memory_space<vmem_shared>>
      tpu.enqueue_indirect_dma source(%arg6 : memref<128x16xf32, #tpu.memory_space<vmem>>) target(%dma_start3A_130 : memref<10016x16xf32, #tpu.memory_space<vmem_shared>>) offsets(%dma_start3A_127 : memref<128xi32, #tpu.memory_space<vmem>>) semaphore(%arg8 : memref<!tpu.dma_semaphore, #tpu.memory_space<semaphore_mem>>) {add = true}
      %add3A_131 = arith.constant 14 : i32
      %add3A_132 = arith.addi %add3A_19, %add3A_131 : i32
      %dma_start3A_133 = arith.constant 0 : i32
      %dma_start3A_134 = tpu.memref_slice %arg5[%add3A_132, %dma_start3A_133] : memref<80x128xi32, #tpu.memory_space<vmem>> -> memref<1x128xi32, #tpu.memory_space<vmem>>
      %dma_start3A_135 = tpu.memref_squeeze %dma_start3A_134 : memref<1x128xi32, #tpu.memory_space<vmem>> -> memref<128xi32, #tpu.memory_space<vmem>>
      %dma_start3A_136 = arith.constant 0 : i32
      %dma_start3A_137 = arith.constant 0 : i32
      %dma_start3A_138 = tpu.memref_slice %arg7[%dma_start3A_136, %dma_start3A_137] : memref<10016x16xf32, #tpu.memory_space<vmem_shared>> -> memref<10016x16xf32, #tpu.memory_space<vmem_shared>>
      tpu.enqueue_indirect_dma source(%arg6 : memref<128x16xf32, #tpu.memory_space<vmem>>) target(%dma_start3A_138 : memref<10016x16xf32, #tpu.memory_space<vmem_shared>>) offsets(%dma_start3A_135 : memref<128xi32, #tpu.memory_space<vmem>>) semaphore(%arg8 : memref<!tpu.dma_semaphore, #tpu.memory_space<semaphore_mem>>) {add = true}
      %add3A_139 = arith.constant 15 : i32
      %add3A_140 = arith.addi %add3A_19, %add3A_139 : i32
      %dma_start3A_141 = arith.constant 0 : i32
      %dma_start3A_142 = tpu.memref_slice %arg5[%add3A_140, %dma_start3A_141] : memref<80x128xi32, #tpu.memory_space<vmem>> -> memref<1x128xi32, #tpu.memory_space<vmem>>
      %dma_start3A_143 = tpu.memref_squeeze %dma_start3A_142 : memref<1x128xi32, #tpu.memory_space<vmem>> -> memref<128xi32, #tpu.memory_space<vmem>>
      %dma_start3A_144 = arith.constant 0 : i32
      %dma_start3A_145 = arith.constant 0 : i32
      %dma_start3A_146 = tpu.memref_slice %arg7[%dma_start3A_144, %dma_start3A_145] : memref<10016x16xf32, #tpu.memory_space<vmem_shared>> -> memref<10016x16xf32, #tpu.memory_space<vmem_shared>>
      tpu.enqueue_indirect_dma source(%arg6 : memref<128x16xf32, #tpu.memory_space<vmem>>) target(%dma_start3A_146 : memref<10016x16xf32, #tpu.memory_space<vmem_shared>>) offsets(%dma_start3A_143 : memref<128xi32, #tpu.memory_space<vmem>>) semaphore(%arg8 : memref<!tpu.dma_semaphore, #tpu.memory_space<semaphore_mem>>) {add = true}
      %add3A_147 = arith.constant 0 : i32
      %add3A_148 = arith.addi %add3A_19, %add3A_147 : i32
      %dma_wait3A = arith.constant 0 : i32
      %dma_wait3A_149 = tpu.memref_slice %arg5[%add3A_148, %dma_wait3A] : memref<80x128xi32, #tpu.memory_space<vmem>> -> memref<1x128xi32, #tpu.memory_space<vmem>>
      %dma_wait3A_150 = tpu.memref_squeeze %dma_wait3A_149 : memref<1x128xi32, #tpu.memory_space<vmem>> -> memref<128xi32, #tpu.memory_space<vmem>>
      %dma_wait3A_151 = arith.constant 0 : i32
      %dma_wait3A_152 = arith.constant 0 : i32
      %dma_wait3A_153 = tpu.memref_slice %arg7[%dma_wait3A_151, %dma_wait3A_152] : memref<10016x16xf32, #tpu.memory_space<vmem_shared>> -> memref<10016x16xf32, #tpu.memory_space<vmem_shared>>
      tpu.wait_indirect_dma semaphore(%arg8 : memref<!tpu.dma_semaphore, #tpu.memory_space<semaphore_mem>>) src(%arg6 : memref<128x16xf32, #tpu.memory_space<vmem>>) dst(%dma_wait3A_153 : memref<10016x16xf32, #tpu.memory_space<vmem_shared>>)
      %add3A_154 = arith.constant 1 : i32
      %add3A_155 = arith.addi %add3A_19, %add3A_154 : i32
      %dma_wait3A_156 = arith.constant 0 : i32
      %dma_wait3A_157 = tpu.memref_slice %arg5[%add3A_155, %dma_wait3A_156] : memref<80x128xi32, #tpu.memory_space<vmem>> -> memref<1x128xi32, #tpu.memory_space<vmem>>
      %dma_wait3A_158 = tpu.memref_squeeze %dma_wait3A_157 : memref<1x128xi32, #tpu.memory_space<vmem>> -> memref<128xi32, #tpu.memory_space<vmem>>
      %dma_wait3A_159 = arith.constant 0 : i32
      %dma_wait3A_160 = arith.constant 0 : i32
      %dma_wait3A_161 = tpu.memref_slice %arg7[%dma_wait3A_159, %dma_wait3A_160] : memref<10016x16xf32, #tpu.memory_space<vmem_shared>> -> memref<10016x16xf32, #tpu.memory_space<vmem_shared>>
      tpu.wait_indirect_dma semaphore(%arg8 : memref<!tpu.dma_semaphore, #tpu.memory_space<semaphore_mem>>) src(%arg6 : memref<128x16xf32, #tpu.memory_space<vmem>>) dst(%dma_wait3A_161 : memref<10016x16xf32, #tpu.memory_space<vmem_shared>>)
      %add3A_162 = arith.constant 2 : i32
      %add3A_163 = arith.addi %add3A_19, %add3A_162 : i32
      %dma_wait3A_164 = arith.constant 0 : i32
      %dma_wait3A_165 = tpu.memref_slice %arg5[%add3A_163, %dma_wait3A_164] : memref<80x128xi32, #tpu.memory_space<vmem>> -> memref<1x128xi32, #tpu.memory_space<vmem>>
      %dma_wait3A_166 = tpu.memref_squeeze %dma_wait3A_165 : memref<1x128xi32, #tpu.memory_space<vmem>> -> memref<128xi32, #tpu.memory_space<vmem>>
      %dma_wait3A_167 = arith.constant 0 : i32
      %dma_wait3A_168 = arith.constant 0 : i32
      %dma_wait3A_169 = tpu.memref_slice %arg7[%dma_wait3A_167, %dma_wait3A_168] : memref<10016x16xf32, #tpu.memory_space<vmem_shared>> -> memref<10016x16xf32, #tpu.memory_space<vmem_shared>>
      tpu.wait_indirect_dma semaphore(%arg8 : memref<!tpu.dma_semaphore, #tpu.memory_space<semaphore_mem>>) src(%arg6 : memref<128x16xf32, #tpu.memory_space<vmem>>) dst(%dma_wait3A_169 : memref<10016x16xf32, #tpu.memory_space<vmem_shared>>)
      %add3A_170 = arith.constant 3 : i32
      %add3A_171 = arith.addi %add3A_19, %add3A_170 : i32
      %dma_wait3A_172 = arith.constant 0 : i32
      %dma_wait3A_173 = tpu.memref_slice %arg5[%add3A_171, %dma_wait3A_172] : memref<80x128xi32, #tpu.memory_space<vmem>> -> memref<1x128xi32, #tpu.memory_space<vmem>>
      %dma_wait3A_174 = tpu.memref_squeeze %dma_wait3A_173 : memref<1x128xi32, #tpu.memory_space<vmem>> -> memref<128xi32, #tpu.memory_space<vmem>>
      %dma_wait3A_175 = arith.constant 0 : i32
      %dma_wait3A_176 = arith.constant 0 : i32
      %dma_wait3A_177 = tpu.memref_slice %arg7[%dma_wait3A_175, %dma_wait3A_176] : memref<10016x16xf32, #tpu.memory_space<vmem_shared>> -> memref<10016x16xf32, #tpu.memory_space<vmem_shared>>
      tpu.wait_indirect_dma semaphore(%arg8 : memref<!tpu.dma_semaphore, #tpu.memory_space<semaphore_mem>>) src(%arg6 : memref<128x16xf32, #tpu.memory_space<vmem>>) dst(%dma_wait3A_177 : memref<10016x16xf32, #tpu.memory_space<vmem_shared>>)
      %add3A_178 = arith.constant 4 : i32
      %add3A_179 = arith.addi %add3A_19, %add3A_178 : i32
      %dma_wait3A_180 = arith.constant 0 : i32
      %dma_wait3A_181 = tpu.memref_slice %arg5[%add3A_179, %dma_wait3A_180] : memref<80x128xi32, #tpu.memory_space<vmem>> -> memref<1x128xi32, #tpu.memory_space<vmem>>
      %dma_wait3A_182 = tpu.memref_squeeze %dma_wait3A_181 : memref<1x128xi32, #tpu.memory_space<vmem>> -> memref<128xi32, #tpu.memory_space<vmem>>
      %dma_wait3A_183 = arith.constant 0 : i32
      %dma_wait3A_184 = arith.constant 0 : i32
      %dma_wait3A_185 = tpu.memref_slice %arg7[%dma_wait3A_183, %dma_wait3A_184] : memref<10016x16xf32, #tpu.memory_space<vmem_shared>> -> memref<10016x16xf32, #tpu.memory_space<vmem_shared>>
      tpu.wait_indirect_dma semaphore(%arg8 : memref<!tpu.dma_semaphore, #tpu.memory_space<semaphore_mem>>) src(%arg6 : memref<128x16xf32, #tpu.memory_space<vmem>>) dst(%dma_wait3A_185 : memref<10016x16xf32, #tpu.memory_space<vmem_shared>>)
      %add3A_186 = arith.constant 5 : i32
      %add3A_187 = arith.addi %add3A_19, %add3A_186 : i32
      %dma_wait3A_188 = arith.constant 0 : i32
      %dma_wait3A_189 = tpu.memref_slice %arg5[%add3A_187, %dma_wait3A_188] : memref<80x128xi32, #tpu.memory_space<vmem>> -> memref<1x128xi32, #tpu.memory_space<vmem>>
      %dma_wait3A_190 = tpu.memref_squeeze %dma_wait3A_189 : memref<1x128xi32, #tpu.memory_space<vmem>> -> memref<128xi32, #tpu.memory_space<vmem>>
      %dma_wait3A_191 = arith.constant 0 : i32
      %dma_wait3A_192 = arith.constant 0 : i32
      %dma_wait3A_193 = tpu.memref_slice %arg7[%dma_wait3A_191, %dma_wait3A_192] : memref<10016x16xf32, #tpu.memory_space<vmem_shared>> -> memref<10016x16xf32, #tpu.memory_space<vmem_shared>>
      tpu.wait_indirect_dma semaphore(%arg8 : memref<!tpu.dma_semaphore, #tpu.memory_space<semaphore_mem>>) src(%arg6 : memref<128x16xf32, #tpu.memory_space<vmem>>) dst(%dma_wait3A_193 : memref<10016x16xf32, #tpu.memory_space<vmem_shared>>)
      %add3A_194 = arith.constant 6 : i32
      %add3A_195 = arith.addi %add3A_19, %add3A_194 : i32
      %dma_wait3A_196 = arith.constant 0 : i32
      %dma_wait3A_197 = tpu.memref_slice %arg5[%add3A_195, %dma_wait3A_196] : memref<80x128xi32, #tpu.memory_space<vmem>> -> memref<1x128xi32, #tpu.memory_space<vmem>>
      %dma_wait3A_198 = tpu.memref_squeeze %dma_wait3A_197 : memref<1x128xi32, #tpu.memory_space<vmem>> -> memref<128xi32, #tpu.memory_space<vmem>>
      %dma_wait3A_199 = arith.constant 0 : i32
      %dma_wait3A_200 = arith.constant 0 : i32
      %dma_wait3A_201 = tpu.memref_slice %arg7[%dma_wait3A_199, %dma_wait3A_200] : memref<10016x16xf32, #tpu.memory_space<vmem_shared>> -> memref<10016x16xf32, #tpu.memory_space<vmem_shared>>
      tpu.wait_indirect_dma semaphore(%arg8 : memref<!tpu.dma_semaphore, #tpu.memory_space<semaphore_mem>>) src(%arg6 : memref<128x16xf32, #tpu.memory_space<vmem>>) dst(%dma_wait3A_201 : memref<10016x16xf32, #tpu.memory_space<vmem_shared>>)
      %add3A_202 = arith.constant 7 : i32
      %add3A_203 = arith.addi %add3A_19, %add3A_202 : i32
      %dma_wait3A_204 = arith.constant 0 : i32
      %dma_wait3A_205 = tpu.memref_slice %arg5[%add3A_203, %dma_wait3A_204] : memref<80x128xi32, #tpu.memory_space<vmem>> -> memref<1x128xi32, #tpu.memory_space<vmem>>
      %dma_wait3A_206 = tpu.memref_squeeze %dma_wait3A_205 : memref<1x128xi32, #tpu.memory_space<vmem>> -> memref<128xi32, #tpu.memory_space<vmem>>
      %dma_wait3A_207 = arith.constant 0 : i32
      %dma_wait3A_208 = arith.constant 0 : i32
      %dma_wait3A_209 = tpu.memref_slice %arg7[%dma_wait3A_207, %dma_wait3A_208] : memref<10016x16xf32, #tpu.memory_space<vmem_shared>> -> memref<10016x16xf32, #tpu.memory_space<vmem_shared>>
      tpu.wait_indirect_dma semaphore(%arg8 : memref<!tpu.dma_semaphore, #tpu.memory_space<semaphore_mem>>) src(%arg6 : memref<128x16xf32, #tpu.memory_space<vmem>>) dst(%dma_wait3A_209 : memref<10016x16xf32, #tpu.memory_space<vmem_shared>>)
      %add3A_210 = arith.constant 8 : i32
      %add3A_211 = arith.addi %add3A_19, %add3A_210 : i32
      %dma_wait3A_212 = arith.constant 0 : i32
      %dma_wait3A_213 = tpu.memref_slice %arg5[%add3A_211, %dma_wait3A_212] : memref<80x128xi32, #tpu.memory_space<vmem>> -> memref<1x128xi32, #tpu.memory_space<vmem>>
      %dma_wait3A_214 = tpu.memref_squeeze %dma_wait3A_213 : memref<1x128xi32, #tpu.memory_space<vmem>> -> memref<128xi32, #tpu.memory_space<vmem>>
      %dma_wait3A_215 = arith.constant 0 : i32
      %dma_wait3A_216 = arith.constant 0 : i32
      %dma_wait3A_217 = tpu.memref_slice %arg7[%dma_wait3A_215, %dma_wait3A_216] : memref<10016x16xf32, #tpu.memory_space<vmem_shared>> -> memref<10016x16xf32, #tpu.memory_space<vmem_shared>>
      tpu.wait_indirect_dma semaphore(%arg8 : memref<!tpu.dma_semaphore, #tpu.memory_space<semaphore_mem>>) src(%arg6 : memref<128x16xf32, #tpu.memory_space<vmem>>) dst(%dma_wait3A_217 : memref<10016x16xf32, #tpu.memory_space<vmem_shared>>)
      %add3A_218 = arith.constant 9 : i32
      %add3A_219 = arith.addi %add3A_19, %add3A_218 : i32
      %dma_wait3A_220 = arith.constant 0 : i32
      %dma_wait3A_221 = tpu.memref_slice %arg5[%add3A_219, %dma_wait3A_220] : memref<80x128xi32, #tpu.memory_space<vmem>> -> memref<1x128xi32, #tpu.memory_space<vmem>>
      %dma_wait3A_222 = tpu.memref_squeeze %dma_wait3A_221 : memref<1x128xi32, #tpu.memory_space<vmem>> -> memref<128xi32, #tpu.memory_space<vmem>>
      %dma_wait3A_223 = arith.constant 0 : i32
      %dma_wait3A_224 = arith.constant 0 : i32
      %dma_wait3A_225 = tpu.memref_slice %arg7[%dma_wait3A_223, %dma_wait3A_224] : memref<10016x16xf32, #tpu.memory_space<vmem_shared>> -> memref<10016x16xf32, #tpu.memory_space<vmem_shared>>
      tpu.wait_indirect_dma semaphore(%arg8 : memref<!tpu.dma_semaphore, #tpu.memory_space<semaphore_mem>>) src(%arg6 : memref<128x16xf32, #tpu.memory_space<vmem>>) dst(%dma_wait3A_225 : memref<10016x16xf32, #tpu.memory_space<vmem_shared>>)
      %add3A_226 = arith.constant 10 : i32
      %add3A_227 = arith.addi %add3A_19, %add3A_226 : i32
      %dma_wait3A_228 = arith.constant 0 : i32
      %dma_wait3A_229 = tpu.memref_slice %arg5[%add3A_227, %dma_wait3A_228] : memref<80x128xi32, #tpu.memory_space<vmem>> -> memref<1x128xi32, #tpu.memory_space<vmem>>
      %dma_wait3A_230 = tpu.memref_squeeze %dma_wait3A_229 : memref<1x128xi32, #tpu.memory_space<vmem>> -> memref<128xi32, #tpu.memory_space<vmem>>
      %dma_wait3A_231 = arith.constant 0 : i32
      %dma_wait3A_232 = arith.constant 0 : i32
      %dma_wait3A_233 = tpu.memref_slice %arg7[%dma_wait3A_231, %dma_wait3A_232] : memref<10016x16xf32, #tpu.memory_space<vmem_shared>> -> memref<10016x16xf32, #tpu.memory_space<vmem_shared>>
      tpu.wait_indirect_dma semaphore(%arg8 : memref<!tpu.dma_semaphore, #tpu.memory_space<semaphore_mem>>) src(%arg6 : memref<128x16xf32, #tpu.memory_space<vmem>>) dst(%dma_wait3A_233 : memref<10016x16xf32, #tpu.memory_space<vmem_shared>>)
      %add3A_234 = arith.constant 11 : i32
      %add3A_235 = arith.addi %add3A_19, %add3A_234 : i32
      %dma_wait3A_236 = arith.constant 0 : i32
      %dma_wait3A_237 = tpu.memref_slice %arg5[%add3A_235, %dma_wait3A_236] : memref<80x128xi32, #tpu.memory_space<vmem>> -> memref<1x128xi32, #tpu.memory_space<vmem>>
      %dma_wait3A_238 = tpu.memref_squeeze %dma_wait3A_237 : memref<1x128xi32, #tpu.memory_space<vmem>> -> memref<128xi32, #tpu.memory_space<vmem>>
      %dma_wait3A_239 = arith.constant 0 : i32
      %dma_wait3A_240 = arith.constant 0 : i32
      %dma_wait3A_241 = tpu.memref_slice %arg7[%dma_wait3A_239, %dma_wait3A_240] : memref<10016x16xf32, #tpu.memory_space<vmem_shared>> -> memref<10016x16xf32, #tpu.memory_space<vmem_shared>>
      tpu.wait_indirect_dma semaphore(%arg8 : memref<!tpu.dma_semaphore, #tpu.memory_space<semaphore_mem>>) src(%arg6 : memref<128x16xf32, #tpu.memory_space<vmem>>) dst(%dma_wait3A_241 : memref<10016x16xf32, #tpu.memory_space<vmem_shared>>)
      %add3A_242 = arith.constant 12 : i32
      %add3A_243 = arith.addi %add3A_19, %add3A_242 : i32
      %dma_wait3A_244 = arith.constant 0 : i32
      %dma_wait3A_245 = tpu.memref_slice %arg5[%add3A_243, %dma_wait3A_244] : memref<80x128xi32, #tpu.memory_space<vmem>> -> memref<1x128xi32, #tpu.memory_space<vmem>>
      %dma_wait3A_246 = tpu.memref_squeeze %dma_wait3A_245 : memref<1x128xi32, #tpu.memory_space<vmem>> -> memref<128xi32, #tpu.memory_space<vmem>>
      %dma_wait3A_247 = arith.constant 0 : i32
      %dma_wait3A_248 = arith.constant 0 : i32
      %dma_wait3A_249 = tpu.memref_slice %arg7[%dma_wait3A_247, %dma_wait3A_248] : memref<10016x16xf32, #tpu.memory_space<vmem_shared>> -> memref<10016x16xf32, #tpu.memory_space<vmem_shared>>
      tpu.wait_indirect_dma semaphore(%arg8 : memref<!tpu.dma_semaphore, #tpu.memory_space<semaphore_mem>>) src(%arg6 : memref<128x16xf32, #tpu.memory_space<vmem>>) dst(%dma_wait3A_249 : memref<10016x16xf32, #tpu.memory_space<vmem_shared>>)
      %add3A_250 = arith.constant 13 : i32
      %add3A_251 = arith.addi %add3A_19, %add3A_250 : i32
      %dma_wait3A_252 = arith.constant 0 : i32
      %dma_wait3A_253 = tpu.memref_slice %arg5[%add3A_251, %dma_wait3A_252] : memref<80x128xi32, #tpu.memory_space<vmem>> -> memref<1x128xi32, #tpu.memory_space<vmem>>
      %dma_wait3A_254 = tpu.memref_squeeze %dma_wait3A_253 : memref<1x128xi32, #tpu.memory_space<vmem>> -> memref<128xi32, #tpu.memory_space<vmem>>
      %dma_wait3A_255 = arith.constant 0 : i32
      %dma_wait3A_256 = arith.constant 0 : i32
      %dma_wait3A_257 = tpu.memref_slice %arg7[%dma_wait3A_255, %dma_wait3A_256] : memref<10016x16xf32, #tpu.memory_space<vmem_shared>> -> memref<10016x16xf32, #tpu.memory_space<vmem_shared>>
      tpu.wait_indirect_dma semaphore(%arg8 : memref<!tpu.dma_semaphore, #tpu.memory_space<semaphore_mem>>) src(%arg6 : memref<128x16xf32, #tpu.memory_space<vmem>>) dst(%dma_wait3A_257 : memref<10016x16xf32, #tpu.memory_space<vmem_shared>>)
      %add3A_258 = arith.constant 14 : i32
      %add3A_259 = arith.addi %add3A_19, %add3A_258 : i32
      %dma_wait3A_260 = arith.constant 0 : i32
      %dma_wait3A_261 = tpu.memref_slice %arg5[%add3A_259, %dma_wait3A_260] : memref<80x128xi32, #tpu.memory_space<vmem>> -> memref<1x128xi32, #tpu.memory_space<vmem>>
      %dma_wait3A_262 = tpu.memref_squeeze %dma_wait3A_261 : memref<1x128xi32, #tpu.memory_space<vmem>> -> memref<128xi32, #tpu.memory_space<vmem>>
      %dma_wait3A_263 = arith.constant 0 : i32
      %dma_wait3A_264 = arith.constant 0 : i32
      %dma_wait3A_265 = tpu.memref_slice %arg7[%dma_wait3A_263, %dma_wait3A_264] : memref<10016x16xf32, #tpu.memory_space<vmem_shared>> -> memref<10016x16xf32, #tpu.memory_space<vmem_shared>>
      tpu.wait_indirect_dma semaphore(%arg8 : memref<!tpu.dma_semaphore, #tpu.memory_space<semaphore_mem>>) src(%arg6 : memref<128x16xf32, #tpu.memory_space<vmem>>) dst(%dma_wait3A_265 : memref<10016x16xf32, #tpu.memory_space<vmem_shared>>)
      %add3A_266 = arith.constant 15 : i32
      %add3A_267 = arith.addi %add3A_19, %add3A_266 : i32
      %dma_wait3A_268 = arith.constant 0 : i32
      %dma_wait3A_269 = tpu.memref_slice %arg5[%add3A_267, %dma_wait3A_268] : memref<80x128xi32, #tpu.memory_space<vmem>> -> memref<1x128xi32, #tpu.memory_space<vmem>>
      %dma_wait3A_270 = tpu.memref_squeeze %dma_wait3A_269 : memref<1x128xi32, #tpu.memory_space<vmem>> -> memref<128xi32, #tpu.memory_space<vmem>>
      %dma_wait3A_271 = arith.constant 0 : i32
      %dma_wait3A_272 = arith.constant 0 : i32
      %dma_wait3A_273 = tpu.memref_slice %arg7[%dma_wait3A_271, %dma_wait3A_272] : memref<10016x16xf32, #tpu.memory_space<vmem_shared>> -> memref<10016x16xf32, #tpu.memory_space<vmem_shared>>
      tpu.wait_indirect_dma semaphore(%arg8 : memref<!tpu.dma_semaphore, #tpu.memory_space<semaphore_mem>>) src(%arg6 : memref<128x16xf32, #tpu.memory_space<vmem>>) dst(%dma_wait3A_273 : memref<10016x16xf32, #tpu.memory_space<vmem_shared>>)
    }
    %scan3A_8 = arith.constant 5 : i32
    %barrier3A_9 = arith.constant 0 : index
    tpu.barrier barrier_id(%barrier3A_9)
    "tpu.region"() ({
      %run_scoped3A = tpu.sem_alloc : memref<!tpu.dma_semaphore, #tpu.memory_space<semaphore_mem>>
      %dma_start3A = arith.constant 0 : i32
      %dma_start3A_15 = tpu.memref_slice %arg4[%arg0, %mul3A_2, %dma_start3A] : memref<2x10000x16xf32, #tpu.memory_space<hbm>> -> memref<1x624x16xf32, #tpu.memory_space<hbm>>
      %dma_start3A_16 = tpu.memref_squeeze %dma_start3A_15 : memref<1x624x16xf32, #tpu.memory_space<hbm>> -> memref<624x16xf32, #tpu.memory_space<hbm>>
      %dma_start3A_17 = arith.constant 0 : i32
      %dma_start3A_18 = tpu.memref_slice %arg7[%mul3A_2, %dma_start3A_17] : memref<10016x16xf32, #tpu.memory_space<vmem_shared>> -> memref<624x16xf32, #tpu.memory_space<vmem_shared>>
      tpu.enqueue_dma source(%dma_start3A_18 : memref<624x16xf32, #tpu.memory_space<vmem_shared>>) target(%dma_start3A_16 : memref<624x16xf32, #tpu.memory_space<hbm>>) target_semaphore(%run_scoped3A : memref<!tpu.dma_semaphore, #tpu.memory_space<semaphore_mem>>)
      %dma_wait3A = arith.constant 0 : i32
      %dma_wait3A_19 = tpu.memref_slice %arg4[%arg0, %mul3A_2, %dma_wait3A] : memref<2x10000x16xf32, #tpu.memory_space<hbm>> -> memref<1x624x16xf32, #tpu.memory_space<hbm>>
      %dma_wait3A_20 = tpu.memref_squeeze %dma_wait3A_19 : memref<1x624x16xf32, #tpu.memory_space<hbm>> -> memref<624x16xf32, #tpu.memory_space<hbm>>
      %dma_wait3A_21 = arith.constant 0 : i32
      %dma_wait3A_22 = tpu.memref_slice %arg7[%mul3A_2, %dma_wait3A_21] : memref<10016x16xf32, #tpu.memory_space<vmem_shared>> -> memref<624x16xf32, #tpu.memory_space<vmem_shared>>
      tpu.wait_dma2 semaphore(%run_scoped3A : memref<!tpu.dma_semaphore, #tpu.memory_space<semaphore_mem>>) src(%dma_wait3A_22 : memref<624x16xf32, #tpu.memory_space<vmem_shared>>) dst(%dma_wait3A_20 : memref<624x16xf32, #tpu.memory_space<hbm>>)
      tpu.yield
    }) : () -> ()
    %eq3A_10 = arith.constant 15 : i32
    %eq3A_11 = arith.cmpi eq, %arg1, %eq3A_10 : i32
    %convert_element_type3A_12 = arith.extui %eq3A_11 : i1 to i32
    %cond3A_13 = arith.constant 0 : i32
    %cond3A_14 = arith.cmpi ne, %convert_element_type3A_12, %cond3A_13 : i32
    scf.if %cond3A_14 {
      "tpu.region"() ({
        %run_scoped3A = tpu.sem_alloc : memref<!tpu.dma_semaphore, #tpu.memory_space<semaphore_mem>>
        %dma_start3A = arith.constant 9984 : i32
        %dma_start3A_15 = arith.constant 0 : i32
        %dma_start3A_16 = tpu.memref_slice %arg4[%arg0, %dma_start3A, %dma_start3A_15] : memref<2x10000x16xf32, #tpu.memory_space<hbm>> -> memref<1x16x16xf32, #tpu.memory_space<hbm>>
        %dma_start3A_17 = tpu.memref_squeeze %dma_start3A_16 : memref<1x16x16xf32, #tpu.memory_space<hbm>> -> memref<16x16xf32, #tpu.memory_space<hbm>>
        %dma_start3A_18 = arith.constant 9984 : i32
        %dma_start3A_19 = arith.constant 0 : i32
        %dma_start3A_20 = tpu.memref_slice %arg7[%dma_start3A_18, %dma_start3A_19] : memref<10016x16xf32, #tpu.memory_space<vmem_shared>> -> memref<16x16xf32, #tpu.memory_space<vmem_shared>>
        tpu.enqueue_dma source(%dma_start3A_20 : memref<16x16xf32, #tpu.memory_space<vmem_shared>>) target(%dma_start3A_17 : memref<16x16xf32, #tpu.memory_space<hbm>>) target_semaphore(%run_scoped3A : memref<!tpu.dma_semaphore, #tpu.memory_space<semaphore_mem>>)
        %dma_wait3A = arith.constant 9984 : i32
        %dma_wait3A_21 = arith.constant 0 : i32
        %dma_wait3A_22 = tpu.memref_slice %arg4[%arg0, %dma_wait3A, %dma_wait3A_21] : memref<2x10000x16xf32, #tpu.memory_space<hbm>> -> memref<1x16x16xf32, #tpu.memory_space<hbm>>
        %dma_wait3A_23 = tpu.memref_squeeze %dma_wait3A_22 : memref<1x16x16xf32, #tpu.memory_space<hbm>> -> memref<16x16xf32, #tpu.memory_space<hbm>>
        %dma_wait3A_24 = arith.constant 9984 : i32
        %dma_wait3A_25 = arith.constant 0 : i32
        %dma_wait3A_26 = tpu.memref_slice %arg7[%dma_wait3A_24, %dma_wait3A_25] : memref<10016x16xf32, #tpu.memory_space<vmem_shared>> -> memref<16x16xf32, #tpu.memory_space<vmem_shared>>
        tpu.wait_dma2 semaphore(%run_scoped3A : memref<!tpu.dma_semaphore, #tpu.memory_space<semaphore_mem>>) src(%dma_wait3A_26 : memref<16x16xf32, #tpu.memory_space<vmem_shared>>) dst(%dma_wait3A_23 : memref<16x16xf32, #tpu.memory_space<hbm>>)
        tpu.yield
      }) : () -> ()
    } else {
    }
    return
  }
}

#map = affine_map<(d0, d1) -> (0, 0)>
#map1 = affine_map<(d0, d1) -> (0, 0, 0)>
module attributes {stable_mosaic.version = 14 : i64} {
  func.func @_sc_edge_agg(%arg0: i32, %arg1: i32, %arg2: memref<10000x128xf32, #tpu.memory_space<hbm>>, %arg3: memref<32x10368xi32, #tpu.memory_space<hbm>>, %arg4: memref<2x10000x128xf32, #tpu.memory_space<hbm>>, %arg5: memref<10368xi32, #tpu.memory_space<vmem>>, %arg6: memref<4x64xi32, #tpu.memory_space<vmem>>, %arg7: memref<4x64xi32, #tpu.memory_space<vmem>>, %arg8: memref<64x128xf32, #tpu.memory_space<vmem>>, %arg9: memref<64x128xf32, #tpu.memory_space<vmem>>, %arg10: memref<64x128xf32, #tpu.memory_space<vmem>>, %arg11: memref<64x128xf32, #tpu.memory_space<vmem>>, %arg12: memref<10016x128xf32, #tpu.memory_space<vmem_shared>>, %arg13: memref<!tpu.dma_semaphore, #tpu.memory_space<semaphore_mem>>, %arg14: memref<!tpu.dma_semaphore, #tpu.memory_space<semaphore_mem>>, %arg15: memref<!tpu.dma_semaphore, #tpu.memory_space<semaphore_mem>>, %arg16: memref<!tpu.dma_semaphore, #tpu.memory_space<semaphore_mem>>, %arg17: memref<!tpu.dma_semaphore, #tpu.memory_space<semaphore_mem>>, %arg18: memref<!tpu.dma_semaphore, #tpu.memory_space<semaphore_mem>>, %arg19: memref<!tpu.dma_semaphore, #tpu.memory_space<semaphore_mem>>, %arg20: memref<!tpu.dma_semaphore, #tpu.memory_space<semaphore_mem>>) attributes {dimension_semantics = [#tpu.dimension_semantics<core_parallel>, #tpu.dimension_semantics<subcore_parallel>], iteration_bounds = array<i64: 2, 16>, scalar_prefetch = 0 : i64, scratch_operands = 16 : i64, tpu.core_type = #tpu.core_type<sc_vector_subcore>, window_params = [{transform_indices = #map}, {transform_indices = #map}, {transform_indices = #map1}]} {
    %mul3A = arith.constant 16 : i32
    %mul3A_0 = arith.muli %arg0, %mul3A : i32
    %add3A = arith.addi %mul3A_0, %arg1 : i32
    %mul3A_1 = arith.constant 624 : i32
    %mul3A_2 = arith.muli %arg1, %mul3A_1 : i32
    "tpu.region"() ({
      %run_scoped3A = tpu.sem_alloc : memref<!tpu.dma_semaphore, #tpu.memory_space<semaphore_mem>>
      %dma_start3A_653 = arith.constant 0 : i32
      %dma_start3A_654 = tpu.memref_slice %arg3[%add3A, %dma_start3A_653] : memref<32x10368xi32, #tpu.memory_space<hbm>> -> memref<1x10368xi32, #tpu.memory_space<hbm>>
      %dma_start3A_655 = tpu.memref_squeeze %dma_start3A_654 : memref<1x10368xi32, #tpu.memory_space<hbm>> -> memref<10368xi32, #tpu.memory_space<hbm>>
      %dma_start3A_656 = arith.constant 0 : i32
      %dma_start3A_657 = tpu.memref_slice %arg3[%add3A, %dma_start3A_656] : memref<32x10368xi32, #tpu.memory_space<hbm>> -> memref<1x10368xi32, #tpu.memory_space<hbm>>
      %dma_start3A_658 = tpu.memref_squeeze %dma_start3A_657 : memref<1x10368xi32, #tpu.memory_space<hbm>> -> memref<10368xi32, #tpu.memory_space<hbm>>
      tpu.enqueue_dma source(%dma_start3A_658 : memref<10368xi32, #tpu.memory_space<hbm>>) target(%arg5 : memref<10368xi32, #tpu.memory_space<vmem>>) target_semaphore(%run_scoped3A : memref<!tpu.dma_semaphore, #tpu.memory_space<semaphore_mem>>)
      %dma_wait3A_659 = arith.constant 0 : i32
      %dma_wait3A_660 = tpu.memref_slice %arg3[%add3A, %dma_wait3A_659] : memref<32x10368xi32, #tpu.memory_space<hbm>> -> memref<1x10368xi32, #tpu.memory_space<hbm>>
      %dma_wait3A_661 = tpu.memref_squeeze %dma_wait3A_660 : memref<1x10368xi32, #tpu.memory_space<hbm>> -> memref<10368xi32, #tpu.memory_space<hbm>>
      %dma_wait3A_662 = arith.constant 0 : i32
      %dma_wait3A_663 = tpu.memref_slice %arg3[%add3A, %dma_wait3A_662] : memref<32x10368xi32, #tpu.memory_space<hbm>> -> memref<1x10368xi32, #tpu.memory_space<hbm>>
      %dma_wait3A_664 = tpu.memref_squeeze %dma_wait3A_663 : memref<1x10368xi32, #tpu.memory_space<hbm>> -> memref<10368xi32, #tpu.memory_space<hbm>>
      tpu.wait_dma2 semaphore(%run_scoped3A : memref<!tpu.dma_semaphore, #tpu.memory_space<semaphore_mem>>) src(%dma_wait3A_664 : memref<10368xi32, #tpu.memory_space<hbm>>) dst(%arg5 : memref<10368xi32, #tpu.memory_space<vmem>>)
      tpu.yield
    }) : () -> ()
    "tpu.region"() ({
      %run_scoped3A = tpu.sem_alloc : memref<!tpu.dma_semaphore, #tpu.memory_space<semaphore_mem>>
      %dma_start3A_653 = arith.constant 0 : i32
      %dma_start3A_654 = tpu.memref_slice %arg12[%mul3A_2, %dma_start3A_653] : memref<10016x128xf32, #tpu.memory_space<vmem_shared>> -> memref<624x128xf32, #tpu.memory_space<vmem_shared>>
      %dma_start3A_655 = arith.constant 0 : i32
      %dma_start3A_656 = tpu.memref_slice %arg2[%mul3A_2, %dma_start3A_655] : memref<10000x128xf32, #tpu.memory_space<hbm>> -> memref<624x128xf32, #tpu.memory_space<hbm>>
      tpu.enqueue_dma source(%dma_start3A_656 : memref<624x128xf32, #tpu.memory_space<hbm>>) target(%dma_start3A_654 : memref<624x128xf32, #tpu.memory_space<vmem_shared>>) target_semaphore(%run_scoped3A : memref<!tpu.dma_semaphore, #tpu.memory_space<semaphore_mem>>)
      %dma_wait3A_657 = arith.constant 0 : i32
      %dma_wait3A_658 = tpu.memref_slice %arg12[%mul3A_2, %dma_wait3A_657] : memref<10016x128xf32, #tpu.memory_space<vmem_shared>> -> memref<624x128xf32, #tpu.memory_space<vmem_shared>>
      %dma_wait3A_659 = arith.constant 0 : i32
      %dma_wait3A_660 = tpu.memref_slice %arg2[%mul3A_2, %dma_wait3A_659] : memref<10000x128xf32, #tpu.memory_space<hbm>> -> memref<624x128xf32, #tpu.memory_space<hbm>>
      tpu.wait_dma2 semaphore(%run_scoped3A : memref<!tpu.dma_semaphore, #tpu.memory_space<semaphore_mem>>) src(%dma_wait3A_660 : memref<624x128xf32, #tpu.memory_space<hbm>>) dst(%dma_wait3A_658 : memref<624x128xf32, #tpu.memory_space<vmem_shared>>)
      tpu.yield
    }) : () -> ()
    %eq3A = arith.constant 15 : i32
    %eq3A_3 = arith.cmpi eq, %arg1, %eq3A : i32
    %convert_element_type3A = arith.extui %eq3A_3 : i1 to i32
    %cond3A = arith.constant 0 : i32
    %cond3A_4 = arith.cmpi ne, %convert_element_type3A, %cond3A : i32
    scf.if %cond3A_4 {
      "tpu.region"() ({
        %run_scoped3A = tpu.sem_alloc : memref<!tpu.dma_semaphore, #tpu.memory_space<semaphore_mem>>
        %dma_start3A_653 = arith.constant 9984 : i32
        %dma_start3A_654 = arith.constant 0 : i32
        %dma_start3A_655 = tpu.memref_slice %arg12[%dma_start3A_653, %dma_start3A_654] : memref<10016x128xf32, #tpu.memory_space<vmem_shared>> -> memref<16x128xf32, #tpu.memory_space<vmem_shared>>
        %dma_start3A_656 = arith.constant 9984 : i32
        %dma_start3A_657 = arith.constant 0 : i32
        %dma_start3A_658 = tpu.memref_slice %arg2[%dma_start3A_656, %dma_start3A_657] : memref<10000x128xf32, #tpu.memory_space<hbm>> -> memref<16x128xf32, #tpu.memory_space<hbm>>
        tpu.enqueue_dma source(%dma_start3A_658 : memref<16x128xf32, #tpu.memory_space<hbm>>) target(%dma_start3A_655 : memref<16x128xf32, #tpu.memory_space<vmem_shared>>) target_semaphore(%run_scoped3A : memref<!tpu.dma_semaphore, #tpu.memory_space<semaphore_mem>>)
        %dma_wait3A_659 = arith.constant 9984 : i32
        %dma_wait3A_660 = arith.constant 0 : i32
        %dma_wait3A_661 = tpu.memref_slice %arg12[%dma_wait3A_659, %dma_wait3A_660] : memref<10016x128xf32, #tpu.memory_space<vmem_shared>> -> memref<16x128xf32, #tpu.memory_space<vmem_shared>>
        %dma_wait3A_662 = arith.constant 9984 : i32
        %dma_wait3A_663 = arith.constant 0 : i32
        %dma_wait3A_664 = tpu.memref_slice %arg2[%dma_wait3A_662, %dma_wait3A_663] : memref<10000x128xf32, #tpu.memory_space<hbm>> -> memref<16x128xf32, #tpu.memory_space<hbm>>
        tpu.wait_dma2 semaphore(%run_scoped3A : memref<!tpu.dma_semaphore, #tpu.memory_space<semaphore_mem>>) src(%dma_wait3A_664 : memref<16x128xf32, #tpu.memory_space<hbm>>) dst(%dma_wait3A_661 : memref<16x128xf32, #tpu.memory_space<vmem_shared>>)
        tpu.yield
      }) : () -> ()
    } else {
    }
    %barrier3A = arith.constant 0 : index
    tpu.barrier barrier_id(%barrier3A)
    %get3A = arith.constant 0 : index
    %get3A_5 = tpu.vector_load %arg5[%get3A] {strides = array<i32>} : memref<10368xi32, #tpu.memory_space<vmem>>, vector<16xi32>,
    %get3A_6 = vector.shape_cast %get3A_5 : vector<16xi32> to vector<16xi32>
    %and3A = arith.constant 65535 : i32
    %and3A_7 = vector.broadcast %and3A : i32 to vector<16xi32>
    %and3A_8 = arith.andi %get3A_6, %and3A_7 : vector<16xi32>
    %swap3A = arith.constant 0 : i32
    %swap3A_9 = arith.index_cast %swap3A : i32 to index
    %swap3A_10 = arith.constant 0 : index
    %swap3A_11 = tpu.vector_load %arg6[%swap3A_9, %swap3A_10] {strides = array<i32>} : memref<4x64xi32, #tpu.memory_space<vmem>>, vector<1x16xi32>,
    %swap3A_12 = vector.shape_cast %swap3A_11 : vector<1x16xi32> to vector<16xi32>
    %swap3A_13 = vector.shape_cast %and3A_8 : vector<16xi32> to vector<1x16xi32>
    tpu.vector_store %arg6[%swap3A_9, %swap3A_10], %swap3A_13 {strides = array<i32>} : memref<4x64xi32, #tpu.memory_space<vmem>>, vector<1x16xi32>,
    %shift_right_arithmetic3A = arith.constant 16 : i32
    %shift_right_arithmetic3A_14 = vector.broadcast %shift_right_arithmetic3A : i32 to vector<16xi32>
    %shift_right_arithmetic3A_15 = arith.shrsi %get3A_6, %shift_right_arithmetic3A_14 : vector<16xi32>
    %swap3A_16 = arith.constant 0 : i32
    %swap3A_17 = arith.index_cast %swap3A_16 : i32 to index
    %swap3A_18 = arith.constant 0 : index
    %swap3A_19 = tpu.vector_load %arg7[%swap3A_17, %swap3A_18] {strides = array<i32>} : memref<4x64xi32, #tpu.memory_space<vmem>>, vector<1x16xi32>,
    %swap3A_20 = vector.shape_cast %swap3A_19 : vector<1x16xi32> to vector<16xi32>
    %swap3A_21 = vector.shape_cast %shift_right_arithmetic3A_15 : vector<16xi32> to vector<1x16xi32>
    tpu.vector_store %arg7[%swap3A_17, %swap3A_18], %swap3A_21 {strides = array<i32>} : memref<4x64xi32, #tpu.memory_space<vmem>>, vector<1x16xi32>,
    %get3A_22 = arith.constant 16 : index
    %get3A_23 = tpu.vector_load %arg5[%get3A_22] {strides = array<i32>} : memref<10368xi32, #tpu.memory_space<vmem>>, vector<16xi32>,
    %get3A_24 = vector.shape_cast %get3A_23 : vector<16xi32> to vector<16xi32>
    %and3A_25 = arith.constant 65535 : i32
    %and3A_26 = vector.broadcast %and3A_25 : i32 to vector<16xi32>
    %and3A_27 = arith.andi %get3A_24, %and3A_26 : vector<16xi32>
    %swap3A_28 = arith.constant 0 : i32
    %swap3A_29 = arith.index_cast %swap3A_28 : i32 to index
    %swap3A_30 = arith.constant 16 : index
    %swap3A_31 = tpu.vector_load %arg6[%swap3A_29, %swap3A_30] {strides = array<i32>} : memref<4x64xi32, #tpu.memory_space<vmem>>, vector<1x16xi32>,
    %swap3A_32 = vector.shape_cast %swap3A_31 : vector<1x16xi32> to vector<16xi32>
    %swap3A_33 = vector.shape_cast %and3A_27 : vector<16xi32> to vector<1x16xi32>
    tpu.vector_store %arg6[%swap3A_29, %swap3A_30], %swap3A_33 {strides = array<i32>} : memref<4x64xi32, #tpu.memory_space<vmem>>, vector<1x16xi32>,
    %shift_right_arithmetic3A_34 = arith.constant 16 : i32
    %shift_right_arithmetic3A_35 = vector.broadcast %shift_right_arithmetic3A_34 : i32 to vector<16xi32>
    %shift_right_arithmetic3A_36 = arith.shrsi %get3A_24, %shift_right_arithmetic3A_35 : vector<16xi32>
    %swap3A_37 = arith.constant 0 : i32
    %swap3A_38 = arith.index_cast %swap3A_37 : i32 to index
    %swap3A_39 = arith.constant 16 : index
    %swap3A_40 = tpu.vector_load %arg7[%swap3A_38, %swap3A_39] {strides = array<i32>} : memref<4x64xi32, #tpu.memory_space<vmem>>, vector<1x16xi32>,
    %swap3A_41 = vector.shape_cast %swap3A_40 : vector<1x16xi32> to vector<16xi32>
    %swap3A_42 = vector.shape_cast %shift_right_arithmetic3A_36 : vector<16xi32> to vector<1x16xi32>
    tpu.vector_store %arg7[%swap3A_38, %swap3A_39], %swap3A_42 {strides = array<i32>} : memref<4x64xi32, #tpu.memory_space<vmem>>, vector<1x16xi32>,
    %get3A_43 = arith.constant 32 : index
    %get3A_44 = tpu.vector_load %arg5[%get3A_43] {strides = array<i32>} : memref<10368xi32, #tpu.memory_space<vmem>>, vector<16xi32>,
    %get3A_45 = vector.shape_cast %get3A_44 : vector<16xi32> to vector<16xi32>
    %and3A_46 = arith.constant 65535 : i32
    %and3A_47 = vector.broadcast %and3A_46 : i32 to vector<16xi32>
    %and3A_48 = arith.andi %get3A_45, %and3A_47 : vector<16xi32>
    %swap3A_49 = arith.constant 0 : i32
    %swap3A_50 = arith.index_cast %swap3A_49 : i32 to index
    %swap3A_51 = arith.constant 32 : index
    %swap3A_52 = tpu.vector_load %arg6[%swap3A_50, %swap3A_51] {strides = array<i32>} : memref<4x64xi32, #tpu.memory_space<vmem>>, vector<1x16xi32>,
    %swap3A_53 = vector.shape_cast %swap3A_52 : vector<1x16xi32> to vector<16xi32>
    %swap3A_54 = vector.shape_cast %and3A_48 : vector<16xi32> to vector<1x16xi32>
    tpu.vector_store %arg6[%swap3A_50, %swap3A_51], %swap3A_54 {strides = array<i32>} : memref<4x64xi32, #tpu.memory_space<vmem>>, vector<1x16xi32>,
    %shift_right_arithmetic3A_55 = arith.constant 16 : i32
    %shift_right_arithmetic3A_56 = vector.broadcast %shift_right_arithmetic3A_55 : i32 to vector<16xi32>
    %shift_right_arithmetic3A_57 = arith.shrsi %get3A_45, %shift_right_arithmetic3A_56 : vector<16xi32>
    %swap3A_58 = arith.constant 0 : i32
    %swap3A_59 = arith.index_cast %swap3A_58 : i32 to index
    %swap3A_60 = arith.constant 32 : index
    %swap3A_61 = tpu.vector_load %arg7[%swap3A_59, %swap3A_60] {strides = array<i32>} : memref<4x64xi32, #tpu.memory_space<vmem>>, vector<1x16xi32>,
    %swap3A_62 = vector.shape_cast %swap3A_61 : vector<1x16xi32> to vector<16xi32>
    %swap3A_63 = vector.shape_cast %shift_right_arithmetic3A_57 : vector<16xi32> to vector<1x16xi32>
    tpu.vector_store %arg7[%swap3A_59, %swap3A_60], %swap3A_63 {strides = array<i32>} : memref<4x64xi32, #tpu.memory_space<vmem>>, vector<1x16xi32>,
    %get3A_64 = arith.constant 48 : index
    %get3A_65 = tpu.vector_load %arg5[%get3A_64] {strides = array<i32>} : memref<10368xi32, #tpu.memory_space<vmem>>, vector<16xi32>,
    %get3A_66 = vector.shape_cast %get3A_65 : vector<16xi32> to vector<16xi32>
    %and3A_67 = arith.constant 65535 : i32
    %and3A_68 = vector.broadcast %and3A_67 : i32 to vector<16xi32>
    %and3A_69 = arith.andi %get3A_66, %and3A_68 : vector<16xi32>
    %swap3A_70 = arith.constant 0 : i32
    %swap3A_71 = arith.index_cast %swap3A_70 : i32 to index
    %swap3A_72 = arith.constant 48 : index
    %swap3A_73 = tpu.vector_load %arg6[%swap3A_71, %swap3A_72] {strides = array<i32>} : memref<4x64xi32, #tpu.memory_space<vmem>>, vector<1x16xi32>,
    %swap3A_74 = vector.shape_cast %swap3A_73 : vector<1x16xi32> to vector<16xi32>
    %swap3A_75 = vector.shape_cast %and3A_69 : vector<16xi32> to vector<1x16xi32>
    tpu.vector_store %arg6[%swap3A_71, %swap3A_72], %swap3A_75 {strides = array<i32>} : memref<4x64xi32, #tpu.memory_space<vmem>>, vector<1x16xi32>,
    %shift_right_arithmetic3A_76 = arith.constant 16 : i32
    %shift_right_arithmetic3A_77 = vector.broadcast %shift_right_arithmetic3A_76 : i32 to vector<16xi32>
    %shift_right_arithmetic3A_78 = arith.shrsi %get3A_66, %shift_right_arithmetic3A_77 : vector<16xi32>
    %swap3A_79 = arith.constant 0 : i32
    %swap3A_80 = arith.index_cast %swap3A_79 : i32 to index
    %swap3A_81 = arith.constant 48 : index
    %swap3A_82 = tpu.vector_load %arg7[%swap3A_80, %swap3A_81] {strides = array<i32>} : memref<4x64xi32, #tpu.memory_space<vmem>>, vector<1x16xi32>,
    %swap3A_83 = vector.shape_cast %swap3A_82 : vector<1x16xi32> to vector<16xi32>
    %swap3A_84 = vector.shape_cast %shift_right_arithmetic3A_78 : vector<16xi32> to vector<1x16xi32>
    tpu.vector_store %arg7[%swap3A_80, %swap3A_81], %swap3A_84 {strides = array<i32>} : memref<4x64xi32, #tpu.memory_space<vmem>>, vector<1x16xi32>,
    %dma_start3A = arith.constant 0 : i32
    %dma_start3A_85 = arith.constant 0 : i32
    %dma_start3A_86 = tpu.memref_slice %arg6[%dma_start3A, %dma_start3A_85] : memref<4x64xi32, #tpu.memory_space<vmem>> -> memref<1x64xi32, #tpu.memory_space<vmem>>
    %dma_start3A_87 = tpu.memref_squeeze %dma_start3A_86 : memref<1x64xi32, #tpu.memory_space<vmem>> -> memref<64xi32, #tpu.memory_space<vmem>>
    %dma_start3A_88 = arith.constant 0 : i32
    %dma_start3A_89 = arith.constant 0 : i32
    %dma_start3A_90 = tpu.memref_slice %arg2[%dma_start3A_88, %dma_start3A_89] : memref<10000x128xf32, #tpu.memory_space<hbm>> -> memref<10000x128xf32, #tpu.memory_space<hbm>>
    tpu.enqueue_indirect_dma source(%dma_start3A_90 : memref<10000x128xf32, #tpu.memory_space<hbm>>) target(%arg8 : memref<64x128xf32, #tpu.memory_space<vmem>>) offsets(%dma_start3A_87 : memref<64xi32, #tpu.memory_space<vmem>>) semaphore(%arg13 : memref<!tpu.dma_semaphore, #tpu.memory_space<semaphore_mem>>)
    %get3A_91 = arith.constant 64 : index
    %get3A_92 = tpu.vector_load %arg5[%get3A_91] {strides = array<i32>} : memref<10368xi32, #tpu.memory_space<vmem>>, vector<16xi32>,
    %get3A_93 = vector.shape_cast %get3A_92 : vector<16xi32> to vector<16xi32>
    %and3A_94 = arith.constant 65535 : i32
    %and3A_95 = vector.broadcast %and3A_94 : i32 to vector<16xi32>
    %and3A_96 = arith.andi %get3A_93, %and3A_95 : vector<16xi32>
    %swap3A_97 = arith.constant 1 : i32
    %swap3A_98 = arith.index_cast %swap3A_97 : i32 to index
    %swap3A_99 = arith.constant 0 : index
    %swap3A_100 = tpu.vector_load %arg6[%swap3A_98, %swap3A_99] {strides = array<i32>} : memref<4x64xi32, #tpu.memory_space<vmem>>, vector<1x16xi32>,
    %swap3A_101 = vector.shape_cast %swap3A_100 : vector<1x16xi32> to vector<16xi32>
    %swap3A_102 = vector.shape_cast %and3A_96 : vector<16xi32> to vector<1x16xi32>
    tpu.vector_store %arg6[%swap3A_98, %swap3A_99], %swap3A_102 {strides = array<i32>} : memref<4x64xi32, #tpu.memory_space<vmem>>, vector<1x16xi32>,
    %shift_right_arithmetic3A_103 = arith.constant 16 : i32
    %shift_right_arithmetic3A_104 = vector.broadcast %shift_right_arithmetic3A_103 : i32 to vector<16xi32>
    %shift_right_arithmetic3A_105 = arith.shrsi %get3A_93, %shift_right_arithmetic3A_104 : vector<16xi32>
    %swap3A_106 = arith.constant 1 : i32
    %swap3A_107 = arith.index_cast %swap3A_106 : i32 to index
    %swap3A_108 = arith.constant 0 : index
    %swap3A_109 = tpu.vector_load %arg7[%swap3A_107, %swap3A_108] {strides = array<i32>} : memref<4x64xi32, #tpu.memory_space<vmem>>, vector<1x16xi32>,
    %swap3A_110 = vector.shape_cast %swap3A_109 : vector<1x16xi32> to vector<16xi32>
    %swap3A_111 = vector.shape_cast %shift_right_arithmetic3A_105 : vector<16xi32> to vector<1x16xi32>
    tpu.vector_store %arg7[%swap3A_107, %swap3A_108], %swap3A_111 {strides = array<i32>} : memref<4x64xi32, #tpu.memory_space<vmem>>, vector<1x16xi32>,
    %get3A_112 = arith.constant 80 : index
    %get3A_113 = tpu.vector_load %arg5[%get3A_112] {strides = array<i32>} : memref<10368xi32, #tpu.memory_space<vmem>>, vector<16xi32>,
    %get3A_114 = vector.shape_cast %get3A_113 : vector<16xi32> to vector<16xi32>
    %and3A_115 = arith.constant 65535 : i32
    %and3A_116 = vector.broadcast %and3A_115 : i32 to vector<16xi32>
    %and3A_117 = arith.andi %get3A_114, %and3A_116 : vector<16xi32>
    %swap3A_118 = arith.constant 1 : i32
    %swap3A_119 = arith.index_cast %swap3A_118 : i32 to index
    %swap3A_120 = arith.constant 16 : index
    %swap3A_121 = tpu.vector_load %arg6[%swap3A_119, %swap3A_120] {strides = array<i32>} : memref<4x64xi32, #tpu.memory_space<vmem>>, vector<1x16xi32>,
    %swap3A_122 = vector.shape_cast %swap3A_121 : vector<1x16xi32> to vector<16xi32>
    %swap3A_123 = vector.shape_cast %and3A_117 : vector<16xi32> to vector<1x16xi32>
    tpu.vector_store %arg6[%swap3A_119, %swap3A_120], %swap3A_123 {strides = array<i32>} : memref<4x64xi32, #tpu.memory_space<vmem>>, vector<1x16xi32>,
    %shift_right_arithmetic3A_124 = arith.constant 16 : i32
    %shift_right_arithmetic3A_125 = vector.broadcast %shift_right_arithmetic3A_124 : i32 to vector<16xi32>
    %shift_right_arithmetic3A_126 = arith.shrsi %get3A_114, %shift_right_arithmetic3A_125 : vector<16xi32>
    %swap3A_127 = arith.constant 1 : i32
    %swap3A_128 = arith.index_cast %swap3A_127 : i32 to index
    %swap3A_129 = arith.constant 16 : index
    %swap3A_130 = tpu.vector_load %arg7[%swap3A_128, %swap3A_129] {strides = array<i32>} : memref<4x64xi32, #tpu.memory_space<vmem>>, vector<1x16xi32>,
    %swap3A_131 = vector.shape_cast %swap3A_130 : vector<1x16xi32> to vector<16xi32>
    %swap3A_132 = vector.shape_cast %shift_right_arithmetic3A_126 : vector<16xi32> to vector<1x16xi32>
    tpu.vector_store %arg7[%swap3A_128, %swap3A_129], %swap3A_132 {strides = array<i32>} : memref<4x64xi32, #tpu.memory_space<vmem>>, vector<1x16xi32>,
    %get3A_133 = arith.constant 96 : index
    %get3A_134 = tpu.vector_load %arg5[%get3A_133] {strides = array<i32>} : memref<10368xi32, #tpu.memory_space<vmem>>, vector<16xi32>,
    %get3A_135 = vector.shape_cast %get3A_134 : vector<16xi32> to vector<16xi32>
    %and3A_136 = arith.constant 65535 : i32
    %and3A_137 = vector.broadcast %and3A_136 : i32 to vector<16xi32>
    %and3A_138 = arith.andi %get3A_135, %and3A_137 : vector<16xi32>
    %swap3A_139 = arith.constant 1 : i32
    %swap3A_140 = arith.index_cast %swap3A_139 : i32 to index
    %swap3A_141 = arith.constant 32 : index
    %swap3A_142 = tpu.vector_load %arg6[%swap3A_140, %swap3A_141] {strides = array<i32>} : memref<4x64xi32, #tpu.memory_space<vmem>>, vector<1x16xi32>,
    %swap3A_143 = vector.shape_cast %swap3A_142 : vector<1x16xi32> to vector<16xi32>
    %swap3A_144 = vector.shape_cast %and3A_138 : vector<16xi32> to vector<1x16xi32>
    tpu.vector_store %arg6[%swap3A_140, %swap3A_141], %swap3A_144 {strides = array<i32>} : memref<4x64xi32, #tpu.memory_space<vmem>>, vector<1x16xi32>,
    %shift_right_arithmetic3A_145 = arith.constant 16 : i32
    %shift_right_arithmetic3A_146 = vector.broadcast %shift_right_arithmetic3A_145 : i32 to vector<16xi32>
    %shift_right_arithmetic3A_147 = arith.shrsi %get3A_135, %shift_right_arithmetic3A_146 : vector<16xi32>
    %swap3A_148 = arith.constant 1 : i32
    %swap3A_149 = arith.index_cast %swap3A_148 : i32 to index
    %swap3A_150 = arith.constant 32 : index
    %swap3A_151 = tpu.vector_load %arg7[%swap3A_149, %swap3A_150] {strides = array<i32>} : memref<4x64xi32, #tpu.memory_space<vmem>>, vector<1x16xi32>,
    %swap3A_152 = vector.shape_cast %swap3A_151 : vector<1x16xi32> to vector<16xi32>
    %swap3A_153 = vector.shape_cast %shift_right_arithmetic3A_147 : vector<16xi32> to vector<1x16xi32>
    tpu.vector_store %arg7[%swap3A_149, %swap3A_150], %swap3A_153 {strides = array<i32>} : memref<4x64xi32, #tpu.memory_space<vmem>>, vector<1x16xi32>,
    %get3A_154 = arith.constant 112 : index
    %get3A_155 = tpu.vector_load %arg5[%get3A_154] {strides = array<i32>} : memref<10368xi32, #tpu.memory_space<vmem>>, vector<16xi32>,
    %get3A_156 = vector.shape_cast %get3A_155 : vector<16xi32> to vector<16xi32>
    %and3A_157 = arith.constant 65535 : i32
    %and3A_158 = vector.broadcast %and3A_157 : i32 to vector<16xi32>
    %and3A_159 = arith.andi %get3A_156, %and3A_158 : vector<16xi32>
    %swap3A_160 = arith.constant 1 : i32
    %swap3A_161 = arith.index_cast %swap3A_160 : i32 to index
    %swap3A_162 = arith.constant 48 : index
    %swap3A_163 = tpu.vector_load %arg6[%swap3A_161, %swap3A_162] {strides = array<i32>} : memref<4x64xi32, #tpu.memory_space<vmem>>, vector<1x16xi32>,
    %swap3A_164 = vector.shape_cast %swap3A_163 : vector<1x16xi32> to vector<16xi32>
    %swap3A_165 = vector.shape_cast %and3A_159 : vector<16xi32> to vector<1x16xi32>
    tpu.vector_store %arg6[%swap3A_161, %swap3A_162], %swap3A_165 {strides = array<i32>} : memref<4x64xi32, #tpu.memory_space<vmem>>, vector<1x16xi32>,
    %shift_right_arithmetic3A_166 = arith.constant 16 : i32
    %shift_right_arithmetic3A_167 = vector.broadcast %shift_right_arithmetic3A_166 : i32 to vector<16xi32>
    %shift_right_arithmetic3A_168 = arith.shrsi %get3A_156, %shift_right_arithmetic3A_167 : vector<16xi32>
    %swap3A_169 = arith.constant 1 : i32
    %swap3A_170 = arith.index_cast %swap3A_169 : i32 to index
    %swap3A_171 = arith.constant 48 : index
    %swap3A_172 = tpu.vector_load %arg7[%swap3A_170, %swap3A_171] {strides = array<i32>} : memref<4x64xi32, #tpu.memory_space<vmem>>, vector<1x16xi32>,
    %swap3A_173 = vector.shape_cast %swap3A_172 : vector<1x16xi32> to vector<16xi32>
    %swap3A_174 = vector.shape_cast %shift_right_arithmetic3A_168 : vector<16xi32> to vector<1x16xi32>
    tpu.vector_store %arg7[%swap3A_170, %swap3A_171], %swap3A_174 {strides = array<i32>} : memref<4x64xi32, #tpu.memory_space<vmem>>, vector<1x16xi32>,
    %dma_start3A_175 = arith.constant 1 : i32
    %dma_start3A_176 = arith.constant 0 : i32
    %dma_start3A_177 = tpu.memref_slice %arg6[%dma_start3A_175, %dma_start3A_176] : memref<4x64xi32, #tpu.memory_space<vmem>> -> memref<1x64xi32, #tpu.memory_space<vmem>>
    %dma_start3A_178 = tpu.memref_squeeze %dma_start3A_177 : memref<1x64xi32, #tpu.memory_space<vmem>> -> memref<64xi32, #tpu.memory_space<vmem>>
    %dma_start3A_179 = arith.constant 0 : i32
    %dma_start3A_180 = arith.constant 0 : i32
    %dma_start3A_181 = tpu.memref_slice %arg2[%dma_start3A_179, %dma_start3A_180] : memref<10000x128xf32, #tpu.memory_space<hbm>> -> memref<10000x128xf32, #tpu.memory_space<hbm>>
    tpu.enqueue_indirect_dma source(%dma_start3A_181 : memref<10000x128xf32, #tpu.memory_space<hbm>>) target(%arg9 : memref<64x128xf32, #tpu.memory_space<vmem>>) offsets(%dma_start3A_178 : memref<64xi32, #tpu.memory_space<vmem>>) semaphore(%arg14 : memref<!tpu.dma_semaphore, #tpu.memory_space<semaphore_mem>>)
    %dma_wait3A = arith.constant 0 : i32
    %dma_wait3A_182 = arith.constant 0 : i32
    %dma_wait3A_183 = tpu.memref_slice %arg6[%dma_wait3A, %dma_wait3A_182] : memref<4x64xi32, #tpu.memory_space<vmem>> -> memref<1x64xi32, #tpu.memory_space<vmem>>
    %dma_wait3A_184 = tpu.memref_squeeze %dma_wait3A_183 : memref<1x64xi32, #tpu.memory_space<vmem>> -> memref<64xi32, #tpu.memory_space<vmem>>
    %dma_wait3A_185 = arith.constant 0 : i32
    %dma_wait3A_186 = arith.constant 0 : i32
    %dma_wait3A_187 = tpu.memref_slice %arg2[%dma_wait3A_185, %dma_wait3A_186] : memref<10000x128xf32, #tpu.memory_space<hbm>> -> memref<10000x128xf32, #tpu.memory_space<hbm>>
    tpu.wait_indirect_dma semaphore(%arg13 : memref<!tpu.dma_semaphore, #tpu.memory_space<semaphore_mem>>) src(%dma_wait3A_187 : memref<10000x128xf32, #tpu.memory_space<hbm>>) dst(%arg8 : memref<64x128xf32, #tpu.memory_space<vmem>>)
    %dma_start3A_188 = arith.constant 0 : i32
    %dma_start3A_189 = arith.constant 0 : i32
    %dma_start3A_190 = tpu.memref_slice %arg7[%dma_start3A_188, %dma_start3A_189] : memref<4x64xi32, #tpu.memory_space<vmem>> -> memref<1x64xi32, #tpu.memory_space<vmem>>
    %dma_start3A_191 = tpu.memref_squeeze %dma_start3A_190 : memref<1x64xi32, #tpu.memory_space<vmem>> -> memref<64xi32, #tpu.memory_space<vmem>>
    %dma_start3A_192 = arith.constant 0 : i32
    %dma_start3A_193 = arith.constant 0 : i32
    %dma_start3A_194 = tpu.memref_slice %arg12[%dma_start3A_192, %dma_start3A_193] : memref<10016x128xf32, #tpu.memory_space<vmem_shared>> -> memref<10016x128xf32, #tpu.memory_space<vmem_shared>>
    tpu.enqueue_indirect_dma source(%arg8 : memref<64x128xf32, #tpu.memory_space<vmem>>) target(%dma_start3A_194 : memref<10016x128xf32, #tpu.memory_space<vmem_shared>>) offsets(%dma_start3A_191 : memref<64xi32, #tpu.memory_space<vmem>>) semaphore(%arg17 : memref<!tpu.dma_semaphore, #tpu.memory_space<semaphore_mem>>) {add = true}
    %get3A_195 = arith.constant 128 : index
    %get3A_196 = tpu.vector_load %arg5[%get3A_195] {strides = array<i32>} : memref<10368xi32, #tpu.memory_space<vmem>>, vector<16xi32>,
    %get3A_197 = vector.shape_cast %get3A_196 : vector<16xi32> to vector<16xi32>
    %and3A_198 = arith.constant 65535 : i32
    %and3A_199 = vector.broadcast %and3A_198 : i32 to vector<16xi32>
    %and3A_200 = arith.andi %get3A_197, %and3A_199 : vector<16xi32>
    %swap3A_201 = arith.constant 2 : i32
    %swap3A_202 = arith.index_cast %swap3A_201 : i32 to index
    %swap3A_203 = arith.constant 0 : index
    %swap3A_204 = tpu.vector_load %arg6[%swap3A_202, %swap3A_203] {strides = array<i32>} : memref<4x64xi32, #tpu.memory_space<vmem>>, vector<1x16xi32>,
    %swap3A_205 = vector.shape_cast %swap3A_204 : vector<1x16xi32> to vector<16xi32>
    %swap3A_206 = vector.shape_cast %and3A_200 : vector<16xi32> to vector<1x16xi32>
    tpu.vector_store %arg6[%swap3A_202, %swap3A_203], %swap3A_206 {strides = array<i32>} : memref<4x64xi32, #tpu.memory_space<vmem>>, vector<1x16xi32>,
    %shift_right_arithmetic3A_207 = arith.constant 16 : i32
    %shift_right_arithmetic3A_208 = vector.broadcast %shift_right_arithmetic3A_207 : i32 to vector<16xi32>
    %shift_right_arithmetic3A_209 = arith.shrsi %get3A_197, %shift_right_arithmetic3A_208 : vector<16xi32>
    %swap3A_210 = arith.constant 2 : i32
    %swap3A_211 = arith.index_cast %swap3A_210 : i32 to index
    %swap3A_212 = arith.constant 0 : index
    %swap3A_213 = tpu.vector_load %arg7[%swap3A_211, %swap3A_212] {strides = array<i32>} : memref<4x64xi32, #tpu.memory_space<vmem>>, vector<1x16xi32>,
    %swap3A_214 = vector.shape_cast %swap3A_213 : vector<1x16xi32> to vector<16xi32>
    %swap3A_215 = vector.shape_cast %shift_right_arithmetic3A_209 : vector<16xi32> to vector<1x16xi32>
    tpu.vector_store %arg7[%swap3A_211, %swap3A_212], %swap3A_215 {strides = array<i32>} : memref<4x64xi32, #tpu.memory_space<vmem>>, vector<1x16xi32>,
    %get3A_216 = arith.constant 144 : index
    %get3A_217 = tpu.vector_load %arg5[%get3A_216] {strides = array<i32>} : memref<10368xi32, #tpu.memory_space<vmem>>, vector<16xi32>,
    %get3A_218 = vector.shape_cast %get3A_217 : vector<16xi32> to vector<16xi32>
    %and3A_219 = arith.constant 65535 : i32
    %and3A_220 = vector.broadcast %and3A_219 : i32 to vector<16xi32>
    %and3A_221 = arith.andi %get3A_218, %and3A_220 : vector<16xi32>
    %swap3A_222 = arith.constant 2 : i32
    %swap3A_223 = arith.index_cast %swap3A_222 : i32 to index
    %swap3A_224 = arith.constant 16 : index
    %swap3A_225 = tpu.vector_load %arg6[%swap3A_223, %swap3A_224] {strides = array<i32>} : memref<4x64xi32, #tpu.memory_space<vmem>>, vector<1x16xi32>,
    %swap3A_226 = vector.shape_cast %swap3A_225 : vector<1x16xi32> to vector<16xi32>
    %swap3A_227 = vector.shape_cast %and3A_221 : vector<16xi32> to vector<1x16xi32>
    tpu.vector_store %arg6[%swap3A_223, %swap3A_224], %swap3A_227 {strides = array<i32>} : memref<4x64xi32, #tpu.memory_space<vmem>>, vector<1x16xi32>,
    %shift_right_arithmetic3A_228 = arith.constant 16 : i32
    %shift_right_arithmetic3A_229 = vector.broadcast %shift_right_arithmetic3A_228 : i32 to vector<16xi32>
    %shift_right_arithmetic3A_230 = arith.shrsi %get3A_218, %shift_right_arithmetic3A_229 : vector<16xi32>
    %swap3A_231 = arith.constant 2 : i32
    %swap3A_232 = arith.index_cast %swap3A_231 : i32 to index
    %swap3A_233 = arith.constant 16 : index
    %swap3A_234 = tpu.vector_load %arg7[%swap3A_232, %swap3A_233] {strides = array<i32>} : memref<4x64xi32, #tpu.memory_space<vmem>>, vector<1x16xi32>,
    %swap3A_235 = vector.shape_cast %swap3A_234 : vector<1x16xi32> to vector<16xi32>
    %swap3A_236 = vector.shape_cast %shift_right_arithmetic3A_230 : vector<16xi32> to vector<1x16xi32>
    tpu.vector_store %arg7[%swap3A_232, %swap3A_233], %swap3A_236 {strides = array<i32>} : memref<4x64xi32, #tpu.memory_space<vmem>>, vector<1x16xi32>,
    %get3A_237 = arith.constant 160 : index
    %get3A_238 = tpu.vector_load %arg5[%get3A_237] {strides = array<i32>} : memref<10368xi32, #tpu.memory_space<vmem>>, vector<16xi32>,
    %get3A_239 = vector.shape_cast %get3A_238 : vector<16xi32> to vector<16xi32>
    %and3A_240 = arith.constant 65535 : i32
    %and3A_241 = vector.broadcast %and3A_240 : i32 to vector<16xi32>
    %and3A_242 = arith.andi %get3A_239, %and3A_241 : vector<16xi32>
    %swap3A_243 = arith.constant 2 : i32
    %swap3A_244 = arith.index_cast %swap3A_243 : i32 to index
    %swap3A_245 = arith.constant 32 : index
    %swap3A_246 = tpu.vector_load %arg6[%swap3A_244, %swap3A_245] {strides = array<i32>} : memref<4x64xi32, #tpu.memory_space<vmem>>, vector<1x16xi32>,
    %swap3A_247 = vector.shape_cast %swap3A_246 : vector<1x16xi32> to vector<16xi32>
    %swap3A_248 = vector.shape_cast %and3A_242 : vector<16xi32> to vector<1x16xi32>
    tpu.vector_store %arg6[%swap3A_244, %swap3A_245], %swap3A_248 {strides = array<i32>} : memref<4x64xi32, #tpu.memory_space<vmem>>, vector<1x16xi32>,
    %shift_right_arithmetic3A_249 = arith.constant 16 : i32
    %shift_right_arithmetic3A_250 = vector.broadcast %shift_right_arithmetic3A_249 : i32 to vector<16xi32>
    %shift_right_arithmetic3A_251 = arith.shrsi %get3A_239, %shift_right_arithmetic3A_250 : vector<16xi32>
    %swap3A_252 = arith.constant 2 : i32
    %swap3A_253 = arith.index_cast %swap3A_252 : i32 to index
    %swap3A_254 = arith.constant 32 : index
    %swap3A_255 = tpu.vector_load %arg7[%swap3A_253, %swap3A_254] {strides = array<i32>} : memref<4x64xi32, #tpu.memory_space<vmem>>, vector<1x16xi32>,
    %swap3A_256 = vector.shape_cast %swap3A_255 : vector<1x16xi32> to vector<16xi32>
    %swap3A_257 = vector.shape_cast %shift_right_arithmetic3A_251 : vector<16xi32> to vector<1x16xi32>
    tpu.vector_store %arg7[%swap3A_253, %swap3A_254], %swap3A_257 {strides = array<i32>} : memref<4x64xi32, #tpu.memory_space<vmem>>, vector<1x16xi32>,
    %get3A_258 = arith.constant 176 : index
    %get3A_259 = tpu.vector_load %arg5[%get3A_258] {strides = array<i32>} : memref<10368xi32, #tpu.memory_space<vmem>>, vector<16xi32>,
    %get3A_260 = vector.shape_cast %get3A_259 : vector<16xi32> to vector<16xi32>
    %and3A_261 = arith.constant 65535 : i32
    %and3A_262 = vector.broadcast %and3A_261 : i32 to vector<16xi32>
    %and3A_263 = arith.andi %get3A_260, %and3A_262 : vector<16xi32>
    %swap3A_264 = arith.constant 2 : i32
    %swap3A_265 = arith.index_cast %swap3A_264 : i32 to index
    %swap3A_266 = arith.constant 48 : index
    %swap3A_267 = tpu.vector_load %arg6[%swap3A_265, %swap3A_266] {strides = array<i32>} : memref<4x64xi32, #tpu.memory_space<vmem>>, vector<1x16xi32>,
    %swap3A_268 = vector.shape_cast %swap3A_267 : vector<1x16xi32> to vector<16xi32>
    %swap3A_269 = vector.shape_cast %and3A_263 : vector<16xi32> to vector<1x16xi32>
    tpu.vector_store %arg6[%swap3A_265, %swap3A_266], %swap3A_269 {strides = array<i32>} : memref<4x64xi32, #tpu.memory_space<vmem>>, vector<1x16xi32>,
    %shift_right_arithmetic3A_270 = arith.constant 16 : i32
    %shift_right_arithmetic3A_271 = vector.broadcast %shift_right_arithmetic3A_270 : i32 to vector<16xi32>
    %shift_right_arithmetic3A_272 = arith.shrsi %get3A_260, %shift_right_arithmetic3A_271 : vector<16xi32>
    %swap3A_273 = arith.constant 2 : i32
    %swap3A_274 = arith.index_cast %swap3A_273 : i32 to index
    %swap3A_275 = arith.constant 48 : index
    %swap3A_276 = tpu.vector_load %arg7[%swap3A_274, %swap3A_275] {strides = array<i32>} : memref<4x64xi32, #tpu.memory_space<vmem>>, vector<1x16xi32>,
    %swap3A_277 = vector.shape_cast %swap3A_276 : vector<1x16xi32> to vector<16xi32>
    %swap3A_278 = vector.shape_cast %shift_right_arithmetic3A_272 : vector<16xi32> to vector<1x16xi32>
    tpu.vector_store %arg7[%swap3A_274, %swap3A_275], %swap3A_278 {strides = array<i32>} : memref<4x64xi32, #tpu.memory_space<vmem>>, vector<1x16xi32>,
    %dma_start3A_279 = arith.constant 2 : i32
    %dma_start3A_280 = arith.constant 0 : i32
    %dma_start3A_281 = tpu.memref_slice %arg6[%dma_start3A_279, %dma_start3A_280] : memref<4x64xi32, #tpu.memory_space<vmem>> -> memref<1x64xi32, #tpu.memory_space<vmem>>
    %dma_start3A_282 = tpu.memref_squeeze %dma_start3A_281 : memref<1x64xi32, #tpu.memory_space<vmem>> -> memref<64xi32, #tpu.memory_space<vmem>>
    %dma_start3A_283 = arith.constant 0 : i32
    %dma_start3A_284 = arith.constant 0 : i32
    %dma_start3A_285 = tpu.memref_slice %arg2[%dma_start3A_283, %dma_start3A_284] : memref<10000x128xf32, #tpu.memory_space<hbm>> -> memref<10000x128xf32, #tpu.memory_space<hbm>>
    tpu.enqueue_indirect_dma source(%dma_start3A_285 : memref<10000x128xf32, #tpu.memory_space<hbm>>) target(%arg10 : memref<64x128xf32, #tpu.memory_space<vmem>>) offsets(%dma_start3A_282 : memref<64xi32, #tpu.memory_space<vmem>>) semaphore(%arg15 : memref<!tpu.dma_semaphore, #tpu.memory_space<semaphore_mem>>)
    %dma_wait3A_286 = arith.constant 1 : i32
    %dma_wait3A_287 = arith.constant 0 : i32
    %dma_wait3A_288 = tpu.memref_slice %arg6[%dma_wait3A_286, %dma_wait3A_287] : memref<4x64xi32, #tpu.memory_space<vmem>> -> memref<1x64xi32, #tpu.memory_space<vmem>>
    %dma_wait3A_289 = tpu.memref_squeeze %dma_wait3A_288 : memref<1x64xi32, #tpu.memory_space<vmem>> -> memref<64xi32, #tpu.memory_space<vmem>>
    %dma_wait3A_290 = arith.constant 0 : i32
    %dma_wait3A_291 = arith.constant 0 : i32
    %dma_wait3A_292 = tpu.memref_slice %arg2[%dma_wait3A_290, %dma_wait3A_291] : memref<10000x128xf32, #tpu.memory_space<hbm>> -> memref<10000x128xf32, #tpu.memory_space<hbm>>
    tpu.wait_indirect_dma semaphore(%arg14 : memref<!tpu.dma_semaphore, #tpu.memory_space<semaphore_mem>>) src(%dma_wait3A_292 : memref<10000x128xf32, #tpu.memory_space<hbm>>) dst(%arg9 : memref<64x128xf32, #tpu.memory_space<vmem>>)
    %dma_start3A_293 = arith.constant 1 : i32
    %dma_start3A_294 = arith.constant 0 : i32
    %dma_start3A_295 = tpu.memref_slice %arg7[%dma_start3A_293, %dma_start3A_294] : memref<4x64xi32, #tpu.memory_space<vmem>> -> memref<1x64xi32, #tpu.memory_space<vmem>>
    %dma_start3A_296 = tpu.memref_squeeze %dma_start3A_295 : memref<1x64xi32, #tpu.memory_space<vmem>> -> memref<64xi32, #tpu.memory_space<vmem>>
    %dma_start3A_297 = arith.constant 0 : i32
    %dma_start3A_298 = arith.constant 0 : i32
    %dma_start3A_299 = tpu.memref_slice %arg12[%dma_start3A_297, %dma_start3A_298] : memref<10016x128xf32, #tpu.memory_space<vmem_shared>> -> memref<10016x128xf32, #tpu.memory_space<vmem_shared>>
    tpu.enqueue_indirect_dma source(%arg9 : memref<64x128xf32, #tpu.memory_space<vmem>>) target(%dma_start3A_299 : memref<10016x128xf32, #tpu.memory_space<vmem_shared>>) offsets(%dma_start3A_296 : memref<64xi32, #tpu.memory_space<vmem>>) semaphore(%arg18 : memref<!tpu.dma_semaphore, #tpu.memory_space<semaphore_mem>>) {add = true}
    %get3A_300 = arith.constant 192 : index
    %get3A_301 = tpu.vector_load %arg5[%get3A_300] {strides = array<i32>} : memref<10368xi32, #tpu.memory_space<vmem>>, vector<16xi32>,
    %get3A_302 = vector.shape_cast %get3A_301 : vector<16xi32> to vector<16xi32>
    %and3A_303 = arith.constant 65535 : i32
    %and3A_304 = vector.broadcast %and3A_303 : i32 to vector<16xi32>
    %and3A_305 = arith.andi %get3A_302, %and3A_304 : vector<16xi32>
    %swap3A_306 = arith.constant 3 : i32
    %swap3A_307 = arith.index_cast %swap3A_306 : i32 to index
    %swap3A_308 = arith.constant 0 : index
    %swap3A_309 = tpu.vector_load %arg6[%swap3A_307, %swap3A_308] {strides = array<i32>} : memref<4x64xi32, #tpu.memory_space<vmem>>, vector<1x16xi32>,
    %swap3A_310 = vector.shape_cast %swap3A_309 : vector<1x16xi32> to vector<16xi32>
    %swap3A_311 = vector.shape_cast %and3A_305 : vector<16xi32> to vector<1x16xi32>
    tpu.vector_store %arg6[%swap3A_307, %swap3A_308], %swap3A_311 {strides = array<i32>} : memref<4x64xi32, #tpu.memory_space<vmem>>, vector<1x16xi32>,
    %shift_right_arithmetic3A_312 = arith.constant 16 : i32
    %shift_right_arithmetic3A_313 = vector.broadcast %shift_right_arithmetic3A_312 : i32 to vector<16xi32>
    %shift_right_arithmetic3A_314 = arith.shrsi %get3A_302, %shift_right_arithmetic3A_313 : vector<16xi32>
    %swap3A_315 = arith.constant 3 : i32
    %swap3A_316 = arith.index_cast %swap3A_315 : i32 to index
    %swap3A_317 = arith.constant 0 : index
    %swap3A_318 = tpu.vector_load %arg7[%swap3A_316, %swap3A_317] {strides = array<i32>} : memref<4x64xi32, #tpu.memory_space<vmem>>, vector<1x16xi32>,
    %swap3A_319 = vector.shape_cast %swap3A_318 : vector<1x16xi32> to vector<16xi32>
    %swap3A_320 = vector.shape_cast %shift_right_arithmetic3A_314 : vector<16xi32> to vector<1x16xi32>
    tpu.vector_store %arg7[%swap3A_316, %swap3A_317], %swap3A_320 {strides = array<i32>} : memref<4x64xi32, #tpu.memory_space<vmem>>, vector<1x16xi32>,
    %get3A_321 = arith.constant 208 : index
    %get3A_322 = tpu.vector_load %arg5[%get3A_321] {strides = array<i32>} : memref<10368xi32, #tpu.memory_space<vmem>>, vector<16xi32>,
    %get3A_323 = vector.shape_cast %get3A_322 : vector<16xi32> to vector<16xi32>
    %and3A_324 = arith.constant 65535 : i32
    %and3A_325 = vector.broadcast %and3A_324 : i32 to vector<16xi32>
    %and3A_326 = arith.andi %get3A_323, %and3A_325 : vector<16xi32>
    %swap3A_327 = arith.constant 3 : i32
    %swap3A_328 = arith.index_cast %swap3A_327 : i32 to index
    %swap3A_329 = arith.constant 16 : index
    %swap3A_330 = tpu.vector_load %arg6[%swap3A_328, %swap3A_329] {strides = array<i32>} : memref<4x64xi32, #tpu.memory_space<vmem>>, vector<1x16xi32>,
    %swap3A_331 = vector.shape_cast %swap3A_330 : vector<1x16xi32> to vector<16xi32>
    %swap3A_332 = vector.shape_cast %and3A_326 : vector<16xi32> to vector<1x16xi32>
    tpu.vector_store %arg6[%swap3A_328, %swap3A_329], %swap3A_332 {strides = array<i32>} : memref<4x64xi32, #tpu.memory_space<vmem>>, vector<1x16xi32>,
    %shift_right_arithmetic3A_333 = arith.constant 16 : i32
    %shift_right_arithmetic3A_334 = vector.broadcast %shift_right_arithmetic3A_333 : i32 to vector<16xi32>
    %shift_right_arithmetic3A_335 = arith.shrsi %get3A_323, %shift_right_arithmetic3A_334 : vector<16xi32>
    %swap3A_336 = arith.constant 3 : i32
    %swap3A_337 = arith.index_cast %swap3A_336 : i32 to index
    %swap3A_338 = arith.constant 16 : index
    %swap3A_339 = tpu.vector_load %arg7[%swap3A_337, %swap3A_338] {strides = array<i32>} : memref<4x64xi32, #tpu.memory_space<vmem>>, vector<1x16xi32>,
    %swap3A_340 = vector.shape_cast %swap3A_339 : vector<1x16xi32> to vector<16xi32>
    %swap3A_341 = vector.shape_cast %shift_right_arithmetic3A_335 : vector<16xi32> to vector<1x16xi32>
    tpu.vector_store %arg7[%swap3A_337, %swap3A_338], %swap3A_341 {strides = array<i32>} : memref<4x64xi32, #tpu.memory_space<vmem>>, vector<1x16xi32>,
    %get3A_342 = arith.constant 224 : index
    %get3A_343 = tpu.vector_load %arg5[%get3A_342] {strides = array<i32>} : memref<10368xi32, #tpu.memory_space<vmem>>, vector<16xi32>,
    %get3A_344 = vector.shape_cast %get3A_343 : vector<16xi32> to vector<16xi32>
    %and3A_345 = arith.constant 65535 : i32
    %and3A_346 = vector.broadcast %and3A_345 : i32 to vector<16xi32>
    %and3A_347 = arith.andi %get3A_344, %and3A_346 : vector<16xi32>
    %swap3A_348 = arith.constant 3 : i32
    %swap3A_349 = arith.index_cast %swap3A_348 : i32 to index
    %swap3A_350 = arith.constant 32 : index
    %swap3A_351 = tpu.vector_load %arg6[%swap3A_349, %swap3A_350] {strides = array<i32>} : memref<4x64xi32, #tpu.memory_space<vmem>>, vector<1x16xi32>,
    %swap3A_352 = vector.shape_cast %swap3A_351 : vector<1x16xi32> to vector<16xi32>
    %swap3A_353 = vector.shape_cast %and3A_347 : vector<16xi32> to vector<1x16xi32>
    tpu.vector_store %arg6[%swap3A_349, %swap3A_350], %swap3A_353 {strides = array<i32>} : memref<4x64xi32, #tpu.memory_space<vmem>>, vector<1x16xi32>,
    %shift_right_arithmetic3A_354 = arith.constant 16 : i32
    %shift_right_arithmetic3A_355 = vector.broadcast %shift_right_arithmetic3A_354 : i32 to vector<16xi32>
    %shift_right_arithmetic3A_356 = arith.shrsi %get3A_344, %shift_right_arithmetic3A_355 : vector<16xi32>
    %swap3A_357 = arith.constant 3 : i32
    %swap3A_358 = arith.index_cast %swap3A_357 : i32 to index
    %swap3A_359 = arith.constant 32 : index
    %swap3A_360 = tpu.vector_load %arg7[%swap3A_358, %swap3A_359] {strides = array<i32>} : memref<4x64xi32, #tpu.memory_space<vmem>>, vector<1x16xi32>,
    %swap3A_361 = vector.shape_cast %swap3A_360 : vector<1x16xi32> to vector<16xi32>
    %swap3A_362 = vector.shape_cast %shift_right_arithmetic3A_356 : vector<16xi32> to vector<1x16xi32>
    tpu.vector_store %arg7[%swap3A_358, %swap3A_359], %swap3A_362 {strides = array<i32>} : memref<4x64xi32, #tpu.memory_space<vmem>>, vector<1x16xi32>,
    %get3A_363 = arith.constant 240 : index
    %get3A_364 = tpu.vector_load %arg5[%get3A_363] {strides = array<i32>} : memref<10368xi32, #tpu.memory_space<vmem>>, vector<16xi32>,
    %get3A_365 = vector.shape_cast %get3A_364 : vector<16xi32> to vector<16xi32>
    %and3A_366 = arith.constant 65535 : i32
    %and3A_367 = vector.broadcast %and3A_366 : i32 to vector<16xi32>
    %and3A_368 = arith.andi %get3A_365, %and3A_367 : vector<16xi32>
    %swap3A_369 = arith.constant 3 : i32
    %swap3A_370 = arith.index_cast %swap3A_369 : i32 to index
    %swap3A_371 = arith.constant 48 : index
    %swap3A_372 = tpu.vector_load %arg6[%swap3A_370, %swap3A_371] {strides = array<i32>} : memref<4x64xi32, #tpu.memory_space<vmem>>, vector<1x16xi32>,
    %swap3A_373 = vector.shape_cast %swap3A_372 : vector<1x16xi32> to vector<16xi32>
    %swap3A_374 = vector.shape_cast %and3A_368 : vector<16xi32> to vector<1x16xi32>
    tpu.vector_store %arg6[%swap3A_370, %swap3A_371], %swap3A_374 {strides = array<i32>} : memref<4x64xi32, #tpu.memory_space<vmem>>, vector<1x16xi32>,
    %shift_right_arithmetic3A_375 = arith.constant 16 : i32
    %shift_right_arithmetic3A_376 = vector.broadcast %shift_right_arithmetic3A_375 : i32 to vector<16xi32>
    %shift_right_arithmetic3A_377 = arith.shrsi %get3A_365, %shift_right_arithmetic3A_376 : vector<16xi32>
    %swap3A_378 = arith.constant 3 : i32
    %swap3A_379 = arith.index_cast %swap3A_378 : i32 to index
    %swap3A_380 = arith.constant 48 : index
    %swap3A_381 = tpu.vector_load %arg7[%swap3A_379, %swap3A_380] {strides = array<i32>} : memref<4x64xi32, #tpu.memory_space<vmem>>, vector<1x16xi32>,
    %swap3A_382 = vector.shape_cast %swap3A_381 : vector<1x16xi32> to vector<16xi32>
    %swap3A_383 = vector.shape_cast %shift_right_arithmetic3A_377 : vector<16xi32> to vector<1x16xi32>
    tpu.vector_store %arg7[%swap3A_379, %swap3A_380], %swap3A_383 {strides = array<i32>} : memref<4x64xi32, #tpu.memory_space<vmem>>, vector<1x16xi32>,
    %dma_start3A_384 = arith.constant 3 : i32
    %dma_start3A_385 = arith.constant 0 : i32
    %dma_start3A_386 = tpu.memref_slice %arg6[%dma_start3A_384, %dma_start3A_385] : memref<4x64xi32, #tpu.memory_space<vmem>> -> memref<1x64xi32, #tpu.memory_space<vmem>>
    %dma_start3A_387 = tpu.memref_squeeze %dma_start3A_386 : memref<1x64xi32, #tpu.memory_space<vmem>> -> memref<64xi32, #tpu.memory_space<vmem>>
    %dma_start3A_388 = arith.constant 0 : i32
    %dma_start3A_389 = arith.constant 0 : i32
    %dma_start3A_390 = tpu.memref_slice %arg2[%dma_start3A_388, %dma_start3A_389] : memref<10000x128xf32, #tpu.memory_space<hbm>> -> memref<10000x128xf32, #tpu.memory_space<hbm>>
    tpu.enqueue_indirect_dma source(%dma_start3A_390 : memref<10000x128xf32, #tpu.memory_space<hbm>>) target(%arg11 : memref<64x128xf32, #tpu.memory_space<vmem>>) offsets(%dma_start3A_387 : memref<64xi32, #tpu.memory_space<vmem>>) semaphore(%arg16 : memref<!tpu.dma_semaphore, #tpu.memory_space<semaphore_mem>>)
    %dma_wait3A_391 = arith.constant 2 : i32
    %dma_wait3A_392 = arith.constant 0 : i32
    %dma_wait3A_393 = tpu.memref_slice %arg6[%dma_wait3A_391, %dma_wait3A_392] : memref<4x64xi32, #tpu.memory_space<vmem>> -> memref<1x64xi32, #tpu.memory_space<vmem>>
    %dma_wait3A_394 = tpu.memref_squeeze %dma_wait3A_393 : memref<1x64xi32, #tpu.memory_space<vmem>> -> memref<64xi32, #tpu.memory_space<vmem>>
    %dma_wait3A_395 = arith.constant 0 : i32
    %dma_wait3A_396 = arith.constant 0 : i32
    %dma_wait3A_397 = tpu.memref_slice %arg2[%dma_wait3A_395, %dma_wait3A_396] : memref<10000x128xf32, #tpu.memory_space<hbm>> -> memref<10000x128xf32, #tpu.memory_space<hbm>>
    tpu.wait_indirect_dma semaphore(%arg15 : memref<!tpu.dma_semaphore, #tpu.memory_space<semaphore_mem>>) src(%dma_wait3A_397 : memref<10000x128xf32, #tpu.memory_space<hbm>>) dst(%arg10 : memref<64x128xf32, #tpu.memory_space<vmem>>)
    %dma_start3A_398 = arith.constant 2 : i32
    %dma_start3A_399 = arith.constant 0 : i32
    %dma_start3A_400 = tpu.memref_slice %arg7[%dma_start3A_398, %dma_start3A_399] : memref<4x64xi32, #tpu.memory_space<vmem>> -> memref<1x64xi32, #tpu.memory_space<vmem>>
    %dma_start3A_401 = tpu.memref_squeeze %dma_start3A_400 : memref<1x64xi32, #tpu.memory_space<vmem>> -> memref<64xi32, #tpu.memory_space<vmem>>
    %dma_start3A_402 = arith.constant 0 : i32
    %dma_start3A_403 = arith.constant 0 : i32
    %dma_start3A_404 = tpu.memref_slice %arg12[%dma_start3A_402, %dma_start3A_403] : memref<10016x128xf32, #tpu.memory_space<vmem_shared>> -> memref<10016x128xf32, #tpu.memory_space<vmem_shared>>
    tpu.enqueue_indirect_dma source(%arg10 : memref<64x128xf32, #tpu.memory_space<vmem>>) target(%dma_start3A_404 : memref<10016x128xf32, #tpu.memory_space<vmem_shared>>) offsets(%dma_start3A_401 : memref<64xi32, #tpu.memory_space<vmem>>) semaphore(%arg19 : memref<!tpu.dma_semaphore, #tpu.memory_space<semaphore_mem>>) {add = true}
    %dma_wait3A_405 = arith.constant 0 : i32
    %dma_wait3A_406 = arith.constant 0 : i32
    %dma_wait3A_407 = tpu.memref_slice %arg7[%dma_wait3A_405, %dma_wait3A_406] : memref<4x64xi32, #tpu.memory_space<vmem>> -> memref<1x64xi32, #tpu.memory_space<vmem>>
    %dma_wait3A_408 = tpu.memref_squeeze %dma_wait3A_407 : memref<1x64xi32, #tpu.memory_space<vmem>> -> memref<64xi32, #tpu.memory_space<vmem>>
    %dma_wait3A_409 = arith.constant 0 : i32
    %dma_wait3A_410 = arith.constant 0 : i32
    %dma_wait3A_411 = tpu.memref_slice %arg12[%dma_wait3A_409, %dma_wait3A_410] : memref<10016x128xf32, #tpu.memory_space<vmem_shared>> -> memref<10016x128xf32, #tpu.memory_space<vmem_shared>>
    tpu.wait_indirect_dma semaphore(%arg17 : memref<!tpu.dma_semaphore, #tpu.memory_space<semaphore_mem>>) src(%arg8 : memref<64x128xf32, #tpu.memory_space<vmem>>) dst(%dma_wait3A_411 : memref<10016x128xf32, #tpu.memory_space<vmem_shared>>)
    %get3A_412 = arith.constant 256 : index
    %get3A_413 = tpu.vector_load %arg5[%get3A_412] {strides = array<i32>} : memref<10368xi32, #tpu.memory_space<vmem>>, vector<16xi32>,
    %get3A_414 = vector.shape_cast %get3A_413 : vector<16xi32> to vector<16xi32>
    %and3A_415 = arith.constant 65535 : i32
    %and3A_416 = vector.broadcast %and3A_415 : i32 to vector<16xi32>
    %and3A_417 = arith.andi %get3A_414, %and3A_416 : vector<16xi32>
    %swap3A_418 = arith.constant 0 : i32
    %swap3A_419 = arith.index_cast %swap3A_418 : i32 to index
    %swap3A_420 = arith.constant 0 : index
    %swap3A_421 = tpu.vector_load %arg6[%swap3A_419, %swap3A_420] {strides = array<i32>} : memref<4x64xi32, #tpu.memory_space<vmem>>, vector<1x16xi32>,
    %swap3A_422 = vector.shape_cast %swap3A_421 : vector<1x16xi32> to vector<16xi32>
    %swap3A_423 = vector.shape_cast %and3A_417 : vector<16xi32> to vector<1x16xi32>
    tpu.vector_store %arg6[%swap3A_419, %swap3A_420], %swap3A_423 {strides = array<i32>} : memref<4x64xi32, #tpu.memory_space<vmem>>, vector<1x16xi32>,
    %shift_right_arithmetic3A_424 = arith.constant 16 : i32
    %shift_right_arithmetic3A_425 = vector.broadcast %shift_right_arithmetic3A_424 : i32 to vector<16xi32>
    %shift_right_arithmetic3A_426 = arith.shrsi %get3A_414, %shift_right_arithmetic3A_425 : vector<16xi32>
    %swap3A_427 = arith.constant 0 : i32
    %swap3A_428 = arith.index_cast %swap3A_427 : i32 to index
    %swap3A_429 = arith.constant 0 : index
    %swap3A_430 = tpu.vector_load %arg7[%swap3A_428, %swap3A_429] {strides = array<i32>} : memref<4x64xi32, #tpu.memory_space<vmem>>, vector<1x16xi32>,
    %swap3A_431 = vector.shape_cast %swap3A_430 : vector<1x16xi32> to vector<16xi32>
    %swap3A_432 = vector.shape_cast %shift_right_arithmetic3A_426 : vector<16xi32> to vector<1x16xi32>
    tpu.vector_store %arg7[%swap3A_428, %swap3A_429], %swap3A_432 {strides = array<i32>} : memref<4x64xi32, #tpu.memory_space<vmem>>, vector<1x16xi32>,
    %get3A_433 = arith.constant 272 : index
    %get3A_434 = tpu.vector_load %arg5[%get3A_433] {strides = array<i32>} : memref<10368xi32, #tpu.memory_space<vmem>>, vector<16xi32>,
    %get3A_435 = vector.shape_cast %get3A_434 : vector<16xi32> to vector<16xi32>
    %and3A_436 = arith.constant 65535 : i32
    %and3A_437 = vector.broadcast %and3A_436 : i32 to vector<16xi32>
    %and3A_438 = arith.andi %get3A_435, %and3A_437 : vector<16xi32>
    %swap3A_439 = arith.constant 0 : i32
    %swap3A_440 = arith.index_cast %swap3A_439 : i32 to index
    %swap3A_441 = arith.constant 16 : index
    %swap3A_442 = tpu.vector_load %arg6[%swap3A_440, %swap3A_441] {strides = array<i32>} : memref<4x64xi32, #tpu.memory_space<vmem>>, vector<1x16xi32>,
    %swap3A_443 = vector.shape_cast %swap3A_442 : vector<1x16xi32> to vector<16xi32>
    %swap3A_444 = vector.shape_cast %and3A_438 : vector<16xi32> to vector<1x16xi32>
    tpu.vector_store %arg6[%swap3A_440, %swap3A_441], %swap3A_444 {strides = array<i32>} : memref<4x64xi32, #tpu.memory_space<vmem>>, vector<1x16xi32>,
    %shift_right_arithmetic3A_445 = arith.constant 16 : i32
    %shift_right_arithmetic3A_446 = vector.broadcast %shift_right_arithmetic3A_445 : i32 to vector<16xi32>
    %shift_right_arithmetic3A_447 = arith.shrsi %get3A_435, %shift_right_arithmetic3A_446 : vector<16xi32>
    %swap3A_448 = arith.constant 0 : i32
    %swap3A_449 = arith.index_cast %swap3A_448 : i32 to index
    %swap3A_450 = arith.constant 16 : index
    %swap3A_451 = tpu.vector_load %arg7[%swap3A_449, %swap3A_450] {strides = array<i32>} : memref<4x64xi32, #tpu.memory_space<vmem>>, vector<1x16xi32>,
    %swap3A_452 = vector.shape_cast %swap3A_451 : vector<1x16xi32> to vector<16xi32>
    %swap3A_453 = vector.shape_cast %shift_right_arithmetic3A_447 : vector<16xi32> to vector<1x16xi32>
    tpu.vector_store %arg7[%swap3A_449, %swap3A_450], %swap3A_453 {strides = array<i32>} : memref<4x64xi32, #tpu.memory_space<vmem>>, vector<1x16xi32>,
    %get3A_454 = arith.constant 288 : index
    %get3A_455 = tpu.vector_load %arg5[%get3A_454] {strides = array<i32>} : memref<10368xi32, #tpu.memory_space<vmem>>, vector<16xi32>,
    %get3A_456 = vector.shape_cast %get3A_455 : vector<16xi32> to vector<16xi32>
    %and3A_457 = arith.constant 65535 : i32
    %and3A_458 = vector.broadcast %and3A_457 : i32 to vector<16xi32>
    %and3A_459 = arith.andi %get3A_456, %and3A_458 : vector<16xi32>
    %swap3A_460 = arith.constant 0 : i32
    %swap3A_461 = arith.index_cast %swap3A_460 : i32 to index
    %swap3A_462 = arith.constant 32 : index
    %swap3A_463 = tpu.vector_load %arg6[%swap3A_461, %swap3A_462] {strides = array<i32>} : memref<4x64xi32, #tpu.memory_space<vmem>>, vector<1x16xi32>,
    %swap3A_464 = vector.shape_cast %swap3A_463 : vector<1x16xi32> to vector<16xi32>
    %swap3A_465 = vector.shape_cast %and3A_459 : vector<16xi32> to vector<1x16xi32>
    tpu.vector_store %arg6[%swap3A_461, %swap3A_462], %swap3A_465 {strides = array<i32>} : memref<4x64xi32, #tpu.memory_space<vmem>>, vector<1x16xi32>,
    %shift_right_arithmetic3A_466 = arith.constant 16 : i32
    %shift_right_arithmetic3A_467 = vector.broadcast %shift_right_arithmetic3A_466 : i32 to vector<16xi32>
    %shift_right_arithmetic3A_468 = arith.shrsi %get3A_456, %shift_right_arithmetic3A_467 : vector<16xi32>
    %swap3A_469 = arith.constant 0 : i32
    %swap3A_470 = arith.index_cast %swap3A_469 : i32 to index
    %swap3A_471 = arith.constant 32 : index
    %swap3A_472 = tpu.vector_load %arg7[%swap3A_470, %swap3A_471] {strides = array<i32>} : memref<4x64xi32, #tpu.memory_space<vmem>>, vector<1x16xi32>,
    %swap3A_473 = vector.shape_cast %swap3A_472 : vector<1x16xi32> to vector<16xi32>
    %swap3A_474 = vector.shape_cast %shift_right_arithmetic3A_468 : vector<16xi32> to vector<1x16xi32>
    tpu.vector_store %arg7[%swap3A_470, %swap3A_471], %swap3A_474 {strides = array<i32>} : memref<4x64xi32, #tpu.memory_space<vmem>>, vector<1x16xi32>,
    %get3A_475 = arith.constant 304 : index
    %get3A_476 = tpu.vector_load %arg5[%get3A_475] {strides = array<i32>} : memref<10368xi32, #tpu.memory_space<vmem>>, vector<16xi32>,
    %get3A_477 = vector.shape_cast %get3A_476 : vector<16xi32> to vector<16xi32>
    %and3A_478 = arith.constant 65535 : i32
    %and3A_479 = vector.broadcast %and3A_478 : i32 to vector<16xi32>
    %and3A_480 = arith.andi %get3A_477, %and3A_479 : vector<16xi32>
    %swap3A_481 = arith.constant 0 : i32
    %swap3A_482 = arith.index_cast %swap3A_481 : i32 to index
    %swap3A_483 = arith.constant 48 : index
    %swap3A_484 = tpu.vector_load %arg6[%swap3A_482, %swap3A_483] {strides = array<i32>} : memref<4x64xi32, #tpu.memory_space<vmem>>, vector<1x16xi32>,
    %swap3A_485 = vector.shape_cast %swap3A_484 : vector<1x16xi32> to vector<16xi32>
    %swap3A_486 = vector.shape_cast %and3A_480 : vector<16xi32> to vector<1x16xi32>
    tpu.vector_store %arg6[%swap3A_482, %swap3A_483], %swap3A_486 {strides = array<i32>} : memref<4x64xi32, #tpu.memory_space<vmem>>, vector<1x16xi32>,
    %shift_right_arithmetic3A_487 = arith.constant 16 : i32
    %shift_right_arithmetic3A_488 = vector.broadcast %shift_right_arithmetic3A_487 : i32 to vector<16xi32>
    %shift_right_arithmetic3A_489 = arith.shrsi %get3A_477, %shift_right_arithmetic3A_488 : vector<16xi32>
    %swap3A_490 = arith.constant 0 : i32
    %swap3A_491 = arith.index_cast %swap3A_490 : i32 to index
    %swap3A_492 = arith.constant 48 : index
    %swap3A_493 = tpu.vector_load %arg7[%swap3A_491, %swap3A_492] {strides = array<i32>} : memref<4x64xi32, #tpu.memory_space<vmem>>, vector<1x16xi32>,
    %swap3A_494 = vector.shape_cast %swap3A_493 : vector<1x16xi32> to vector<16xi32>
    %swap3A_495 = vector.shape_cast %shift_right_arithmetic3A_489 : vector<16xi32> to vector<1x16xi32>
    tpu.vector_store %arg7[%swap3A_491, %swap3A_492], %swap3A_495 {strides = array<i32>} : memref<4x64xi32, #tpu.memory_space<vmem>>, vector<1x16xi32>,
    %dma_start3A_496 = arith.constant 0 : i32
    %dma_start3A_497 = arith.constant 0 : i32
    %dma_start3A_498 = tpu.memref_slice %arg6[%dma_start3A_496, %dma_start3A_497] : memref<4x64xi32, #tpu.memory_space<vmem>> -> memref<1x64xi32, #tpu.memory_space<vmem>>
    %dma_start3A_499 = tpu.memref_squeeze %dma_start3A_498 : memref<1x64xi32, #tpu.memory_space<vmem>> -> memref<64xi32, #tpu.memory_space<vmem>>
    %dma_start3A_500 = arith.constant 0 : i32
    %dma_start3A_501 = arith.constant 0 : i32
    %dma_start3A_502 = tpu.memref_slice %arg2[%dma_start3A_500, %dma_start3A_501] : memref<10000x128xf32, #tpu.memory_space<hbm>> -> memref<10000x128xf32, #tpu.memory_space<hbm>>
    tpu.enqueue_indirect_dma source(%dma_start3A_502 : memref<10000x128xf32, #tpu.memory_space<hbm>>) target(%arg8 : memref<64x128xf32, #tpu.memory_space<vmem>>) offsets(%dma_start3A_499 : memref<64xi32, #tpu.memory_space<vmem>>) semaphore(%arg13 : memref<!tpu.dma_semaphore, #tpu.memory_space<semaphore_mem>>)
    %dma_wait3A_503 = arith.constant 3 : i32
    %dma_wait3A_504 = arith.constant 0 : i32
    %dma_wait3A_505 = tpu.memref_slice %arg6[%dma_wait3A_503, %dma_wait3A_504] : memref<4x64xi32, #tpu.memory_space<vmem>> -> memref<1x64xi32, #tpu.memory_space<vmem>>
    %dma_wait3A_506 = tpu.memref_squeeze %dma_wait3A_505 : memref<1x64xi32, #tpu.memory_space<vmem>> -> memref<64xi32, #tpu.memory_space<vmem>>
    %dma_wait3A_507 = arith.constant 0 : i32
    %dma_wait3A_508 = arith.constant 0 : i32
    %dma_wait3A_509 = tpu.memref_slice %arg2[%dma_wait3A_507, %dma_wait3A_508] : memref<10000x128xf32, #tpu.memory_space<hbm>> -> memref<10000x128xf32, #tpu.memory_space<hbm>>
    tpu.wait_indirect_dma semaphore(%arg16 : memref<!tpu.dma_semaphore, #tpu.memory_space<semaphore_mem>>) src(%dma_wait3A_509 : memref<10000x128xf32, #tpu.memory_space<hbm>>) dst(%arg11 : memref<64x128xf32, #tpu.memory_space<vmem>>)
    %dma_start3A_510 = arith.constant 3 : i32
    %dma_start3A_511 = arith.constant 0 : i32
    %dma_start3A_512 = tpu.memref_slice %arg7[%dma_start3A_510, %dma_start3A_511] : memref<4x64xi32, #tpu.memory_space<vmem>> -> memref<1x64xi32, #tpu.memory_space<vmem>>
    %dma_start3A_513 = tpu.memref_squeeze %dma_start3A_512 : memref<1x64xi32, #tpu.memory_space<vmem>> -> memref<64xi32, #tpu.memory_space<vmem>>
    %dma_start3A_514 = arith.constant 0 : i32
    %dma_start3A_515 = arith.constant 0 : i32
    %dma_start3A_516 = tpu.memref_slice %arg12[%dma_start3A_514, %dma_start3A_515] : memref<10016x128xf32, #tpu.memory_space<vmem_shared>> -> memref<10016x128xf32, #tpu.memory_space<vmem_shared>>
    tpu.enqueue_indirect_dma source(%arg11 : memref<64x128xf32, #tpu.memory_space<vmem>>) target(%dma_start3A_516 : memref<10016x128xf32, #tpu.memory_space<vmem_shared>>) offsets(%dma_start3A_513 : memref<64xi32, #tpu.memory_space<vmem>>) semaphore(%arg20 : memref<!tpu.dma_semaphore, #tpu.memory_space<semaphore_mem>>) {add = true}
    %dma_wait3A_517 = arith.constant 1 : i32
    %dma_wait3A_518 = arith.constant 0 : i32
    %dma_wait3A_519 = tpu.memref_slice %arg7[%dma_wait3A_517, %dma_wait3A_518] : memref<4x64xi32, #tpu.memory_space<vmem>> -> memref<1x64xi32, #tpu.memory_space<vmem>>
    %dma_wait3A_520 = tpu.memref_squeeze %dma_wait3A_519 : memref<1x64xi32, #tpu.memory_space<vmem>> -> memref<64xi32, #tpu.memory_space<vmem>>
    %dma_wait3A_521 = arith.constant 0 : i32
    %dma_wait3A_522 = arith.constant 0 : i32
    %dma_wait3A_523 = tpu.memref_slice %arg12[%dma_wait3A_521, %dma_wait3A_522] : memref<10016x128xf32, #tpu.memory_space<vmem_shared>> -> memref<10016x128xf32, #tpu.memory_space<vmem_shared>>
    tpu.wait_indirect_dma semaphore(%arg18 : memref<!tpu.dma_semaphore, #tpu.memory_space<semaphore_mem>>) src(%arg9 : memref<64x128xf32, #tpu.memory_space<vmem>>) dst(%dma_wait3A_523 : memref<10016x128xf32, #tpu.memory_space<vmem_shared>>)
    %get3A_524 = arith.constant 320 : index
    %get3A_525 = tpu.vector_load %arg5[%get3A_524] {strides = array<i32>} : memref<10368xi32, #tpu.memory_space<vmem>>, vector<16xi32>,
    %get3A_526 = vector.shape_cast %get3A_525 : vector<16xi32> to vector<16xi32>
    %and3A_527 = arith.constant 65535 : i32
    %and3A_528 = vector.broadcast %and3A_527 : i32 to vector<16xi32>
    %and3A_529 = arith.andi %get3A_526, %and3A_528 : vector<16xi32>
    %swap3A_530 = arith.constant 1 : i32
    %swap3A_531 = arith.index_cast %swap3A_530 : i32 to index
    %swap3A_532 = arith.constant 0 : index
    %swap3A_533 = tpu.vector_load %arg6[%swap3A_531, %swap3A_532] {strides = array<i32>} : memref<4x64xi32, #tpu.memory_space<vmem>>, vector<1x16xi32>,
    %swap3A_534 = vector.shape_cast %swap3A_533 : vector<1x16xi32> to vector<16xi32>
    %swap3A_535 = vector.shape_cast %and3A_529 : vector<16xi32> to vector<1x16xi32>
    tpu.vector_store %arg6[%swap3A_531, %swap3A_532], %swap3A_535 {strides = array<i32>} : memref<4x64xi32, #tpu.memory_space<vmem>>, vector<1x16xi32>,
    %shift_right_arithmetic3A_536 = arith.constant 16 : i32
    %shift_right_arithmetic3A_537 = vector.broadcast %shift_right_arithmetic3A_536 : i32 to vector<16xi32>
    %shift_right_arithmetic3A_538 = arith.shrsi %get3A_526, %shift_right_arithmetic3A_537 : vector<16xi32>
    %swap3A_539 = arith.constant 1 : i32
    %swap3A_540 = arith.index_cast %swap3A_539 : i32 to index
    %swap3A_541 = arith.constant 0 : index
    %swap3A_542 = tpu.vector_load %arg7[%swap3A_540, %swap3A_541] {strides = array<i32>} : memref<4x64xi32, #tpu.memory_space<vmem>>, vector<1x16xi32>,
    %swap3A_543 = vector.shape_cast %swap3A_542 : vector<1x16xi32> to vector<16xi32>
    %swap3A_544 = vector.shape_cast %shift_right_arithmetic3A_538 : vector<16xi32> to vector<1x16xi32>
    tpu.vector_store %arg7[%swap3A_540, %swap3A_541], %swap3A_544 {strides = array<i32>} : memref<4x64xi32, #tpu.memory_space<vmem>>, vector<1x16xi32>,
    %get3A_545 = arith.constant 336 : index
    %get3A_546 = tpu.vector_load %arg5[%get3A_545] {strides = array<i32>} : memref<10368xi32, #tpu.memory_space<vmem>>, vector<16xi32>,
    %get3A_547 = vector.shape_cast %get3A_546 : vector<16xi32> to vector<16xi32>
    %and3A_548 = arith.constant 65535 : i32
    %and3A_549 = vector.broadcast %and3A_548 : i32 to vector<16xi32>
    %and3A_550 = arith.andi %get3A_547, %and3A_549 : vector<16xi32>
    %swap3A_551 = arith.constant 1 : i32
    %swap3A_552 = arith.index_cast %swap3A_551 : i32 to index
    %swap3A_553 = arith.constant 16 : index
    %swap3A_554 = tpu.vector_load %arg6[%swap3A_552, %swap3A_553] {strides = array<i32>} : memref<4x64xi32, #tpu.memory_space<vmem>>, vector<1x16xi32>,
    %swap3A_555 = vector.shape_cast %swap3A_554 : vector<1x16xi32> to vector<16xi32>
    %swap3A_556 = vector.shape_cast %and3A_550 : vector<16xi32> to vector<1x16xi32>
    tpu.vector_store %arg6[%swap3A_552, %swap3A_553], %swap3A_556 {strides = array<i32>} : memref<4x64xi32, #tpu.memory_space<vmem>>, vector<1x16xi32>,
    %shift_right_arithmetic3A_557 = arith.constant 16 : i32
    %shift_right_arithmetic3A_558 = vector.broadcast %shift_right_arithmetic3A_557 : i32 to vector<16xi32>
    %shift_right_arithmetic3A_559 = arith.shrsi %get3A_547, %shift_right_arithmetic3A_558 : vector<16xi32>
    %swap3A_560 = arith.constant 1 : i32
    %swap3A_561 = arith.index_cast %swap3A_560 : i32 to index
    %swap3A_562 = arith.constant 16 : index
    %swap3A_563 = tpu.vector_load %arg7[%swap3A_561, %swap3A_562] {strides = array<i32>} : memref<4x64xi32, #tpu.memory_space<vmem>>, vector<1x16xi32>,
    %swap3A_564 = vector.shape_cast %swap3A_563 : vector<1x16xi32> to vector<16xi32>
    %swap3A_565 = vector.shape_cast %shift_right_arithmetic3A_559 : vector<16xi32> to vector<1x16xi32>
    tpu.vector_store %arg7[%swap3A_561, %swap3A_562], %swap3A_565 {strides = array<i32>} : memref<4x64xi32, #tpu.memory_space<vmem>>, vector<1x16xi32>,
    %get3A_566 = arith.constant 352 : index
    %get3A_567 = tpu.vector_load %arg5[%get3A_566] {strides = array<i32>} : memref<10368xi32, #tpu.memory_space<vmem>>, vector<16xi32>,
    %get3A_568 = vector.shape_cast %get3A_567 : vector<16xi32> to vector<16xi32>
    %and3A_569 = arith.constant 65535 : i32
    %and3A_570 = vector.broadcast %and3A_569 : i32 to vector<16xi32>
    %and3A_571 = arith.andi %get3A_568, %and3A_570 : vector<16xi32>
    %swap3A_572 = arith.constant 1 : i32
    %swap3A_573 = arith.index_cast %swap3A_572 : i32 to index
    %swap3A_574 = arith.constant 32 : index
    %swap3A_575 = tpu.vector_load %arg6[%swap3A_573, %swap3A_574] {strides = array<i32>} : memref<4x64xi32, #tpu.memory_space<vmem>>, vector<1x16xi32>,
    %swap3A_576 = vector.shape_cast %swap3A_575 : vector<1x16xi32> to vector<16xi32>
    %swap3A_577 = vector.shape_cast %and3A_571 : vector<16xi32> to vector<1x16xi32>
    tpu.vector_store %arg6[%swap3A_573, %swap3A_574], %swap3A_577 {strides = array<i32>} : memref<4x64xi32, #tpu.memory_space<vmem>>, vector<1x16xi32>,
    %shift_right_arithmetic3A_578 = arith.constant 16 : i32
    %shift_right_arithmetic3A_579 = vector.broadcast %shift_right_arithmetic3A_578 : i32 to vector<16xi32>
    %shift_right_arithmetic3A_580 = arith.shrsi %get3A_568, %shift_right_arithmetic3A_579 : vector<16xi32>
    %swap3A_581 = arith.constant 1 : i32
    %swap3A_582 = arith.index_cast %swap3A_581 : i32 to index
    %swap3A_583 = arith.constant 32 : index
    %swap3A_584 = tpu.vector_load %arg7[%swap3A_582, %swap3A_583] {strides = array<i32>} : memref<4x64xi32, #tpu.memory_space<vmem>>, vector<1x16xi32>,
    %swap3A_585 = vector.shape_cast %swap3A_584 : vector<1x16xi32> to vector<16xi32>
    %swap3A_586 = vector.shape_cast %shift_right_arithmetic3A_580 : vector<16xi32> to vector<1x16xi32>
    tpu.vector_store %arg7[%swap3A_582, %swap3A_583], %swap3A_586 {strides = array<i32>} : memref<4x64xi32, #tpu.memory_space<vmem>>, vector<1x16xi32>,
    %get3A_587 = arith.constant 368 : index
    %get3A_588 = tpu.vector_load %arg5[%get3A_587] {strides = array<i32>} : memref<10368xi32, #tpu.memory_space<vmem>>, vector<16xi32>,
    %get3A_589 = vector.shape_cast %get3A_588 : vector<16xi32> to vector<16xi32>
    %and3A_590 = arith.constant 65535 : i32
    %and3A_591 = vector.broadcast %and3A_590 : i32 to vector<16xi32>
    %and3A_592 = arith.andi %get3A_589, %and3A_591 : vector<16xi32>
    %swap3A_593 = arith.constant 1 : i32
    %swap3A_594 = arith.index_cast %swap3A_593 : i32 to index
    %swap3A_595 = arith.constant 48 : index
    %swap3A_596 = tpu.vector_load %arg6[%swap3A_594, %swap3A_595] {strides = array<i32>} : memref<4x64xi32, #tpu.memory_space<vmem>>, vector<1x16xi32>,
    %swap3A_597 = vector.shape_cast %swap3A_596 : vector<1x16xi32> to vector<16xi32>
    %swap3A_598 = vector.shape_cast %and3A_592 : vector<16xi32> to vector<1x16xi32>
    tpu.vector_store %arg6[%swap3A_594, %swap3A_595], %swap3A_598 {strides = array<i32>} : memref<4x64xi32, #tpu.memory_space<vmem>>, vector<1x16xi32>,
    %shift_right_arithmetic3A_599 = arith.constant 16 : i32
    %shift_right_arithmetic3A_600 = vector.broadcast %shift_right_arithmetic3A_599 : i32 to vector<16xi32>
    %shift_right_arithmetic3A_601 = arith.shrsi %get3A_589, %shift_right_arithmetic3A_600 : vector<16xi32>
    %swap3A_602 = arith.constant 1 : i32
    %swap3A_603 = arith.index_cast %swap3A_602 : i32 to index
    %swap3A_604 = arith.constant 48 : index
    %swap3A_605 = tpu.vector_load %arg7[%swap3A_603, %swap3A_604] {strides = array<i32>} : memref<4x64xi32, #tpu.memory_space<vmem>>, vector<1x16xi32>,
    %swap3A_606 = vector.shape_cast %swap3A_605 : vector<1x16xi32> to vector<16xi32>
    %swap3A_607 = vector.shape_cast %shift_right_arithmetic3A_601 : vector<16xi32> to vector<1x16xi32>
    tpu.vector_store %arg7[%swap3A_603, %swap3A_604], %swap3A_607 {strides = array<i32>} : memref<4x64xi32, #tpu.memory_space<vmem>>, vector<1x16xi32>,
    %dma_start3A_608 = arith.constant 1 : i32
    %dma_start3A_609 = arith.constant 0 : i32
    %dma_start3A_610 = tpu.memref_slice %arg6[%dma_start3A_608, %dma_start3A_609] : memref<4x64xi32, #tpu.memory_space<vmem>> -> memref<1x64xi32, #tpu.memory_space<vmem>>
    %dma_start3A_611 = tpu.memref_squeeze %dma_start3A_610 : memref<1x64xi32, #tpu.memory_space<vmem>> -> memref<64xi32, #tpu.memory_space<vmem>>
    %dma_start3A_612 = arith.constant 0 : i32
    %dma_start3A_613 = arith.constant 0 : i32
    %dma_start3A_614 = tpu.memref_slice %arg2[%dma_start3A_612, %dma_start3A_613] : memref<10000x128xf32, #tpu.memory_space<hbm>> -> memref<10000x128xf32, #tpu.memory_space<hbm>>
    tpu.enqueue_indirect_dma source(%dma_start3A_614 : memref<10000x128xf32, #tpu.memory_space<hbm>>) target(%arg9 : memref<64x128xf32, #tpu.memory_space<vmem>>) offsets(%dma_start3A_611 : memref<64xi32, #tpu.memory_space<vmem>>) semaphore(%arg14 : memref<!tpu.dma_semaphore, #tpu.memory_space<semaphore_mem>>)
    %scan3A = arith.constant 0 : i32
    %scan3A_615 = arith.constant 39 : i32
    %scan3A_616 = arith.addi %scan3A, %scan3A_615 : i32
    %scan3A_617 = arith.constant 1 : i32
    scf.for %scan3A_653 = %scan3A to %scan3A_616 step %scan3A_617  : i32 {
      %mul3A_654 = arith.constant 4 : i32
      %mul3A_655 = arith.muli %scan3A_653, %mul3A_654 : i32
      %add3A_656 = arith.constant 4 : i32
      %add3A_657 = arith.addi %add3A_656, %mul3A_655 : i32
      %dma_wait3A_658 = arith.constant 0 : i32
      %dma_wait3A_659 = arith.constant 0 : i32
      %dma_wait3A_660 = tpu.memref_slice %arg6[%dma_wait3A_658, %dma_wait3A_659] : memref<4x64xi32, #tpu.memory_space<vmem>> -> memref<1x64xi32, #tpu.memory_space<vmem>>
      %dma_wait3A_661 = tpu.memref_squeeze %dma_wait3A_660 : memref<1x64xi32, #tpu.memory_space<vmem>> -> memref<64xi32, #tpu.memory_space<vmem>>
      %dma_wait3A_662 = arith.constant 0 : i32
      %dma_wait3A_663 = arith.constant 0 : i32
      %dma_wait3A_664 = tpu.memref_slice %arg2[%dma_wait3A_662, %dma_wait3A_663] : memref<10000x128xf32, #tpu.memory_space<hbm>> -> memref<10000x128xf32, #tpu.memory_space<hbm>>
      tpu.wait_indirect_dma semaphore(%arg13 : memref<!tpu.dma_semaphore, #tpu.memory_space<semaphore_mem>>) src(%dma_wait3A_664 : memref<10000x128xf32, #tpu.memory_space<hbm>>) dst(%arg8 : memref<64x128xf32, #tpu.memory_space<vmem>>)
      %dma_start3A_665 = arith.constant 0 : i32
      %dma_start3A_666 = arith.constant 0 : i32
      %dma_start3A_667 = tpu.memref_slice %arg7[%dma_start3A_665, %dma_start3A_666] : memref<4x64xi32, #tpu.memory_space<vmem>> -> memref<1x64xi32, #tpu.memory_space<vmem>>
      %dma_start3A_668 = tpu.memref_squeeze %dma_start3A_667 : memref<1x64xi32, #tpu.memory_space<vmem>> -> memref<64xi32, #tpu.memory_space<vmem>>
      %dma_start3A_669 = arith.constant 0 : i32
      %dma_start3A_670 = arith.constant 0 : i32
      %dma_start3A_671 = tpu.memref_slice %arg12[%dma_start3A_669, %dma_start3A_670] : memref<10016x128xf32, #tpu.memory_space<vmem_shared>> -> memref<10016x128xf32, #tpu.memory_space<vmem_shared>>
      tpu.enqueue_indirect_dma source(%arg8 : memref<64x128xf32, #tpu.memory_space<vmem>>) target(%dma_start3A_671 : memref<10016x128xf32, #tpu.memory_space<vmem_shared>>) offsets(%dma_start3A_668 : memref<64xi32, #tpu.memory_space<vmem>>) semaphore(%arg17 : memref<!tpu.dma_semaphore, #tpu.memory_space<semaphore_mem>>) {add = true}
      %dma_wait3A_672 = arith.constant 2 : i32
      %dma_wait3A_673 = arith.constant 0 : i32
      %dma_wait3A_674 = tpu.memref_slice %arg7[%dma_wait3A_672, %dma_wait3A_673] : memref<4x64xi32, #tpu.memory_space<vmem>> -> memref<1x64xi32, #tpu.memory_space<vmem>>
      %dma_wait3A_675 = tpu.memref_squeeze %dma_wait3A_674 : memref<1x64xi32, #tpu.memory_space<vmem>> -> memref<64xi32, #tpu.memory_space<vmem>>
      %dma_wait3A_676 = arith.constant 0 : i32
      %dma_wait3A_677 = arith.constant 0 : i32
      %dma_wait3A_678 = tpu.memref_slice %arg12[%dma_wait3A_676, %dma_wait3A_677] : memref<10016x128xf32, #tpu.memory_space<vmem_shared>> -> memref<10016x128xf32, #tpu.memory_space<vmem_shared>>
      tpu.wait_indirect_dma semaphore(%arg19 : memref<!tpu.dma_semaphore, #tpu.memory_space<semaphore_mem>>) src(%arg10 : memref<64x128xf32, #tpu.memory_space<vmem>>) dst(%dma_wait3A_678 : memref<10016x128xf32, #tpu.memory_space<vmem_shared>>)
      %add3A_679 = arith.constant 0 : i32
      %add3A_680 = arith.addi %add3A_657, %add3A_679 : i32
      %add3A_681 = arith.constant 2 : i32
      %add3A_682 = arith.addi %add3A_680, %add3A_681 : i32
      %mul3A_683 = arith.constant 64 : i32
      %mul3A_684 = arith.muli %add3A_682, %mul3A_683 : i32
      %add3A_685 = arith.constant 0 : i32
      %add3A_686 = arith.addi %mul3A_684, %add3A_685 : i32
      %get3A_687 = arith.index_cast %add3A_686 : i32 to index
      %get3A_688 = tpu.vector_load %arg5[%get3A_687] {strides = array<i32>} : memref<10368xi32, #tpu.memory_space<vmem>>, vector<16xi32>,
      %get3A_689 = vector.shape_cast %get3A_688 : vector<16xi32> to vector<16xi32>
      %and3A_690 = arith.constant 65535 : i32
      %and3A_691 = vector.broadcast %and3A_690 : i32 to vector<16xi32>
      %and3A_692 = arith.andi %get3A_689, %and3A_691 : vector<16xi32>
      %swap3A_693 = arith.constant 2 : i32
      %swap3A_694 = arith.index_cast %swap3A_693 : i32 to index
      %swap3A_695 = arith.constant 0 : index
      %swap3A_696 = tpu.vector_load %arg6[%swap3A_694, %swap3A_695] {strides = array<i32>} : memref<4x64xi32, #tpu.memory_space<vmem>>, vector<1x16xi32>,
      %swap3A_697 = vector.shape_cast %swap3A_696 : vector<1x16xi32> to vector<16xi32>
      %swap3A_698 = vector.shape_cast %and3A_692 : vector<16xi32> to vector<1x16xi32>
      tpu.vector_store %arg6[%swap3A_694, %swap3A_695], %swap3A_698 {strides = array<i32>} : memref<4x64xi32, #tpu.memory_space<vmem>>, vector<1x16xi32>,
      %shift_right_arithmetic3A_699 = arith.constant 16 : i32
      %shift_right_arithmetic3A_700 = vector.broadcast %shift_right_arithmetic3A_699 : i32 to vector<16xi32>
      %shift_right_arithmetic3A_701 = arith.shrsi %get3A_689, %shift_right_arithmetic3A_700 : vector<16xi32>
      %swap3A_702 = arith.constant 2 : i32
      %swap3A_703 = arith.index_cast %swap3A_702 : i32 to index
      %swap3A_704 = arith.constant 0 : index
      %swap3A_705 = tpu.vector_load %arg7[%swap3A_703, %swap3A_704] {strides = array<i32>} : memref<4x64xi32, #tpu.memory_space<vmem>>, vector<1x16xi32>,
      %swap3A_706 = vector.shape_cast %swap3A_705 : vector<1x16xi32> to vector<16xi32>
      %swap3A_707 = vector.shape_cast %shift_right_arithmetic3A_701 : vector<16xi32> to vector<1x16xi32>
      tpu.vector_store %arg7[%swap3A_703, %swap3A_704], %swap3A_707 {strides = array<i32>} : memref<4x64xi32, #tpu.memory_space<vmem>>, vector<1x16xi32>,
      %mul3A_708 = arith.constant 64 : i32
      %mul3A_709 = arith.muli %add3A_682, %mul3A_708 : i32
      %add3A_710 = arith.constant 16 : i32
      %add3A_711 = arith.addi %mul3A_709, %add3A_710 : i32
      %get3A_712 = arith.index_cast %add3A_711 : i32 to index
      %get3A_713 = tpu.vector_load %arg5[%get3A_712] {strides = array<i32>} : memref<10368xi32, #tpu.memory_space<vmem>>, vector<16xi32>,
      %get3A_714 = vector.shape_cast %get3A_713 : vector<16xi32> to vector<16xi32>
      %and3A_715 = arith.constant 65535 : i32
      %and3A_716 = vector.broadcast %and3A_715 : i32 to vector<16xi32>
      %and3A_717 = arith.andi %get3A_714, %and3A_716 : vector<16xi32>
      %swap3A_718 = arith.constant 2 : i32
      %swap3A_719 = arith.index_cast %swap3A_718 : i32 to index
      %swap3A_720 = arith.constant 16 : index
      %swap3A_721 = tpu.vector_load %arg6[%swap3A_719, %swap3A_720] {strides = array<i32>} : memref<4x64xi32, #tpu.memory_space<vmem>>, vector<1x16xi32>,
      %swap3A_722 = vector.shape_cast %swap3A_721 : vector<1x16xi32> to vector<16xi32>
      %swap3A_723 = vector.shape_cast %and3A_717 : vector<16xi32> to vector<1x16xi32>
      tpu.vector_store %arg6[%swap3A_719, %swap3A_720], %swap3A_723 {strides = array<i32>} : memref<4x64xi32, #tpu.memory_space<vmem>>, vector<1x16xi32>,
      %shift_right_arithmetic3A_724 = arith.constant 16 : i32
      %shift_right_arithmetic3A_725 = vector.broadcast %shift_right_arithmetic3A_724 : i32 to vector<16xi32>
      %shift_right_arithmetic3A_726 = arith.shrsi %get3A_714, %shift_right_arithmetic3A_725 : vector<16xi32>
      %swap3A_727 = arith.constant 2 : i32
      %swap3A_728 = arith.index_cast %swap3A_727 : i32 to index
      %swap3A_729 = arith.constant 16 : index
      %swap3A_730 = tpu.vector_load %arg7[%swap3A_728, %swap3A_729] {strides = array<i32>} : memref<4x64xi32, #tpu.memory_space<vmem>>, vector<1x16xi32>,
      %swap3A_731 = vector.shape_cast %swap3A_730 : vector<1x16xi32> to vector<16xi32>
      %swap3A_732 = vector.shape_cast %shift_right_arithmetic3A_726 : vector<16xi32> to vector<1x16xi32>
      tpu.vector_store %arg7[%swap3A_728, %swap3A_729], %swap3A_732 {strides = array<i32>} : memref<4x64xi32, #tpu.memory_space<vmem>>, vector<1x16xi32>,
      %mul3A_733 = arith.constant 64 : i32
      %mul3A_734 = arith.muli %add3A_682, %mul3A_733 : i32
      %add3A_735 = arith.constant 32 : i32
      %add3A_736 = arith.addi %mul3A_734, %add3A_735 : i32
      %get3A_737 = arith.index_cast %add3A_736 : i32 to index
      %get3A_738 = tpu.vector_load %arg5[%get3A_737] {strides = array<i32>} : memref<10368xi32, #tpu.memory_space<vmem>>, vector<16xi32>,
      %get3A_739 = vector.shape_cast %get3A_738 : vector<16xi32> to vector<16xi32>
      %and3A_740 = arith.constant 65535 : i32
      %and3A_741 = vector.broadcast %and3A_740 : i32 to vector<16xi32>
      %and3A_742 = arith.andi %get3A_739, %and3A_741 : vector<16xi32>
      %swap3A_743 = arith.constant 2 : i32
      %swap3A_744 = arith.index_cast %swap3A_743 : i32 to index
      %swap3A_745 = arith.constant 32 : index
      %swap3A_746 = tpu.vector_load %arg6[%swap3A_744, %swap3A_745] {strides = array<i32>} : memref<4x64xi32, #tpu.memory_space<vmem>>, vector<1x16xi32>,
      %swap3A_747 = vector.shape_cast %swap3A_746 : vector<1x16xi32> to vector<16xi32>
      %swap3A_748 = vector.shape_cast %and3A_742 : vector<16xi32> to vector<1x16xi32>
      tpu.vector_store %arg6[%swap3A_744, %swap3A_745], %swap3A_748 {strides = array<i32>} : memref<4x64xi32, #tpu.memory_space<vmem>>, vector<1x16xi32>,
      %shift_right_arithmetic3A_749 = arith.constant 16 : i32
      %shift_right_arithmetic3A_750 = vector.broadcast %shift_right_arithmetic3A_749 : i32 to vector<16xi32>
      %shift_right_arithmetic3A_751 = arith.shrsi %get3A_739, %shift_right_arithmetic3A_750 : vector<16xi32>
      %swap3A_752 = arith.constant 2 : i32
      %swap3A_753 = arith.index_cast %swap3A_752 : i32 to index
      %swap3A_754 = arith.constant 32 : index
      %swap3A_755 = tpu.vector_load %arg7[%swap3A_753, %swap3A_754] {strides = array<i32>} : memref<4x64xi32, #tpu.memory_space<vmem>>, vector<1x16xi32>,
      %swap3A_756 = vector.shape_cast %swap3A_755 : vector<1x16xi32> to vector<16xi32>
      %swap3A_757 = vector.shape_cast %shift_right_arithmetic3A_751 : vector<16xi32> to vector<1x16xi32>
      tpu.vector_store %arg7[%swap3A_753, %swap3A_754], %swap3A_757 {strides = array<i32>} : memref<4x64xi32, #tpu.memory_space<vmem>>, vector<1x16xi32>,
      %mul3A_758 = arith.constant 64 : i32
      %mul3A_759 = arith.muli %add3A_682, %mul3A_758 : i32
      %add3A_760 = arith.constant 48 : i32
      %add3A_761 = arith.addi %mul3A_759, %add3A_760 : i32
      %get3A_762 = arith.index_cast %add3A_761 : i32 to index
      %get3A_763 = tpu.vector_load %arg5[%get3A_762] {strides = array<i32>} : memref<10368xi32, #tpu.memory_space<vmem>>, vector<16xi32>,
      %get3A_764 = vector.shape_cast %get3A_763 : vector<16xi32> to vector<16xi32>
      %and3A_765 = arith.constant 65535 : i32
      %and3A_766 = vector.broadcast %and3A_765 : i32 to vector<16xi32>
      %and3A_767 = arith.andi %get3A_764, %and3A_766 : vector<16xi32>
      %swap3A_768 = arith.constant 2 : i32
      %swap3A_769 = arith.index_cast %swap3A_768 : i32 to index
      %swap3A_770 = arith.constant 48 : index
      %swap3A_771 = tpu.vector_load %arg6[%swap3A_769, %swap3A_770] {strides = array<i32>} : memref<4x64xi32, #tpu.memory_space<vmem>>, vector<1x16xi32>,
      %swap3A_772 = vector.shape_cast %swap3A_771 : vector<1x16xi32> to vector<16xi32>
      %swap3A_773 = vector.shape_cast %and3A_767 : vector<16xi32> to vector<1x16xi32>
      tpu.vector_store %arg6[%swap3A_769, %swap3A_770], %swap3A_773 {strides = array<i32>} : memref<4x64xi32, #tpu.memory_space<vmem>>, vector<1x16xi32>,
      %shift_right_arithmetic3A_774 = arith.constant 16 : i32
      %shift_right_arithmetic3A_775 = vector.broadcast %shift_right_arithmetic3A_774 : i32 to vector<16xi32>
      %shift_right_arithmetic3A_776 = arith.shrsi %get3A_764, %shift_right_arithmetic3A_775 : vector<16xi32>
      %swap3A_777 = arith.constant 2 : i32
      %swap3A_778 = arith.index_cast %swap3A_777 : i32 to index
      %swap3A_779 = arith.constant 48 : index
      %swap3A_780 = tpu.vector_load %arg7[%swap3A_778, %swap3A_779] {strides = array<i32>} : memref<4x64xi32, #tpu.memory_space<vmem>>, vector<1x16xi32>,
      %swap3A_781 = vector.shape_cast %swap3A_780 : vector<1x16xi32> to vector<16xi32>
      %swap3A_782 = vector.shape_cast %shift_right_arithmetic3A_776 : vector<16xi32> to vector<1x16xi32>
      tpu.vector_store %arg7[%swap3A_778, %swap3A_779], %swap3A_782 {strides = array<i32>} : memref<4x64xi32, #tpu.memory_space<vmem>>, vector<1x16xi32>,
      %dma_start3A_783 = arith.constant 2 : i32
      %dma_start3A_784 = arith.constant 0 : i32
      %dma_start3A_785 = tpu.memref_slice %arg6[%dma_start3A_783, %dma_start3A_784] : memref<4x64xi32, #tpu.memory_space<vmem>> -> memref<1x64xi32, #tpu.memory_space<vmem>>
      %dma_start3A_786 = tpu.memref_squeeze %dma_start3A_785 : memref<1x64xi32, #tpu.memory_space<vmem>> -> memref<64xi32, #tpu.memory_space<vmem>>
      %dma_start3A_787 = arith.constant 0 : i32
      %dma_start3A_788 = arith.constant 0 : i32
      %dma_start3A_789 = tpu.memref_slice %arg2[%dma_start3A_787, %dma_start3A_788] : memref<10000x128xf32, #tpu.memory_space<hbm>> -> memref<10000x128xf32, #tpu.memory_space<hbm>>
      tpu.enqueue_indirect_dma source(%dma_start3A_789 : memref<10000x128xf32, #tpu.memory_space<hbm>>) target(%arg10 : memref<64x128xf32, #tpu.memory_space<vmem>>) offsets(%dma_start3A_786 : memref<64xi32, #tpu.memory_space<vmem>>) semaphore(%arg15 : memref<!tpu.dma_semaphore, #tpu.memory_space<semaphore_mem>>)
      %dma_wait3A_790 = arith.constant 1 : i32
      %dma_wait3A_791 = arith.constant 0 : i32
      %dma_wait3A_792 = tpu.memref_slice %arg6[%dma_wait3A_790, %dma_wait3A_791] : memref<4x64xi32, #tpu.memory_space<vmem>> -> memref<1x64xi32, #tpu.memory_space<vmem>>
      %dma_wait3A_793 = tpu.memref_squeeze %dma_wait3A_792 : memref<1x64xi32, #tpu.memory_space<vmem>> -> memref<64xi32, #tpu.memory_space<vmem>>
      %dma_wait3A_794 = arith.constant 0 : i32
      %dma_wait3A_795 = arith.constant 0 : i32
      %dma_wait3A_796 = tpu.memref_slice %arg2[%dma_wait3A_794, %dma_wait3A_795] : memref<10000x128xf32, #tpu.memory_space<hbm>> -> memref<10000x128xf32, #tpu.memory_space<hbm>>
      tpu.wait_indirect_dma semaphore(%arg14 : memref<!tpu.dma_semaphore, #tpu.memory_space<semaphore_mem>>) src(%dma_wait3A_796 : memref<10000x128xf32, #tpu.memory_space<hbm>>) dst(%arg9 : memref<64x128xf32, #tpu.memory_space<vmem>>)
      %dma_start3A_797 = arith.constant 1 : i32
      %dma_start3A_798 = arith.constant 0 : i32
      %dma_start3A_799 = tpu.memref_slice %arg7[%dma_start3A_797, %dma_start3A_798] : memref<4x64xi32, #tpu.memory_space<vmem>> -> memref<1x64xi32, #tpu.memory_space<vmem>>
      %dma_start3A_800 = tpu.memref_squeeze %dma_start3A_799 : memref<1x64xi32, #tpu.memory_space<vmem>> -> memref<64xi32, #tpu.memory_space<vmem>>
      %dma_start3A_801 = arith.constant 0 : i32
      %dma_start3A_802 = arith.constant 0 : i32
      %dma_start3A_803 = tpu.memref_slice %arg12[%dma_start3A_801, %dma_start3A_802] : memref<10016x128xf32, #tpu.memory_space<vmem_shared>> -> memref<10016x128xf32, #tpu.memory_space<vmem_shared>>
      tpu.enqueue_indirect_dma source(%arg9 : memref<64x128xf32, #tpu.memory_space<vmem>>) target(%dma_start3A_803 : memref<10016x128xf32, #tpu.memory_space<vmem_shared>>) offsets(%dma_start3A_800 : memref<64xi32, #tpu.memory_space<vmem>>) semaphore(%arg18 : memref<!tpu.dma_semaphore, #tpu.memory_space<semaphore_mem>>) {add = true}
      %dma_wait3A_804 = arith.constant 3 : i32
      %dma_wait3A_805 = arith.constant 0 : i32
      %dma_wait3A_806 = tpu.memref_slice %arg7[%dma_wait3A_804, %dma_wait3A_805] : memref<4x64xi32, #tpu.memory_space<vmem>> -> memref<1x64xi32, #tpu.memory_space<vmem>>
      %dma_wait3A_807 = tpu.memref_squeeze %dma_wait3A_806 : memref<1x64xi32, #tpu.memory_space<vmem>> -> memref<64xi32, #tpu.memory_space<vmem>>
      %dma_wait3A_808 = arith.constant 0 : i32
      %dma_wait3A_809 = arith.constant 0 : i32
      %dma_wait3A_810 = tpu.memref_slice %arg12[%dma_wait3A_808, %dma_wait3A_809] : memref<10016x128xf32, #tpu.memory_space<vmem_shared>> -> memref<10016x128xf32, #tpu.memory_space<vmem_shared>>
      tpu.wait_indirect_dma semaphore(%arg20 : memref<!tpu.dma_semaphore, #tpu.memory_space<semaphore_mem>>) src(%arg11 : memref<64x128xf32, #tpu.memory_space<vmem>>) dst(%dma_wait3A_810 : memref<10016x128xf32, #tpu.memory_space<vmem_shared>>)
      %add3A_811 = arith.constant 1 : i32
      %add3A_812 = arith.addi %add3A_657, %add3A_811 : i32
      %add3A_813 = arith.constant 2 : i32
      %add3A_814 = arith.addi %add3A_812, %add3A_813 : i32
      %mul3A_815 = arith.constant 64 : i32
      %mul3A_816 = arith.muli %add3A_814, %mul3A_815 : i32
      %add3A_817 = arith.constant 0 : i32
      %add3A_818 = arith.addi %mul3A_816, %add3A_817 : i32
      %get3A_819 = arith.index_cast %add3A_818 : i32 to index
      %get3A_820 = tpu.vector_load %arg5[%get3A_819] {strides = array<i32>} : memref<10368xi32, #tpu.memory_space<vmem>>, vector<16xi32>,
      %get3A_821 = vector.shape_cast %get3A_820 : vector<16xi32> to vector<16xi32>
      %and3A_822 = arith.constant 65535 : i32
      %and3A_823 = vector.broadcast %and3A_822 : i32 to vector<16xi32>
      %and3A_824 = arith.andi %get3A_821, %and3A_823 : vector<16xi32>
      %swap3A_825 = arith.constant 3 : i32
      %swap3A_826 = arith.index_cast %swap3A_825 : i32 to index
      %swap3A_827 = arith.constant 0 : index
      %swap3A_828 = tpu.vector_load %arg6[%swap3A_826, %swap3A_827] {strides = array<i32>} : memref<4x64xi32, #tpu.memory_space<vmem>>, vector<1x16xi32>,
      %swap3A_829 = vector.shape_cast %swap3A_828 : vector<1x16xi32> to vector<16xi32>
      %swap3A_830 = vector.shape_cast %and3A_824 : vector<16xi32> to vector<1x16xi32>
      tpu.vector_store %arg6[%swap3A_826, %swap3A_827], %swap3A_830 {strides = array<i32>} : memref<4x64xi32, #tpu.memory_space<vmem>>, vector<1x16xi32>,
      %shift_right_arithmetic3A_831 = arith.constant 16 : i32
      %shift_right_arithmetic3A_832 = vector.broadcast %shift_right_arithmetic3A_831 : i32 to vector<16xi32>
      %shift_right_arithmetic3A_833 = arith.shrsi %get3A_821, %shift_right_arithmetic3A_832 : vector<16xi32>
      %swap3A_834 = arith.constant 3 : i32
      %swap3A_835 = arith.index_cast %swap3A_834 : i32 to index
      %swap3A_836 = arith.constant 0 : index
      %swap3A_837 = tpu.vector_load %arg7[%swap3A_835, %swap3A_836] {strides = array<i32>} : memref<4x64xi32, #tpu.memory_space<vmem>>, vector<1x16xi32>,
      %swap3A_838 = vector.shape_cast %swap3A_837 : vector<1x16xi32> to vector<16xi32>
      %swap3A_839 = vector.shape_cast %shift_right_arithmetic3A_833 : vector<16xi32> to vector<1x16xi32>
      tpu.vector_store %arg7[%swap3A_835, %swap3A_836], %swap3A_839 {strides = array<i32>} : memref<4x64xi32, #tpu.memory_space<vmem>>, vector<1x16xi32>,
      %mul3A_840 = arith.constant 64 : i32
      %mul3A_841 = arith.muli %add3A_814, %mul3A_840 : i32
      %add3A_842 = arith.constant 16 : i32
      %add3A_843 = arith.addi %mul3A_841, %add3A_842 : i32
      %get3A_844 = arith.index_cast %add3A_843 : i32 to index
      %get3A_845 = tpu.vector_load %arg5[%get3A_844] {strides = array<i32>} : memref<10368xi32, #tpu.memory_space<vmem>>, vector<16xi32>,
      %get3A_846 = vector.shape_cast %get3A_845 : vector<16xi32> to vector<16xi32>
      %and3A_847 = arith.constant 65535 : i32
      %and3A_848 = vector.broadcast %and3A_847 : i32 to vector<16xi32>
      %and3A_849 = arith.andi %get3A_846, %and3A_848 : vector<16xi32>
      %swap3A_850 = arith.constant 3 : i32
      %swap3A_851 = arith.index_cast %swap3A_850 : i32 to index
      %swap3A_852 = arith.constant 16 : index
      %swap3A_853 = tpu.vector_load %arg6[%swap3A_851, %swap3A_852] {strides = array<i32>} : memref<4x64xi32, #tpu.memory_space<vmem>>, vector<1x16xi32>,
      %swap3A_854 = vector.shape_cast %swap3A_853 : vector<1x16xi32> to vector<16xi32>
      %swap3A_855 = vector.shape_cast %and3A_849 : vector<16xi32> to vector<1x16xi32>
      tpu.vector_store %arg6[%swap3A_851, %swap3A_852], %swap3A_855 {strides = array<i32>} : memref<4x64xi32, #tpu.memory_space<vmem>>, vector<1x16xi32>,
      %shift_right_arithmetic3A_856 = arith.constant 16 : i32
      %shift_right_arithmetic3A_857 = vector.broadcast %shift_right_arithmetic3A_856 : i32 to vector<16xi32>
      %shift_right_arithmetic3A_858 = arith.shrsi %get3A_846, %shift_right_arithmetic3A_857 : vector<16xi32>
      %swap3A_859 = arith.constant 3 : i32
      %swap3A_860 = arith.index_cast %swap3A_859 : i32 to index
      %swap3A_861 = arith.constant 16 : index
      %swap3A_862 = tpu.vector_load %arg7[%swap3A_860, %swap3A_861] {strides = array<i32>} : memref<4x64xi32, #tpu.memory_space<vmem>>, vector<1x16xi32>,
      %swap3A_863 = vector.shape_cast %swap3A_862 : vector<1x16xi32> to vector<16xi32>
      %swap3A_864 = vector.shape_cast %shift_right_arithmetic3A_858 : vector<16xi32> to vector<1x16xi32>
      tpu.vector_store %arg7[%swap3A_860, %swap3A_861], %swap3A_864 {strides = array<i32>} : memref<4x64xi32, #tpu.memory_space<vmem>>, vector<1x16xi32>,
      %mul3A_865 = arith.constant 64 : i32
      %mul3A_866 = arith.muli %add3A_814, %mul3A_865 : i32
      %add3A_867 = arith.constant 32 : i32
      %add3A_868 = arith.addi %mul3A_866, %add3A_867 : i32
      %get3A_869 = arith.index_cast %add3A_868 : i32 to index
      %get3A_870 = tpu.vector_load %arg5[%get3A_869] {strides = array<i32>} : memref<10368xi32, #tpu.memory_space<vmem>>, vector<16xi32>,
      %get3A_871 = vector.shape_cast %get3A_870 : vector<16xi32> to vector<16xi32>
      %and3A_872 = arith.constant 65535 : i32
      %and3A_873 = vector.broadcast %and3A_872 : i32 to vector<16xi32>
      %and3A_874 = arith.andi %get3A_871, %and3A_873 : vector<16xi32>
      %swap3A_875 = arith.constant 3 : i32
      %swap3A_876 = arith.index_cast %swap3A_875 : i32 to index
      %swap3A_877 = arith.constant 32 : index
      %swap3A_878 = tpu.vector_load %arg6[%swap3A_876, %swap3A_877] {strides = array<i32>} : memref<4x64xi32, #tpu.memory_space<vmem>>, vector<1x16xi32>,
      %swap3A_879 = vector.shape_cast %swap3A_878 : vector<1x16xi32> to vector<16xi32>
      %swap3A_880 = vector.shape_cast %and3A_874 : vector<16xi32> to vector<1x16xi32>
      tpu.vector_store %arg6[%swap3A_876, %swap3A_877], %swap3A_880 {strides = array<i32>} : memref<4x64xi32, #tpu.memory_space<vmem>>, vector<1x16xi32>,
      %shift_right_arithmetic3A_881 = arith.constant 16 : i32
      %shift_right_arithmetic3A_882 = vector.broadcast %shift_right_arithmetic3A_881 : i32 to vector<16xi32>
      %shift_right_arithmetic3A_883 = arith.shrsi %get3A_871, %shift_right_arithmetic3A_882 : vector<16xi32>
      %swap3A_884 = arith.constant 3 : i32
      %swap3A_885 = arith.index_cast %swap3A_884 : i32 to index
      %swap3A_886 = arith.constant 32 : index
      %swap3A_887 = tpu.vector_load %arg7[%swap3A_885, %swap3A_886] {strides = array<i32>} : memref<4x64xi32, #tpu.memory_space<vmem>>, vector<1x16xi32>,
      %swap3A_888 = vector.shape_cast %swap3A_887 : vector<1x16xi32> to vector<16xi32>
      %swap3A_889 = vector.shape_cast %shift_right_arithmetic3A_883 : vector<16xi32> to vector<1x16xi32>
      tpu.vector_store %arg7[%swap3A_885, %swap3A_886], %swap3A_889 {strides = array<i32>} : memref<4x64xi32, #tpu.memory_space<vmem>>, vector<1x16xi32>,
      %mul3A_890 = arith.constant 64 : i32
      %mul3A_891 = arith.muli %add3A_814, %mul3A_890 : i32
      %add3A_892 = arith.constant 48 : i32
      %add3A_893 = arith.addi %mul3A_891, %add3A_892 : i32
      %get3A_894 = arith.index_cast %add3A_893 : i32 to index
      %get3A_895 = tpu.vector_load %arg5[%get3A_894] {strides = array<i32>} : memref<10368xi32, #tpu.memory_space<vmem>>, vector<16xi32>,
      %get3A_896 = vector.shape_cast %get3A_895 : vector<16xi32> to vector<16xi32>
      %and3A_897 = arith.constant 65535 : i32
      %and3A_898 = vector.broadcast %and3A_897 : i32 to vector<16xi32>
      %and3A_899 = arith.andi %get3A_896, %and3A_898 : vector<16xi32>
      %swap3A_900 = arith.constant 3 : i32
      %swap3A_901 = arith.index_cast %swap3A_900 : i32 to index
      %swap3A_902 = arith.constant 48 : index
      %swap3A_903 = tpu.vector_load %arg6[%swap3A_901, %swap3A_902] {strides = array<i32>} : memref<4x64xi32, #tpu.memory_space<vmem>>, vector<1x16xi32>,
      %swap3A_904 = vector.shape_cast %swap3A_903 : vector<1x16xi32> to vector<16xi32>
      %swap3A_905 = vector.shape_cast %and3A_899 : vector<16xi32> to vector<1x16xi32>
      tpu.vector_store %arg6[%swap3A_901, %swap3A_902], %swap3A_905 {strides = array<i32>} : memref<4x64xi32, #tpu.memory_space<vmem>>, vector<1x16xi32>,
      %shift_right_arithmetic3A_906 = arith.constant 16 : i32
      %shift_right_arithmetic3A_907 = vector.broadcast %shift_right_arithmetic3A_906 : i32 to vector<16xi32>
      %shift_right_arithmetic3A_908 = arith.shrsi %get3A_896, %shift_right_arithmetic3A_907 : vector<16xi32>
      %swap3A_909 = arith.constant 3 : i32
      %swap3A_910 = arith.index_cast %swap3A_909 : i32 to index
      %swap3A_911 = arith.constant 48 : index
      %swap3A_912 = tpu.vector_load %arg7[%swap3A_910, %swap3A_911] {strides = array<i32>} : memref<4x64xi32, #tpu.memory_space<vmem>>, vector<1x16xi32>,
      %swap3A_913 = vector.shape_cast %swap3A_912 : vector<1x16xi32> to vector<16xi32>
      %swap3A_914 = vector.shape_cast %shift_right_arithmetic3A_908 : vector<16xi32> to vector<1x16xi32>
      tpu.vector_store %arg7[%swap3A_910, %swap3A_911], %swap3A_914 {strides = array<i32>} : memref<4x64xi32, #tpu.memory_space<vmem>>, vector<1x16xi32>,
      %dma_start3A_915 = arith.constant 3 : i32
      %dma_start3A_916 = arith.constant 0 : i32
      %dma_start3A_917 = tpu.memref_slice %arg6[%dma_start3A_915, %dma_start3A_916] : memref<4x64xi32, #tpu.memory_space<vmem>> -> memref<1x64xi32, #tpu.memory_space<vmem>>
      %dma_start3A_918 = tpu.memref_squeeze %dma_start3A_917 : memref<1x64xi32, #tpu.memory_space<vmem>> -> memref<64xi32, #tpu.memory_space<vmem>>
      %dma_start3A_919 = arith.constant 0 : i32
      %dma_start3A_920 = arith.constant 0 : i32
      %dma_start3A_921 = tpu.memref_slice %arg2[%dma_start3A_919, %dma_start3A_920] : memref<10000x128xf32, #tpu.memory_space<hbm>> -> memref<10000x128xf32, #tpu.memory_space<hbm>>
      tpu.enqueue_indirect_dma source(%dma_start3A_921 : memref<10000x128xf32, #tpu.memory_space<hbm>>) target(%arg11 : memref<64x128xf32, #tpu.memory_space<vmem>>) offsets(%dma_start3A_918 : memref<64xi32, #tpu.memory_space<vmem>>) semaphore(%arg16 : memref<!tpu.dma_semaphore, #tpu.memory_space<semaphore_mem>>)
      %dma_wait3A_922 = arith.constant 2 : i32
      %dma_wait3A_923 = arith.constant 0 : i32
      %dma_wait3A_924 = tpu.memref_slice %arg6[%dma_wait3A_922, %dma_wait3A_923] : memref<4x64xi32, #tpu.memory_space<vmem>> -> memref<1x64xi32, #tpu.memory_space<vmem>>
      %dma_wait3A_925 = tpu.memref_squeeze %dma_wait3A_924 : memref<1x64xi32, #tpu.memory_space<vmem>> -> memref<64xi32, #tpu.memory_space<vmem>>
      %dma_wait3A_926 = arith.constant 0 : i32
      %dma_wait3A_927 = arith.constant 0 : i32
      %dma_wait3A_928 = tpu.memref_slice %arg2[%dma_wait3A_926, %dma_wait3A_927] : memref<10000x128xf32, #tpu.memory_space<hbm>> -> memref<10000x128xf32, #tpu.memory_space<hbm>>
      tpu.wait_indirect_dma semaphore(%arg15 : memref<!tpu.dma_semaphore, #tpu.memory_space<semaphore_mem>>) src(%dma_wait3A_928 : memref<10000x128xf32, #tpu.memory_space<hbm>>) dst(%arg10 : memref<64x128xf32, #tpu.memory_space<vmem>>)
      %dma_start3A_929 = arith.constant 2 : i32
      %dma_start3A_930 = arith.constant 0 : i32
      %dma_start3A_931 = tpu.memref_slice %arg7[%dma_start3A_929, %dma_start3A_930] : memref<4x64xi32, #tpu.memory_space<vmem>> -> memref<1x64xi32, #tpu.memory_space<vmem>>
      %dma_start3A_932 = tpu.memref_squeeze %dma_start3A_931 : memref<1x64xi32, #tpu.memory_space<vmem>> -> memref<64xi32, #tpu.memory_space<vmem>>
      %dma_start3A_933 = arith.constant 0 : i32
      %dma_start3A_934 = arith.constant 0 : i32
      %dma_start3A_935 = tpu.memref_slice %arg12[%dma_start3A_933, %dma_start3A_934] : memref<10016x128xf32, #tpu.memory_space<vmem_shared>> -> memref<10016x128xf32, #tpu.memory_space<vmem_shared>>
      tpu.enqueue_indirect_dma source(%arg10 : memref<64x128xf32, #tpu.memory_space<vmem>>) target(%dma_start3A_935 : memref<10016x128xf32, #tpu.memory_space<vmem_shared>>) offsets(%dma_start3A_932 : memref<64xi32, #tpu.memory_space<vmem>>) semaphore(%arg19 : memref<!tpu.dma_semaphore, #tpu.memory_space<semaphore_mem>>) {add = true}
      %dma_wait3A_936 = arith.constant 0 : i32
      %dma_wait3A_937 = arith.constant 0 : i32
      %dma_wait3A_938 = tpu.memref_slice %arg7[%dma_wait3A_936, %dma_wait3A_937] : memref<4x64xi32, #tpu.memory_space<vmem>> -> memref<1x64xi32, #tpu.memory_space<vmem>>
      %dma_wait3A_939 = tpu.memref_squeeze %dma_wait3A_938 : memref<1x64xi32, #tpu.memory_space<vmem>> -> memref<64xi32, #tpu.memory_space<vmem>>
      %dma_wait3A_940 = arith.constant 0 : i32
      %dma_wait3A_941 = arith.constant 0 : i32
      %dma_wait3A_942 = tpu.memref_slice %arg12[%dma_wait3A_940, %dma_wait3A_941] : memref<10016x128xf32, #tpu.memory_space<vmem_shared>> -> memref<10016x128xf32, #tpu.memory_space<vmem_shared>>
      tpu.wait_indirect_dma semaphore(%arg17 : memref<!tpu.dma_semaphore, #tpu.memory_space<semaphore_mem>>) src(%arg8 : memref<64x128xf32, #tpu.memory_space<vmem>>) dst(%dma_wait3A_942 : memref<10016x128xf32, #tpu.memory_space<vmem_shared>>)
      %add3A_943 = arith.constant 2 : i32
      %add3A_944 = arith.addi %add3A_657, %add3A_943 : i32
      %add3A_945 = arith.constant 2 : i32
      %add3A_946 = arith.addi %add3A_944, %add3A_945 : i32
      %mul3A_947 = arith.constant 64 : i32
      %mul3A_948 = arith.muli %add3A_946, %mul3A_947 : i32
      %add3A_949 = arith.constant 0 : i32
      %add3A_950 = arith.addi %mul3A_948, %add3A_949 : i32
      %get3A_951 = arith.index_cast %add3A_950 : i32 to index
      %get3A_952 = tpu.vector_load %arg5[%get3A_951] {strides = array<i32>} : memref<10368xi32, #tpu.memory_space<vmem>>, vector<16xi32>,
      %get3A_953 = vector.shape_cast %get3A_952 : vector<16xi32> to vector<16xi32>
      %and3A_954 = arith.constant 65535 : i32
      %and3A_955 = vector.broadcast %and3A_954 : i32 to vector<16xi32>
      %and3A_956 = arith.andi %get3A_953, %and3A_955 : vector<16xi32>
      %swap3A_957 = arith.constant 0 : i32
      %swap3A_958 = arith.index_cast %swap3A_957 : i32 to index
      %swap3A_959 = arith.constant 0 : index
      %swap3A_960 = tpu.vector_load %arg6[%swap3A_958, %swap3A_959] {strides = array<i32>} : memref<4x64xi32, #tpu.memory_space<vmem>>, vector<1x16xi32>,
      %swap3A_961 = vector.shape_cast %swap3A_960 : vector<1x16xi32> to vector<16xi32>
      %swap3A_962 = vector.shape_cast %and3A_956 : vector<16xi32> to vector<1x16xi32>
      tpu.vector_store %arg6[%swap3A_958, %swap3A_959], %swap3A_962 {strides = array<i32>} : memref<4x64xi32, #tpu.memory_space<vmem>>, vector<1x16xi32>,
      %shift_right_arithmetic3A_963 = arith.constant 16 : i32
      %shift_right_arithmetic3A_964 = vector.broadcast %shift_right_arithmetic3A_963 : i32 to vector<16xi32>
      %shift_right_arithmetic3A_965 = arith.shrsi %get3A_953, %shift_right_arithmetic3A_964 : vector<16xi32>
      %swap3A_966 = arith.constant 0 : i32
      %swap3A_967 = arith.index_cast %swap3A_966 : i32 to index
      %swap3A_968 = arith.constant 0 : index
      %swap3A_969 = tpu.vector_load %arg7[%swap3A_967, %swap3A_968] {strides = array<i32>} : memref<4x64xi32, #tpu.memory_space<vmem>>, vector<1x16xi32>,
      %swap3A_970 = vector.shape_cast %swap3A_969 : vector<1x16xi32> to vector<16xi32>
      %swap3A_971 = vector.shape_cast %shift_right_arithmetic3A_965 : vector<16xi32> to vector<1x16xi32>
      tpu.vector_store %arg7[%swap3A_967, %swap3A_968], %swap3A_971 {strides = array<i32>} : memref<4x64xi32, #tpu.memory_space<vmem>>, vector<1x16xi32>,
      %mul3A_972 = arith.constant 64 : i32
      %mul3A_973 = arith.muli %add3A_946, %mul3A_972 : i32
      %add3A_974 = arith.constant 16 : i32
      %add3A_975 = arith.addi %mul3A_973, %add3A_974 : i32
      %get3A_976 = arith.index_cast %add3A_975 : i32 to index
      %get3A_977 = tpu.vector_load %arg5[%get3A_976] {strides = array<i32>} : memref<10368xi32, #tpu.memory_space<vmem>>, vector<16xi32>,
      %get3A_978 = vector.shape_cast %get3A_977 : vector<16xi32> to vector<16xi32>
      %and3A_979 = arith.constant 65535 : i32
      %and3A_980 = vector.broadcast %and3A_979 : i32 to vector<16xi32>
      %and3A_981 = arith.andi %get3A_978, %and3A_980 : vector<16xi32>
      %swap3A_982 = arith.constant 0 : i32
      %swap3A_983 = arith.index_cast %swap3A_982 : i32 to index
      %swap3A_984 = arith.constant 16 : index
      %swap3A_985 = tpu.vector_load %arg6[%swap3A_983, %swap3A_984] {strides = array<i32>} : memref<4x64xi32, #tpu.memory_space<vmem>>, vector<1x16xi32>,
      %swap3A_986 = vector.shape_cast %swap3A_985 : vector<1x16xi32> to vector<16xi32>
      %swap3A_987 = vector.shape_cast %and3A_981 : vector<16xi32> to vector<1x16xi32>
      tpu.vector_store %arg6[%swap3A_983, %swap3A_984], %swap3A_987 {strides = array<i32>} : memref<4x64xi32, #tpu.memory_space<vmem>>, vector<1x16xi32>,
      %shift_right_arithmetic3A_988 = arith.constant 16 : i32
      %shift_right_arithmetic3A_989 = vector.broadcast %shift_right_arithmetic3A_988 : i32 to vector<16xi32>
      %shift_right_arithmetic3A_990 = arith.shrsi %get3A_978, %shift_right_arithmetic3A_989 : vector<16xi32>
      %swap3A_991 = arith.constant 0 : i32
      %swap3A_992 = arith.index_cast %swap3A_991 : i32 to index
      %swap3A_993 = arith.constant 16 : index
      %swap3A_994 = tpu.vector_load %arg7[%swap3A_992, %swap3A_993] {strides = array<i32>} : memref<4x64xi32, #tpu.memory_space<vmem>>, vector<1x16xi32>,
      %swap3A_995 = vector.shape_cast %swap3A_994 : vector<1x16xi32> to vector<16xi32>
      %swap3A_996 = vector.shape_cast %shift_right_arithmetic3A_990 : vector<16xi32> to vector<1x16xi32>
      tpu.vector_store %arg7[%swap3A_992, %swap3A_993], %swap3A_996 {strides = array<i32>} : memref<4x64xi32, #tpu.memory_space<vmem>>, vector<1x16xi32>,
      %mul3A_997 = arith.constant 64 : i32
      %mul3A_998 = arith.muli %add3A_946, %mul3A_997 : i32
      %add3A_999 = arith.constant 32 : i32
      %add3A_1000 = arith.addi %mul3A_998, %add3A_999 : i32
      %get3A_1001 = arith.index_cast %add3A_1000 : i32 to index
      %get3A_1002 = tpu.vector_load %arg5[%get3A_1001] {strides = array<i32>} : memref<10368xi32, #tpu.memory_space<vmem>>, vector<16xi32>,
      %get3A_1003 = vector.shape_cast %get3A_1002 : vector<16xi32> to vector<16xi32>
      %and3A_1004 = arith.constant 65535 : i32
      %and3A_1005 = vector.broadcast %and3A_1004 : i32 to vector<16xi32>
      %and3A_1006 = arith.andi %get3A_1003, %and3A_1005 : vector<16xi32>
      %swap3A_1007 = arith.constant 0 : i32
      %swap3A_1008 = arith.index_cast %swap3A_1007 : i32 to index
      %swap3A_1009 = arith.constant 32 : index
      %swap3A_1010 = tpu.vector_load %arg6[%swap3A_1008, %swap3A_1009] {strides = array<i32>} : memref<4x64xi32, #tpu.memory_space<vmem>>, vector<1x16xi32>,
      %swap3A_1011 = vector.shape_cast %swap3A_1010 : vector<1x16xi32> to vector<16xi32>
      %swap3A_1012 = vector.shape_cast %and3A_1006 : vector<16xi32> to vector<1x16xi32>
      tpu.vector_store %arg6[%swap3A_1008, %swap3A_1009], %swap3A_1012 {strides = array<i32>} : memref<4x64xi32, #tpu.memory_space<vmem>>, vector<1x16xi32>,
      %shift_right_arithmetic3A_1013 = arith.constant 16 : i32
      %shift_right_arithmetic3A_1014 = vector.broadcast %shift_right_arithmetic3A_1013 : i32 to vector<16xi32>
      %shift_right_arithmetic3A_1015 = arith.shrsi %get3A_1003, %shift_right_arithmetic3A_1014 : vector<16xi32>
      %swap3A_1016 = arith.constant 0 : i32
      %swap3A_1017 = arith.index_cast %swap3A_1016 : i32 to index
      %swap3A_1018 = arith.constant 32 : index
      %swap3A_1019 = tpu.vector_load %arg7[%swap3A_1017, %swap3A_1018] {strides = array<i32>} : memref<4x64xi32, #tpu.memory_space<vmem>>, vector<1x16xi32>,
      %swap3A_1020 = vector.shape_cast %swap3A_1019 : vector<1x16xi32> to vector<16xi32>
      %swap3A_1021 = vector.shape_cast %shift_right_arithmetic3A_1015 : vector<16xi32> to vector<1x16xi32>
      tpu.vector_store %arg7[%swap3A_1017, %swap3A_1018], %swap3A_1021 {strides = array<i32>} : memref<4x64xi32, #tpu.memory_space<vmem>>, vector<1x16xi32>,
      %mul3A_1022 = arith.constant 64 : i32
      %mul3A_1023 = arith.muli %add3A_946, %mul3A_1022 : i32
      %add3A_1024 = arith.constant 48 : i32
      %add3A_1025 = arith.addi %mul3A_1023, %add3A_1024 : i32
      %get3A_1026 = arith.index_cast %add3A_1025 : i32 to index
      %get3A_1027 = tpu.vector_load %arg5[%get3A_1026] {strides = array<i32>} : memref<10368xi32, #tpu.memory_space<vmem>>, vector<16xi32>,
      %get3A_1028 = vector.shape_cast %get3A_1027 : vector<16xi32> to vector<16xi32>
      %and3A_1029 = arith.constant 65535 : i32
      %and3A_1030 = vector.broadcast %and3A_1029 : i32 to vector<16xi32>
      %and3A_1031 = arith.andi %get3A_1028, %and3A_1030 : vector<16xi32>
      %swap3A_1032 = arith.constant 0 : i32
      %swap3A_1033 = arith.index_cast %swap3A_1032 : i32 to index
      %swap3A_1034 = arith.constant 48 : index
      %swap3A_1035 = tpu.vector_load %arg6[%swap3A_1033, %swap3A_1034] {strides = array<i32>} : memref<4x64xi32, #tpu.memory_space<vmem>>, vector<1x16xi32>,
      %swap3A_1036 = vector.shape_cast %swap3A_1035 : vector<1x16xi32> to vector<16xi32>
      %swap3A_1037 = vector.shape_cast %and3A_1031 : vector<16xi32> to vector<1x16xi32>
      tpu.vector_store %arg6[%swap3A_1033, %swap3A_1034], %swap3A_1037 {strides = array<i32>} : memref<4x64xi32, #tpu.memory_space<vmem>>, vector<1x16xi32>,
      %shift_right_arithmetic3A_1038 = arith.constant 16 : i32
      %shift_right_arithmetic3A_1039 = vector.broadcast %shift_right_arithmetic3A_1038 : i32 to vector<16xi32>
      %shift_right_arithmetic3A_1040 = arith.shrsi %get3A_1028, %shift_right_arithmetic3A_1039 : vector<16xi32>
      %swap3A_1041 = arith.constant 0 : i32
      %swap3A_1042 = arith.index_cast %swap3A_1041 : i32 to index
      %swap3A_1043 = arith.constant 48 : index
      %swap3A_1044 = tpu.vector_load %arg7[%swap3A_1042, %swap3A_1043] {strides = array<i32>} : memref<4x64xi32, #tpu.memory_space<vmem>>, vector<1x16xi32>,
      %swap3A_1045 = vector.shape_cast %swap3A_1044 : vector<1x16xi32> to vector<16xi32>
      %swap3A_1046 = vector.shape_cast %shift_right_arithmetic3A_1040 : vector<16xi32> to vector<1x16xi32>
      tpu.vector_store %arg7[%swap3A_1042, %swap3A_1043], %swap3A_1046 {strides = array<i32>} : memref<4x64xi32, #tpu.memory_space<vmem>>, vector<1x16xi32>,
      %dma_start3A_1047 = arith.constant 0 : i32
      %dma_start3A_1048 = arith.constant 0 : i32
      %dma_start3A_1049 = tpu.memref_slice %arg6[%dma_start3A_1047, %dma_start3A_1048] : memref<4x64xi32, #tpu.memory_space<vmem>> -> memref<1x64xi32, #tpu.memory_space<vmem>>
      %dma_start3A_1050 = tpu.memref_squeeze %dma_start3A_1049 : memref<1x64xi32, #tpu.memory_space<vmem>> -> memref<64xi32, #tpu.memory_space<vmem>>
      %dma_start3A_1051 = arith.constant 0 : i32
      %dma_start3A_1052 = arith.constant 0 : i32
      %dma_start3A_1053 = tpu.memref_slice %arg2[%dma_start3A_1051, %dma_start3A_1052] : memref<10000x128xf32, #tpu.memory_space<hbm>> -> memref<10000x128xf32, #tpu.memory_space<hbm>>
      tpu.enqueue_indirect_dma source(%dma_start3A_1053 : memref<10000x128xf32, #tpu.memory_space<hbm>>) target(%arg8 : memref<64x128xf32, #tpu.memory_space<vmem>>) offsets(%dma_start3A_1050 : memref<64xi32, #tpu.memory_space<vmem>>) semaphore(%arg13 : memref<!tpu.dma_semaphore, #tpu.memory_space<semaphore_mem>>)
      %dma_wait3A_1054 = arith.constant 3 : i32
      %dma_wait3A_1055 = arith.constant 0 : i32
      %dma_wait3A_1056 = tpu.memref_slice %arg6[%dma_wait3A_1054, %dma_wait3A_1055] : memref<4x64xi32, #tpu.memory_space<vmem>> -> memref<1x64xi32, #tpu.memory_space<vmem>>
      %dma_wait3A_1057 = tpu.memref_squeeze %dma_wait3A_1056 : memref<1x64xi32, #tpu.memory_space<vmem>> -> memref<64xi32, #tpu.memory_space<vmem>>
      %dma_wait3A_1058 = arith.constant 0 : i32
      %dma_wait3A_1059 = arith.constant 0 : i32
      %dma_wait3A_1060 = tpu.memref_slice %arg2[%dma_wait3A_1058, %dma_wait3A_1059] : memref<10000x128xf32, #tpu.memory_space<hbm>> -> memref<10000x128xf32, #tpu.memory_space<hbm>>
      tpu.wait_indirect_dma semaphore(%arg16 : memref<!tpu.dma_semaphore, #tpu.memory_space<semaphore_mem>>) src(%dma_wait3A_1060 : memref<10000x128xf32, #tpu.memory_space<hbm>>) dst(%arg11 : memref<64x128xf32, #tpu.memory_space<vmem>>)
      %dma_start3A_1061 = arith.constant 3 : i32
      %dma_start3A_1062 = arith.constant 0 : i32
      %dma_start3A_1063 = tpu.memref_slice %arg7[%dma_start3A_1061, %dma_start3A_1062] : memref<4x64xi32, #tpu.memory_space<vmem>> -> memref<1x64xi32, #tpu.memory_space<vmem>>
      %dma_start3A_1064 = tpu.memref_squeeze %dma_start3A_1063 : memref<1x64xi32, #tpu.memory_space<vmem>> -> memref<64xi32, #tpu.memory_space<vmem>>
      %dma_start3A_1065 = arith.constant 0 : i32
      %dma_start3A_1066 = arith.constant 0 : i32
      %dma_start3A_1067 = tpu.memref_slice %arg12[%dma_start3A_1065, %dma_start3A_1066] : memref<10016x128xf32, #tpu.memory_space<vmem_shared>> -> memref<10016x128xf32, #tpu.memory_space<vmem_shared>>
      tpu.enqueue_indirect_dma source(%arg11 : memref<64x128xf32, #tpu.memory_space<vmem>>) target(%dma_start3A_1067 : memref<10016x128xf32, #tpu.memory_space<vmem_shared>>) offsets(%dma_start3A_1064 : memref<64xi32, #tpu.memory_space<vmem>>) semaphore(%arg20 : memref<!tpu.dma_semaphore, #tpu.memory_space<semaphore_mem>>) {add = true}
      %dma_wait3A_1068 = arith.constant 1 : i32
      %dma_wait3A_1069 = arith.constant 0 : i32
      %dma_wait3A_1070 = tpu.memref_slice %arg7[%dma_wait3A_1068, %dma_wait3A_1069] : memref<4x64xi32, #tpu.memory_space<vmem>> -> memref<1x64xi32, #tpu.memory_space<vmem>>
      %dma_wait3A_1071 = tpu.memref_squeeze %dma_wait3A_1070 : memref<1x64xi32, #tpu.memory_space<vmem>> -> memref<64xi32, #tpu.memory_space<vmem>>
      %dma_wait3A_1072 = arith.constant 0 : i32
      %dma_wait3A_1073 = arith.constant 0 : i32
      %dma_wait3A_1074 = tpu.memref_slice %arg12[%dma_wait3A_1072, %dma_wait3A_1073] : memref<10016x128xf32, #tpu.memory_space<vmem_shared>> -> memref<10016x128xf32, #tpu.memory_space<vmem_shared>>
      tpu.wait_indirect_dma semaphore(%arg18 : memref<!tpu.dma_semaphore, #tpu.memory_space<semaphore_mem>>) src(%arg9 : memref<64x128xf32, #tpu.memory_space<vmem>>) dst(%dma_wait3A_1074 : memref<10016x128xf32, #tpu.memory_space<vmem_shared>>)
      %add3A_1075 = arith.constant 3 : i32
      %add3A_1076 = arith.addi %add3A_657, %add3A_1075 : i32
      %add3A_1077 = arith.constant 2 : i32
      %add3A_1078 = arith.addi %add3A_1076, %add3A_1077 : i32
      %mul3A_1079 = arith.constant 64 : i32
      %mul3A_1080 = arith.muli %add3A_1078, %mul3A_1079 : i32
      %add3A_1081 = arith.constant 0 : i32
      %add3A_1082 = arith.addi %mul3A_1080, %add3A_1081 : i32
      %get3A_1083 = arith.index_cast %add3A_1082 : i32 to index
      %get3A_1084 = tpu.vector_load %arg5[%get3A_1083] {strides = array<i32>} : memref<10368xi32, #tpu.memory_space<vmem>>, vector<16xi32>,
      %get3A_1085 = vector.shape_cast %get3A_1084 : vector<16xi32> to vector<16xi32>
      %and3A_1086 = arith.constant 65535 : i32
      %and3A_1087 = vector.broadcast %and3A_1086 : i32 to vector<16xi32>
      %and3A_1088 = arith.andi %get3A_1085, %and3A_1087 : vector<16xi32>
      %swap3A_1089 = arith.constant 1 : i32
      %swap3A_1090 = arith.index_cast %swap3A_1089 : i32 to index
      %swap3A_1091 = arith.constant 0 : index
      %swap3A_1092 = tpu.vector_load %arg6[%swap3A_1090, %swap3A_1091] {strides = array<i32>} : memref<4x64xi32, #tpu.memory_space<vmem>>, vector<1x16xi32>,
      %swap3A_1093 = vector.shape_cast %swap3A_1092 : vector<1x16xi32> to vector<16xi32>
      %swap3A_1094 = vector.shape_cast %and3A_1088 : vector<16xi32> to vector<1x16xi32>
      tpu.vector_store %arg6[%swap3A_1090, %swap3A_1091], %swap3A_1094 {strides = array<i32>} : memref<4x64xi32, #tpu.memory_space<vmem>>, vector<1x16xi32>,
      %shift_right_arithmetic3A_1095 = arith.constant 16 : i32
      %shift_right_arithmetic3A_1096 = vector.broadcast %shift_right_arithmetic3A_1095 : i32 to vector<16xi32>
      %shift_right_arithmetic3A_1097 = arith.shrsi %get3A_1085, %shift_right_arithmetic3A_1096 : vector<16xi32>
      %swap3A_1098 = arith.constant 1 : i32
      %swap3A_1099 = arith.index_cast %swap3A_1098 : i32 to index
      %swap3A_1100 = arith.constant 0 : index
      %swap3A_1101 = tpu.vector_load %arg7[%swap3A_1099, %swap3A_1100] {strides = array<i32>} : memref<4x64xi32, #tpu.memory_space<vmem>>, vector<1x16xi32>,
      %swap3A_1102 = vector.shape_cast %swap3A_1101 : vector<1x16xi32> to vector<16xi32>
      %swap3A_1103 = vector.shape_cast %shift_right_arithmetic3A_1097 : vector<16xi32> to vector<1x16xi32>
      tpu.vector_store %arg7[%swap3A_1099, %swap3A_1100], %swap3A_1103 {strides = array<i32>} : memref<4x64xi32, #tpu.memory_space<vmem>>, vector<1x16xi32>,
      %mul3A_1104 = arith.constant 64 : i32
      %mul3A_1105 = arith.muli %add3A_1078, %mul3A_1104 : i32
      %add3A_1106 = arith.constant 16 : i32
      %add3A_1107 = arith.addi %mul3A_1105, %add3A_1106 : i32
      %get3A_1108 = arith.index_cast %add3A_1107 : i32 to index
      %get3A_1109 = tpu.vector_load %arg5[%get3A_1108] {strides = array<i32>} : memref<10368xi32, #tpu.memory_space<vmem>>, vector<16xi32>,
      %get3A_1110 = vector.shape_cast %get3A_1109 : vector<16xi32> to vector<16xi32>
      %and3A_1111 = arith.constant 65535 : i32
      %and3A_1112 = vector.broadcast %and3A_1111 : i32 to vector<16xi32>
      %and3A_1113 = arith.andi %get3A_1110, %and3A_1112 : vector<16xi32>
      %swap3A_1114 = arith.constant 1 : i32
      %swap3A_1115 = arith.index_cast %swap3A_1114 : i32 to index
      %swap3A_1116 = arith.constant 16 : index
      %swap3A_1117 = tpu.vector_load %arg6[%swap3A_1115, %swap3A_1116] {strides = array<i32>} : memref<4x64xi32, #tpu.memory_space<vmem>>, vector<1x16xi32>,
      %swap3A_1118 = vector.shape_cast %swap3A_1117 : vector<1x16xi32> to vector<16xi32>
      %swap3A_1119 = vector.shape_cast %and3A_1113 : vector<16xi32> to vector<1x16xi32>
      tpu.vector_store %arg6[%swap3A_1115, %swap3A_1116], %swap3A_1119 {strides = array<i32>} : memref<4x64xi32, #tpu.memory_space<vmem>>, vector<1x16xi32>,
      %shift_right_arithmetic3A_1120 = arith.constant 16 : i32
      %shift_right_arithmetic3A_1121 = vector.broadcast %shift_right_arithmetic3A_1120 : i32 to vector<16xi32>
      %shift_right_arithmetic3A_1122 = arith.shrsi %get3A_1110, %shift_right_arithmetic3A_1121 : vector<16xi32>
      %swap3A_1123 = arith.constant 1 : i32
      %swap3A_1124 = arith.index_cast %swap3A_1123 : i32 to index
      %swap3A_1125 = arith.constant 16 : index
      %swap3A_1126 = tpu.vector_load %arg7[%swap3A_1124, %swap3A_1125] {strides = array<i32>} : memref<4x64xi32, #tpu.memory_space<vmem>>, vector<1x16xi32>,
      %swap3A_1127 = vector.shape_cast %swap3A_1126 : vector<1x16xi32> to vector<16xi32>
      %swap3A_1128 = vector.shape_cast %shift_right_arithmetic3A_1122 : vector<16xi32> to vector<1x16xi32>
      tpu.vector_store %arg7[%swap3A_1124, %swap3A_1125], %swap3A_1128 {strides = array<i32>} : memref<4x64xi32, #tpu.memory_space<vmem>>, vector<1x16xi32>,
      %mul3A_1129 = arith.constant 64 : i32
      %mul3A_1130 = arith.muli %add3A_1078, %mul3A_1129 : i32
      %add3A_1131 = arith.constant 32 : i32
      %add3A_1132 = arith.addi %mul3A_1130, %add3A_1131 : i32
      %get3A_1133 = arith.index_cast %add3A_1132 : i32 to index
      %get3A_1134 = tpu.vector_load %arg5[%get3A_1133] {strides = array<i32>} : memref<10368xi32, #tpu.memory_space<vmem>>, vector<16xi32>,
      %get3A_1135 = vector.shape_cast %get3A_1134 : vector<16xi32> to vector<16xi32>
      %and3A_1136 = arith.constant 65535 : i32
      %and3A_1137 = vector.broadcast %and3A_1136 : i32 to vector<16xi32>
      %and3A_1138 = arith.andi %get3A_1135, %and3A_1137 : vector<16xi32>
      %swap3A_1139 = arith.constant 1 : i32
      %swap3A_1140 = arith.index_cast %swap3A_1139 : i32 to index
      %swap3A_1141 = arith.constant 32 : index
      %swap3A_1142 = tpu.vector_load %arg6[%swap3A_1140, %swap3A_1141] {strides = array<i32>} : memref<4x64xi32, #tpu.memory_space<vmem>>, vector<1x16xi32>,
      %swap3A_1143 = vector.shape_cast %swap3A_1142 : vector<1x16xi32> to vector<16xi32>
      %swap3A_1144 = vector.shape_cast %and3A_1138 : vector<16xi32> to vector<1x16xi32>
      tpu.vector_store %arg6[%swap3A_1140, %swap3A_1141], %swap3A_1144 {strides = array<i32>} : memref<4x64xi32, #tpu.memory_space<vmem>>, vector<1x16xi32>,
      %shift_right_arithmetic3A_1145 = arith.constant 16 : i32
      %shift_right_arithmetic3A_1146 = vector.broadcast %shift_right_arithmetic3A_1145 : i32 to vector<16xi32>
      %shift_right_arithmetic3A_1147 = arith.shrsi %get3A_1135, %shift_right_arithmetic3A_1146 : vector<16xi32>
      %swap3A_1148 = arith.constant 1 : i32
      %swap3A_1149 = arith.index_cast %swap3A_1148 : i32 to index
      %swap3A_1150 = arith.constant 32 : index
      %swap3A_1151 = tpu.vector_load %arg7[%swap3A_1149, %swap3A_1150] {strides = array<i32>} : memref<4x64xi32, #tpu.memory_space<vmem>>, vector<1x16xi32>,
      %swap3A_1152 = vector.shape_cast %swap3A_1151 : vector<1x16xi32> to vector<16xi32>
      %swap3A_1153 = vector.shape_cast %shift_right_arithmetic3A_1147 : vector<16xi32> to vector<1x16xi32>
      tpu.vector_store %arg7[%swap3A_1149, %swap3A_1150], %swap3A_1153 {strides = array<i32>} : memref<4x64xi32, #tpu.memory_space<vmem>>, vector<1x16xi32>,
      %mul3A_1154 = arith.constant 64 : i32
      %mul3A_1155 = arith.muli %add3A_1078, %mul3A_1154 : i32
      %add3A_1156 = arith.constant 48 : i32
      %add3A_1157 = arith.addi %mul3A_1155, %add3A_1156 : i32
      %get3A_1158 = arith.index_cast %add3A_1157 : i32 to index
      %get3A_1159 = tpu.vector_load %arg5[%get3A_1158] {strides = array<i32>} : memref<10368xi32, #tpu.memory_space<vmem>>, vector<16xi32>,
      %get3A_1160 = vector.shape_cast %get3A_1159 : vector<16xi32> to vector<16xi32>
      %and3A_1161 = arith.constant 65535 : i32
      %and3A_1162 = vector.broadcast %and3A_1161 : i32 to vector<16xi32>
      %and3A_1163 = arith.andi %get3A_1160, %and3A_1162 : vector<16xi32>
      %swap3A_1164 = arith.constant 1 : i32
      %swap3A_1165 = arith.index_cast %swap3A_1164 : i32 to index
      %swap3A_1166 = arith.constant 48 : index
      %swap3A_1167 = tpu.vector_load %arg6[%swap3A_1165, %swap3A_1166] {strides = array<i32>} : memref<4x64xi32, #tpu.memory_space<vmem>>, vector<1x16xi32>,
      %swap3A_1168 = vector.shape_cast %swap3A_1167 : vector<1x16xi32> to vector<16xi32>
      %swap3A_1169 = vector.shape_cast %and3A_1163 : vector<16xi32> to vector<1x16xi32>
      tpu.vector_store %arg6[%swap3A_1165, %swap3A_1166], %swap3A_1169 {strides = array<i32>} : memref<4x64xi32, #tpu.memory_space<vmem>>, vector<1x16xi32>,
      %shift_right_arithmetic3A_1170 = arith.constant 16 : i32
      %shift_right_arithmetic3A_1171 = vector.broadcast %shift_right_arithmetic3A_1170 : i32 to vector<16xi32>
      %shift_right_arithmetic3A_1172 = arith.shrsi %get3A_1160, %shift_right_arithmetic3A_1171 : vector<16xi32>
      %swap3A_1173 = arith.constant 1 : i32
      %swap3A_1174 = arith.index_cast %swap3A_1173 : i32 to index
      %swap3A_1175 = arith.constant 48 : index
      %swap3A_1176 = tpu.vector_load %arg7[%swap3A_1174, %swap3A_1175] {strides = array<i32>} : memref<4x64xi32, #tpu.memory_space<vmem>>, vector<1x16xi32>,
      %swap3A_1177 = vector.shape_cast %swap3A_1176 : vector<1x16xi32> to vector<16xi32>
      %swap3A_1178 = vector.shape_cast %shift_right_arithmetic3A_1172 : vector<16xi32> to vector<1x16xi32>
      tpu.vector_store %arg7[%swap3A_1174, %swap3A_1175], %swap3A_1178 {strides = array<i32>} : memref<4x64xi32, #tpu.memory_space<vmem>>, vector<1x16xi32>,
      %dma_start3A_1179 = arith.constant 1 : i32
      %dma_start3A_1180 = arith.constant 0 : i32
      %dma_start3A_1181 = tpu.memref_slice %arg6[%dma_start3A_1179, %dma_start3A_1180] : memref<4x64xi32, #tpu.memory_space<vmem>> -> memref<1x64xi32, #tpu.memory_space<vmem>>
      %dma_start3A_1182 = tpu.memref_squeeze %dma_start3A_1181 : memref<1x64xi32, #tpu.memory_space<vmem>> -> memref<64xi32, #tpu.memory_space<vmem>>
      %dma_start3A_1183 = arith.constant 0 : i32
      %dma_start3A_1184 = arith.constant 0 : i32
      %dma_start3A_1185 = tpu.memref_slice %arg2[%dma_start3A_1183, %dma_start3A_1184] : memref<10000x128xf32, #tpu.memory_space<hbm>> -> memref<10000x128xf32, #tpu.memory_space<hbm>>
      tpu.enqueue_indirect_dma source(%dma_start3A_1185 : memref<10000x128xf32, #tpu.memory_space<hbm>>) target(%arg9 : memref<64x128xf32, #tpu.memory_space<vmem>>) offsets(%dma_start3A_1182 : memref<64xi32, #tpu.memory_space<vmem>>) semaphore(%arg14 : memref<!tpu.dma_semaphore, #tpu.memory_space<semaphore_mem>>)
    }
    %scan3A_618 = arith.constant 39 : i32
    %dma_wait3A_619 = arith.constant 2 : i32
    %dma_wait3A_620 = arith.constant 0 : i32
    %dma_wait3A_621 = tpu.memref_slice %arg7[%dma_wait3A_619, %dma_wait3A_620] : memref<4x64xi32, #tpu.memory_space<vmem>> -> memref<1x64xi32, #tpu.memory_space<vmem>>
    %dma_wait3A_622 = tpu.memref_squeeze %dma_wait3A_621 : memref<1x64xi32, #tpu.memory_space<vmem>> -> memref<64xi32, #tpu.memory_space<vmem>>
    %dma_wait3A_623 = arith.constant 0 : i32
    %dma_wait3A_624 = arith.constant 0 : i32
    %dma_wait3A_625 = tpu.memref_slice %arg12[%dma_wait3A_623, %dma_wait3A_624] : memref<10016x128xf32, #tpu.memory_space<vmem_shared>> -> memref<10016x128xf32, #tpu.memory_space<vmem_shared>>
    tpu.wait_indirect_dma semaphore(%arg19 : memref<!tpu.dma_semaphore, #tpu.memory_space<semaphore_mem>>) src(%arg10 : memref<64x128xf32, #tpu.memory_space<vmem>>) dst(%dma_wait3A_625 : memref<10016x128xf32, #tpu.memory_space<vmem_shared>>)
    %dma_wait3A_626 = arith.constant 3 : i32
    %dma_wait3A_627 = arith.constant 0 : i32
    %dma_wait3A_628 = tpu.memref_slice %arg7[%dma_wait3A_626, %dma_wait3A_627] : memref<4x64xi32, #tpu.memory_space<vmem>> -> memref<1x64xi32, #tpu.memory_space<vmem>>
    %dma_wait3A_629 = tpu.memref_squeeze %dma_wait3A_628 : memref<1x64xi32, #tpu.memory_space<vmem>> -> memref<64xi32, #tpu.memory_space<vmem>>
    %dma_wait3A_630 = arith.constant 0 : i32
    %dma_wait3A_631 = arith.constant 0 : i32
    %dma_wait3A_632 = tpu.memref_slice %arg12[%dma_wait3A_630, %dma_wait3A_631] : memref<10016x128xf32, #tpu.memory_space<vmem_shared>> -> memref<10016x128xf32, #tpu.memory_space<vmem_shared>>
    tpu.wait_indirect_dma semaphore(%arg20 : memref<!tpu.dma_semaphore, #tpu.memory_space<semaphore_mem>>) src(%arg11 : memref<64x128xf32, #tpu.memory_space<vmem>>) dst(%dma_wait3A_632 : memref<10016x128xf32, #tpu.memory_space<vmem_shared>>)
    %dma_wait3A_633 = arith.constant 0 : i32
    %dma_wait3A_634 = arith.constant 0 : i32
    %dma_wait3A_635 = tpu.memref_slice %arg6[%dma_wait3A_633, %dma_wait3A_634] : memref<4x64xi32, #tpu.memory_space<vmem>> -> memref<1x64xi32, #tpu.memory_space<vmem>>
    %dma_wait3A_636 = tpu.memref_squeeze %dma_wait3A_635 : memref<1x64xi32, #tpu.memory_space<vmem>> -> memref<64xi32, #tpu.memory_space<vmem>>
    %dma_wait3A_637 = arith.constant 0 : i32
    %dma_wait3A_638 = arith.constant 0 : i32
    %dma_wait3A_639 = tpu.memref_slice %arg2[%dma_wait3A_637, %dma_wait3A_638] : memref<10000x128xf32, #tpu.memory_space<hbm>> -> memref<10000x128xf32, #tpu.memory_space<hbm>>
    tpu.wait_indirect_dma semaphore(%arg13 : memref<!tpu.dma_semaphore, #tpu.memory_space<semaphore_mem>>) src(%dma_wait3A_639 : memref<10000x128xf32, #tpu.memory_space<hbm>>) dst(%arg8 : memref<64x128xf32, #tpu.memory_space<vmem>>)
    %dma_wait3A_640 = arith.constant 1 : i32
    %dma_wait3A_641 = arith.constant 0 : i32
    %dma_wait3A_642 = tpu.memref_slice %arg6[%dma_wait3A_640, %dma_wait3A_641] : memref<4x64xi32, #tpu.memory_space<vmem>> -> memref<1x64xi32, #tpu.memory_space<vmem>>
    %dma_wait3A_643 = tpu.memref_squeeze %dma_wait3A_642 : memref<1x64xi32, #tpu.memory_space<vmem>> -> memref<64xi32, #tpu.memory_space<vmem>>
    %dma_wait3A_644 = arith.constant 0 : i32
    %dma_wait3A_645 = arith.constant 0 : i32
    %dma_wait3A_646 = tpu.memref_slice %arg2[%dma_wait3A_644, %dma_wait3A_645] : memref<10000x128xf32, #tpu.memory_space<hbm>> -> memref<10000x128xf32, #tpu.memory_space<hbm>>
    tpu.wait_indirect_dma semaphore(%arg14 : memref<!tpu.dma_semaphore, #tpu.memory_space<semaphore_mem>>) src(%dma_wait3A_646 : memref<10000x128xf32, #tpu.memory_space<hbm>>) dst(%arg9 : memref<64x128xf32, #tpu.memory_space<vmem>>)
    %barrier3A_647 = arith.constant 0 : index
    tpu.barrier barrier_id(%barrier3A_647)
    "tpu.region"() ({
      %run_scoped3A = tpu.sem_alloc : memref<!tpu.dma_semaphore, #tpu.memory_space<semaphore_mem>>
      %dma_start3A_653 = arith.constant 0 : i32
      %dma_start3A_654 = tpu.memref_slice %arg4[%arg0, %mul3A_2, %dma_start3A_653] : memref<2x10000x128xf32, #tpu.memory_space<hbm>> -> memref<1x624x128xf32, #tpu.memory_space<hbm>>
      %dma_start3A_655 = tpu.memref_squeeze %dma_start3A_654 : memref<1x624x128xf32, #tpu.memory_space<hbm>> -> memref<624x128xf32, #tpu.memory_space<hbm>>
      %dma_start3A_656 = arith.constant 0 : i32
      %dma_start3A_657 = tpu.memref_slice %arg12[%mul3A_2, %dma_start3A_656] : memref<10016x128xf32, #tpu.memory_space<vmem_shared>> -> memref<624x128xf32, #tpu.memory_space<vmem_shared>>
      tpu.enqueue_dma source(%dma_start3A_657 : memref<624x128xf32, #tpu.memory_space<vmem_shared>>) target(%dma_start3A_655 : memref<624x128xf32, #tpu.memory_space<hbm>>) target_semaphore(%run_scoped3A : memref<!tpu.dma_semaphore, #tpu.memory_space<semaphore_mem>>)
      %dma_wait3A_658 = arith.constant 0 : i32
      %dma_wait3A_659 = tpu.memref_slice %arg4[%arg0, %mul3A_2, %dma_wait3A_658] : memref<2x10000x128xf32, #tpu.memory_space<hbm>> -> memref<1x624x128xf32, #tpu.memory_space<hbm>>
      %dma_wait3A_660 = tpu.memref_squeeze %dma_wait3A_659 : memref<1x624x128xf32, #tpu.memory_space<hbm>> -> memref<624x128xf32, #tpu.memory_space<hbm>>
      %dma_wait3A_661 = arith.constant 0 : i32
      %dma_wait3A_662 = tpu.memref_slice %arg12[%mul3A_2, %dma_wait3A_661] : memref<10016x128xf32, #tpu.memory_space<vmem_shared>> -> memref<624x128xf32, #tpu.memory_space<vmem_shared>>
      tpu.wait_dma2 semaphore(%run_scoped3A : memref<!tpu.dma_semaphore, #tpu.memory_space<semaphore_mem>>) src(%dma_wait3A_662 : memref<624x128xf32, #tpu.memory_space<vmem_shared>>) dst(%dma_wait3A_660 : memref<624x128xf32, #tpu.memory_space<hbm>>)
      tpu.yield
    }) : () -> ()
    %eq3A_648 = arith.constant 15 : i32
    %eq3A_649 = arith.cmpi eq, %arg1, %eq3A_648 : i32
    %convert_element_type3A_650 = arith.extui %eq3A_649 : i1 to i32
    %cond3A_651 = arith.constant 0 : i32
    %cond3A_652 = arith.cmpi ne, %convert_element_type3A_650, %cond3A_651 : i32
    scf.if %cond3A_652 {
      "tpu.region"() ({
        %run_scoped3A = tpu.sem_alloc : memref<!tpu.dma_semaphore, #tpu.memory_space<semaphore_mem>>
        %dma_start3A_653 = arith.constant 9984 : i32
        %dma_start3A_654 = arith.constant 0 : i32
        %dma_start3A_655 = tpu.memref_slice %arg4[%arg0, %dma_start3A_653, %dma_start3A_654] : memref<2x10000x128xf32, #tpu.memory_space<hbm>> -> memref<1x16x128xf32, #tpu.memory_space<hbm>>
        %dma_start3A_656 = tpu.memref_squeeze %dma_start3A_655 : memref<1x16x128xf32, #tpu.memory_space<hbm>> -> memref<16x128xf32, #tpu.memory_space<hbm>>
        %dma_start3A_657 = arith.constant 9984 : i32
        %dma_start3A_658 = arith.constant 0 : i32
        %dma_start3A_659 = tpu.memref_slice %arg12[%dma_start3A_657, %dma_start3A_658] : memref<10016x128xf32, #tpu.memory_space<vmem_shared>> -> memref<16x128xf32, #tpu.memory_space<vmem_shared>>
        tpu.enqueue_dma source(%dma_start3A_659 : memref<16x128xf32, #tpu.memory_space<vmem_shared>>) target(%dma_start3A_656 : memref<16x128xf32, #tpu.memory_space<hbm>>) target_semaphore(%run_scoped3A : memref<!tpu.dma_semaphore, #tpu.memory_space<semaphore_mem>>)
        %dma_wait3A_660 = arith.constant 9984 : i32
        %dma_wait3A_661 = arith.constant 0 : i32
        %dma_wait3A_662 = tpu.memref_slice %arg4[%arg0, %dma_wait3A_660, %dma_wait3A_661] : memref<2x10000x128xf32, #tpu.memory_space<hbm>> -> memref<1x16x128xf32, #tpu.memory_space<hbm>>
        %dma_wait3A_663 = tpu.memref_squeeze %dma_wait3A_662 : memref<1x16x128xf32, #tpu.memory_space<hbm>> -> memref<16x128xf32, #tpu.memory_space<hbm>>
        %dma_wait3A_664 = arith.constant 9984 : i32
        %dma_wait3A_665 = arith.constant 0 : i32
        %dma_wait3A_666 = tpu.memref_slice %arg12[%dma_wait3A_664, %dma_wait3A_665] : memref<10016x128xf32, #tpu.memory_space<vmem_shared>> -> memref<16x128xf32, #tpu.memory_space<vmem_shared>>
        tpu.wait_dma2 semaphore(%run_scoped3A : memref<!tpu.dma_semaphore, #tpu.memory_space<semaphore_mem>>) src(%dma_wait3A_666 : memref<16x128xf32, #tpu.memory_space<vmem_shared>>) dst(%dma_wait3A_663 : memref<16x128xf32, #tpu.memory_space<hbm>>)
        tpu.yield
      }) : () -> ()
    } else {
    }
    return
  }
}

#map = affine_map<(d0, d1) -> (0, 0)>
#map1 = affine_map<(d0, d1) -> (0, 0, 0)>
module attributes {stable_mosaic.version = 14 : i64} {
  func.func @_sc_edge_agg(%arg0: i32, %arg1: i32, %arg2: memref<10000x128xf32, #tpu.memory_space<hbm>>, %arg3: memref<32x10368xi32, #tpu.memory_space<hbm>>, %arg4: memref<2x10000x128xf32, #tpu.memory_space<hbm>>, %arg5: memref<10368xi32, #tpu.memory_space<vmem>>, %arg6: memref<4x64xi32, #tpu.memory_space<vmem>>, %arg7: memref<4x64xi32, #tpu.memory_space<vmem>>, %arg8: memref<64x128xf32, #tpu.memory_space<vmem>>, %arg9: memref<64x128xf32, #tpu.memory_space<vmem>>, %arg10: memref<64x128xf32, #tpu.memory_space<vmem>>, %arg11: memref<64x128xf32, #tpu.memory_space<vmem>>, %arg12: memref<10016x128xf32, #tpu.memory_space<vmem_shared>>, %arg13: memref<!tpu.dma_semaphore, #tpu.memory_space<semaphore_mem>>, %arg14: memref<!tpu.dma_semaphore, #tpu.memory_space<semaphore_mem>>, %arg15: memref<!tpu.dma_semaphore, #tpu.memory_space<semaphore_mem>>, %arg16: memref<!tpu.dma_semaphore, #tpu.memory_space<semaphore_mem>>, %arg17: memref<!tpu.dma_semaphore, #tpu.memory_space<semaphore_mem>>, %arg18: memref<!tpu.dma_semaphore, #tpu.memory_space<semaphore_mem>>, %arg19: memref<!tpu.dma_semaphore, #tpu.memory_space<semaphore_mem>>, %arg20: memref<!tpu.dma_semaphore, #tpu.memory_space<semaphore_mem>>) attributes {dimension_semantics = [#tpu.dimension_semantics<core_parallel>, #tpu.dimension_semantics<subcore_parallel>], iteration_bounds = array<i64: 2, 16>, scalar_prefetch = 0 : i64, scratch_operands = 16 : i64, tpu.core_type = #tpu.core_type<sc_vector_subcore>, window_params = [{transform_indices = #map}, {transform_indices = #map}, {transform_indices = #map1}]} {
    %mul3A = arith.constant 16 : i32
    %mul3A_0 = arith.muli %arg0, %mul3A : i32
    %add3A = arith.addi %mul3A_0, %arg1 : i32
    %mul3A_1 = arith.constant 624 : i32
    %mul3A_2 = arith.muli %arg1, %mul3A_1 : i32
    "tpu.region"() ({
      %run_scoped3A = tpu.sem_alloc : memref<!tpu.dma_semaphore, #tpu.memory_space<semaphore_mem>>
      %dma_start3A_653 = arith.constant 0 : i32
      %dma_start3A_654 = tpu.memref_slice %arg3[%add3A, %dma_start3A_653] : memref<32x10368xi32, #tpu.memory_space<hbm>> -> memref<1x10368xi32, #tpu.memory_space<hbm>>
      %dma_start3A_655 = tpu.memref_squeeze %dma_start3A_654 : memref<1x10368xi32, #tpu.memory_space<hbm>> -> memref<10368xi32, #tpu.memory_space<hbm>>
      %dma_start3A_656 = arith.constant 0 : i32
      %dma_start3A_657 = tpu.memref_slice %arg3[%add3A, %dma_start3A_656] : memref<32x10368xi32, #tpu.memory_space<hbm>> -> memref<1x10368xi32, #tpu.memory_space<hbm>>
      %dma_start3A_658 = tpu.memref_squeeze %dma_start3A_657 : memref<1x10368xi32, #tpu.memory_space<hbm>> -> memref<10368xi32, #tpu.memory_space<hbm>>
      tpu.enqueue_dma source(%dma_start3A_658 : memref<10368xi32, #tpu.memory_space<hbm>>) target(%arg5 : memref<10368xi32, #tpu.memory_space<vmem>>) target_semaphore(%run_scoped3A : memref<!tpu.dma_semaphore, #tpu.memory_space<semaphore_mem>>)
      %dma_wait3A_659 = arith.constant 0 : i32
      %dma_wait3A_660 = tpu.memref_slice %arg3[%add3A, %dma_wait3A_659] : memref<32x10368xi32, #tpu.memory_space<hbm>> -> memref<1x10368xi32, #tpu.memory_space<hbm>>
      %dma_wait3A_661 = tpu.memref_squeeze %dma_wait3A_660 : memref<1x10368xi32, #tpu.memory_space<hbm>> -> memref<10368xi32, #tpu.memory_space<hbm>>
      %dma_wait3A_662 = arith.constant 0 : i32
      %dma_wait3A_663 = tpu.memref_slice %arg3[%add3A, %dma_wait3A_662] : memref<32x10368xi32, #tpu.memory_space<hbm>> -> memref<1x10368xi32, #tpu.memory_space<hbm>>
      %dma_wait3A_664 = tpu.memref_squeeze %dma_wait3A_663 : memref<1x10368xi32, #tpu.memory_space<hbm>> -> memref<10368xi32, #tpu.memory_space<hbm>>
      tpu.wait_dma2 semaphore(%run_scoped3A : memref<!tpu.dma_semaphore, #tpu.memory_space<semaphore_mem>>) src(%dma_wait3A_664 : memref<10368xi32, #tpu.memory_space<hbm>>) dst(%arg5 : memref<10368xi32, #tpu.memory_space<vmem>>)
      tpu.yield
    }) : () -> ()
    "tpu.region"() ({
      %run_scoped3A = tpu.sem_alloc : memref<!tpu.dma_semaphore, #tpu.memory_space<semaphore_mem>>
      %dma_start3A_653 = arith.constant 0 : i32
      %dma_start3A_654 = tpu.memref_slice %arg12[%mul3A_2, %dma_start3A_653] : memref<10016x128xf32, #tpu.memory_space<vmem_shared>> -> memref<624x128xf32, #tpu.memory_space<vmem_shared>>
      %dma_start3A_655 = arith.constant 0 : i32
      %dma_start3A_656 = tpu.memref_slice %arg2[%mul3A_2, %dma_start3A_655] : memref<10000x128xf32, #tpu.memory_space<hbm>> -> memref<624x128xf32, #tpu.memory_space<hbm>>
      tpu.enqueue_dma source(%dma_start3A_656 : memref<624x128xf32, #tpu.memory_space<hbm>>) target(%dma_start3A_654 : memref<624x128xf32, #tpu.memory_space<vmem_shared>>) target_semaphore(%run_scoped3A : memref<!tpu.dma_semaphore, #tpu.memory_space<semaphore_mem>>)
      %dma_wait3A_657 = arith.constant 0 : i32
      %dma_wait3A_658 = tpu.memref_slice %arg12[%mul3A_2, %dma_wait3A_657] : memref<10016x128xf32, #tpu.memory_space<vmem_shared>> -> memref<624x128xf32, #tpu.memory_space<vmem_shared>>
      %dma_wait3A_659 = arith.constant 0 : i32
      %dma_wait3A_660 = tpu.memref_slice %arg2[%mul3A_2, %dma_wait3A_659] : memref<10000x128xf32, #tpu.memory_space<hbm>> -> memref<624x128xf32, #tpu.memory_space<hbm>>
      tpu.wait_dma2 semaphore(%run_scoped3A : memref<!tpu.dma_semaphore, #tpu.memory_space<semaphore_mem>>) src(%dma_wait3A_660 : memref<624x128xf32, #tpu.memory_space<hbm>>) dst(%dma_wait3A_658 : memref<624x128xf32, #tpu.memory_space<vmem_shared>>)
      tpu.yield
    }) : () -> ()
    %eq3A = arith.constant 15 : i32
    %eq3A_3 = arith.cmpi eq, %arg1, %eq3A : i32
    %convert_element_type3A = arith.extui %eq3A_3 : i1 to i32
    %cond3A = arith.constant 0 : i32
    %cond3A_4 = arith.cmpi ne, %convert_element_type3A, %cond3A : i32
    scf.if %cond3A_4 {
      "tpu.region"() ({
        %run_scoped3A = tpu.sem_alloc : memref<!tpu.dma_semaphore, #tpu.memory_space<semaphore_mem>>
        %dma_start3A_653 = arith.constant 9984 : i32
        %dma_start3A_654 = arith.constant 0 : i32
        %dma_start3A_655 = tpu.memref_slice %arg12[%dma_start3A_653, %dma_start3A_654] : memref<10016x128xf32, #tpu.memory_space<vmem_shared>> -> memref<16x128xf32, #tpu.memory_space<vmem_shared>>
        %dma_start3A_656 = arith.constant 9984 : i32
        %dma_start3A_657 = arith.constant 0 : i32
        %dma_start3A_658 = tpu.memref_slice %arg2[%dma_start3A_656, %dma_start3A_657] : memref<10000x128xf32, #tpu.memory_space<hbm>> -> memref<16x128xf32, #tpu.memory_space<hbm>>
        tpu.enqueue_dma source(%dma_start3A_658 : memref<16x128xf32, #tpu.memory_space<hbm>>) target(%dma_start3A_655 : memref<16x128xf32, #tpu.memory_space<vmem_shared>>) target_semaphore(%run_scoped3A : memref<!tpu.dma_semaphore, #tpu.memory_space<semaphore_mem>>)
        %dma_wait3A_659 = arith.constant 9984 : i32
        %dma_wait3A_660 = arith.constant 0 : i32
        %dma_wait3A_661 = tpu.memref_slice %arg12[%dma_wait3A_659, %dma_wait3A_660] : memref<10016x128xf32, #tpu.memory_space<vmem_shared>> -> memref<16x128xf32, #tpu.memory_space<vmem_shared>>
        %dma_wait3A_662 = arith.constant 9984 : i32
        %dma_wait3A_663 = arith.constant 0 : i32
        %dma_wait3A_664 = tpu.memref_slice %arg2[%dma_wait3A_662, %dma_wait3A_663] : memref<10000x128xf32, #tpu.memory_space<hbm>> -> memref<16x128xf32, #tpu.memory_space<hbm>>
        tpu.wait_dma2 semaphore(%run_scoped3A : memref<!tpu.dma_semaphore, #tpu.memory_space<semaphore_mem>>) src(%dma_wait3A_664 : memref<16x128xf32, #tpu.memory_space<hbm>>) dst(%dma_wait3A_661 : memref<16x128xf32, #tpu.memory_space<vmem_shared>>)
        tpu.yield
      }) : () -> ()
    } else {
    }
    %barrier3A = arith.constant 0 : index
    tpu.barrier barrier_id(%barrier3A)
    %get3A = arith.constant 0 : index
    %get3A_5 = tpu.vector_load %arg5[%get3A] {strides = array<i32>} : memref<10368xi32, #tpu.memory_space<vmem>>, vector<16xi32>,
    %get3A_6 = vector.shape_cast %get3A_5 : vector<16xi32> to vector<16xi32>
    %and3A = arith.constant 65535 : i32
    %and3A_7 = vector.broadcast %and3A : i32 to vector<16xi32>
    %and3A_8 = arith.andi %get3A_6, %and3A_7 : vector<16xi32>
    %swap3A = arith.constant 0 : i32
    %swap3A_9 = arith.index_cast %swap3A : i32 to index
    %swap3A_10 = arith.constant 0 : index
    %swap3A_11 = tpu.vector_load %arg6[%swap3A_9, %swap3A_10] {strides = array<i32>} : memref<4x64xi32, #tpu.memory_space<vmem>>, vector<1x16xi32>,
    %swap3A_12 = vector.shape_cast %swap3A_11 : vector<1x16xi32> to vector<16xi32>
    %swap3A_13 = vector.shape_cast %and3A_8 : vector<16xi32> to vector<1x16xi32>
    tpu.vector_store %arg6[%swap3A_9, %swap3A_10], %swap3A_13 {strides = array<i32>} : memref<4x64xi32, #tpu.memory_space<vmem>>, vector<1x16xi32>,
    %shift_right_arithmetic3A = arith.constant 16 : i32
    %shift_right_arithmetic3A_14 = vector.broadcast %shift_right_arithmetic3A : i32 to vector<16xi32>
    %shift_right_arithmetic3A_15 = arith.shrsi %get3A_6, %shift_right_arithmetic3A_14 : vector<16xi32>
    %swap3A_16 = arith.constant 0 : i32
    %swap3A_17 = arith.index_cast %swap3A_16 : i32 to index
    %swap3A_18 = arith.constant 0 : index
    %swap3A_19 = tpu.vector_load %arg7[%swap3A_17, %swap3A_18] {strides = array<i32>} : memref<4x64xi32, #tpu.memory_space<vmem>>, vector<1x16xi32>,
    %swap3A_20 = vector.shape_cast %swap3A_19 : vector<1x16xi32> to vector<16xi32>
    %swap3A_21 = vector.shape_cast %shift_right_arithmetic3A_15 : vector<16xi32> to vector<1x16xi32>
    tpu.vector_store %arg7[%swap3A_17, %swap3A_18], %swap3A_21 {strides = array<i32>} : memref<4x64xi32, #tpu.memory_space<vmem>>, vector<1x16xi32>,
    %get3A_22 = arith.constant 16 : index
    %get3A_23 = tpu.vector_load %arg5[%get3A_22] {strides = array<i32>} : memref<10368xi32, #tpu.memory_space<vmem>>, vector<16xi32>,
    %get3A_24 = vector.shape_cast %get3A_23 : vector<16xi32> to vector<16xi32>
    %and3A_25 = arith.constant 65535 : i32
    %and3A_26 = vector.broadcast %and3A_25 : i32 to vector<16xi32>
    %and3A_27 = arith.andi %get3A_24, %and3A_26 : vector<16xi32>
    %swap3A_28 = arith.constant 0 : i32
    %swap3A_29 = arith.index_cast %swap3A_28 : i32 to index
    %swap3A_30 = arith.constant 16 : index
    %swap3A_31 = tpu.vector_load %arg6[%swap3A_29, %swap3A_30] {strides = array<i32>} : memref<4x64xi32, #tpu.memory_space<vmem>>, vector<1x16xi32>,
    %swap3A_32 = vector.shape_cast %swap3A_31 : vector<1x16xi32> to vector<16xi32>
    %swap3A_33 = vector.shape_cast %and3A_27 : vector<16xi32> to vector<1x16xi32>
    tpu.vector_store %arg6[%swap3A_29, %swap3A_30], %swap3A_33 {strides = array<i32>} : memref<4x64xi32, #tpu.memory_space<vmem>>, vector<1x16xi32>,
    %shift_right_arithmetic3A_34 = arith.constant 16 : i32
    %shift_right_arithmetic3A_35 = vector.broadcast %shift_right_arithmetic3A_34 : i32 to vector<16xi32>
    %shift_right_arithmetic3A_36 = arith.shrsi %get3A_24, %shift_right_arithmetic3A_35 : vector<16xi32>
    %swap3A_37 = arith.constant 0 : i32
    %swap3A_38 = arith.index_cast %swap3A_37 : i32 to index
    %swap3A_39 = arith.constant 16 : index
    %swap3A_40 = tpu.vector_load %arg7[%swap3A_38, %swap3A_39] {strides = array<i32>} : memref<4x64xi32, #tpu.memory_space<vmem>>, vector<1x16xi32>,
    %swap3A_41 = vector.shape_cast %swap3A_40 : vector<1x16xi32> to vector<16xi32>
    %swap3A_42 = vector.shape_cast %shift_right_arithmetic3A_36 : vector<16xi32> to vector<1x16xi32>
    tpu.vector_store %arg7[%swap3A_38, %swap3A_39], %swap3A_42 {strides = array<i32>} : memref<4x64xi32, #tpu.memory_space<vmem>>, vector<1x16xi32>,
    %get3A_43 = arith.constant 32 : index
    %get3A_44 = tpu.vector_load %arg5[%get3A_43] {strides = array<i32>} : memref<10368xi32, #tpu.memory_space<vmem>>, vector<16xi32>,
    %get3A_45 = vector.shape_cast %get3A_44 : vector<16xi32> to vector<16xi32>
    %and3A_46 = arith.constant 65535 : i32
    %and3A_47 = vector.broadcast %and3A_46 : i32 to vector<16xi32>
    %and3A_48 = arith.andi %get3A_45, %and3A_47 : vector<16xi32>
    %swap3A_49 = arith.constant 0 : i32
    %swap3A_50 = arith.index_cast %swap3A_49 : i32 to index
    %swap3A_51 = arith.constant 32 : index
    %swap3A_52 = tpu.vector_load %arg6[%swap3A_50, %swap3A_51] {strides = array<i32>} : memref<4x64xi32, #tpu.memory_space<vmem>>, vector<1x16xi32>,
    %swap3A_53 = vector.shape_cast %swap3A_52 : vector<1x16xi32> to vector<16xi32>
    %swap3A_54 = vector.shape_cast %and3A_48 : vector<16xi32> to vector<1x16xi32>
    tpu.vector_store %arg6[%swap3A_50, %swap3A_51], %swap3A_54 {strides = array<i32>} : memref<4x64xi32, #tpu.memory_space<vmem>>, vector<1x16xi32>,
    %shift_right_arithmetic3A_55 = arith.constant 16 : i32
    %shift_right_arithmetic3A_56 = vector.broadcast %shift_right_arithmetic3A_55 : i32 to vector<16xi32>
    %shift_right_arithmetic3A_57 = arith.shrsi %get3A_45, %shift_right_arithmetic3A_56 : vector<16xi32>
    %swap3A_58 = arith.constant 0 : i32
    %swap3A_59 = arith.index_cast %swap3A_58 : i32 to index
    %swap3A_60 = arith.constant 32 : index
    %swap3A_61 = tpu.vector_load %arg7[%swap3A_59, %swap3A_60] {strides = array<i32>} : memref<4x64xi32, #tpu.memory_space<vmem>>, vector<1x16xi32>,
    %swap3A_62 = vector.shape_cast %swap3A_61 : vector<1x16xi32> to vector<16xi32>
    %swap3A_63 = vector.shape_cast %shift_right_arithmetic3A_57 : vector<16xi32> to vector<1x16xi32>
    tpu.vector_store %arg7[%swap3A_59, %swap3A_60], %swap3A_63 {strides = array<i32>} : memref<4x64xi32, #tpu.memory_space<vmem>>, vector<1x16xi32>,
    %get3A_64 = arith.constant 48 : index
    %get3A_65 = tpu.vector_load %arg5[%get3A_64] {strides = array<i32>} : memref<10368xi32, #tpu.memory_space<vmem>>, vector<16xi32>,
    %get3A_66 = vector.shape_cast %get3A_65 : vector<16xi32> to vector<16xi32>
    %and3A_67 = arith.constant 65535 : i32
    %and3A_68 = vector.broadcast %and3A_67 : i32 to vector<16xi32>
    %and3A_69 = arith.andi %get3A_66, %and3A_68 : vector<16xi32>
    %swap3A_70 = arith.constant 0 : i32
    %swap3A_71 = arith.index_cast %swap3A_70 : i32 to index
    %swap3A_72 = arith.constant 48 : index
    %swap3A_73 = tpu.vector_load %arg6[%swap3A_71, %swap3A_72] {strides = array<i32>} : memref<4x64xi32, #tpu.memory_space<vmem>>, vector<1x16xi32>,
    %swap3A_74 = vector.shape_cast %swap3A_73 : vector<1x16xi32> to vector<16xi32>
    %swap3A_75 = vector.shape_cast %and3A_69 : vector<16xi32> to vector<1x16xi32>
    tpu.vector_store %arg6[%swap3A_71, %swap3A_72], %swap3A_75 {strides = array<i32>} : memref<4x64xi32, #tpu.memory_space<vmem>>, vector<1x16xi32>,
    %shift_right_arithmetic3A_76 = arith.constant 16 : i32
    %shift_right_arithmetic3A_77 = vector.broadcast %shift_right_arithmetic3A_76 : i32 to vector<16xi32>
    %shift_right_arithmetic3A_78 = arith.shrsi %get3A_66, %shift_right_arithmetic3A_77 : vector<16xi32>
    %swap3A_79 = arith.constant 0 : i32
    %swap3A_80 = arith.index_cast %swap3A_79 : i32 to index
    %swap3A_81 = arith.constant 48 : index
    %swap3A_82 = tpu.vector_load %arg7[%swap3A_80, %swap3A_81] {strides = array<i32>} : memref<4x64xi32, #tpu.memory_space<vmem>>, vector<1x16xi32>,
    %swap3A_83 = vector.shape_cast %swap3A_82 : vector<1x16xi32> to vector<16xi32>
    %swap3A_84 = vector.shape_cast %shift_right_arithmetic3A_78 : vector<16xi32> to vector<1x16xi32>
    tpu.vector_store %arg7[%swap3A_80, %swap3A_81], %swap3A_84 {strides = array<i32>} : memref<4x64xi32, #tpu.memory_space<vmem>>, vector<1x16xi32>,
    %dma_start3A = arith.constant 0 : i32
    %dma_start3A_85 = arith.constant 0 : i32
    %dma_start3A_86 = tpu.memref_slice %arg6[%dma_start3A, %dma_start3A_85] : memref<4x64xi32, #tpu.memory_space<vmem>> -> memref<1x64xi32, #tpu.memory_space<vmem>>
    %dma_start3A_87 = tpu.memref_squeeze %dma_start3A_86 : memref<1x64xi32, #tpu.memory_space<vmem>> -> memref<64xi32, #tpu.memory_space<vmem>>
    %dma_start3A_88 = arith.constant 0 : i32
    %dma_start3A_89 = arith.constant 0 : i32
    %dma_start3A_90 = tpu.memref_slice %arg2[%dma_start3A_88, %dma_start3A_89] : memref<10000x128xf32, #tpu.memory_space<hbm>> -> memref<10000x128xf32, #tpu.memory_space<hbm>>
    tpu.enqueue_indirect_dma source(%dma_start3A_90 : memref<10000x128xf32, #tpu.memory_space<hbm>>) target(%arg8 : memref<64x128xf32, #tpu.memory_space<vmem>>) offsets(%dma_start3A_87 : memref<64xi32, #tpu.memory_space<vmem>>) semaphore(%arg13 : memref<!tpu.dma_semaphore, #tpu.memory_space<semaphore_mem>>)
    %get3A_91 = arith.constant 64 : index
    %get3A_92 = tpu.vector_load %arg5[%get3A_91] {strides = array<i32>} : memref<10368xi32, #tpu.memory_space<vmem>>, vector<16xi32>,
    %get3A_93 = vector.shape_cast %get3A_92 : vector<16xi32> to vector<16xi32>
    %and3A_94 = arith.constant 65535 : i32
    %and3A_95 = vector.broadcast %and3A_94 : i32 to vector<16xi32>
    %and3A_96 = arith.andi %get3A_93, %and3A_95 : vector<16xi32>
    %swap3A_97 = arith.constant 1 : i32
    %swap3A_98 = arith.index_cast %swap3A_97 : i32 to index
    %swap3A_99 = arith.constant 0 : index
    %swap3A_100 = tpu.vector_load %arg6[%swap3A_98, %swap3A_99] {strides = array<i32>} : memref<4x64xi32, #tpu.memory_space<vmem>>, vector<1x16xi32>,
    %swap3A_101 = vector.shape_cast %swap3A_100 : vector<1x16xi32> to vector<16xi32>
    %swap3A_102 = vector.shape_cast %and3A_96 : vector<16xi32> to vector<1x16xi32>
    tpu.vector_store %arg6[%swap3A_98, %swap3A_99], %swap3A_102 {strides = array<i32>} : memref<4x64xi32, #tpu.memory_space<vmem>>, vector<1x16xi32>,
    %shift_right_arithmetic3A_103 = arith.constant 16 : i32
    %shift_right_arithmetic3A_104 = vector.broadcast %shift_right_arithmetic3A_103 : i32 to vector<16xi32>
    %shift_right_arithmetic3A_105 = arith.shrsi %get3A_93, %shift_right_arithmetic3A_104 : vector<16xi32>
    %swap3A_106 = arith.constant 1 : i32
    %swap3A_107 = arith.index_cast %swap3A_106 : i32 to index
    %swap3A_108 = arith.constant 0 : index
    %swap3A_109 = tpu.vector_load %arg7[%swap3A_107, %swap3A_108] {strides = array<i32>} : memref<4x64xi32, #tpu.memory_space<vmem>>, vector<1x16xi32>,
    %swap3A_110 = vector.shape_cast %swap3A_109 : vector<1x16xi32> to vector<16xi32>
    %swap3A_111 = vector.shape_cast %shift_right_arithmetic3A_105 : vector<16xi32> to vector<1x16xi32>
    tpu.vector_store %arg7[%swap3A_107, %swap3A_108], %swap3A_111 {strides = array<i32>} : memref<4x64xi32, #tpu.memory_space<vmem>>, vector<1x16xi32>,
    %get3A_112 = arith.constant 80 : index
    %get3A_113 = tpu.vector_load %arg5[%get3A_112] {strides = array<i32>} : memref<10368xi32, #tpu.memory_space<vmem>>, vector<16xi32>,
    %get3A_114 = vector.shape_cast %get3A_113 : vector<16xi32> to vector<16xi32>
    %and3A_115 = arith.constant 65535 : i32
    %and3A_116 = vector.broadcast %and3A_115 : i32 to vector<16xi32>
    %and3A_117 = arith.andi %get3A_114, %and3A_116 : vector<16xi32>
    %swap3A_118 = arith.constant 1 : i32
    %swap3A_119 = arith.index_cast %swap3A_118 : i32 to index
    %swap3A_120 = arith.constant 16 : index
    %swap3A_121 = tpu.vector_load %arg6[%swap3A_119, %swap3A_120] {strides = array<i32>} : memref<4x64xi32, #tpu.memory_space<vmem>>, vector<1x16xi32>,
    %swap3A_122 = vector.shape_cast %swap3A_121 : vector<1x16xi32> to vector<16xi32>
    %swap3A_123 = vector.shape_cast %and3A_117 : vector<16xi32> to vector<1x16xi32>
    tpu.vector_store %arg6[%swap3A_119, %swap3A_120], %swap3A_123 {strides = array<i32>} : memref<4x64xi32, #tpu.memory_space<vmem>>, vector<1x16xi32>,
    %shift_right_arithmetic3A_124 = arith.constant 16 : i32
    %shift_right_arithmetic3A_125 = vector.broadcast %shift_right_arithmetic3A_124 : i32 to vector<16xi32>
    %shift_right_arithmetic3A_126 = arith.shrsi %get3A_114, %shift_right_arithmetic3A_125 : vector<16xi32>
    %swap3A_127 = arith.constant 1 : i32
    %swap3A_128 = arith.index_cast %swap3A_127 : i32 to index
    %swap3A_129 = arith.constant 16 : index
    %swap3A_130 = tpu.vector_load %arg7[%swap3A_128, %swap3A_129] {strides = array<i32>} : memref<4x64xi32, #tpu.memory_space<vmem>>, vector<1x16xi32>,
    %swap3A_131 = vector.shape_cast %swap3A_130 : vector<1x16xi32> to vector<16xi32>
    %swap3A_132 = vector.shape_cast %shift_right_arithmetic3A_126 : vector<16xi32> to vector<1x16xi32>
    tpu.vector_store %arg7[%swap3A_128, %swap3A_129], %swap3A_132 {strides = array<i32>} : memref<4x64xi32, #tpu.memory_space<vmem>>, vector<1x16xi32>,
    %get3A_133 = arith.constant 96 : index
    %get3A_134 = tpu.vector_load %arg5[%get3A_133] {strides = array<i32>} : memref<10368xi32, #tpu.memory_space<vmem>>, vector<16xi32>,
    %get3A_135 = vector.shape_cast %get3A_134 : vector<16xi32> to vector<16xi32>
    %and3A_136 = arith.constant 65535 : i32
    %and3A_137 = vector.broadcast %and3A_136 : i32 to vector<16xi32>
    %and3A_138 = arith.andi %get3A_135, %and3A_137 : vector<16xi32>
    %swap3A_139 = arith.constant 1 : i32
    %swap3A_140 = arith.index_cast %swap3A_139 : i32 to index
    %swap3A_141 = arith.constant 32 : index
    %swap3A_142 = tpu.vector_load %arg6[%swap3A_140, %swap3A_141] {strides = array<i32>} : memref<4x64xi32, #tpu.memory_space<vmem>>, vector<1x16xi32>,
    %swap3A_143 = vector.shape_cast %swap3A_142 : vector<1x16xi32> to vector<16xi32>
    %swap3A_144 = vector.shape_cast %and3A_138 : vector<16xi32> to vector<1x16xi32>
    tpu.vector_store %arg6[%swap3A_140, %swap3A_141], %swap3A_144 {strides = array<i32>} : memref<4x64xi32, #tpu.memory_space<vmem>>, vector<1x16xi32>,
    %shift_right_arithmetic3A_145 = arith.constant 16 : i32
    %shift_right_arithmetic3A_146 = vector.broadcast %shift_right_arithmetic3A_145 : i32 to vector<16xi32>
    %shift_right_arithmetic3A_147 = arith.shrsi %get3A_135, %shift_right_arithmetic3A_146 : vector<16xi32>
    %swap3A_148 = arith.constant 1 : i32
    %swap3A_149 = arith.index_cast %swap3A_148 : i32 to index
    %swap3A_150 = arith.constant 32 : index
    %swap3A_151 = tpu.vector_load %arg7[%swap3A_149, %swap3A_150] {strides = array<i32>} : memref<4x64xi32, #tpu.memory_space<vmem>>, vector<1x16xi32>,
    %swap3A_152 = vector.shape_cast %swap3A_151 : vector<1x16xi32> to vector<16xi32>
    %swap3A_153 = vector.shape_cast %shift_right_arithmetic3A_147 : vector<16xi32> to vector<1x16xi32>
    tpu.vector_store %arg7[%swap3A_149, %swap3A_150], %swap3A_153 {strides = array<i32>} : memref<4x64xi32, #tpu.memory_space<vmem>>, vector<1x16xi32>,
    %get3A_154 = arith.constant 112 : index
    %get3A_155 = tpu.vector_load %arg5[%get3A_154] {strides = array<i32>} : memref<10368xi32, #tpu.memory_space<vmem>>, vector<16xi32>,
    %get3A_156 = vector.shape_cast %get3A_155 : vector<16xi32> to vector<16xi32>
    %and3A_157 = arith.constant 65535 : i32
    %and3A_158 = vector.broadcast %and3A_157 : i32 to vector<16xi32>
    %and3A_159 = arith.andi %get3A_156, %and3A_158 : vector<16xi32>
    %swap3A_160 = arith.constant 1 : i32
    %swap3A_161 = arith.index_cast %swap3A_160 : i32 to index
    %swap3A_162 = arith.constant 48 : index
    %swap3A_163 = tpu.vector_load %arg6[%swap3A_161, %swap3A_162] {strides = array<i32>} : memref<4x64xi32, #tpu.memory_space<vmem>>, vector<1x16xi32>,
    %swap3A_164 = vector.shape_cast %swap3A_163 : vector<1x16xi32> to vector<16xi32>
    %swap3A_165 = vector.shape_cast %and3A_159 : vector<16xi32> to vector<1x16xi32>
    tpu.vector_store %arg6[%swap3A_161, %swap3A_162], %swap3A_165 {strides = array<i32>} : memref<4x64xi32, #tpu.memory_space<vmem>>, vector<1x16xi32>,
    %shift_right_arithmetic3A_166 = arith.constant 16 : i32
    %shift_right_arithmetic3A_167 = vector.broadcast %shift_right_arithmetic3A_166 : i32 to vector<16xi32>
    %shift_right_arithmetic3A_168 = arith.shrsi %get3A_156, %shift_right_arithmetic3A_167 : vector<16xi32>
    %swap3A_169 = arith.constant 1 : i32
    %swap3A_170 = arith.index_cast %swap3A_169 : i32 to index
    %swap3A_171 = arith.constant 48 : index
    %swap3A_172 = tpu.vector_load %arg7[%swap3A_170, %swap3A_171] {strides = array<i32>} : memref<4x64xi32, #tpu.memory_space<vmem>>, vector<1x16xi32>,
    %swap3A_173 = vector.shape_cast %swap3A_172 : vector<1x16xi32> to vector<16xi32>
    %swap3A_174 = vector.shape_cast %shift_right_arithmetic3A_168 : vector<16xi32> to vector<1x16xi32>
    tpu.vector_store %arg7[%swap3A_170, %swap3A_171], %swap3A_174 {strides = array<i32>} : memref<4x64xi32, #tpu.memory_space<vmem>>, vector<1x16xi32>,
    %dma_start3A_175 = arith.constant 1 : i32
    %dma_start3A_176 = arith.constant 0 : i32
    %dma_start3A_177 = tpu.memref_slice %arg6[%dma_start3A_175, %dma_start3A_176] : memref<4x64xi32, #tpu.memory_space<vmem>> -> memref<1x64xi32, #tpu.memory_space<vmem>>
    %dma_start3A_178 = tpu.memref_squeeze %dma_start3A_177 : memref<1x64xi32, #tpu.memory_space<vmem>> -> memref<64xi32, #tpu.memory_space<vmem>>
    %dma_start3A_179 = arith.constant 0 : i32
    %dma_start3A_180 = arith.constant 0 : i32
    %dma_start3A_181 = tpu.memref_slice %arg2[%dma_start3A_179, %dma_start3A_180] : memref<10000x128xf32, #tpu.memory_space<hbm>> -> memref<10000x128xf32, #tpu.memory_space<hbm>>
    tpu.enqueue_indirect_dma source(%dma_start3A_181 : memref<10000x128xf32, #tpu.memory_space<hbm>>) target(%arg9 : memref<64x128xf32, #tpu.memory_space<vmem>>) offsets(%dma_start3A_178 : memref<64xi32, #tpu.memory_space<vmem>>) semaphore(%arg14 : memref<!tpu.dma_semaphore, #tpu.memory_space<semaphore_mem>>)
    %dma_wait3A = arith.constant 0 : i32
    %dma_wait3A_182 = arith.constant 0 : i32
    %dma_wait3A_183 = tpu.memref_slice %arg6[%dma_wait3A, %dma_wait3A_182] : memref<4x64xi32, #tpu.memory_space<vmem>> -> memref<1x64xi32, #tpu.memory_space<vmem>>
    %dma_wait3A_184 = tpu.memref_squeeze %dma_wait3A_183 : memref<1x64xi32, #tpu.memory_space<vmem>> -> memref<64xi32, #tpu.memory_space<vmem>>
    %dma_wait3A_185 = arith.constant 0 : i32
    %dma_wait3A_186 = arith.constant 0 : i32
    %dma_wait3A_187 = tpu.memref_slice %arg2[%dma_wait3A_185, %dma_wait3A_186] : memref<10000x128xf32, #tpu.memory_space<hbm>> -> memref<10000x128xf32, #tpu.memory_space<hbm>>
    tpu.wait_indirect_dma semaphore(%arg13 : memref<!tpu.dma_semaphore, #tpu.memory_space<semaphore_mem>>) src(%dma_wait3A_187 : memref<10000x128xf32, #tpu.memory_space<hbm>>) dst(%arg8 : memref<64x128xf32, #tpu.memory_space<vmem>>)
    %dma_start3A_188 = arith.constant 0 : i32
    %dma_start3A_189 = arith.constant 0 : i32
    %dma_start3A_190 = tpu.memref_slice %arg7[%dma_start3A_188, %dma_start3A_189] : memref<4x64xi32, #tpu.memory_space<vmem>> -> memref<1x64xi32, #tpu.memory_space<vmem>>
    %dma_start3A_191 = tpu.memref_squeeze %dma_start3A_190 : memref<1x64xi32, #tpu.memory_space<vmem>> -> memref<64xi32, #tpu.memory_space<vmem>>
    %dma_start3A_192 = arith.constant 0 : i32
    %dma_start3A_193 = arith.constant 0 : i32
    %dma_start3A_194 = tpu.memref_slice %arg12[%dma_start3A_192, %dma_start3A_193] : memref<10016x128xf32, #tpu.memory_space<vmem_shared>> -> memref<10016x128xf32, #tpu.memory_space<vmem_shared>>
    tpu.enqueue_indirect_dma source(%arg8 : memref<64x128xf32, #tpu.memory_space<vmem>>) target(%dma_start3A_194 : memref<10016x128xf32, #tpu.memory_space<vmem_shared>>) offsets(%dma_start3A_191 : memref<64xi32, #tpu.memory_space<vmem>>) semaphore(%arg17 : memref<!tpu.dma_semaphore, #tpu.memory_space<semaphore_mem>>) {add = true}
    %get3A_195 = arith.constant 128 : index
    %get3A_196 = tpu.vector_load %arg5[%get3A_195] {strides = array<i32>} : memref<10368xi32, #tpu.memory_space<vmem>>, vector<16xi32>,
    %get3A_197 = vector.shape_cast %get3A_196 : vector<16xi32> to vector<16xi32>
    %and3A_198 = arith.constant 65535 : i32
    %and3A_199 = vector.broadcast %and3A_198 : i32 to vector<16xi32>
    %and3A_200 = arith.andi %get3A_197, %and3A_199 : vector<16xi32>
    %swap3A_201 = arith.constant 2 : i32
    %swap3A_202 = arith.index_cast %swap3A_201 : i32 to index
    %swap3A_203 = arith.constant 0 : index
    %swap3A_204 = tpu.vector_load %arg6[%swap3A_202, %swap3A_203] {strides = array<i32>} : memref<4x64xi32, #tpu.memory_space<vmem>>, vector<1x16xi32>,
    %swap3A_205 = vector.shape_cast %swap3A_204 : vector<1x16xi32> to vector<16xi32>
    %swap3A_206 = vector.shape_cast %and3A_200 : vector<16xi32> to vector<1x16xi32>
    tpu.vector_store %arg6[%swap3A_202, %swap3A_203], %swap3A_206 {strides = array<i32>} : memref<4x64xi32, #tpu.memory_space<vmem>>, vector<1x16xi32>,
    %shift_right_arithmetic3A_207 = arith.constant 16 : i32
    %shift_right_arithmetic3A_208 = vector.broadcast %shift_right_arithmetic3A_207 : i32 to vector<16xi32>
    %shift_right_arithmetic3A_209 = arith.shrsi %get3A_197, %shift_right_arithmetic3A_208 : vector<16xi32>
    %swap3A_210 = arith.constant 2 : i32
    %swap3A_211 = arith.index_cast %swap3A_210 : i32 to index
    %swap3A_212 = arith.constant 0 : index
    %swap3A_213 = tpu.vector_load %arg7[%swap3A_211, %swap3A_212] {strides = array<i32>} : memref<4x64xi32, #tpu.memory_space<vmem>>, vector<1x16xi32>,
    %swap3A_214 = vector.shape_cast %swap3A_213 : vector<1x16xi32> to vector<16xi32>
    %swap3A_215 = vector.shape_cast %shift_right_arithmetic3A_209 : vector<16xi32> to vector<1x16xi32>
    tpu.vector_store %arg7[%swap3A_211, %swap3A_212], %swap3A_215 {strides = array<i32>} : memref<4x64xi32, #tpu.memory_space<vmem>>, vector<1x16xi32>,
    %get3A_216 = arith.constant 144 : index
    %get3A_217 = tpu.vector_load %arg5[%get3A_216] {strides = array<i32>} : memref<10368xi32, #tpu.memory_space<vmem>>, vector<16xi32>,
    %get3A_218 = vector.shape_cast %get3A_217 : vector<16xi32> to vector<16xi32>
    %and3A_219 = arith.constant 65535 : i32
    %and3A_220 = vector.broadcast %and3A_219 : i32 to vector<16xi32>
    %and3A_221 = arith.andi %get3A_218, %and3A_220 : vector<16xi32>
    %swap3A_222 = arith.constant 2 : i32
    %swap3A_223 = arith.index_cast %swap3A_222 : i32 to index
    %swap3A_224 = arith.constant 16 : index
    %swap3A_225 = tpu.vector_load %arg6[%swap3A_223, %swap3A_224] {strides = array<i32>} : memref<4x64xi32, #tpu.memory_space<vmem>>, vector<1x16xi32>,
    %swap3A_226 = vector.shape_cast %swap3A_225 : vector<1x16xi32> to vector<16xi32>
    %swap3A_227 = vector.shape_cast %and3A_221 : vector<16xi32> to vector<1x16xi32>
    tpu.vector_store %arg6[%swap3A_223, %swap3A_224], %swap3A_227 {strides = array<i32>} : memref<4x64xi32, #tpu.memory_space<vmem>>, vector<1x16xi32>,
    %shift_right_arithmetic3A_228 = arith.constant 16 : i32
    %shift_right_arithmetic3A_229 = vector.broadcast %shift_right_arithmetic3A_228 : i32 to vector<16xi32>
    %shift_right_arithmetic3A_230 = arith.shrsi %get3A_218, %shift_right_arithmetic3A_229 : vector<16xi32>
    %swap3A_231 = arith.constant 2 : i32
    %swap3A_232 = arith.index_cast %swap3A_231 : i32 to index
    %swap3A_233 = arith.constant 16 : index
    %swap3A_234 = tpu.vector_load %arg7[%swap3A_232, %swap3A_233] {strides = array<i32>} : memref<4x64xi32, #tpu.memory_space<vmem>>, vector<1x16xi32>,
    %swap3A_235 = vector.shape_cast %swap3A_234 : vector<1x16xi32> to vector<16xi32>
    %swap3A_236 = vector.shape_cast %shift_right_arithmetic3A_230 : vector<16xi32> to vector<1x16xi32>
    tpu.vector_store %arg7[%swap3A_232, %swap3A_233], %swap3A_236 {strides = array<i32>} : memref<4x64xi32, #tpu.memory_space<vmem>>, vector<1x16xi32>,
    %get3A_237 = arith.constant 160 : index
    %get3A_238 = tpu.vector_load %arg5[%get3A_237] {strides = array<i32>} : memref<10368xi32, #tpu.memory_space<vmem>>, vector<16xi32>,
    %get3A_239 = vector.shape_cast %get3A_238 : vector<16xi32> to vector<16xi32>
    %and3A_240 = arith.constant 65535 : i32
    %and3A_241 = vector.broadcast %and3A_240 : i32 to vector<16xi32>
    %and3A_242 = arith.andi %get3A_239, %and3A_241 : vector<16xi32>
    %swap3A_243 = arith.constant 2 : i32
    %swap3A_244 = arith.index_cast %swap3A_243 : i32 to index
    %swap3A_245 = arith.constant 32 : index
    %swap3A_246 = tpu.vector_load %arg6[%swap3A_244, %swap3A_245] {strides = array<i32>} : memref<4x64xi32, #tpu.memory_space<vmem>>, vector<1x16xi32>,
    %swap3A_247 = vector.shape_cast %swap3A_246 : vector<1x16xi32> to vector<16xi32>
    %swap3A_248 = vector.shape_cast %and3A_242 : vector<16xi32> to vector<1x16xi32>
    tpu.vector_store %arg6[%swap3A_244, %swap3A_245], %swap3A_248 {strides = array<i32>} : memref<4x64xi32, #tpu.memory_space<vmem>>, vector<1x16xi32>,
    %shift_right_arithmetic3A_249 = arith.constant 16 : i32
    %shift_right_arithmetic3A_250 = vector.broadcast %shift_right_arithmetic3A_249 : i32 to vector<16xi32>
    %shift_right_arithmetic3A_251 = arith.shrsi %get3A_239, %shift_right_arithmetic3A_250 : vector<16xi32>
    %swap3A_252 = arith.constant 2 : i32
    %swap3A_253 = arith.index_cast %swap3A_252 : i32 to index
    %swap3A_254 = arith.constant 32 : index
    %swap3A_255 = tpu.vector_load %arg7[%swap3A_253, %swap3A_254] {strides = array<i32>} : memref<4x64xi32, #tpu.memory_space<vmem>>, vector<1x16xi32>,
    %swap3A_256 = vector.shape_cast %swap3A_255 : vector<1x16xi32> to vector<16xi32>
    %swap3A_257 = vector.shape_cast %shift_right_arithmetic3A_251 : vector<16xi32> to vector<1x16xi32>
    tpu.vector_store %arg7[%swap3A_253, %swap3A_254], %swap3A_257 {strides = array<i32>} : memref<4x64xi32, #tpu.memory_space<vmem>>, vector<1x16xi32>,
    %get3A_258 = arith.constant 176 : index
    %get3A_259 = tpu.vector_load %arg5[%get3A_258] {strides = array<i32>} : memref<10368xi32, #tpu.memory_space<vmem>>, vector<16xi32>,
    %get3A_260 = vector.shape_cast %get3A_259 : vector<16xi32> to vector<16xi32>
    %and3A_261 = arith.constant 65535 : i32
    %and3A_262 = vector.broadcast %and3A_261 : i32 to vector<16xi32>
    %and3A_263 = arith.andi %get3A_260, %and3A_262 : vector<16xi32>
    %swap3A_264 = arith.constant 2 : i32
    %swap3A_265 = arith.index_cast %swap3A_264 : i32 to index
    %swap3A_266 = arith.constant 48 : index
    %swap3A_267 = tpu.vector_load %arg6[%swap3A_265, %swap3A_266] {strides = array<i32>} : memref<4x64xi32, #tpu.memory_space<vmem>>, vector<1x16xi32>,
    %swap3A_268 = vector.shape_cast %swap3A_267 : vector<1x16xi32> to vector<16xi32>
    %swap3A_269 = vector.shape_cast %and3A_263 : vector<16xi32> to vector<1x16xi32>
    tpu.vector_store %arg6[%swap3A_265, %swap3A_266], %swap3A_269 {strides = array<i32>} : memref<4x64xi32, #tpu.memory_space<vmem>>, vector<1x16xi32>,
    %shift_right_arithmetic3A_270 = arith.constant 16 : i32
    %shift_right_arithmetic3A_271 = vector.broadcast %shift_right_arithmetic3A_270 : i32 to vector<16xi32>
    %shift_right_arithmetic3A_272 = arith.shrsi %get3A_260, %shift_right_arithmetic3A_271 : vector<16xi32>
    %swap3A_273 = arith.constant 2 : i32
    %swap3A_274 = arith.index_cast %swap3A_273 : i32 to index
    %swap3A_275 = arith.constant 48 : index
    %swap3A_276 = tpu.vector_load %arg7[%swap3A_274, %swap3A_275] {strides = array<i32>} : memref<4x64xi32, #tpu.memory_space<vmem>>, vector<1x16xi32>,
    %swap3A_277 = vector.shape_cast %swap3A_276 : vector<1x16xi32> to vector<16xi32>
    %swap3A_278 = vector.shape_cast %shift_right_arithmetic3A_272 : vector<16xi32> to vector<1x16xi32>
    tpu.vector_store %arg7[%swap3A_274, %swap3A_275], %swap3A_278 {strides = array<i32>} : memref<4x64xi32, #tpu.memory_space<vmem>>, vector<1x16xi32>,
    %dma_start3A_279 = arith.constant 2 : i32
    %dma_start3A_280 = arith.constant 0 : i32
    %dma_start3A_281 = tpu.memref_slice %arg6[%dma_start3A_279, %dma_start3A_280] : memref<4x64xi32, #tpu.memory_space<vmem>> -> memref<1x64xi32, #tpu.memory_space<vmem>>
    %dma_start3A_282 = tpu.memref_squeeze %dma_start3A_281 : memref<1x64xi32, #tpu.memory_space<vmem>> -> memref<64xi32, #tpu.memory_space<vmem>>
    %dma_start3A_283 = arith.constant 0 : i32
    %dma_start3A_284 = arith.constant 0 : i32
    %dma_start3A_285 = tpu.memref_slice %arg2[%dma_start3A_283, %dma_start3A_284] : memref<10000x128xf32, #tpu.memory_space<hbm>> -> memref<10000x128xf32, #tpu.memory_space<hbm>>
    tpu.enqueue_indirect_dma source(%dma_start3A_285 : memref<10000x128xf32, #tpu.memory_space<hbm>>) target(%arg10 : memref<64x128xf32, #tpu.memory_space<vmem>>) offsets(%dma_start3A_282 : memref<64xi32, #tpu.memory_space<vmem>>) semaphore(%arg15 : memref<!tpu.dma_semaphore, #tpu.memory_space<semaphore_mem>>)
    %dma_wait3A_286 = arith.constant 1 : i32
    %dma_wait3A_287 = arith.constant 0 : i32
    %dma_wait3A_288 = tpu.memref_slice %arg6[%dma_wait3A_286, %dma_wait3A_287] : memref<4x64xi32, #tpu.memory_space<vmem>> -> memref<1x64xi32, #tpu.memory_space<vmem>>
    %dma_wait3A_289 = tpu.memref_squeeze %dma_wait3A_288 : memref<1x64xi32, #tpu.memory_space<vmem>> -> memref<64xi32, #tpu.memory_space<vmem>>
    %dma_wait3A_290 = arith.constant 0 : i32
    %dma_wait3A_291 = arith.constant 0 : i32
    %dma_wait3A_292 = tpu.memref_slice %arg2[%dma_wait3A_290, %dma_wait3A_291] : memref<10000x128xf32, #tpu.memory_space<hbm>> -> memref<10000x128xf32, #tpu.memory_space<hbm>>
    tpu.wait_indirect_dma semaphore(%arg14 : memref<!tpu.dma_semaphore, #tpu.memory_space<semaphore_mem>>) src(%dma_wait3A_292 : memref<10000x128xf32, #tpu.memory_space<hbm>>) dst(%arg9 : memref<64x128xf32, #tpu.memory_space<vmem>>)
    %dma_start3A_293 = arith.constant 1 : i32
    %dma_start3A_294 = arith.constant 0 : i32
    %dma_start3A_295 = tpu.memref_slice %arg7[%dma_start3A_293, %dma_start3A_294] : memref<4x64xi32, #tpu.memory_space<vmem>> -> memref<1x64xi32, #tpu.memory_space<vmem>>
    %dma_start3A_296 = tpu.memref_squeeze %dma_start3A_295 : memref<1x64xi32, #tpu.memory_space<vmem>> -> memref<64xi32, #tpu.memory_space<vmem>>
    %dma_start3A_297 = arith.constant 0 : i32
    %dma_start3A_298 = arith.constant 0 : i32
    %dma_start3A_299 = tpu.memref_slice %arg12[%dma_start3A_297, %dma_start3A_298] : memref<10016x128xf32, #tpu.memory_space<vmem_shared>> -> memref<10016x128xf32, #tpu.memory_space<vmem_shared>>
    tpu.enqueue_indirect_dma source(%arg9 : memref<64x128xf32, #tpu.memory_space<vmem>>) target(%dma_start3A_299 : memref<10016x128xf32, #tpu.memory_space<vmem_shared>>) offsets(%dma_start3A_296 : memref<64xi32, #tpu.memory_space<vmem>>) semaphore(%arg18 : memref<!tpu.dma_semaphore, #tpu.memory_space<semaphore_mem>>) {add = true}
    %get3A_300 = arith.constant 192 : index
    %get3A_301 = tpu.vector_load %arg5[%get3A_300] {strides = array<i32>} : memref<10368xi32, #tpu.memory_space<vmem>>, vector<16xi32>,
    %get3A_302 = vector.shape_cast %get3A_301 : vector<16xi32> to vector<16xi32>
    %and3A_303 = arith.constant 65535 : i32
    %and3A_304 = vector.broadcast %and3A_303 : i32 to vector<16xi32>
    %and3A_305 = arith.andi %get3A_302, %and3A_304 : vector<16xi32>
    %swap3A_306 = arith.constant 3 : i32
    %swap3A_307 = arith.index_cast %swap3A_306 : i32 to index
    %swap3A_308 = arith.constant 0 : index
    %swap3A_309 = tpu.vector_load %arg6[%swap3A_307, %swap3A_308] {strides = array<i32>} : memref<4x64xi32, #tpu.memory_space<vmem>>, vector<1x16xi32>,
    %swap3A_310 = vector.shape_cast %swap3A_309 : vector<1x16xi32> to vector<16xi32>
    %swap3A_311 = vector.shape_cast %and3A_305 : vector<16xi32> to vector<1x16xi32>
    tpu.vector_store %arg6[%swap3A_307, %swap3A_308], %swap3A_311 {strides = array<i32>} : memref<4x64xi32, #tpu.memory_space<vmem>>, vector<1x16xi32>,
    %shift_right_arithmetic3A_312 = arith.constant 16 : i32
    %shift_right_arithmetic3A_313 = vector.broadcast %shift_right_arithmetic3A_312 : i32 to vector<16xi32>
    %shift_right_arithmetic3A_314 = arith.shrsi %get3A_302, %shift_right_arithmetic3A_313 : vector<16xi32>
    %swap3A_315 = arith.constant 3 : i32
    %swap3A_316 = arith.index_cast %swap3A_315 : i32 to index
    %swap3A_317 = arith.constant 0 : index
    %swap3A_318 = tpu.vector_load %arg7[%swap3A_316, %swap3A_317] {strides = array<i32>} : memref<4x64xi32, #tpu.memory_space<vmem>>, vector<1x16xi32>,
    %swap3A_319 = vector.shape_cast %swap3A_318 : vector<1x16xi32> to vector<16xi32>
    %swap3A_320 = vector.shape_cast %shift_right_arithmetic3A_314 : vector<16xi32> to vector<1x16xi32>
    tpu.vector_store %arg7[%swap3A_316, %swap3A_317], %swap3A_320 {strides = array<i32>} : memref<4x64xi32, #tpu.memory_space<vmem>>, vector<1x16xi32>,
    %get3A_321 = arith.constant 208 : index
    %get3A_322 = tpu.vector_load %arg5[%get3A_321] {strides = array<i32>} : memref<10368xi32, #tpu.memory_space<vmem>>, vector<16xi32>,
    %get3A_323 = vector.shape_cast %get3A_322 : vector<16xi32> to vector<16xi32>
    %and3A_324 = arith.constant 65535 : i32
    %and3A_325 = vector.broadcast %and3A_324 : i32 to vector<16xi32>
    %and3A_326 = arith.andi %get3A_323, %and3A_325 : vector<16xi32>
    %swap3A_327 = arith.constant 3 : i32
    %swap3A_328 = arith.index_cast %swap3A_327 : i32 to index
    %swap3A_329 = arith.constant 16 : index
    %swap3A_330 = tpu.vector_load %arg6[%swap3A_328, %swap3A_329] {strides = array<i32>} : memref<4x64xi32, #tpu.memory_space<vmem>>, vector<1x16xi32>,
    %swap3A_331 = vector.shape_cast %swap3A_330 : vector<1x16xi32> to vector<16xi32>
    %swap3A_332 = vector.shape_cast %and3A_326 : vector<16xi32> to vector<1x16xi32>
    tpu.vector_store %arg6[%swap3A_328, %swap3A_329], %swap3A_332 {strides = array<i32>} : memref<4x64xi32, #tpu.memory_space<vmem>>, vector<1x16xi32>,
    %shift_right_arithmetic3A_333 = arith.constant 16 : i32
    %shift_right_arithmetic3A_334 = vector.broadcast %shift_right_arithmetic3A_333 : i32 to vector<16xi32>
    %shift_right_arithmetic3A_335 = arith.shrsi %get3A_323, %shift_right_arithmetic3A_334 : vector<16xi32>
    %swap3A_336 = arith.constant 3 : i32
    %swap3A_337 = arith.index_cast %swap3A_336 : i32 to index
    %swap3A_338 = arith.constant 16 : index
    %swap3A_339 = tpu.vector_load %arg7[%swap3A_337, %swap3A_338] {strides = array<i32>} : memref<4x64xi32, #tpu.memory_space<vmem>>, vector<1x16xi32>,
    %swap3A_340 = vector.shape_cast %swap3A_339 : vector<1x16xi32> to vector<16xi32>
    %swap3A_341 = vector.shape_cast %shift_right_arithmetic3A_335 : vector<16xi32> to vector<1x16xi32>
    tpu.vector_store %arg7[%swap3A_337, %swap3A_338], %swap3A_341 {strides = array<i32>} : memref<4x64xi32, #tpu.memory_space<vmem>>, vector<1x16xi32>,
    %get3A_342 = arith.constant 224 : index
    %get3A_343 = tpu.vector_load %arg5[%get3A_342] {strides = array<i32>} : memref<10368xi32, #tpu.memory_space<vmem>>, vector<16xi32>,
    %get3A_344 = vector.shape_cast %get3A_343 : vector<16xi32> to vector<16xi32>
    %and3A_345 = arith.constant 65535 : i32
    %and3A_346 = vector.broadcast %and3A_345 : i32 to vector<16xi32>
    %and3A_347 = arith.andi %get3A_344, %and3A_346 : vector<16xi32>
    %swap3A_348 = arith.constant 3 : i32
    %swap3A_349 = arith.index_cast %swap3A_348 : i32 to index
    %swap3A_350 = arith.constant 32 : index
    %swap3A_351 = tpu.vector_load %arg6[%swap3A_349, %swap3A_350] {strides = array<i32>} : memref<4x64xi32, #tpu.memory_space<vmem>>, vector<1x16xi32>,
    %swap3A_352 = vector.shape_cast %swap3A_351 : vector<1x16xi32> to vector<16xi32>
    %swap3A_353 = vector.shape_cast %and3A_347 : vector<16xi32> to vector<1x16xi32>
    tpu.vector_store %arg6[%swap3A_349, %swap3A_350], %swap3A_353 {strides = array<i32>} : memref<4x64xi32, #tpu.memory_space<vmem>>, vector<1x16xi32>,
    %shift_right_arithmetic3A_354 = arith.constant 16 : i32
    %shift_right_arithmetic3A_355 = vector.broadcast %shift_right_arithmetic3A_354 : i32 to vector<16xi32>
    %shift_right_arithmetic3A_356 = arith.shrsi %get3A_344, %shift_right_arithmetic3A_355 : vector<16xi32>
    %swap3A_357 = arith.constant 3 : i32
    %swap3A_358 = arith.index_cast %swap3A_357 : i32 to index
    %swap3A_359 = arith.constant 32 : index
    %swap3A_360 = tpu.vector_load %arg7[%swap3A_358, %swap3A_359] {strides = array<i32>} : memref<4x64xi32, #tpu.memory_space<vmem>>, vector<1x16xi32>,
    %swap3A_361 = vector.shape_cast %swap3A_360 : vector<1x16xi32> to vector<16xi32>
    %swap3A_362 = vector.shape_cast %shift_right_arithmetic3A_356 : vector<16xi32> to vector<1x16xi32>
    tpu.vector_store %arg7[%swap3A_358, %swap3A_359], %swap3A_362 {strides = array<i32>} : memref<4x64xi32, #tpu.memory_space<vmem>>, vector<1x16xi32>,
    %get3A_363 = arith.constant 240 : index
    %get3A_364 = tpu.vector_load %arg5[%get3A_363] {strides = array<i32>} : memref<10368xi32, #tpu.memory_space<vmem>>, vector<16xi32>,
    %get3A_365 = vector.shape_cast %get3A_364 : vector<16xi32> to vector<16xi32>
    %and3A_366 = arith.constant 65535 : i32
    %and3A_367 = vector.broadcast %and3A_366 : i32 to vector<16xi32>
    %and3A_368 = arith.andi %get3A_365, %and3A_367 : vector<16xi32>
    %swap3A_369 = arith.constant 3 : i32
    %swap3A_370 = arith.index_cast %swap3A_369 : i32 to index
    %swap3A_371 = arith.constant 48 : index
    %swap3A_372 = tpu.vector_load %arg6[%swap3A_370, %swap3A_371] {strides = array<i32>} : memref<4x64xi32, #tpu.memory_space<vmem>>, vector<1x16xi32>,
    %swap3A_373 = vector.shape_cast %swap3A_372 : vector<1x16xi32> to vector<16xi32>
    %swap3A_374 = vector.shape_cast %and3A_368 : vector<16xi32> to vector<1x16xi32>
    tpu.vector_store %arg6[%swap3A_370, %swap3A_371], %swap3A_374 {strides = array<i32>} : memref<4x64xi32, #tpu.memory_space<vmem>>, vector<1x16xi32>,
    %shift_right_arithmetic3A_375 = arith.constant 16 : i32
    %shift_right_arithmetic3A_376 = vector.broadcast %shift_right_arithmetic3A_375 : i32 to vector<16xi32>
    %shift_right_arithmetic3A_377 = arith.shrsi %get3A_365, %shift_right_arithmetic3A_376 : vector<16xi32>
    %swap3A_378 = arith.constant 3 : i32
    %swap3A_379 = arith.index_cast %swap3A_378 : i32 to index
    %swap3A_380 = arith.constant 48 : index
    %swap3A_381 = tpu.vector_load %arg7[%swap3A_379, %swap3A_380] {strides = array<i32>} : memref<4x64xi32, #tpu.memory_space<vmem>>, vector<1x16xi32>,
    %swap3A_382 = vector.shape_cast %swap3A_381 : vector<1x16xi32> to vector<16xi32>
    %swap3A_383 = vector.shape_cast %shift_right_arithmetic3A_377 : vector<16xi32> to vector<1x16xi32>
    tpu.vector_store %arg7[%swap3A_379, %swap3A_380], %swap3A_383 {strides = array<i32>} : memref<4x64xi32, #tpu.memory_space<vmem>>, vector<1x16xi32>,
    %dma_start3A_384 = arith.constant 3 : i32
    %dma_start3A_385 = arith.constant 0 : i32
    %dma_start3A_386 = tpu.memref_slice %arg6[%dma_start3A_384, %dma_start3A_385] : memref<4x64xi32, #tpu.memory_space<vmem>> -> memref<1x64xi32, #tpu.memory_space<vmem>>
    %dma_start3A_387 = tpu.memref_squeeze %dma_start3A_386 : memref<1x64xi32, #tpu.memory_space<vmem>> -> memref<64xi32, #tpu.memory_space<vmem>>
    %dma_start3A_388 = arith.constant 0 : i32
    %dma_start3A_389 = arith.constant 0 : i32
    %dma_start3A_390 = tpu.memref_slice %arg2[%dma_start3A_388, %dma_start3A_389] : memref<10000x128xf32, #tpu.memory_space<hbm>> -> memref<10000x128xf32, #tpu.memory_space<hbm>>
    tpu.enqueue_indirect_dma source(%dma_start3A_390 : memref<10000x128xf32, #tpu.memory_space<hbm>>) target(%arg11 : memref<64x128xf32, #tpu.memory_space<vmem>>) offsets(%dma_start3A_387 : memref<64xi32, #tpu.memory_space<vmem>>) semaphore(%arg16 : memref<!tpu.dma_semaphore, #tpu.memory_space<semaphore_mem>>)
    %dma_wait3A_391 = arith.constant 2 : i32
    %dma_wait3A_392 = arith.constant 0 : i32
    %dma_wait3A_393 = tpu.memref_slice %arg6[%dma_wait3A_391, %dma_wait3A_392] : memref<4x64xi32, #tpu.memory_space<vmem>> -> memref<1x64xi32, #tpu.memory_space<vmem>>
    %dma_wait3A_394 = tpu.memref_squeeze %dma_wait3A_393 : memref<1x64xi32, #tpu.memory_space<vmem>> -> memref<64xi32, #tpu.memory_space<vmem>>
    %dma_wait3A_395 = arith.constant 0 : i32
    %dma_wait3A_396 = arith.constant 0 : i32
    %dma_wait3A_397 = tpu.memref_slice %arg2[%dma_wait3A_395, %dma_wait3A_396] : memref<10000x128xf32, #tpu.memory_space<hbm>> -> memref<10000x128xf32, #tpu.memory_space<hbm>>
    tpu.wait_indirect_dma semaphore(%arg15 : memref<!tpu.dma_semaphore, #tpu.memory_space<semaphore_mem>>) src(%dma_wait3A_397 : memref<10000x128xf32, #tpu.memory_space<hbm>>) dst(%arg10 : memref<64x128xf32, #tpu.memory_space<vmem>>)
    %dma_start3A_398 = arith.constant 2 : i32
    %dma_start3A_399 = arith.constant 0 : i32
    %dma_start3A_400 = tpu.memref_slice %arg7[%dma_start3A_398, %dma_start3A_399] : memref<4x64xi32, #tpu.memory_space<vmem>> -> memref<1x64xi32, #tpu.memory_space<vmem>>
    %dma_start3A_401 = tpu.memref_squeeze %dma_start3A_400 : memref<1x64xi32, #tpu.memory_space<vmem>> -> memref<64xi32, #tpu.memory_space<vmem>>
    %dma_start3A_402 = arith.constant 0 : i32
    %dma_start3A_403 = arith.constant 0 : i32
    %dma_start3A_404 = tpu.memref_slice %arg12[%dma_start3A_402, %dma_start3A_403] : memref<10016x128xf32, #tpu.memory_space<vmem_shared>> -> memref<10016x128xf32, #tpu.memory_space<vmem_shared>>
    tpu.enqueue_indirect_dma source(%arg10 : memref<64x128xf32, #tpu.memory_space<vmem>>) target(%dma_start3A_404 : memref<10016x128xf32, #tpu.memory_space<vmem_shared>>) offsets(%dma_start3A_401 : memref<64xi32, #tpu.memory_space<vmem>>) semaphore(%arg19 : memref<!tpu.dma_semaphore, #tpu.memory_space<semaphore_mem>>) {add = true}
    %dma_wait3A_405 = arith.constant 0 : i32
    %dma_wait3A_406 = arith.constant 0 : i32
    %dma_wait3A_407 = tpu.memref_slice %arg7[%dma_wait3A_405, %dma_wait3A_406] : memref<4x64xi32, #tpu.memory_space<vmem>> -> memref<1x64xi32, #tpu.memory_space<vmem>>
    %dma_wait3A_408 = tpu.memref_squeeze %dma_wait3A_407 : memref<1x64xi32, #tpu.memory_space<vmem>> -> memref<64xi32, #tpu.memory_space<vmem>>
    %dma_wait3A_409 = arith.constant 0 : i32
    %dma_wait3A_410 = arith.constant 0 : i32
    %dma_wait3A_411 = tpu.memref_slice %arg12[%dma_wait3A_409, %dma_wait3A_410] : memref<10016x128xf32, #tpu.memory_space<vmem_shared>> -> memref<10016x128xf32, #tpu.memory_space<vmem_shared>>
    tpu.wait_indirect_dma semaphore(%arg17 : memref<!tpu.dma_semaphore, #tpu.memory_space<semaphore_mem>>) src(%arg8 : memref<64x128xf32, #tpu.memory_space<vmem>>) dst(%dma_wait3A_411 : memref<10016x128xf32, #tpu.memory_space<vmem_shared>>)
    %get3A_412 = arith.constant 256 : index
    %get3A_413 = tpu.vector_load %arg5[%get3A_412] {strides = array<i32>} : memref<10368xi32, #tpu.memory_space<vmem>>, vector<16xi32>,
    %get3A_414 = vector.shape_cast %get3A_413 : vector<16xi32> to vector<16xi32>
    %and3A_415 = arith.constant 65535 : i32
    %and3A_416 = vector.broadcast %and3A_415 : i32 to vector<16xi32>
    %and3A_417 = arith.andi %get3A_414, %and3A_416 : vector<16xi32>
    %swap3A_418 = arith.constant 0 : i32
    %swap3A_419 = arith.index_cast %swap3A_418 : i32 to index
    %swap3A_420 = arith.constant 0 : index
    %swap3A_421 = tpu.vector_load %arg6[%swap3A_419, %swap3A_420] {strides = array<i32>} : memref<4x64xi32, #tpu.memory_space<vmem>>, vector<1x16xi32>,
    %swap3A_422 = vector.shape_cast %swap3A_421 : vector<1x16xi32> to vector<16xi32>
    %swap3A_423 = vector.shape_cast %and3A_417 : vector<16xi32> to vector<1x16xi32>
    tpu.vector_store %arg6[%swap3A_419, %swap3A_420], %swap3A_423 {strides = array<i32>} : memref<4x64xi32, #tpu.memory_space<vmem>>, vector<1x16xi32>,
    %shift_right_arithmetic3A_424 = arith.constant 16 : i32
    %shift_right_arithmetic3A_425 = vector.broadcast %shift_right_arithmetic3A_424 : i32 to vector<16xi32>
    %shift_right_arithmetic3A_426 = arith.shrsi %get3A_414, %shift_right_arithmetic3A_425 : vector<16xi32>
    %swap3A_427 = arith.constant 0 : i32
    %swap3A_428 = arith.index_cast %swap3A_427 : i32 to index
    %swap3A_429 = arith.constant 0 : index
    %swap3A_430 = tpu.vector_load %arg7[%swap3A_428, %swap3A_429] {strides = array<i32>} : memref<4x64xi32, #tpu.memory_space<vmem>>, vector<1x16xi32>,
    %swap3A_431 = vector.shape_cast %swap3A_430 : vector<1x16xi32> to vector<16xi32>
    %swap3A_432 = vector.shape_cast %shift_right_arithmetic3A_426 : vector<16xi32> to vector<1x16xi32>
    tpu.vector_store %arg7[%swap3A_428, %swap3A_429], %swap3A_432 {strides = array<i32>} : memref<4x64xi32, #tpu.memory_space<vmem>>, vector<1x16xi32>,
    %get3A_433 = arith.constant 272 : index
    %get3A_434 = tpu.vector_load %arg5[%get3A_433] {strides = array<i32>} : memref<10368xi32, #tpu.memory_space<vmem>>, vector<16xi32>,
    %get3A_435 = vector.shape_cast %get3A_434 : vector<16xi32> to vector<16xi32>
    %and3A_436 = arith.constant 65535 : i32
    %and3A_437 = vector.broadcast %and3A_436 : i32 to vector<16xi32>
    %and3A_438 = arith.andi %get3A_435, %and3A_437 : vector<16xi32>
    %swap3A_439 = arith.constant 0 : i32
    %swap3A_440 = arith.index_cast %swap3A_439 : i32 to index
    %swap3A_441 = arith.constant 16 : index
    %swap3A_442 = tpu.vector_load %arg6[%swap3A_440, %swap3A_441] {strides = array<i32>} : memref<4x64xi32, #tpu.memory_space<vmem>>, vector<1x16xi32>,
    %swap3A_443 = vector.shape_cast %swap3A_442 : vector<1x16xi32> to vector<16xi32>
    %swap3A_444 = vector.shape_cast %and3A_438 : vector<16xi32> to vector<1x16xi32>
    tpu.vector_store %arg6[%swap3A_440, %swap3A_441], %swap3A_444 {strides = array<i32>} : memref<4x64xi32, #tpu.memory_space<vmem>>, vector<1x16xi32>,
    %shift_right_arithmetic3A_445 = arith.constant 16 : i32
    %shift_right_arithmetic3A_446 = vector.broadcast %shift_right_arithmetic3A_445 : i32 to vector<16xi32>
    %shift_right_arithmetic3A_447 = arith.shrsi %get3A_435, %shift_right_arithmetic3A_446 : vector<16xi32>
    %swap3A_448 = arith.constant 0 : i32
    %swap3A_449 = arith.index_cast %swap3A_448 : i32 to index
    %swap3A_450 = arith.constant 16 : index
    %swap3A_451 = tpu.vector_load %arg7[%swap3A_449, %swap3A_450] {strides = array<i32>} : memref<4x64xi32, #tpu.memory_space<vmem>>, vector<1x16xi32>,
    %swap3A_452 = vector.shape_cast %swap3A_451 : vector<1x16xi32> to vector<16xi32>
    %swap3A_453 = vector.shape_cast %shift_right_arithmetic3A_447 : vector<16xi32> to vector<1x16xi32>
    tpu.vector_store %arg7[%swap3A_449, %swap3A_450], %swap3A_453 {strides = array<i32>} : memref<4x64xi32, #tpu.memory_space<vmem>>, vector<1x16xi32>,
    %get3A_454 = arith.constant 288 : index
    %get3A_455 = tpu.vector_load %arg5[%get3A_454] {strides = array<i32>} : memref<10368xi32, #tpu.memory_space<vmem>>, vector<16xi32>,
    %get3A_456 = vector.shape_cast %get3A_455 : vector<16xi32> to vector<16xi32>
    %and3A_457 = arith.constant 65535 : i32
    %and3A_458 = vector.broadcast %and3A_457 : i32 to vector<16xi32>
    %and3A_459 = arith.andi %get3A_456, %and3A_458 : vector<16xi32>
    %swap3A_460 = arith.constant 0 : i32
    %swap3A_461 = arith.index_cast %swap3A_460 : i32 to index
    %swap3A_462 = arith.constant 32 : index
    %swap3A_463 = tpu.vector_load %arg6[%swap3A_461, %swap3A_462] {strides = array<i32>} : memref<4x64xi32, #tpu.memory_space<vmem>>, vector<1x16xi32>,
    %swap3A_464 = vector.shape_cast %swap3A_463 : vector<1x16xi32> to vector<16xi32>
    %swap3A_465 = vector.shape_cast %and3A_459 : vector<16xi32> to vector<1x16xi32>
    tpu.vector_store %arg6[%swap3A_461, %swap3A_462], %swap3A_465 {strides = array<i32>} : memref<4x64xi32, #tpu.memory_space<vmem>>, vector<1x16xi32>,
    %shift_right_arithmetic3A_466 = arith.constant 16 : i32
    %shift_right_arithmetic3A_467 = vector.broadcast %shift_right_arithmetic3A_466 : i32 to vector<16xi32>
    %shift_right_arithmetic3A_468 = arith.shrsi %get3A_456, %shift_right_arithmetic3A_467 : vector<16xi32>
    %swap3A_469 = arith.constant 0 : i32
    %swap3A_470 = arith.index_cast %swap3A_469 : i32 to index
    %swap3A_471 = arith.constant 32 : index
    %swap3A_472 = tpu.vector_load %arg7[%swap3A_470, %swap3A_471] {strides = array<i32>} : memref<4x64xi32, #tpu.memory_space<vmem>>, vector<1x16xi32>,
    %swap3A_473 = vector.shape_cast %swap3A_472 : vector<1x16xi32> to vector<16xi32>
    %swap3A_474 = vector.shape_cast %shift_right_arithmetic3A_468 : vector<16xi32> to vector<1x16xi32>
    tpu.vector_store %arg7[%swap3A_470, %swap3A_471], %swap3A_474 {strides = array<i32>} : memref<4x64xi32, #tpu.memory_space<vmem>>, vector<1x16xi32>,
    %get3A_475 = arith.constant 304 : index
    %get3A_476 = tpu.vector_load %arg5[%get3A_475] {strides = array<i32>} : memref<10368xi32, #tpu.memory_space<vmem>>, vector<16xi32>,
    %get3A_477 = vector.shape_cast %get3A_476 : vector<16xi32> to vector<16xi32>
    %and3A_478 = arith.constant 65535 : i32
    %and3A_479 = vector.broadcast %and3A_478 : i32 to vector<16xi32>
    %and3A_480 = arith.andi %get3A_477, %and3A_479 : vector<16xi32>
    %swap3A_481 = arith.constant 0 : i32
    %swap3A_482 = arith.index_cast %swap3A_481 : i32 to index
    %swap3A_483 = arith.constant 48 : index
    %swap3A_484 = tpu.vector_load %arg6[%swap3A_482, %swap3A_483] {strides = array<i32>} : memref<4x64xi32, #tpu.memory_space<vmem>>, vector<1x16xi32>,
    %swap3A_485 = vector.shape_cast %swap3A_484 : vector<1x16xi32> to vector<16xi32>
    %swap3A_486 = vector.shape_cast %and3A_480 : vector<16xi32> to vector<1x16xi32>
    tpu.vector_store %arg6[%swap3A_482, %swap3A_483], %swap3A_486 {strides = array<i32>} : memref<4x64xi32, #tpu.memory_space<vmem>>, vector<1x16xi32>,
    %shift_right_arithmetic3A_487 = arith.constant 16 : i32
    %shift_right_arithmetic3A_488 = vector.broadcast %shift_right_arithmetic3A_487 : i32 to vector<16xi32>
    %shift_right_arithmetic3A_489 = arith.shrsi %get3A_477, %shift_right_arithmetic3A_488 : vector<16xi32>
    %swap3A_490 = arith.constant 0 : i32
    %swap3A_491 = arith.index_cast %swap3A_490 : i32 to index
    %swap3A_492 = arith.constant 48 : index
    %swap3A_493 = tpu.vector_load %arg7[%swap3A_491, %swap3A_492] {strides = array<i32>} : memref<4x64xi32, #tpu.memory_space<vmem>>, vector<1x16xi32>,
    %swap3A_494 = vector.shape_cast %swap3A_493 : vector<1x16xi32> to vector<16xi32>
    %swap3A_495 = vector.shape_cast %shift_right_arithmetic3A_489 : vector<16xi32> to vector<1x16xi32>
    tpu.vector_store %arg7[%swap3A_491, %swap3A_492], %swap3A_495 {strides = array<i32>} : memref<4x64xi32, #tpu.memory_space<vmem>>, vector<1x16xi32>,
    %dma_start3A_496 = arith.constant 0 : i32
    %dma_start3A_497 = arith.constant 0 : i32
    %dma_start3A_498 = tpu.memref_slice %arg6[%dma_start3A_496, %dma_start3A_497] : memref<4x64xi32, #tpu.memory_space<vmem>> -> memref<1x64xi32, #tpu.memory_space<vmem>>
    %dma_start3A_499 = tpu.memref_squeeze %dma_start3A_498 : memref<1x64xi32, #tpu.memory_space<vmem>> -> memref<64xi32, #tpu.memory_space<vmem>>
    %dma_start3A_500 = arith.constant 0 : i32
    %dma_start3A_501 = arith.constant 0 : i32
    %dma_start3A_502 = tpu.memref_slice %arg2[%dma_start3A_500, %dma_start3A_501] : memref<10000x128xf32, #tpu.memory_space<hbm>> -> memref<10000x128xf32, #tpu.memory_space<hbm>>
    tpu.enqueue_indirect_dma source(%dma_start3A_502 : memref<10000x128xf32, #tpu.memory_space<hbm>>) target(%arg8 : memref<64x128xf32, #tpu.memory_space<vmem>>) offsets(%dma_start3A_499 : memref<64xi32, #tpu.memory_space<vmem>>) semaphore(%arg13 : memref<!tpu.dma_semaphore, #tpu.memory_space<semaphore_mem>>)
    %dma_wait3A_503 = arith.constant 3 : i32
    %dma_wait3A_504 = arith.constant 0 : i32
    %dma_wait3A_505 = tpu.memref_slice %arg6[%dma_wait3A_503, %dma_wait3A_504] : memref<4x64xi32, #tpu.memory_space<vmem>> -> memref<1x64xi32, #tpu.memory_space<vmem>>
    %dma_wait3A_506 = tpu.memref_squeeze %dma_wait3A_505 : memref<1x64xi32, #tpu.memory_space<vmem>> -> memref<64xi32, #tpu.memory_space<vmem>>
    %dma_wait3A_507 = arith.constant 0 : i32
    %dma_wait3A_508 = arith.constant 0 : i32
    %dma_wait3A_509 = tpu.memref_slice %arg2[%dma_wait3A_507, %dma_wait3A_508] : memref<10000x128xf32, #tpu.memory_space<hbm>> -> memref<10000x128xf32, #tpu.memory_space<hbm>>
    tpu.wait_indirect_dma semaphore(%arg16 : memref<!tpu.dma_semaphore, #tpu.memory_space<semaphore_mem>>) src(%dma_wait3A_509 : memref<10000x128xf32, #tpu.memory_space<hbm>>) dst(%arg11 : memref<64x128xf32, #tpu.memory_space<vmem>>)
    %dma_start3A_510 = arith.constant 3 : i32
    %dma_start3A_511 = arith.constant 0 : i32
    %dma_start3A_512 = tpu.memref_slice %arg7[%dma_start3A_510, %dma_start3A_511] : memref<4x64xi32, #tpu.memory_space<vmem>> -> memref<1x64xi32, #tpu.memory_space<vmem>>
    %dma_start3A_513 = tpu.memref_squeeze %dma_start3A_512 : memref<1x64xi32, #tpu.memory_space<vmem>> -> memref<64xi32, #tpu.memory_space<vmem>>
    %dma_start3A_514 = arith.constant 0 : i32
    %dma_start3A_515 = arith.constant 0 : i32
    %dma_start3A_516 = tpu.memref_slice %arg12[%dma_start3A_514, %dma_start3A_515] : memref<10016x128xf32, #tpu.memory_space<vmem_shared>> -> memref<10016x128xf32, #tpu.memory_space<vmem_shared>>
    tpu.enqueue_indirect_dma source(%arg11 : memref<64x128xf32, #tpu.memory_space<vmem>>) target(%dma_start3A_516 : memref<10016x128xf32, #tpu.memory_space<vmem_shared>>) offsets(%dma_start3A_513 : memref<64xi32, #tpu.memory_space<vmem>>) semaphore(%arg20 : memref<!tpu.dma_semaphore, #tpu.memory_space<semaphore_mem>>) {add = true}
    %dma_wait3A_517 = arith.constant 1 : i32
    %dma_wait3A_518 = arith.constant 0 : i32
    %dma_wait3A_519 = tpu.memref_slice %arg7[%dma_wait3A_517, %dma_wait3A_518] : memref<4x64xi32, #tpu.memory_space<vmem>> -> memref<1x64xi32, #tpu.memory_space<vmem>>
    %dma_wait3A_520 = tpu.memref_squeeze %dma_wait3A_519 : memref<1x64xi32, #tpu.memory_space<vmem>> -> memref<64xi32, #tpu.memory_space<vmem>>
    %dma_wait3A_521 = arith.constant 0 : i32
    %dma_wait3A_522 = arith.constant 0 : i32
    %dma_wait3A_523 = tpu.memref_slice %arg12[%dma_wait3A_521, %dma_wait3A_522] : memref<10016x128xf32, #tpu.memory_space<vmem_shared>> -> memref<10016x128xf32, #tpu.memory_space<vmem_shared>>
    tpu.wait_indirect_dma semaphore(%arg18 : memref<!tpu.dma_semaphore, #tpu.memory_space<semaphore_mem>>) src(%arg9 : memref<64x128xf32, #tpu.memory_space<vmem>>) dst(%dma_wait3A_523 : memref<10016x128xf32, #tpu.memory_space<vmem_shared>>)
    %get3A_524 = arith.constant 320 : index
    %get3A_525 = tpu.vector_load %arg5[%get3A_524] {strides = array<i32>} : memref<10368xi32, #tpu.memory_space<vmem>>, vector<16xi32>,
    %get3A_526 = vector.shape_cast %get3A_525 : vector<16xi32> to vector<16xi32>
    %and3A_527 = arith.constant 65535 : i32
    %and3A_528 = vector.broadcast %and3A_527 : i32 to vector<16xi32>
    %and3A_529 = arith.andi %get3A_526, %and3A_528 : vector<16xi32>
    %swap3A_530 = arith.constant 1 : i32
    %swap3A_531 = arith.index_cast %swap3A_530 : i32 to index
    %swap3A_532 = arith.constant 0 : index
    %swap3A_533 = tpu.vector_load %arg6[%swap3A_531, %swap3A_532] {strides = array<i32>} : memref<4x64xi32, #tpu.memory_space<vmem>>, vector<1x16xi32>,
    %swap3A_534 = vector.shape_cast %swap3A_533 : vector<1x16xi32> to vector<16xi32>
    %swap3A_535 = vector.shape_cast %and3A_529 : vector<16xi32> to vector<1x16xi32>
    tpu.vector_store %arg6[%swap3A_531, %swap3A_532], %swap3A_535 {strides = array<i32>} : memref<4x64xi32, #tpu.memory_space<vmem>>, vector<1x16xi32>,
    %shift_right_arithmetic3A_536 = arith.constant 16 : i32
    %shift_right_arithmetic3A_537 = vector.broadcast %shift_right_arithmetic3A_536 : i32 to vector<16xi32>
    %shift_right_arithmetic3A_538 = arith.shrsi %get3A_526, %shift_right_arithmetic3A_537 : vector<16xi32>
    %swap3A_539 = arith.constant 1 : i32
    %swap3A_540 = arith.index_cast %swap3A_539 : i32 to index
    %swap3A_541 = arith.constant 0 : index
    %swap3A_542 = tpu.vector_load %arg7[%swap3A_540, %swap3A_541] {strides = array<i32>} : memref<4x64xi32, #tpu.memory_space<vmem>>, vector<1x16xi32>,
    %swap3A_543 = vector.shape_cast %swap3A_542 : vector<1x16xi32> to vector<16xi32>
    %swap3A_544 = vector.shape_cast %shift_right_arithmetic3A_538 : vector<16xi32> to vector<1x16xi32>
    tpu.vector_store %arg7[%swap3A_540, %swap3A_541], %swap3A_544 {strides = array<i32>} : memref<4x64xi32, #tpu.memory_space<vmem>>, vector<1x16xi32>,
    %get3A_545 = arith.constant 336 : index
    %get3A_546 = tpu.vector_load %arg5[%get3A_545] {strides = array<i32>} : memref<10368xi32, #tpu.memory_space<vmem>>, vector<16xi32>,
    %get3A_547 = vector.shape_cast %get3A_546 : vector<16xi32> to vector<16xi32>
    %and3A_548 = arith.constant 65535 : i32
    %and3A_549 = vector.broadcast %and3A_548 : i32 to vector<16xi32>
    %and3A_550 = arith.andi %get3A_547, %and3A_549 : vector<16xi32>
    %swap3A_551 = arith.constant 1 : i32
    %swap3A_552 = arith.index_cast %swap3A_551 : i32 to index
    %swap3A_553 = arith.constant 16 : index
    %swap3A_554 = tpu.vector_load %arg6[%swap3A_552, %swap3A_553] {strides = array<i32>} : memref<4x64xi32, #tpu.memory_space<vmem>>, vector<1x16xi32>,
    %swap3A_555 = vector.shape_cast %swap3A_554 : vector<1x16xi32> to vector<16xi32>
    %swap3A_556 = vector.shape_cast %and3A_550 : vector<16xi32> to vector<1x16xi32>
    tpu.vector_store %arg6[%swap3A_552, %swap3A_553], %swap3A_556 {strides = array<i32>} : memref<4x64xi32, #tpu.memory_space<vmem>>, vector<1x16xi32>,
    %shift_right_arithmetic3A_557 = arith.constant 16 : i32
    %shift_right_arithmetic3A_558 = vector.broadcast %shift_right_arithmetic3A_557 : i32 to vector<16xi32>
    %shift_right_arithmetic3A_559 = arith.shrsi %get3A_547, %shift_right_arithmetic3A_558 : vector<16xi32>
    %swap3A_560 = arith.constant 1 : i32
    %swap3A_561 = arith.index_cast %swap3A_560 : i32 to index
    %swap3A_562 = arith.constant 16 : index
    %swap3A_563 = tpu.vector_load %arg7[%swap3A_561, %swap3A_562] {strides = array<i32>} : memref<4x64xi32, #tpu.memory_space<vmem>>, vector<1x16xi32>,
    %swap3A_564 = vector.shape_cast %swap3A_563 : vector<1x16xi32> to vector<16xi32>
    %swap3A_565 = vector.shape_cast %shift_right_arithmetic3A_559 : vector<16xi32> to vector<1x16xi32>
    tpu.vector_store %arg7[%swap3A_561, %swap3A_562], %swap3A_565 {strides = array<i32>} : memref<4x64xi32, #tpu.memory_space<vmem>>, vector<1x16xi32>,
    %get3A_566 = arith.constant 352 : index
    %get3A_567 = tpu.vector_load %arg5[%get3A_566] {strides = array<i32>} : memref<10368xi32, #tpu.memory_space<vmem>>, vector<16xi32>,
    %get3A_568 = vector.shape_cast %get3A_567 : vector<16xi32> to vector<16xi32>
    %and3A_569 = arith.constant 65535 : i32
    %and3A_570 = vector.broadcast %and3A_569 : i32 to vector<16xi32>
    %and3A_571 = arith.andi %get3A_568, %and3A_570 : vector<16xi32>
    %swap3A_572 = arith.constant 1 : i32
    %swap3A_573 = arith.index_cast %swap3A_572 : i32 to index
    %swap3A_574 = arith.constant 32 : index
    %swap3A_575 = tpu.vector_load %arg6[%swap3A_573, %swap3A_574] {strides = array<i32>} : memref<4x64xi32, #tpu.memory_space<vmem>>, vector<1x16xi32>,
    %swap3A_576 = vector.shape_cast %swap3A_575 : vector<1x16xi32> to vector<16xi32>
    %swap3A_577 = vector.shape_cast %and3A_571 : vector<16xi32> to vector<1x16xi32>
    tpu.vector_store %arg6[%swap3A_573, %swap3A_574], %swap3A_577 {strides = array<i32>} : memref<4x64xi32, #tpu.memory_space<vmem>>, vector<1x16xi32>,
    %shift_right_arithmetic3A_578 = arith.constant 16 : i32
    %shift_right_arithmetic3A_579 = vector.broadcast %shift_right_arithmetic3A_578 : i32 to vector<16xi32>
    %shift_right_arithmetic3A_580 = arith.shrsi %get3A_568, %shift_right_arithmetic3A_579 : vector<16xi32>
    %swap3A_581 = arith.constant 1 : i32
    %swap3A_582 = arith.index_cast %swap3A_581 : i32 to index
    %swap3A_583 = arith.constant 32 : index
    %swap3A_584 = tpu.vector_load %arg7[%swap3A_582, %swap3A_583] {strides = array<i32>} : memref<4x64xi32, #tpu.memory_space<vmem>>, vector<1x16xi32>,
    %swap3A_585 = vector.shape_cast %swap3A_584 : vector<1x16xi32> to vector<16xi32>
    %swap3A_586 = vector.shape_cast %shift_right_arithmetic3A_580 : vector<16xi32> to vector<1x16xi32>
    tpu.vector_store %arg7[%swap3A_582, %swap3A_583], %swap3A_586 {strides = array<i32>} : memref<4x64xi32, #tpu.memory_space<vmem>>, vector<1x16xi32>,
    %get3A_587 = arith.constant 368 : index
    %get3A_588 = tpu.vector_load %arg5[%get3A_587] {strides = array<i32>} : memref<10368xi32, #tpu.memory_space<vmem>>, vector<16xi32>,
    %get3A_589 = vector.shape_cast %get3A_588 : vector<16xi32> to vector<16xi32>
    %and3A_590 = arith.constant 65535 : i32
    %and3A_591 = vector.broadcast %and3A_590 : i32 to vector<16xi32>
    %and3A_592 = arith.andi %get3A_589, %and3A_591 : vector<16xi32>
    %swap3A_593 = arith.constant 1 : i32
    %swap3A_594 = arith.index_cast %swap3A_593 : i32 to index
    %swap3A_595 = arith.constant 48 : index
    %swap3A_596 = tpu.vector_load %arg6[%swap3A_594, %swap3A_595] {strides = array<i32>} : memref<4x64xi32, #tpu.memory_space<vmem>>, vector<1x16xi32>,
    %swap3A_597 = vector.shape_cast %swap3A_596 : vector<1x16xi32> to vector<16xi32>
    %swap3A_598 = vector.shape_cast %and3A_592 : vector<16xi32> to vector<1x16xi32>
    tpu.vector_store %arg6[%swap3A_594, %swap3A_595], %swap3A_598 {strides = array<i32>} : memref<4x64xi32, #tpu.memory_space<vmem>>, vector<1x16xi32>,
    %shift_right_arithmetic3A_599 = arith.constant 16 : i32
    %shift_right_arithmetic3A_600 = vector.broadcast %shift_right_arithmetic3A_599 : i32 to vector<16xi32>
    %shift_right_arithmetic3A_601 = arith.shrsi %get3A_589, %shift_right_arithmetic3A_600 : vector<16xi32>
    %swap3A_602 = arith.constant 1 : i32
    %swap3A_603 = arith.index_cast %swap3A_602 : i32 to index
    %swap3A_604 = arith.constant 48 : index
    %swap3A_605 = tpu.vector_load %arg7[%swap3A_603, %swap3A_604] {strides = array<i32>} : memref<4x64xi32, #tpu.memory_space<vmem>>, vector<1x16xi32>,
    %swap3A_606 = vector.shape_cast %swap3A_605 : vector<1x16xi32> to vector<16xi32>
    %swap3A_607 = vector.shape_cast %shift_right_arithmetic3A_601 : vector<16xi32> to vector<1x16xi32>
    tpu.vector_store %arg7[%swap3A_603, %swap3A_604], %swap3A_607 {strides = array<i32>} : memref<4x64xi32, #tpu.memory_space<vmem>>, vector<1x16xi32>,
    %dma_start3A_608 = arith.constant 1 : i32
    %dma_start3A_609 = arith.constant 0 : i32
    %dma_start3A_610 = tpu.memref_slice %arg6[%dma_start3A_608, %dma_start3A_609] : memref<4x64xi32, #tpu.memory_space<vmem>> -> memref<1x64xi32, #tpu.memory_space<vmem>>
    %dma_start3A_611 = tpu.memref_squeeze %dma_start3A_610 : memref<1x64xi32, #tpu.memory_space<vmem>> -> memref<64xi32, #tpu.memory_space<vmem>>
    %dma_start3A_612 = arith.constant 0 : i32
    %dma_start3A_613 = arith.constant 0 : i32
    %dma_start3A_614 = tpu.memref_slice %arg2[%dma_start3A_612, %dma_start3A_613] : memref<10000x128xf32, #tpu.memory_space<hbm>> -> memref<10000x128xf32, #tpu.memory_space<hbm>>
    tpu.enqueue_indirect_dma source(%dma_start3A_614 : memref<10000x128xf32, #tpu.memory_space<hbm>>) target(%arg9 : memref<64x128xf32, #tpu.memory_space<vmem>>) offsets(%dma_start3A_611 : memref<64xi32, #tpu.memory_space<vmem>>) semaphore(%arg14 : memref<!tpu.dma_semaphore, #tpu.memory_space<semaphore_mem>>)
    %scan3A = arith.constant 0 : i32
    %scan3A_615 = arith.constant 39 : i32
    %scan3A_616 = arith.addi %scan3A, %scan3A_615 : i32
    %scan3A_617 = arith.constant 1 : i32
    scf.for %scan3A_653 = %scan3A to %scan3A_616 step %scan3A_617  : i32 {
      %mul3A_654 = arith.constant 4 : i32
      %mul3A_655 = arith.muli %scan3A_653, %mul3A_654 : i32
      %add3A_656 = arith.constant 4 : i32
      %add3A_657 = arith.addi %add3A_656, %mul3A_655 : i32
      %dma_wait3A_658 = arith.constant 0 : i32
      %dma_wait3A_659 = arith.constant 0 : i32
      %dma_wait3A_660 = tpu.memref_slice %arg6[%dma_wait3A_658, %dma_wait3A_659] : memref<4x64xi32, #tpu.memory_space<vmem>> -> memref<1x64xi32, #tpu.memory_space<vmem>>
      %dma_wait3A_661 = tpu.memref_squeeze %dma_wait3A_660 : memref<1x64xi32, #tpu.memory_space<vmem>> -> memref<64xi32, #tpu.memory_space<vmem>>
      %dma_wait3A_662 = arith.constant 0 : i32
      %dma_wait3A_663 = arith.constant 0 : i32
      %dma_wait3A_664 = tpu.memref_slice %arg2[%dma_wait3A_662, %dma_wait3A_663] : memref<10000x128xf32, #tpu.memory_space<hbm>> -> memref<10000x128xf32, #tpu.memory_space<hbm>>
      tpu.wait_indirect_dma semaphore(%arg13 : memref<!tpu.dma_semaphore, #tpu.memory_space<semaphore_mem>>) src(%dma_wait3A_664 : memref<10000x128xf32, #tpu.memory_space<hbm>>) dst(%arg8 : memref<64x128xf32, #tpu.memory_space<vmem>>)
      %dma_start3A_665 = arith.constant 0 : i32
      %dma_start3A_666 = arith.constant 0 : i32
      %dma_start3A_667 = tpu.memref_slice %arg7[%dma_start3A_665, %dma_start3A_666] : memref<4x64xi32, #tpu.memory_space<vmem>> -> memref<1x64xi32, #tpu.memory_space<vmem>>
      %dma_start3A_668 = tpu.memref_squeeze %dma_start3A_667 : memref<1x64xi32, #tpu.memory_space<vmem>> -> memref<64xi32, #tpu.memory_space<vmem>>
      %dma_start3A_669 = arith.constant 0 : i32
      %dma_start3A_670 = arith.constant 0 : i32
      %dma_start3A_671 = tpu.memref_slice %arg12[%dma_start3A_669, %dma_start3A_670] : memref<10016x128xf32, #tpu.memory_space<vmem_shared>> -> memref<10016x128xf32, #tpu.memory_space<vmem_shared>>
      tpu.enqueue_indirect_dma source(%arg8 : memref<64x128xf32, #tpu.memory_space<vmem>>) target(%dma_start3A_671 : memref<10016x128xf32, #tpu.memory_space<vmem_shared>>) offsets(%dma_start3A_668 : memref<64xi32, #tpu.memory_space<vmem>>) semaphore(%arg17 : memref<!tpu.dma_semaphore, #tpu.memory_space<semaphore_mem>>) {add = true}
      %dma_wait3A_672 = arith.constant 2 : i32
      %dma_wait3A_673 = arith.constant 0 : i32
      %dma_wait3A_674 = tpu.memref_slice %arg7[%dma_wait3A_672, %dma_wait3A_673] : memref<4x64xi32, #tpu.memory_space<vmem>> -> memref<1x64xi32, #tpu.memory_space<vmem>>
      %dma_wait3A_675 = tpu.memref_squeeze %dma_wait3A_674 : memref<1x64xi32, #tpu.memory_space<vmem>> -> memref<64xi32, #tpu.memory_space<vmem>>
      %dma_wait3A_676 = arith.constant 0 : i32
      %dma_wait3A_677 = arith.constant 0 : i32
      %dma_wait3A_678 = tpu.memref_slice %arg12[%dma_wait3A_676, %dma_wait3A_677] : memref<10016x128xf32, #tpu.memory_space<vmem_shared>> -> memref<10016x128xf32, #tpu.memory_space<vmem_shared>>
      tpu.wait_indirect_dma semaphore(%arg19 : memref<!tpu.dma_semaphore, #tpu.memory_space<semaphore_mem>>) src(%arg10 : memref<64x128xf32, #tpu.memory_space<vmem>>) dst(%dma_wait3A_678 : memref<10016x128xf32, #tpu.memory_space<vmem_shared>>)
      %add3A_679 = arith.constant 0 : i32
      %add3A_680 = arith.addi %add3A_657, %add3A_679 : i32
      %add3A_681 = arith.constant 2 : i32
      %add3A_682 = arith.addi %add3A_680, %add3A_681 : i32
      %mul3A_683 = arith.constant 64 : i32
      %mul3A_684 = arith.muli %add3A_682, %mul3A_683 : i32
      %add3A_685 = arith.constant 0 : i32
      %add3A_686 = arith.addi %mul3A_684, %add3A_685 : i32
      %get3A_687 = arith.index_cast %add3A_686 : i32 to index
      %get3A_688 = tpu.vector_load %arg5[%get3A_687] {strides = array<i32>} : memref<10368xi32, #tpu.memory_space<vmem>>, vector<16xi32>,
      %get3A_689 = vector.shape_cast %get3A_688 : vector<16xi32> to vector<16xi32>
      %and3A_690 = arith.constant 65535 : i32
      %and3A_691 = vector.broadcast %and3A_690 : i32 to vector<16xi32>
      %and3A_692 = arith.andi %get3A_689, %and3A_691 : vector<16xi32>
      %swap3A_693 = arith.constant 2 : i32
      %swap3A_694 = arith.index_cast %swap3A_693 : i32 to index
      %swap3A_695 = arith.constant 0 : index
      %swap3A_696 = tpu.vector_load %arg6[%swap3A_694, %swap3A_695] {strides = array<i32>} : memref<4x64xi32, #tpu.memory_space<vmem>>, vector<1x16xi32>,
      %swap3A_697 = vector.shape_cast %swap3A_696 : vector<1x16xi32> to vector<16xi32>
      %swap3A_698 = vector.shape_cast %and3A_692 : vector<16xi32> to vector<1x16xi32>
      tpu.vector_store %arg6[%swap3A_694, %swap3A_695], %swap3A_698 {strides = array<i32>} : memref<4x64xi32, #tpu.memory_space<vmem>>, vector<1x16xi32>,
      %shift_right_arithmetic3A_699 = arith.constant 16 : i32
      %shift_right_arithmetic3A_700 = vector.broadcast %shift_right_arithmetic3A_699 : i32 to vector<16xi32>
      %shift_right_arithmetic3A_701 = arith.shrsi %get3A_689, %shift_right_arithmetic3A_700 : vector<16xi32>
      %swap3A_702 = arith.constant 2 : i32
      %swap3A_703 = arith.index_cast %swap3A_702 : i32 to index
      %swap3A_704 = arith.constant 0 : index
      %swap3A_705 = tpu.vector_load %arg7[%swap3A_703, %swap3A_704] {strides = array<i32>} : memref<4x64xi32, #tpu.memory_space<vmem>>, vector<1x16xi32>,
      %swap3A_706 = vector.shape_cast %swap3A_705 : vector<1x16xi32> to vector<16xi32>
      %swap3A_707 = vector.shape_cast %shift_right_arithmetic3A_701 : vector<16xi32> to vector<1x16xi32>
      tpu.vector_store %arg7[%swap3A_703, %swap3A_704], %swap3A_707 {strides = array<i32>} : memref<4x64xi32, #tpu.memory_space<vmem>>, vector<1x16xi32>,
      %mul3A_708 = arith.constant 64 : i32
      %mul3A_709 = arith.muli %add3A_682, %mul3A_708 : i32
      %add3A_710 = arith.constant 16 : i32
      %add3A_711 = arith.addi %mul3A_709, %add3A_710 : i32
      %get3A_712 = arith.index_cast %add3A_711 : i32 to index
      %get3A_713 = tpu.vector_load %arg5[%get3A_712] {strides = array<i32>} : memref<10368xi32, #tpu.memory_space<vmem>>, vector<16xi32>,
      %get3A_714 = vector.shape_cast %get3A_713 : vector<16xi32> to vector<16xi32>
      %and3A_715 = arith.constant 65535 : i32
      %and3A_716 = vector.broadcast %and3A_715 : i32 to vector<16xi32>
      %and3A_717 = arith.andi %get3A_714, %and3A_716 : vector<16xi32>
      %swap3A_718 = arith.constant 2 : i32
      %swap3A_719 = arith.index_cast %swap3A_718 : i32 to index
      %swap3A_720 = arith.constant 16 : index
      %swap3A_721 = tpu.vector_load %arg6[%swap3A_719, %swap3A_720] {strides = array<i32>} : memref<4x64xi32, #tpu.memory_space<vmem>>, vector<1x16xi32>,
      %swap3A_722 = vector.shape_cast %swap3A_721 : vector<1x16xi32> to vector<16xi32>
      %swap3A_723 = vector.shape_cast %and3A_717 : vector<16xi32> to vector<1x16xi32>
      tpu.vector_store %arg6[%swap3A_719, %swap3A_720], %swap3A_723 {strides = array<i32>} : memref<4x64xi32, #tpu.memory_space<vmem>>, vector<1x16xi32>,
      %shift_right_arithmetic3A_724 = arith.constant 16 : i32
      %shift_right_arithmetic3A_725 = vector.broadcast %shift_right_arithmetic3A_724 : i32 to vector<16xi32>
      %shift_right_arithmetic3A_726 = arith.shrsi %get3A_714, %shift_right_arithmetic3A_725 : vector<16xi32>
      %swap3A_727 = arith.constant 2 : i32
      %swap3A_728 = arith.index_cast %swap3A_727 : i32 to index
      %swap3A_729 = arith.constant 16 : index
      %swap3A_730 = tpu.vector_load %arg7[%swap3A_728, %swap3A_729] {strides = array<i32>} : memref<4x64xi32, #tpu.memory_space<vmem>>, vector<1x16xi32>,
      %swap3A_731 = vector.shape_cast %swap3A_730 : vector<1x16xi32> to vector<16xi32>
      %swap3A_732 = vector.shape_cast %shift_right_arithmetic3A_726 : vector<16xi32> to vector<1x16xi32>
      tpu.vector_store %arg7[%swap3A_728, %swap3A_729], %swap3A_732 {strides = array<i32>} : memref<4x64xi32, #tpu.memory_space<vmem>>, vector<1x16xi32>,
      %mul3A_733 = arith.constant 64 : i32
      %mul3A_734 = arith.muli %add3A_682, %mul3A_733 : i32
      %add3A_735 = arith.constant 32 : i32
      %add3A_736 = arith.addi %mul3A_734, %add3A_735 : i32
      %get3A_737 = arith.index_cast %add3A_736 : i32 to index
      %get3A_738 = tpu.vector_load %arg5[%get3A_737] {strides = array<i32>} : memref<10368xi32, #tpu.memory_space<vmem>>, vector<16xi32>,
      %get3A_739 = vector.shape_cast %get3A_738 : vector<16xi32> to vector<16xi32>
      %and3A_740 = arith.constant 65535 : i32
      %and3A_741 = vector.broadcast %and3A_740 : i32 to vector<16xi32>
      %and3A_742 = arith.andi %get3A_739, %and3A_741 : vector<16xi32>
      %swap3A_743 = arith.constant 2 : i32
      %swap3A_744 = arith.index_cast %swap3A_743 : i32 to index
      %swap3A_745 = arith.constant 32 : index
      %swap3A_746 = tpu.vector_load %arg6[%swap3A_744, %swap3A_745] {strides = array<i32>} : memref<4x64xi32, #tpu.memory_space<vmem>>, vector<1x16xi32>,
      %swap3A_747 = vector.shape_cast %swap3A_746 : vector<1x16xi32> to vector<16xi32>
      %swap3A_748 = vector.shape_cast %and3A_742 : vector<16xi32> to vector<1x16xi32>
      tpu.vector_store %arg6[%swap3A_744, %swap3A_745], %swap3A_748 {strides = array<i32>} : memref<4x64xi32, #tpu.memory_space<vmem>>, vector<1x16xi32>,
      %shift_right_arithmetic3A_749 = arith.constant 16 : i32
      %shift_right_arithmetic3A_750 = vector.broadcast %shift_right_arithmetic3A_749 : i32 to vector<16xi32>
      %shift_right_arithmetic3A_751 = arith.shrsi %get3A_739, %shift_right_arithmetic3A_750 : vector<16xi32>
      %swap3A_752 = arith.constant 2 : i32
      %swap3A_753 = arith.index_cast %swap3A_752 : i32 to index
      %swap3A_754 = arith.constant 32 : index
      %swap3A_755 = tpu.vector_load %arg7[%swap3A_753, %swap3A_754] {strides = array<i32>} : memref<4x64xi32, #tpu.memory_space<vmem>>, vector<1x16xi32>,
      %swap3A_756 = vector.shape_cast %swap3A_755 : vector<1x16xi32> to vector<16xi32>
      %swap3A_757 = vector.shape_cast %shift_right_arithmetic3A_751 : vector<16xi32> to vector<1x16xi32>
      tpu.vector_store %arg7[%swap3A_753, %swap3A_754], %swap3A_757 {strides = array<i32>} : memref<4x64xi32, #tpu.memory_space<vmem>>, vector<1x16xi32>,
      %mul3A_758 = arith.constant 64 : i32
      %mul3A_759 = arith.muli %add3A_682, %mul3A_758 : i32
      %add3A_760 = arith.constant 48 : i32
      %add3A_761 = arith.addi %mul3A_759, %add3A_760 : i32
      %get3A_762 = arith.index_cast %add3A_761 : i32 to index
      %get3A_763 = tpu.vector_load %arg5[%get3A_762] {strides = array<i32>} : memref<10368xi32, #tpu.memory_space<vmem>>, vector<16xi32>,
      %get3A_764 = vector.shape_cast %get3A_763 : vector<16xi32> to vector<16xi32>
      %and3A_765 = arith.constant 65535 : i32
      %and3A_766 = vector.broadcast %and3A_765 : i32 to vector<16xi32>
      %and3A_767 = arith.andi %get3A_764, %and3A_766 : vector<16xi32>
      %swap3A_768 = arith.constant 2 : i32
      %swap3A_769 = arith.index_cast %swap3A_768 : i32 to index
      %swap3A_770 = arith.constant 48 : index
      %swap3A_771 = tpu.vector_load %arg6[%swap3A_769, %swap3A_770] {strides = array<i32>} : memref<4x64xi32, #tpu.memory_space<vmem>>, vector<1x16xi32>,
      %swap3A_772 = vector.shape_cast %swap3A_771 : vector<1x16xi32> to vector<16xi32>
      %swap3A_773 = vector.shape_cast %and3A_767 : vector<16xi32> to vector<1x16xi32>
      tpu.vector_store %arg6[%swap3A_769, %swap3A_770], %swap3A_773 {strides = array<i32>} : memref<4x64xi32, #tpu.memory_space<vmem>>, vector<1x16xi32>,
      %shift_right_arithmetic3A_774 = arith.constant 16 : i32
      %shift_right_arithmetic3A_775 = vector.broadcast %shift_right_arithmetic3A_774 : i32 to vector<16xi32>
      %shift_right_arithmetic3A_776 = arith.shrsi %get3A_764, %shift_right_arithmetic3A_775 : vector<16xi32>
      %swap3A_777 = arith.constant 2 : i32
      %swap3A_778 = arith.index_cast %swap3A_777 : i32 to index
      %swap3A_779 = arith.constant 48 : index
      %swap3A_780 = tpu.vector_load %arg7[%swap3A_778, %swap3A_779] {strides = array<i32>} : memref<4x64xi32, #tpu.memory_space<vmem>>, vector<1x16xi32>,
      %swap3A_781 = vector.shape_cast %swap3A_780 : vector<1x16xi32> to vector<16xi32>
      %swap3A_782 = vector.shape_cast %shift_right_arithmetic3A_776 : vector<16xi32> to vector<1x16xi32>
      tpu.vector_store %arg7[%swap3A_778, %swap3A_779], %swap3A_782 {strides = array<i32>} : memref<4x64xi32, #tpu.memory_space<vmem>>, vector<1x16xi32>,
      %dma_start3A_783 = arith.constant 2 : i32
      %dma_start3A_784 = arith.constant 0 : i32
      %dma_start3A_785 = tpu.memref_slice %arg6[%dma_start3A_783, %dma_start3A_784] : memref<4x64xi32, #tpu.memory_space<vmem>> -> memref<1x64xi32, #tpu.memory_space<vmem>>
      %dma_start3A_786 = tpu.memref_squeeze %dma_start3A_785 : memref<1x64xi32, #tpu.memory_space<vmem>> -> memref<64xi32, #tpu.memory_space<vmem>>
      %dma_start3A_787 = arith.constant 0 : i32
      %dma_start3A_788 = arith.constant 0 : i32
      %dma_start3A_789 = tpu.memref_slice %arg2[%dma_start3A_787, %dma_start3A_788] : memref<10000x128xf32, #tpu.memory_space<hbm>> -> memref<10000x128xf32, #tpu.memory_space<hbm>>
      tpu.enqueue_indirect_dma source(%dma_start3A_789 : memref<10000x128xf32, #tpu.memory_space<hbm>>) target(%arg10 : memref<64x128xf32, #tpu.memory_space<vmem>>) offsets(%dma_start3A_786 : memref<64xi32, #tpu.memory_space<vmem>>) semaphore(%arg15 : memref<!tpu.dma_semaphore, #tpu.memory_space<semaphore_mem>>)
      %dma_wait3A_790 = arith.constant 1 : i32
      %dma_wait3A_791 = arith.constant 0 : i32
      %dma_wait3A_792 = tpu.memref_slice %arg6[%dma_wait3A_790, %dma_wait3A_791] : memref<4x64xi32, #tpu.memory_space<vmem>> -> memref<1x64xi32, #tpu.memory_space<vmem>>
      %dma_wait3A_793 = tpu.memref_squeeze %dma_wait3A_792 : memref<1x64xi32, #tpu.memory_space<vmem>> -> memref<64xi32, #tpu.memory_space<vmem>>
      %dma_wait3A_794 = arith.constant 0 : i32
      %dma_wait3A_795 = arith.constant 0 : i32
      %dma_wait3A_796 = tpu.memref_slice %arg2[%dma_wait3A_794, %dma_wait3A_795] : memref<10000x128xf32, #tpu.memory_space<hbm>> -> memref<10000x128xf32, #tpu.memory_space<hbm>>
      tpu.wait_indirect_dma semaphore(%arg14 : memref<!tpu.dma_semaphore, #tpu.memory_space<semaphore_mem>>) src(%dma_wait3A_796 : memref<10000x128xf32, #tpu.memory_space<hbm>>) dst(%arg9 : memref<64x128xf32, #tpu.memory_space<vmem>>)
      %dma_start3A_797 = arith.constant 1 : i32
      %dma_start3A_798 = arith.constant 0 : i32
      %dma_start3A_799 = tpu.memref_slice %arg7[%dma_start3A_797, %dma_start3A_798] : memref<4x64xi32, #tpu.memory_space<vmem>> -> memref<1x64xi32, #tpu.memory_space<vmem>>
      %dma_start3A_800 = tpu.memref_squeeze %dma_start3A_799 : memref<1x64xi32, #tpu.memory_space<vmem>> -> memref<64xi32, #tpu.memory_space<vmem>>
      %dma_start3A_801 = arith.constant 0 : i32
      %dma_start3A_802 = arith.constant 0 : i32
      %dma_start3A_803 = tpu.memref_slice %arg12[%dma_start3A_801, %dma_start3A_802] : memref<10016x128xf32, #tpu.memory_space<vmem_shared>> -> memref<10016x128xf32, #tpu.memory_space<vmem_shared>>
      tpu.enqueue_indirect_dma source(%arg9 : memref<64x128xf32, #tpu.memory_space<vmem>>) target(%dma_start3A_803 : memref<10016x128xf32, #tpu.memory_space<vmem_shared>>) offsets(%dma_start3A_800 : memref<64xi32, #tpu.memory_space<vmem>>) semaphore(%arg18 : memref<!tpu.dma_semaphore, #tpu.memory_space<semaphore_mem>>) {add = true}
      %dma_wait3A_804 = arith.constant 3 : i32
      %dma_wait3A_805 = arith.constant 0 : i32
      %dma_wait3A_806 = tpu.memref_slice %arg7[%dma_wait3A_804, %dma_wait3A_805] : memref<4x64xi32, #tpu.memory_space<vmem>> -> memref<1x64xi32, #tpu.memory_space<vmem>>
      %dma_wait3A_807 = tpu.memref_squeeze %dma_wait3A_806 : memref<1x64xi32, #tpu.memory_space<vmem>> -> memref<64xi32, #tpu.memory_space<vmem>>
      %dma_wait3A_808 = arith.constant 0 : i32
      %dma_wait3A_809 = arith.constant 0 : i32
      %dma_wait3A_810 = tpu.memref_slice %arg12[%dma_wait3A_808, %dma_wait3A_809] : memref<10016x128xf32, #tpu.memory_space<vmem_shared>> -> memref<10016x128xf32, #tpu.memory_space<vmem_shared>>
      tpu.wait_indirect_dma semaphore(%arg20 : memref<!tpu.dma_semaphore, #tpu.memory_space<semaphore_mem>>) src(%arg11 : memref<64x128xf32, #tpu.memory_space<vmem>>) dst(%dma_wait3A_810 : memref<10016x128xf32, #tpu.memory_space<vmem_shared>>)
      %add3A_811 = arith.constant 1 : i32
      %add3A_812 = arith.addi %add3A_657, %add3A_811 : i32
      %add3A_813 = arith.constant 2 : i32
      %add3A_814 = arith.addi %add3A_812, %add3A_813 : i32
      %mul3A_815 = arith.constant 64 : i32
      %mul3A_816 = arith.muli %add3A_814, %mul3A_815 : i32
      %add3A_817 = arith.constant 0 : i32
      %add3A_818 = arith.addi %mul3A_816, %add3A_817 : i32
      %get3A_819 = arith.index_cast %add3A_818 : i32 to index
      %get3A_820 = tpu.vector_load %arg5[%get3A_819] {strides = array<i32>} : memref<10368xi32, #tpu.memory_space<vmem>>, vector<16xi32>,
      %get3A_821 = vector.shape_cast %get3A_820 : vector<16xi32> to vector<16xi32>
      %and3A_822 = arith.constant 65535 : i32
      %and3A_823 = vector.broadcast %and3A_822 : i32 to vector<16xi32>
      %and3A_824 = arith.andi %get3A_821, %and3A_823 : vector<16xi32>
      %swap3A_825 = arith.constant 3 : i32
      %swap3A_826 = arith.index_cast %swap3A_825 : i32 to index
      %swap3A_827 = arith.constant 0 : index
      %swap3A_828 = tpu.vector_load %arg6[%swap3A_826, %swap3A_827] {strides = array<i32>} : memref<4x64xi32, #tpu.memory_space<vmem>>, vector<1x16xi32>,
      %swap3A_829 = vector.shape_cast %swap3A_828 : vector<1x16xi32> to vector<16xi32>
      %swap3A_830 = vector.shape_cast %and3A_824 : vector<16xi32> to vector<1x16xi32>
      tpu.vector_store %arg6[%swap3A_826, %swap3A_827], %swap3A_830 {strides = array<i32>} : memref<4x64xi32, #tpu.memory_space<vmem>>, vector<1x16xi32>,
      %shift_right_arithmetic3A_831 = arith.constant 16 : i32
      %shift_right_arithmetic3A_832 = vector.broadcast %shift_right_arithmetic3A_831 : i32 to vector<16xi32>
      %shift_right_arithmetic3A_833 = arith.shrsi %get3A_821, %shift_right_arithmetic3A_832 : vector<16xi32>
      %swap3A_834 = arith.constant 3 : i32
      %swap3A_835 = arith.index_cast %swap3A_834 : i32 to index
      %swap3A_836 = arith.constant 0 : index
      %swap3A_837 = tpu.vector_load %arg7[%swap3A_835, %swap3A_836] {strides = array<i32>} : memref<4x64xi32, #tpu.memory_space<vmem>>, vector<1x16xi32>,
      %swap3A_838 = vector.shape_cast %swap3A_837 : vector<1x16xi32> to vector<16xi32>
      %swap3A_839 = vector.shape_cast %shift_right_arithmetic3A_833 : vector<16xi32> to vector<1x16xi32>
      tpu.vector_store %arg7[%swap3A_835, %swap3A_836], %swap3A_839 {strides = array<i32>} : memref<4x64xi32, #tpu.memory_space<vmem>>, vector<1x16xi32>,
      %mul3A_840 = arith.constant 64 : i32
      %mul3A_841 = arith.muli %add3A_814, %mul3A_840 : i32
      %add3A_842 = arith.constant 16 : i32
      %add3A_843 = arith.addi %mul3A_841, %add3A_842 : i32
      %get3A_844 = arith.index_cast %add3A_843 : i32 to index
      %get3A_845 = tpu.vector_load %arg5[%get3A_844] {strides = array<i32>} : memref<10368xi32, #tpu.memory_space<vmem>>, vector<16xi32>,
      %get3A_846 = vector.shape_cast %get3A_845 : vector<16xi32> to vector<16xi32>
      %and3A_847 = arith.constant 65535 : i32
      %and3A_848 = vector.broadcast %and3A_847 : i32 to vector<16xi32>
      %and3A_849 = arith.andi %get3A_846, %and3A_848 : vector<16xi32>
      %swap3A_850 = arith.constant 3 : i32
      %swap3A_851 = arith.index_cast %swap3A_850 : i32 to index
      %swap3A_852 = arith.constant 16 : index
      %swap3A_853 = tpu.vector_load %arg6[%swap3A_851, %swap3A_852] {strides = array<i32>} : memref<4x64xi32, #tpu.memory_space<vmem>>, vector<1x16xi32>,
      %swap3A_854 = vector.shape_cast %swap3A_853 : vector<1x16xi32> to vector<16xi32>
      %swap3A_855 = vector.shape_cast %and3A_849 : vector<16xi32> to vector<1x16xi32>
      tpu.vector_store %arg6[%swap3A_851, %swap3A_852], %swap3A_855 {strides = array<i32>} : memref<4x64xi32, #tpu.memory_space<vmem>>, vector<1x16xi32>,
      %shift_right_arithmetic3A_856 = arith.constant 16 : i32
      %shift_right_arithmetic3A_857 = vector.broadcast %shift_right_arithmetic3A_856 : i32 to vector<16xi32>
      %shift_right_arithmetic3A_858 = arith.shrsi %get3A_846, %shift_right_arithmetic3A_857 : vector<16xi32>
      %swap3A_859 = arith.constant 3 : i32
      %swap3A_860 = arith.index_cast %swap3A_859 : i32 to index
      %swap3A_861 = arith.constant 16 : index
      %swap3A_862 = tpu.vector_load %arg7[%swap3A_860, %swap3A_861] {strides = array<i32>} : memref<4x64xi32, #tpu.memory_space<vmem>>, vector<1x16xi32>,
      %swap3A_863 = vector.shape_cast %swap3A_862 : vector<1x16xi32> to vector<16xi32>
      %swap3A_864 = vector.shape_cast %shift_right_arithmetic3A_858 : vector<16xi32> to vector<1x16xi32>
      tpu.vector_store %arg7[%swap3A_860, %swap3A_861], %swap3A_864 {strides = array<i32>} : memref<4x64xi32, #tpu.memory_space<vmem>>, vector<1x16xi32>,
      %mul3A_865 = arith.constant 64 : i32
      %mul3A_866 = arith.muli %add3A_814, %mul3A_865 : i32
      %add3A_867 = arith.constant 32 : i32
      %add3A_868 = arith.addi %mul3A_866, %add3A_867 : i32
      %get3A_869 = arith.index_cast %add3A_868 : i32 to index
      %get3A_870 = tpu.vector_load %arg5[%get3A_869] {strides = array<i32>} : memref<10368xi32, #tpu.memory_space<vmem>>, vector<16xi32>,
      %get3A_871 = vector.shape_cast %get3A_870 : vector<16xi32> to vector<16xi32>
      %and3A_872 = arith.constant 65535 : i32
      %and3A_873 = vector.broadcast %and3A_872 : i32 to vector<16xi32>
      %and3A_874 = arith.andi %get3A_871, %and3A_873 : vector<16xi32>
      %swap3A_875 = arith.constant 3 : i32
      %swap3A_876 = arith.index_cast %swap3A_875 : i32 to index
      %swap3A_877 = arith.constant 32 : index
      %swap3A_878 = tpu.vector_load %arg6[%swap3A_876, %swap3A_877] {strides = array<i32>} : memref<4x64xi32, #tpu.memory_space<vmem>>, vector<1x16xi32>,
      %swap3A_879 = vector.shape_cast %swap3A_878 : vector<1x16xi32> to vector<16xi32>
      %swap3A_880 = vector.shape_cast %and3A_874 : vector<16xi32> to vector<1x16xi32>
      tpu.vector_store %arg6[%swap3A_876, %swap3A_877], %swap3A_880 {strides = array<i32>} : memref<4x64xi32, #tpu.memory_space<vmem>>, vector<1x16xi32>,
      %shift_right_arithmetic3A_881 = arith.constant 16 : i32
      %shift_right_arithmetic3A_882 = vector.broadcast %shift_right_arithmetic3A_881 : i32 to vector<16xi32>
      %shift_right_arithmetic3A_883 = arith.shrsi %get3A_871, %shift_right_arithmetic3A_882 : vector<16xi32>
      %swap3A_884 = arith.constant 3 : i32
      %swap3A_885 = arith.index_cast %swap3A_884 : i32 to index
      %swap3A_886 = arith.constant 32 : index
      %swap3A_887 = tpu.vector_load %arg7[%swap3A_885, %swap3A_886] {strides = array<i32>} : memref<4x64xi32, #tpu.memory_space<vmem>>, vector<1x16xi32>,
      %swap3A_888 = vector.shape_cast %swap3A_887 : vector<1x16xi32> to vector<16xi32>
      %swap3A_889 = vector.shape_cast %shift_right_arithmetic3A_883 : vector<16xi32> to vector<1x16xi32>
      tpu.vector_store %arg7[%swap3A_885, %swap3A_886], %swap3A_889 {strides = array<i32>} : memref<4x64xi32, #tpu.memory_space<vmem>>, vector<1x16xi32>,
      %mul3A_890 = arith.constant 64 : i32
      %mul3A_891 = arith.muli %add3A_814, %mul3A_890 : i32
      %add3A_892 = arith.constant 48 : i32
      %add3A_893 = arith.addi %mul3A_891, %add3A_892 : i32
      %get3A_894 = arith.index_cast %add3A_893 : i32 to index
      %get3A_895 = tpu.vector_load %arg5[%get3A_894] {strides = array<i32>} : memref<10368xi32, #tpu.memory_space<vmem>>, vector<16xi32>,
      %get3A_896 = vector.shape_cast %get3A_895 : vector<16xi32> to vector<16xi32>
      %and3A_897 = arith.constant 65535 : i32
      %and3A_898 = vector.broadcast %and3A_897 : i32 to vector<16xi32>
      %and3A_899 = arith.andi %get3A_896, %and3A_898 : vector<16xi32>
      %swap3A_900 = arith.constant 3 : i32
      %swap3A_901 = arith.index_cast %swap3A_900 : i32 to index
      %swap3A_902 = arith.constant 48 : index
      %swap3A_903 = tpu.vector_load %arg6[%swap3A_901, %swap3A_902] {strides = array<i32>} : memref<4x64xi32, #tpu.memory_space<vmem>>, vector<1x16xi32>,
      %swap3A_904 = vector.shape_cast %swap3A_903 : vector<1x16xi32> to vector<16xi32>
      %swap3A_905 = vector.shape_cast %and3A_899 : vector<16xi32> to vector<1x16xi32>
      tpu.vector_store %arg6[%swap3A_901, %swap3A_902], %swap3A_905 {strides = array<i32>} : memref<4x64xi32, #tpu.memory_space<vmem>>, vector<1x16xi32>,
      %shift_right_arithmetic3A_906 = arith.constant 16 : i32
      %shift_right_arithmetic3A_907 = vector.broadcast %shift_right_arithmetic3A_906 : i32 to vector<16xi32>
      %shift_right_arithmetic3A_908 = arith.shrsi %get3A_896, %shift_right_arithmetic3A_907 : vector<16xi32>
      %swap3A_909 = arith.constant 3 : i32
      %swap3A_910 = arith.index_cast %swap3A_909 : i32 to index
      %swap3A_911 = arith.constant 48 : index
      %swap3A_912 = tpu.vector_load %arg7[%swap3A_910, %swap3A_911] {strides = array<i32>} : memref<4x64xi32, #tpu.memory_space<vmem>>, vector<1x16xi32>,
      %swap3A_913 = vector.shape_cast %swap3A_912 : vector<1x16xi32> to vector<16xi32>
      %swap3A_914 = vector.shape_cast %shift_right_arithmetic3A_908 : vector<16xi32> to vector<1x16xi32>
      tpu.vector_store %arg7[%swap3A_910, %swap3A_911], %swap3A_914 {strides = array<i32>} : memref<4x64xi32, #tpu.memory_space<vmem>>, vector<1x16xi32>,
      %dma_start3A_915 = arith.constant 3 : i32
      %dma_start3A_916 = arith.constant 0 : i32
      %dma_start3A_917 = tpu.memref_slice %arg6[%dma_start3A_915, %dma_start3A_916] : memref<4x64xi32, #tpu.memory_space<vmem>> -> memref<1x64xi32, #tpu.memory_space<vmem>>
      %dma_start3A_918 = tpu.memref_squeeze %dma_start3A_917 : memref<1x64xi32, #tpu.memory_space<vmem>> -> memref<64xi32, #tpu.memory_space<vmem>>
      %dma_start3A_919 = arith.constant 0 : i32
      %dma_start3A_920 = arith.constant 0 : i32
      %dma_start3A_921 = tpu.memref_slice %arg2[%dma_start3A_919, %dma_start3A_920] : memref<10000x128xf32, #tpu.memory_space<hbm>> -> memref<10000x128xf32, #tpu.memory_space<hbm>>
      tpu.enqueue_indirect_dma source(%dma_start3A_921 : memref<10000x128xf32, #tpu.memory_space<hbm>>) target(%arg11 : memref<64x128xf32, #tpu.memory_space<vmem>>) offsets(%dma_start3A_918 : memref<64xi32, #tpu.memory_space<vmem>>) semaphore(%arg16 : memref<!tpu.dma_semaphore, #tpu.memory_space<semaphore_mem>>)
      %dma_wait3A_922 = arith.constant 2 : i32
      %dma_wait3A_923 = arith.constant 0 : i32
      %dma_wait3A_924 = tpu.memref_slice %arg6[%dma_wait3A_922, %dma_wait3A_923] : memref<4x64xi32, #tpu.memory_space<vmem>> -> memref<1x64xi32, #tpu.memory_space<vmem>>
      %dma_wait3A_925 = tpu.memref_squeeze %dma_wait3A_924 : memref<1x64xi32, #tpu.memory_space<vmem>> -> memref<64xi32, #tpu.memory_space<vmem>>
      %dma_wait3A_926 = arith.constant 0 : i32
      %dma_wait3A_927 = arith.constant 0 : i32
      %dma_wait3A_928 = tpu.memref_slice %arg2[%dma_wait3A_926, %dma_wait3A_927] : memref<10000x128xf32, #tpu.memory_space<hbm>> -> memref<10000x128xf32, #tpu.memory_space<hbm>>
      tpu.wait_indirect_dma semaphore(%arg15 : memref<!tpu.dma_semaphore, #tpu.memory_space<semaphore_mem>>) src(%dma_wait3A_928 : memref<10000x128xf32, #tpu.memory_space<hbm>>) dst(%arg10 : memref<64x128xf32, #tpu.memory_space<vmem>>)
      %dma_start3A_929 = arith.constant 2 : i32
      %dma_start3A_930 = arith.constant 0 : i32
      %dma_start3A_931 = tpu.memref_slice %arg7[%dma_start3A_929, %dma_start3A_930] : memref<4x64xi32, #tpu.memory_space<vmem>> -> memref<1x64xi32, #tpu.memory_space<vmem>>
      %dma_start3A_932 = tpu.memref_squeeze %dma_start3A_931 : memref<1x64xi32, #tpu.memory_space<vmem>> -> memref<64xi32, #tpu.memory_space<vmem>>
      %dma_start3A_933 = arith.constant 0 : i32
      %dma_start3A_934 = arith.constant 0 : i32
      %dma_start3A_935 = tpu.memref_slice %arg12[%dma_start3A_933, %dma_start3A_934] : memref<10016x128xf32, #tpu.memory_space<vmem_shared>> -> memref<10016x128xf32, #tpu.memory_space<vmem_shared>>
      tpu.enqueue_indirect_dma source(%arg10 : memref<64x128xf32, #tpu.memory_space<vmem>>) target(%dma_start3A_935 : memref<10016x128xf32, #tpu.memory_space<vmem_shared>>) offsets(%dma_start3A_932 : memref<64xi32, #tpu.memory_space<vmem>>) semaphore(%arg19 : memref<!tpu.dma_semaphore, #tpu.memory_space<semaphore_mem>>) {add = true}
      %dma_wait3A_936 = arith.constant 0 : i32
      %dma_wait3A_937 = arith.constant 0 : i32
      %dma_wait3A_938 = tpu.memref_slice %arg7[%dma_wait3A_936, %dma_wait3A_937] : memref<4x64xi32, #tpu.memory_space<vmem>> -> memref<1x64xi32, #tpu.memory_space<vmem>>
      %dma_wait3A_939 = tpu.memref_squeeze %dma_wait3A_938 : memref<1x64xi32, #tpu.memory_space<vmem>> -> memref<64xi32, #tpu.memory_space<vmem>>
      %dma_wait3A_940 = arith.constant 0 : i32
      %dma_wait3A_941 = arith.constant 0 : i32
      %dma_wait3A_942 = tpu.memref_slice %arg12[%dma_wait3A_940, %dma_wait3A_941] : memref<10016x128xf32, #tpu.memory_space<vmem_shared>> -> memref<10016x128xf32, #tpu.memory_space<vmem_shared>>
      tpu.wait_indirect_dma semaphore(%arg17 : memref<!tpu.dma_semaphore, #tpu.memory_space<semaphore_mem>>) src(%arg8 : memref<64x128xf32, #tpu.memory_space<vmem>>) dst(%dma_wait3A_942 : memref<10016x128xf32, #tpu.memory_space<vmem_shared>>)
      %add3A_943 = arith.constant 2 : i32
      %add3A_944 = arith.addi %add3A_657, %add3A_943 : i32
      %add3A_945 = arith.constant 2 : i32
      %add3A_946 = arith.addi %add3A_944, %add3A_945 : i32
      %mul3A_947 = arith.constant 64 : i32
      %mul3A_948 = arith.muli %add3A_946, %mul3A_947 : i32
      %add3A_949 = arith.constant 0 : i32
      %add3A_950 = arith.addi %mul3A_948, %add3A_949 : i32
      %get3A_951 = arith.index_cast %add3A_950 : i32 to index
      %get3A_952 = tpu.vector_load %arg5[%get3A_951] {strides = array<i32>} : memref<10368xi32, #tpu.memory_space<vmem>>, vector<16xi32>,
      %get3A_953 = vector.shape_cast %get3A_952 : vector<16xi32> to vector<16xi32>
      %and3A_954 = arith.constant 65535 : i32
      %and3A_955 = vector.broadcast %and3A_954 : i32 to vector<16xi32>
      %and3A_956 = arith.andi %get3A_953, %and3A_955 : vector<16xi32>
      %swap3A_957 = arith.constant 0 : i32
      %swap3A_958 = arith.index_cast %swap3A_957 : i32 to index
      %swap3A_959 = arith.constant 0 : index
      %swap3A_960 = tpu.vector_load %arg6[%swap3A_958, %swap3A_959] {strides = array<i32>} : memref<4x64xi32, #tpu.memory_space<vmem>>, vector<1x16xi32>,
      %swap3A_961 = vector.shape_cast %swap3A_960 : vector<1x16xi32> to vector<16xi32>
      %swap3A_962 = vector.shape_cast %and3A_956 : vector<16xi32> to vector<1x16xi32>
      tpu.vector_store %arg6[%swap3A_958, %swap3A_959], %swap3A_962 {strides = array<i32>} : memref<4x64xi32, #tpu.memory_space<vmem>>, vector<1x16xi32>,
      %shift_right_arithmetic3A_963 = arith.constant 16 : i32
      %shift_right_arithmetic3A_964 = vector.broadcast %shift_right_arithmetic3A_963 : i32 to vector<16xi32>
      %shift_right_arithmetic3A_965 = arith.shrsi %get3A_953, %shift_right_arithmetic3A_964 : vector<16xi32>
      %swap3A_966 = arith.constant 0 : i32
      %swap3A_967 = arith.index_cast %swap3A_966 : i32 to index
      %swap3A_968 = arith.constant 0 : index
      %swap3A_969 = tpu.vector_load %arg7[%swap3A_967, %swap3A_968] {strides = array<i32>} : memref<4x64xi32, #tpu.memory_space<vmem>>, vector<1x16xi32>,
      %swap3A_970 = vector.shape_cast %swap3A_969 : vector<1x16xi32> to vector<16xi32>
      %swap3A_971 = vector.shape_cast %shift_right_arithmetic3A_965 : vector<16xi32> to vector<1x16xi32>
      tpu.vector_store %arg7[%swap3A_967, %swap3A_968], %swap3A_971 {strides = array<i32>} : memref<4x64xi32, #tpu.memory_space<vmem>>, vector<1x16xi32>,
      %mul3A_972 = arith.constant 64 : i32
      %mul3A_973 = arith.muli %add3A_946, %mul3A_972 : i32
      %add3A_974 = arith.constant 16 : i32
      %add3A_975 = arith.addi %mul3A_973, %add3A_974 : i32
      %get3A_976 = arith.index_cast %add3A_975 : i32 to index
      %get3A_977 = tpu.vector_load %arg5[%get3A_976] {strides = array<i32>} : memref<10368xi32, #tpu.memory_space<vmem>>, vector<16xi32>,
      %get3A_978 = vector.shape_cast %get3A_977 : vector<16xi32> to vector<16xi32>
      %and3A_979 = arith.constant 65535 : i32
      %and3A_980 = vector.broadcast %and3A_979 : i32 to vector<16xi32>
      %and3A_981 = arith.andi %get3A_978, %and3A_980 : vector<16xi32>
      %swap3A_982 = arith.constant 0 : i32
      %swap3A_983 = arith.index_cast %swap3A_982 : i32 to index
      %swap3A_984 = arith.constant 16 : index
      %swap3A_985 = tpu.vector_load %arg6[%swap3A_983, %swap3A_984] {strides = array<i32>} : memref<4x64xi32, #tpu.memory_space<vmem>>, vector<1x16xi32>,
      %swap3A_986 = vector.shape_cast %swap3A_985 : vector<1x16xi32> to vector<16xi32>
      %swap3A_987 = vector.shape_cast %and3A_981 : vector<16xi32> to vector<1x16xi32>
      tpu.vector_store %arg6[%swap3A_983, %swap3A_984], %swap3A_987 {strides = array<i32>} : memref<4x64xi32, #tpu.memory_space<vmem>>, vector<1x16xi32>,
      %shift_right_arithmetic3A_988 = arith.constant 16 : i32
      %shift_right_arithmetic3A_989 = vector.broadcast %shift_right_arithmetic3A_988 : i32 to vector<16xi32>
      %shift_right_arithmetic3A_990 = arith.shrsi %get3A_978, %shift_right_arithmetic3A_989 : vector<16xi32>
      %swap3A_991 = arith.constant 0 : i32
      %swap3A_992 = arith.index_cast %swap3A_991 : i32 to index
      %swap3A_993 = arith.constant 16 : index
      %swap3A_994 = tpu.vector_load %arg7[%swap3A_992, %swap3A_993] {strides = array<i32>} : memref<4x64xi32, #tpu.memory_space<vmem>>, vector<1x16xi32>,
      %swap3A_995 = vector.shape_cast %swap3A_994 : vector<1x16xi32> to vector<16xi32>
      %swap3A_996 = vector.shape_cast %shift_right_arithmetic3A_990 : vector<16xi32> to vector<1x16xi32>
      tpu.vector_store %arg7[%swap3A_992, %swap3A_993], %swap3A_996 {strides = array<i32>} : memref<4x64xi32, #tpu.memory_space<vmem>>, vector<1x16xi32>,
      %mul3A_997 = arith.constant 64 : i32
      %mul3A_998 = arith.muli %add3A_946, %mul3A_997 : i32
      %add3A_999 = arith.constant 32 : i32
      %add3A_1000 = arith.addi %mul3A_998, %add3A_999 : i32
      %get3A_1001 = arith.index_cast %add3A_1000 : i32 to index
      %get3A_1002 = tpu.vector_load %arg5[%get3A_1001] {strides = array<i32>} : memref<10368xi32, #tpu.memory_space<vmem>>, vector<16xi32>,
      %get3A_1003 = vector.shape_cast %get3A_1002 : vector<16xi32> to vector<16xi32>
      %and3A_1004 = arith.constant 65535 : i32
      %and3A_1005 = vector.broadcast %and3A_1004 : i32 to vector<16xi32>
      %and3A_1006 = arith.andi %get3A_1003, %and3A_1005 : vector<16xi32>
      %swap3A_1007 = arith.constant 0 : i32
      %swap3A_1008 = arith.index_cast %swap3A_1007 : i32 to index
      %swap3A_1009 = arith.constant 32 : index
      %swap3A_1010 = tpu.vector_load %arg6[%swap3A_1008, %swap3A_1009] {strides = array<i32>} : memref<4x64xi32, #tpu.memory_space<vmem>>, vector<1x16xi32>,
      %swap3A_1011 = vector.shape_cast %swap3A_1010 : vector<1x16xi32> to vector<16xi32>
      %swap3A_1012 = vector.shape_cast %and3A_1006 : vector<16xi32> to vector<1x16xi32>
      tpu.vector_store %arg6[%swap3A_1008, %swap3A_1009], %swap3A_1012 {strides = array<i32>} : memref<4x64xi32, #tpu.memory_space<vmem>>, vector<1x16xi32>,
      %shift_right_arithmetic3A_1013 = arith.constant 16 : i32
      %shift_right_arithmetic3A_1014 = vector.broadcast %shift_right_arithmetic3A_1013 : i32 to vector<16xi32>
      %shift_right_arithmetic3A_1015 = arith.shrsi %get3A_1003, %shift_right_arithmetic3A_1014 : vector<16xi32>
      %swap3A_1016 = arith.constant 0 : i32
      %swap3A_1017 = arith.index_cast %swap3A_1016 : i32 to index
      %swap3A_1018 = arith.constant 32 : index
      %swap3A_1019 = tpu.vector_load %arg7[%swap3A_1017, %swap3A_1018] {strides = array<i32>} : memref<4x64xi32, #tpu.memory_space<vmem>>, vector<1x16xi32>,
      %swap3A_1020 = vector.shape_cast %swap3A_1019 : vector<1x16xi32> to vector<16xi32>
      %swap3A_1021 = vector.shape_cast %shift_right_arithmetic3A_1015 : vector<16xi32> to vector<1x16xi32>
      tpu.vector_store %arg7[%swap3A_1017, %swap3A_1018], %swap3A_1021 {strides = array<i32>} : memref<4x64xi32, #tpu.memory_space<vmem>>, vector<1x16xi32>,
      %mul3A_1022 = arith.constant 64 : i32
      %mul3A_1023 = arith.muli %add3A_946, %mul3A_1022 : i32
      %add3A_1024 = arith.constant 48 : i32
      %add3A_1025 = arith.addi %mul3A_1023, %add3A_1024 : i32
      %get3A_1026 = arith.index_cast %add3A_1025 : i32 to index
      %get3A_1027 = tpu.vector_load %arg5[%get3A_1026] {strides = array<i32>} : memref<10368xi32, #tpu.memory_space<vmem>>, vector<16xi32>,
      %get3A_1028 = vector.shape_cast %get3A_1027 : vector<16xi32> to vector<16xi32>
      %and3A_1029 = arith.constant 65535 : i32
      %and3A_1030 = vector.broadcast %and3A_1029 : i32 to vector<16xi32>
      %and3A_1031 = arith.andi %get3A_1028, %and3A_1030 : vector<16xi32>
      %swap3A_1032 = arith.constant 0 : i32
      %swap3A_1033 = arith.index_cast %swap3A_1032 : i32 to index
      %swap3A_1034 = arith.constant 48 : index
      %swap3A_1035 = tpu.vector_load %arg6[%swap3A_1033, %swap3A_1034] {strides = array<i32>} : memref<4x64xi32, #tpu.memory_space<vmem>>, vector<1x16xi32>,
      %swap3A_1036 = vector.shape_cast %swap3A_1035 : vector<1x16xi32> to vector<16xi32>
      %swap3A_1037 = vector.shape_cast %and3A_1031 : vector<16xi32> to vector<1x16xi32>
      tpu.vector_store %arg6[%swap3A_1033, %swap3A_1034], %swap3A_1037 {strides = array<i32>} : memref<4x64xi32, #tpu.memory_space<vmem>>, vector<1x16xi32>,
      %shift_right_arithmetic3A_1038 = arith.constant 16 : i32
      %shift_right_arithmetic3A_1039 = vector.broadcast %shift_right_arithmetic3A_1038 : i32 to vector<16xi32>
      %shift_right_arithmetic3A_1040 = arith.shrsi %get3A_1028, %shift_right_arithmetic3A_1039 : vector<16xi32>
      %swap3A_1041 = arith.constant 0 : i32
      %swap3A_1042 = arith.index_cast %swap3A_1041 : i32 to index
      %swap3A_1043 = arith.constant 48 : index
      %swap3A_1044 = tpu.vector_load %arg7[%swap3A_1042, %swap3A_1043] {strides = array<i32>} : memref<4x64xi32, #tpu.memory_space<vmem>>, vector<1x16xi32>,
      %swap3A_1045 = vector.shape_cast %swap3A_1044 : vector<1x16xi32> to vector<16xi32>
      %swap3A_1046 = vector.shape_cast %shift_right_arithmetic3A_1040 : vector<16xi32> to vector<1x16xi32>
      tpu.vector_store %arg7[%swap3A_1042, %swap3A_1043], %swap3A_1046 {strides = array<i32>} : memref<4x64xi32, #tpu.memory_space<vmem>>, vector<1x16xi32>,
      %dma_start3A_1047 = arith.constant 0 : i32
      %dma_start3A_1048 = arith.constant 0 : i32
      %dma_start3A_1049 = tpu.memref_slice %arg6[%dma_start3A_1047, %dma_start3A_1048] : memref<4x64xi32, #tpu.memory_space<vmem>> -> memref<1x64xi32, #tpu.memory_space<vmem>>
      %dma_start3A_1050 = tpu.memref_squeeze %dma_start3A_1049 : memref<1x64xi32, #tpu.memory_space<vmem>> -> memref<64xi32, #tpu.memory_space<vmem>>
      %dma_start3A_1051 = arith.constant 0 : i32
      %dma_start3A_1052 = arith.constant 0 : i32
      %dma_start3A_1053 = tpu.memref_slice %arg2[%dma_start3A_1051, %dma_start3A_1052] : memref<10000x128xf32, #tpu.memory_space<hbm>> -> memref<10000x128xf32, #tpu.memory_space<hbm>>
      tpu.enqueue_indirect_dma source(%dma_start3A_1053 : memref<10000x128xf32, #tpu.memory_space<hbm>>) target(%arg8 : memref<64x128xf32, #tpu.memory_space<vmem>>) offsets(%dma_start3A_1050 : memref<64xi32, #tpu.memory_space<vmem>>) semaphore(%arg13 : memref<!tpu.dma_semaphore, #tpu.memory_space<semaphore_mem>>)
      %dma_wait3A_1054 = arith.constant 3 : i32
      %dma_wait3A_1055 = arith.constant 0 : i32
      %dma_wait3A_1056 = tpu.memref_slice %arg6[%dma_wait3A_1054, %dma_wait3A_1055] : memref<4x64xi32, #tpu.memory_space<vmem>> -> memref<1x64xi32, #tpu.memory_space<vmem>>
      %dma_wait3A_1057 = tpu.memref_squeeze %dma_wait3A_1056 : memref<1x64xi32, #tpu.memory_space<vmem>> -> memref<64xi32, #tpu.memory_space<vmem>>
      %dma_wait3A_1058 = arith.constant 0 : i32
      %dma_wait3A_1059 = arith.constant 0 : i32
      %dma_wait3A_1060 = tpu.memref_slice %arg2[%dma_wait3A_1058, %dma_wait3A_1059] : memref<10000x128xf32, #tpu.memory_space<hbm>> -> memref<10000x128xf32, #tpu.memory_space<hbm>>
      tpu.wait_indirect_dma semaphore(%arg16 : memref<!tpu.dma_semaphore, #tpu.memory_space<semaphore_mem>>) src(%dma_wait3A_1060 : memref<10000x128xf32, #tpu.memory_space<hbm>>) dst(%arg11 : memref<64x128xf32, #tpu.memory_space<vmem>>)
      %dma_start3A_1061 = arith.constant 3 : i32
      %dma_start3A_1062 = arith.constant 0 : i32
      %dma_start3A_1063 = tpu.memref_slice %arg7[%dma_start3A_1061, %dma_start3A_1062] : memref<4x64xi32, #tpu.memory_space<vmem>> -> memref<1x64xi32, #tpu.memory_space<vmem>>
      %dma_start3A_1064 = tpu.memref_squeeze %dma_start3A_1063 : memref<1x64xi32, #tpu.memory_space<vmem>> -> memref<64xi32, #tpu.memory_space<vmem>>
      %dma_start3A_1065 = arith.constant 0 : i32
      %dma_start3A_1066 = arith.constant 0 : i32
      %dma_start3A_1067 = tpu.memref_slice %arg12[%dma_start3A_1065, %dma_start3A_1066] : memref<10016x128xf32, #tpu.memory_space<vmem_shared>> -> memref<10016x128xf32, #tpu.memory_space<vmem_shared>>
      tpu.enqueue_indirect_dma source(%arg11 : memref<64x128xf32, #tpu.memory_space<vmem>>) target(%dma_start3A_1067 : memref<10016x128xf32, #tpu.memory_space<vmem_shared>>) offsets(%dma_start3A_1064 : memref<64xi32, #tpu.memory_space<vmem>>) semaphore(%arg20 : memref<!tpu.dma_semaphore, #tpu.memory_space<semaphore_mem>>) {add = true}
      %dma_wait3A_1068 = arith.constant 1 : i32
      %dma_wait3A_1069 = arith.constant 0 : i32
      %dma_wait3A_1070 = tpu.memref_slice %arg7[%dma_wait3A_1068, %dma_wait3A_1069] : memref<4x64xi32, #tpu.memory_space<vmem>> -> memref<1x64xi32, #tpu.memory_space<vmem>>
      %dma_wait3A_1071 = tpu.memref_squeeze %dma_wait3A_1070 : memref<1x64xi32, #tpu.memory_space<vmem>> -> memref<64xi32, #tpu.memory_space<vmem>>
      %dma_wait3A_1072 = arith.constant 0 : i32
      %dma_wait3A_1073 = arith.constant 0 : i32
      %dma_wait3A_1074 = tpu.memref_slice %arg12[%dma_wait3A_1072, %dma_wait3A_1073] : memref<10016x128xf32, #tpu.memory_space<vmem_shared>> -> memref<10016x128xf32, #tpu.memory_space<vmem_shared>>
      tpu.wait_indirect_dma semaphore(%arg18 : memref<!tpu.dma_semaphore, #tpu.memory_space<semaphore_mem>>) src(%arg9 : memref<64x128xf32, #tpu.memory_space<vmem>>) dst(%dma_wait3A_1074 : memref<10016x128xf32, #tpu.memory_space<vmem_shared>>)
      %add3A_1075 = arith.constant 3 : i32
      %add3A_1076 = arith.addi %add3A_657, %add3A_1075 : i32
      %add3A_1077 = arith.constant 2 : i32
      %add3A_1078 = arith.addi %add3A_1076, %add3A_1077 : i32
      %mul3A_1079 = arith.constant 64 : i32
      %mul3A_1080 = arith.muli %add3A_1078, %mul3A_1079 : i32
      %add3A_1081 = arith.constant 0 : i32
      %add3A_1082 = arith.addi %mul3A_1080, %add3A_1081 : i32
      %get3A_1083 = arith.index_cast %add3A_1082 : i32 to index
      %get3A_1084 = tpu.vector_load %arg5[%get3A_1083] {strides = array<i32>} : memref<10368xi32, #tpu.memory_space<vmem>>, vector<16xi32>,
      %get3A_1085 = vector.shape_cast %get3A_1084 : vector<16xi32> to vector<16xi32>
      %and3A_1086 = arith.constant 65535 : i32
      %and3A_1087 = vector.broadcast %and3A_1086 : i32 to vector<16xi32>
      %and3A_1088 = arith.andi %get3A_1085, %and3A_1087 : vector<16xi32>
      %swap3A_1089 = arith.constant 1 : i32
      %swap3A_1090 = arith.index_cast %swap3A_1089 : i32 to index
      %swap3A_1091 = arith.constant 0 : index
      %swap3A_1092 = tpu.vector_load %arg6[%swap3A_1090, %swap3A_1091] {strides = array<i32>} : memref<4x64xi32, #tpu.memory_space<vmem>>, vector<1x16xi32>,
      %swap3A_1093 = vector.shape_cast %swap3A_1092 : vector<1x16xi32> to vector<16xi32>
      %swap3A_1094 = vector.shape_cast %and3A_1088 : vector<16xi32> to vector<1x16xi32>
      tpu.vector_store %arg6[%swap3A_1090, %swap3A_1091], %swap3A_1094 {strides = array<i32>} : memref<4x64xi32, #tpu.memory_space<vmem>>, vector<1x16xi32>,
      %shift_right_arithmetic3A_1095 = arith.constant 16 : i32
      %shift_right_arithmetic3A_1096 = vector.broadcast %shift_right_arithmetic3A_1095 : i32 to vector<16xi32>
      %shift_right_arithmetic3A_1097 = arith.shrsi %get3A_1085, %shift_right_arithmetic3A_1096 : vector<16xi32>
      %swap3A_1098 = arith.constant 1 : i32
      %swap3A_1099 = arith.index_cast %swap3A_1098 : i32 to index
      %swap3A_1100 = arith.constant 0 : index
      %swap3A_1101 = tpu.vector_load %arg7[%swap3A_1099, %swap3A_1100] {strides = array<i32>} : memref<4x64xi32, #tpu.memory_space<vmem>>, vector<1x16xi32>,
      %swap3A_1102 = vector.shape_cast %swap3A_1101 : vector<1x16xi32> to vector<16xi32>
      %swap3A_1103 = vector.shape_cast %shift_right_arithmetic3A_1097 : vector<16xi32> to vector<1x16xi32>
      tpu.vector_store %arg7[%swap3A_1099, %swap3A_1100], %swap3A_1103 {strides = array<i32>} : memref<4x64xi32, #tpu.memory_space<vmem>>, vector<1x16xi32>,
      %mul3A_1104 = arith.constant 64 : i32
      %mul3A_1105 = arith.muli %add3A_1078, %mul3A_1104 : i32
      %add3A_1106 = arith.constant 16 : i32
      %add3A_1107 = arith.addi %mul3A_1105, %add3A_1106 : i32
      %get3A_1108 = arith.index_cast %add3A_1107 : i32 to index
      %get3A_1109 = tpu.vector_load %arg5[%get3A_1108] {strides = array<i32>} : memref<10368xi32, #tpu.memory_space<vmem>>, vector<16xi32>,
      %get3A_1110 = vector.shape_cast %get3A_1109 : vector<16xi32> to vector<16xi32>
      %and3A_1111 = arith.constant 65535 : i32
      %and3A_1112 = vector.broadcast %and3A_1111 : i32 to vector<16xi32>
      %and3A_1113 = arith.andi %get3A_1110, %and3A_1112 : vector<16xi32>
      %swap3A_1114 = arith.constant 1 : i32
      %swap3A_1115 = arith.index_cast %swap3A_1114 : i32 to index
      %swap3A_1116 = arith.constant 16 : index
      %swap3A_1117 = tpu.vector_load %arg6[%swap3A_1115, %swap3A_1116] {strides = array<i32>} : memref<4x64xi32, #tpu.memory_space<vmem>>, vector<1x16xi32>,
      %swap3A_1118 = vector.shape_cast %swap3A_1117 : vector<1x16xi32> to vector<16xi32>
      %swap3A_1119 = vector.shape_cast %and3A_1113 : vector<16xi32> to vector<1x16xi32>
      tpu.vector_store %arg6[%swap3A_1115, %swap3A_1116], %swap3A_1119 {strides = array<i32>} : memref<4x64xi32, #tpu.memory_space<vmem>>, vector<1x16xi32>,
      %shift_right_arithmetic3A_1120 = arith.constant 16 : i32
      %shift_right_arithmetic3A_1121 = vector.broadcast %shift_right_arithmetic3A_1120 : i32 to vector<16xi32>
      %shift_right_arithmetic3A_1122 = arith.shrsi %get3A_1110, %shift_right_arithmetic3A_1121 : vector<16xi32>
      %swap3A_1123 = arith.constant 1 : i32
      %swap3A_1124 = arith.index_cast %swap3A_1123 : i32 to index
      %swap3A_1125 = arith.constant 16 : index
      %swap3A_1126 = tpu.vector_load %arg7[%swap3A_1124, %swap3A_1125] {strides = array<i32>} : memref<4x64xi32, #tpu.memory_space<vmem>>, vector<1x16xi32>,
      %swap3A_1127 = vector.shape_cast %swap3A_1126 : vector<1x16xi32> to vector<16xi32>
      %swap3A_1128 = vector.shape_cast %shift_right_arithmetic3A_1122 : vector<16xi32> to vector<1x16xi32>
      tpu.vector_store %arg7[%swap3A_1124, %swap3A_1125], %swap3A_1128 {strides = array<i32>} : memref<4x64xi32, #tpu.memory_space<vmem>>, vector<1x16xi32>,
      %mul3A_1129 = arith.constant 64 : i32
      %mul3A_1130 = arith.muli %add3A_1078, %mul3A_1129 : i32
      %add3A_1131 = arith.constant 32 : i32
      %add3A_1132 = arith.addi %mul3A_1130, %add3A_1131 : i32
      %get3A_1133 = arith.index_cast %add3A_1132 : i32 to index
      %get3A_1134 = tpu.vector_load %arg5[%get3A_1133] {strides = array<i32>} : memref<10368xi32, #tpu.memory_space<vmem>>, vector<16xi32>,
      %get3A_1135 = vector.shape_cast %get3A_1134 : vector<16xi32> to vector<16xi32>
      %and3A_1136 = arith.constant 65535 : i32
      %and3A_1137 = vector.broadcast %and3A_1136 : i32 to vector<16xi32>
      %and3A_1138 = arith.andi %get3A_1135, %and3A_1137 : vector<16xi32>
      %swap3A_1139 = arith.constant 1 : i32
      %swap3A_1140 = arith.index_cast %swap3A_1139 : i32 to index
      %swap3A_1141 = arith.constant 32 : index
      %swap3A_1142 = tpu.vector_load %arg6[%swap3A_1140, %swap3A_1141] {strides = array<i32>} : memref<4x64xi32, #tpu.memory_space<vmem>>, vector<1x16xi32>,
      %swap3A_1143 = vector.shape_cast %swap3A_1142 : vector<1x16xi32> to vector<16xi32>
      %swap3A_1144 = vector.shape_cast %and3A_1138 : vector<16xi32> to vector<1x16xi32>
      tpu.vector_store %arg6[%swap3A_1140, %swap3A_1141], %swap3A_1144 {strides = array<i32>} : memref<4x64xi32, #tpu.memory_space<vmem>>, vector<1x16xi32>,
      %shift_right_arithmetic3A_1145 = arith.constant 16 : i32
      %shift_right_arithmetic3A_1146 = vector.broadcast %shift_right_arithmetic3A_1145 : i32 to vector<16xi32>
      %shift_right_arithmetic3A_1147 = arith.shrsi %get3A_1135, %shift_right_arithmetic3A_1146 : vector<16xi32>
      %swap3A_1148 = arith.constant 1 : i32
      %swap3A_1149 = arith.index_cast %swap3A_1148 : i32 to index
      %swap3A_1150 = arith.constant 32 : index
      %swap3A_1151 = tpu.vector_load %arg7[%swap3A_1149, %swap3A_1150] {strides = array<i32>} : memref<4x64xi32, #tpu.memory_space<vmem>>, vector<1x16xi32>,
      %swap3A_1152 = vector.shape_cast %swap3A_1151 : vector<1x16xi32> to vector<16xi32>
      %swap3A_1153 = vector.shape_cast %shift_right_arithmetic3A_1147 : vector<16xi32> to vector<1x16xi32>
      tpu.vector_store %arg7[%swap3A_1149, %swap3A_1150], %swap3A_1153 {strides = array<i32>} : memref<4x64xi32, #tpu.memory_space<vmem>>, vector<1x16xi32>,
      %mul3A_1154 = arith.constant 64 : i32
      %mul3A_1155 = arith.muli %add3A_1078, %mul3A_1154 : i32
      %add3A_1156 = arith.constant 48 : i32
      %add3A_1157 = arith.addi %mul3A_1155, %add3A_1156 : i32
      %get3A_1158 = arith.index_cast %add3A_1157 : i32 to index
      %get3A_1159 = tpu.vector_load %arg5[%get3A_1158] {strides = array<i32>} : memref<10368xi32, #tpu.memory_space<vmem>>, vector<16xi32>,
      %get3A_1160 = vector.shape_cast %get3A_1159 : vector<16xi32> to vector<16xi32>
      %and3A_1161 = arith.constant 65535 : i32
      %and3A_1162 = vector.broadcast %and3A_1161 : i32 to vector<16xi32>
      %and3A_1163 = arith.andi %get3A_1160, %and3A_1162 : vector<16xi32>
      %swap3A_1164 = arith.constant 1 : i32
      %swap3A_1165 = arith.index_cast %swap3A_1164 : i32 to index
      %swap3A_1166 = arith.constant 48 : index
      %swap3A_1167 = tpu.vector_load %arg6[%swap3A_1165, %swap3A_1166] {strides = array<i32>} : memref<4x64xi32, #tpu.memory_space<vmem>>, vector<1x16xi32>,
      %swap3A_1168 = vector.shape_cast %swap3A_1167 : vector<1x16xi32> to vector<16xi32>
      %swap3A_1169 = vector.shape_cast %and3A_1163 : vector<16xi32> to vector<1x16xi32>
      tpu.vector_store %arg6[%swap3A_1165, %swap3A_1166], %swap3A_1169 {strides = array<i32>} : memref<4x64xi32, #tpu.memory_space<vmem>>, vector<1x16xi32>,
      %shift_right_arithmetic3A_1170 = arith.constant 16 : i32
      %shift_right_arithmetic3A_1171 = vector.broadcast %shift_right_arithmetic3A_1170 : i32 to vector<16xi32>
      %shift_right_arithmetic3A_1172 = arith.shrsi %get3A_1160, %shift_right_arithmetic3A_1171 : vector<16xi32>
      %swap3A_1173 = arith.constant 1 : i32
      %swap3A_1174 = arith.index_cast %swap3A_1173 : i32 to index
      %swap3A_1175 = arith.constant 48 : index
      %swap3A_1176 = tpu.vector_load %arg7[%swap3A_1174, %swap3A_1175] {strides = array<i32>} : memref<4x64xi32, #tpu.memory_space<vmem>>, vector<1x16xi32>,
      %swap3A_1177 = vector.shape_cast %swap3A_1176 : vector<1x16xi32> to vector<16xi32>
      %swap3A_1178 = vector.shape_cast %shift_right_arithmetic3A_1172 : vector<16xi32> to vector<1x16xi32>
      tpu.vector_store %arg7[%swap3A_1174, %swap3A_1175], %swap3A_1178 {strides = array<i32>} : memref<4x64xi32, #tpu.memory_space<vmem>>, vector<1x16xi32>,
      %dma_start3A_1179 = arith.constant 1 : i32
      %dma_start3A_1180 = arith.constant 0 : i32
      %dma_start3A_1181 = tpu.memref_slice %arg6[%dma_start3A_1179, %dma_start3A_1180] : memref<4x64xi32, #tpu.memory_space<vmem>> -> memref<1x64xi32, #tpu.memory_space<vmem>>
      %dma_start3A_1182 = tpu.memref_squeeze %dma_start3A_1181 : memref<1x64xi32, #tpu.memory_space<vmem>> -> memref<64xi32, #tpu.memory_space<vmem>>
      %dma_start3A_1183 = arith.constant 0 : i32
      %dma_start3A_1184 = arith.constant 0 : i32
      %dma_start3A_1185 = tpu.memref_slice %arg2[%dma_start3A_1183, %dma_start3A_1184] : memref<10000x128xf32, #tpu.memory_space<hbm>> -> memref<10000x128xf32, #tpu.memory_space<hbm>>
      tpu.enqueue_indirect_dma source(%dma_start3A_1185 : memref<10000x128xf32, #tpu.memory_space<hbm>>) target(%arg9 : memref<64x128xf32, #tpu.memory_space<vmem>>) offsets(%dma_start3A_1182 : memref<64xi32, #tpu.memory_space<vmem>>) semaphore(%arg14 : memref<!tpu.dma_semaphore, #tpu.memory_space<semaphore_mem>>)
    }
    %scan3A_618 = arith.constant 39 : i32
    %dma_wait3A_619 = arith.constant 2 : i32
    %dma_wait3A_620 = arith.constant 0 : i32
    %dma_wait3A_621 = tpu.memref_slice %arg7[%dma_wait3A_619, %dma_wait3A_620] : memref<4x64xi32, #tpu.memory_space<vmem>> -> memref<1x64xi32, #tpu.memory_space<vmem>>
    %dma_wait3A_622 = tpu.memref_squeeze %dma_wait3A_621 : memref<1x64xi32, #tpu.memory_space<vmem>> -> memref<64xi32, #tpu.memory_space<vmem>>
    %dma_wait3A_623 = arith.constant 0 : i32
    %dma_wait3A_624 = arith.constant 0 : i32
    %dma_wait3A_625 = tpu.memref_slice %arg12[%dma_wait3A_623, %dma_wait3A_624] : memref<10016x128xf32, #tpu.memory_space<vmem_shared>> -> memref<10016x128xf32, #tpu.memory_space<vmem_shared>>
    tpu.wait_indirect_dma semaphore(%arg19 : memref<!tpu.dma_semaphore, #tpu.memory_space<semaphore_mem>>) src(%arg10 : memref<64x128xf32, #tpu.memory_space<vmem>>) dst(%dma_wait3A_625 : memref<10016x128xf32, #tpu.memory_space<vmem_shared>>)
    %dma_wait3A_626 = arith.constant 3 : i32
    %dma_wait3A_627 = arith.constant 0 : i32
    %dma_wait3A_628 = tpu.memref_slice %arg7[%dma_wait3A_626, %dma_wait3A_627] : memref<4x64xi32, #tpu.memory_space<vmem>> -> memref<1x64xi32, #tpu.memory_space<vmem>>
    %dma_wait3A_629 = tpu.memref_squeeze %dma_wait3A_628 : memref<1x64xi32, #tpu.memory_space<vmem>> -> memref<64xi32, #tpu.memory_space<vmem>>
    %dma_wait3A_630 = arith.constant 0 : i32
    %dma_wait3A_631 = arith.constant 0 : i32
    %dma_wait3A_632 = tpu.memref_slice %arg12[%dma_wait3A_630, %dma_wait3A_631] : memref<10016x128xf32, #tpu.memory_space<vmem_shared>> -> memref<10016x128xf32, #tpu.memory_space<vmem_shared>>
    tpu.wait_indirect_dma semaphore(%arg20 : memref<!tpu.dma_semaphore, #tpu.memory_space<semaphore_mem>>) src(%arg11 : memref<64x128xf32, #tpu.memory_space<vmem>>) dst(%dma_wait3A_632 : memref<10016x128xf32, #tpu.memory_space<vmem_shared>>)
    %dma_wait3A_633 = arith.constant 0 : i32
    %dma_wait3A_634 = arith.constant 0 : i32
    %dma_wait3A_635 = tpu.memref_slice %arg6[%dma_wait3A_633, %dma_wait3A_634] : memref<4x64xi32, #tpu.memory_space<vmem>> -> memref<1x64xi32, #tpu.memory_space<vmem>>
    %dma_wait3A_636 = tpu.memref_squeeze %dma_wait3A_635 : memref<1x64xi32, #tpu.memory_space<vmem>> -> memref<64xi32, #tpu.memory_space<vmem>>
    %dma_wait3A_637 = arith.constant 0 : i32
    %dma_wait3A_638 = arith.constant 0 : i32
    %dma_wait3A_639 = tpu.memref_slice %arg2[%dma_wait3A_637, %dma_wait3A_638] : memref<10000x128xf32, #tpu.memory_space<hbm>> -> memref<10000x128xf32, #tpu.memory_space<hbm>>
    tpu.wait_indirect_dma semaphore(%arg13 : memref<!tpu.dma_semaphore, #tpu.memory_space<semaphore_mem>>) src(%dma_wait3A_639 : memref<10000x128xf32, #tpu.memory_space<hbm>>) dst(%arg8 : memref<64x128xf32, #tpu.memory_space<vmem>>)
    %dma_wait3A_640 = arith.constant 1 : i32
    %dma_wait3A_641 = arith.constant 0 : i32
    %dma_wait3A_642 = tpu.memref_slice %arg6[%dma_wait3A_640, %dma_wait3A_641] : memref<4x64xi32, #tpu.memory_space<vmem>> -> memref<1x64xi32, #tpu.memory_space<vmem>>
    %dma_wait3A_643 = tpu.memref_squeeze %dma_wait3A_642 : memref<1x64xi32, #tpu.memory_space<vmem>> -> memref<64xi32, #tpu.memory_space<vmem>>
    %dma_wait3A_644 = arith.constant 0 : i32
    %dma_wait3A_645 = arith.constant 0 : i32
    %dma_wait3A_646 = tpu.memref_slice %arg2[%dma_wait3A_644, %dma_wait3A_645] : memref<10000x128xf32, #tpu.memory_space<hbm>> -> memref<10000x128xf32, #tpu.memory_space<hbm>>
    tpu.wait_indirect_dma semaphore(%arg14 : memref<!tpu.dma_semaphore, #tpu.memory_space<semaphore_mem>>) src(%dma_wait3A_646 : memref<10000x128xf32, #tpu.memory_space<hbm>>) dst(%arg9 : memref<64x128xf32, #tpu.memory_space<vmem>>)
    %barrier3A_647 = arith.constant 0 : index
    tpu.barrier barrier_id(%barrier3A_647)
    "tpu.region"() ({
      %run_scoped3A = tpu.sem_alloc : memref<!tpu.dma_semaphore, #tpu.memory_space<semaphore_mem>>
      %dma_start3A_653 = arith.constant 0 : i32
      %dma_start3A_654 = tpu.memref_slice %arg4[%arg0, %mul3A_2, %dma_start3A_653] : memref<2x10000x128xf32, #tpu.memory_space<hbm>> -> memref<1x624x128xf32, #tpu.memory_space<hbm>>
      %dma_start3A_655 = tpu.memref_squeeze %dma_start3A_654 : memref<1x624x128xf32, #tpu.memory_space<hbm>> -> memref<624x128xf32, #tpu.memory_space<hbm>>
      %dma_start3A_656 = arith.constant 0 : i32
      %dma_start3A_657 = tpu.memref_slice %arg12[%mul3A_2, %dma_start3A_656] : memref<10016x128xf32, #tpu.memory_space<vmem_shared>> -> memref<624x128xf32, #tpu.memory_space<vmem_shared>>
      tpu.enqueue_dma source(%dma_start3A_657 : memref<624x128xf32, #tpu.memory_space<vmem_shared>>) target(%dma_start3A_655 : memref<624x128xf32, #tpu.memory_space<hbm>>) target_semaphore(%run_scoped3A : memref<!tpu.dma_semaphore, #tpu.memory_space<semaphore_mem>>)
      %dma_wait3A_658 = arith.constant 0 : i32
      %dma_wait3A_659 = tpu.memref_slice %arg4[%arg0, %mul3A_2, %dma_wait3A_658] : memref<2x10000x128xf32, #tpu.memory_space<hbm>> -> memref<1x624x128xf32, #tpu.memory_space<hbm>>
      %dma_wait3A_660 = tpu.memref_squeeze %dma_wait3A_659 : memref<1x624x128xf32, #tpu.memory_space<hbm>> -> memref<624x128xf32, #tpu.memory_space<hbm>>
      %dma_wait3A_661 = arith.constant 0 : i32
      %dma_wait3A_662 = tpu.memref_slice %arg12[%mul3A_2, %dma_wait3A_661] : memref<10016x128xf32, #tpu.memory_space<vmem_shared>> -> memref<624x128xf32, #tpu.memory_space<vmem_shared>>
      tpu.wait_dma2 semaphore(%run_scoped3A : memref<!tpu.dma_semaphore, #tpu.memory_space<semaphore_mem>>) src(%dma_wait3A_662 : memref<624x128xf32, #tpu.memory_space<vmem_shared>>) dst(%dma_wait3A_660 : memref<624x128xf32, #tpu.memory_space<hbm>>)
      tpu.yield
    }) : () -> ()
    %eq3A_648 = arith.constant 15 : i32
    %eq3A_649 = arith.cmpi eq, %arg1, %eq3A_648 : i32
    %convert_element_type3A_650 = arith.extui %eq3A_649 : i1 to i32
    %cond3A_651 = arith.constant 0 : i32
    %cond3A_652 = arith.cmpi ne, %convert_element_type3A_650, %cond3A_651 : i32
    scf.if %cond3A_652 {
      "tpu.region"() ({
        %run_scoped3A = tpu.sem_alloc : memref<!tpu.dma_semaphore, #tpu.memory_space<semaphore_mem>>
        %dma_start3A_653 = arith.constant 9984 : i32
        %dma_start3A_654 = arith.constant 0 : i32
        %dma_start3A_655 = tpu.memref_slice %arg4[%arg0, %dma_start3A_653, %dma_start3A_654] : memref<2x10000x128xf32, #tpu.memory_space<hbm>> -> memref<1x16x128xf32, #tpu.memory_space<hbm>>
        %dma_start3A_656 = tpu.memref_squeeze %dma_start3A_655 : memref<1x16x128xf32, #tpu.memory_space<hbm>> -> memref<16x128xf32, #tpu.memory_space<hbm>>
        %dma_start3A_657 = arith.constant 9984 : i32
        %dma_start3A_658 = arith.constant 0 : i32
        %dma_start3A_659 = tpu.memref_slice %arg12[%dma_start3A_657, %dma_start3A_658] : memref<10016x128xf32, #tpu.memory_space<vmem_shared>> -> memref<16x128xf32, #tpu.memory_space<vmem_shared>>
        tpu.enqueue_dma source(%dma_start3A_659 : memref<16x128xf32, #tpu.memory_space<vmem_shared>>) target(%dma_start3A_656 : memref<16x128xf32, #tpu.memory_space<hbm>>) target_semaphore(%run_scoped3A : memref<!tpu.dma_semaphore, #tpu.memory_space<semaphore_mem>>)
        %dma_wait3A_660 = arith.constant 9984 : i32
        %dma_wait3A_661 = arith.constant 0 : i32
        %dma_wait3A_662 = tpu.memref_slice %arg4[%arg0, %dma_wait3A_660, %dma_wait3A_661] : memref<2x10000x128xf32, #tpu.memory_space<hbm>> -> memref<1x16x128xf32, #tpu.memory_space<hbm>>
        %dma_wait3A_663 = tpu.memref_squeeze %dma_wait3A_662 : memref<1x16x128xf32, #tpu.memory_space<hbm>> -> memref<16x128xf32, #tpu.memory_space<hbm>>
        %dma_wait3A_664 = arith.constant 9984 : i32
        %dma_wait3A_665 = arith.constant 0 : i32
        %dma_wait3A_666 = tpu.memref_slice %arg12[%dma_wait3A_664, %dma_wait3A_665] : memref<10016x128xf32, #tpu.memory_space<vmem_shared>> -> memref<16x128xf32, #tpu.memory_space<vmem_shared>>
        tpu.wait_dma2 semaphore(%run_scoped3A : memref<!tpu.dma_semaphore, #tpu.memory_space<semaphore_mem>>) src(%dma_wait3A_666 : memref<16x128xf32, #tpu.memory_space<vmem_shared>>) dst(%dma_wait3A_663 : memref<16x128xf32, #tpu.memory_space<hbm>>)
        tpu.yield
      }) : () -> ()
    } else {
    }
    return
  }
}

module attributes {stable_mosaic.version = 14 : i64} {
  func.func @_tc1_body(%arg0: i32, %arg1: memref<2000x128xf32, #tpu.memory_space<vmem>>, %arg2: memref<128x128xf32, #tpu.memory_space<vmem>>, %arg3: memref<128x128xf32, #tpu.memory_space<vmem>>, %arg4: memref<1x128xf32, #tpu.memory_space<vmem>>, %arg5: memref<2x2000x16xf32, #tpu.memory_space<vmem>>, %arg6: memref<2000x128xf32, #tpu.memory_space<vmem>>, %arg7: memref<2000x128xf32, #tpu.memory_space<vmem>>) attributes {dimension_semantics = [#tpu.dimension_semantics<arbitrary>], iteration_bounds = array<i64: 5>, scalar_prefetch = 0 : i64, scratch_operands = 0 : i64, tpu.core_type = #tpu.core_type<tc>, window_params = [{transform_indices = @transform_0, window_bounds = array<i64: 2000, 128>}, {pipeline_mode = #tpu.pipeline_mode<synchronous>, transform_indices = @transform_1, window_bounds = array<i64: 128, 128>}, {pipeline_mode = #tpu.pipeline_mode<synchronous>, transform_indices = @transform_2, window_bounds = array<i64: 128, 128>}, {pipeline_mode = #tpu.pipeline_mode<synchronous>, transform_indices = @transform_3, window_bounds = array<i64: 1, 128>}, {transform_indices = @transform_4, window_bounds = array<i64: 2, 2000, 16>}, {transform_indices = @transform_5, window_bounds = array<i64: 2000, 128>}, {transform_indices = @transform_6, window_bounds = array<i64: 2000, 128>}]} {
    %get3A = arith.constant 0 : index
    %get3A_0 = arith.constant 0 : index
    %get3A_1 = vector.load %arg1[%get3A, %get3A_0] : memref<2000x128xf32, #tpu.memory_space<vmem>>, vector<2000x128xf32>
    %get3A_2 = arith.constant 0 : index
    %get3A_3 = arith.constant 0 : index
    %get3A_4 = arith.constant 0 : index
    %get3A_5 = vector.load %arg5[%get3A_2, %get3A_3, %get3A_4] : memref<2x2000x16xf32, #tpu.memory_space<vmem>>, vector<1x2000x1xf32>
    %get3A_6 = vector.shape_cast %get3A_5 : vector<1x2000x1xf32> to vector<2000x1xf32>
    %get3A_7 = arith.constant 1 : index
    %get3A_8 = arith.constant 0 : index
    %get3A_9 = arith.constant 0 : index
    %get3A_10 = vector.load %arg5[%get3A_7, %get3A_8, %get3A_9] : memref<2x2000x16xf32, #tpu.memory_space<vmem>>, vector<1x2000x1xf32>
    %get3A_11 = vector.shape_cast %get3A_10 : vector<1x2000x1xf32> to vector<2000x1xf32>
    %add3A = arith.addf %get3A_6, %get3A_11 : vector<2000x1xf32>
    %sub3A = arith.constant 1.000000e+00 : f32
    %sub3A_12 = vector.broadcast %sub3A : f32 to vector<2000x1xf32>
    %sub3A_13 = arith.subf %add3A, %sub3A_12 : vector<2000x1xf32>
    %rsqrt3A = math.rsqrt %sub3A_13 : vector<2000x1xf32>
    %get3A_14 = arith.constant 0 : index
    %get3A_15 = arith.constant 0 : index
    %get3A_16 = vector.load %arg2[%get3A_14, %get3A_15] : memref<128x128xf32, #tpu.memory_space<vmem>>, vector<128x128xf32>
    %dot_general3A = arith.constant dense<0.000000e+00> : vector<2000x128xf32>
    %dot_general3A_17 = tpu.matmul %get3A_1, %get3A_16, %dot_general3A {dimension_numbers = #tpu.dot_dimension_numbers<[1], [0], [0], [1], [0, 0, 1, 1], [], []>, transpose_lhs_hint = false} : vector<2000x128xf32>, vector<128x128xf32>, vector<2000x128xf32> -> vector<2000x128xf32>
    %mul3A = vector.broadcast %rsqrt3A : vector<2000x1xf32> to vector<2000x128xf32>
    %mul3A_18 = arith.mulf %mul3A, %dot_general3A_17 : vector<2000x128xf32>
    %swap3A = arith.constant 0 : index
    %swap3A_19 = arith.constant 0 : index
    %swap3A_20 = vector.load %arg6[%swap3A, %swap3A_19] : memref<2000x128xf32, #tpu.memory_space<vmem>>, vector<2000x128xf32>
    tpu.vector_store %arg6[%swap3A, %swap3A_19], %mul3A_18 {strides = array<i32>} : memref<2000x128xf32, #tpu.memory_space<vmem>>, vector<2000x128xf32>,
    %get3A_21 = arith.constant 0 : index
    %get3A_22 = arith.constant 0 : index
    %get3A_23 = vector.load %arg3[%get3A_21, %get3A_22] : memref<128x128xf32, #tpu.memory_space<vmem>>, vector<128x128xf32>
    %dot_general3A_24 = arith.constant dense<0.000000e+00> : vector<2000x128xf32>
    %dot_general3A_25 = tpu.matmul %get3A_1, %get3A_23, %dot_general3A_24 {dimension_numbers = #tpu.dot_dimension_numbers<[1], [0], [0], [1], [0, 0, 1, 1], [], []>, transpose_lhs_hint = false} : vector<2000x128xf32>, vector<128x128xf32>, vector<2000x128xf32> -> vector<2000x128xf32>
    %get3A_26 = arith.constant 0 : index
    %get3A_27 = arith.constant 0 : index
    %get3A_28 = vector.load %arg4[%get3A_26, %get3A_27] : memref<1x128xf32, #tpu.memory_space<vmem>>, vector<1x128xf32>
    %add3A_29 = vector.broadcast %get3A_28 : vector<1x128xf32> to vector<2000x128xf32>
    %add3A_30 = arith.addf %dot_general3A_25, %add3A_29 : vector<2000x128xf32>
    %swap3A_31 = arith.constant 0 : index
    %swap3A_32 = arith.constant 0 : index
    %swap3A_33 = vector.load %arg7[%swap3A_31, %swap3A_32] : memref<2000x128xf32, #tpu.memory_space<vmem>>, vector<2000x128xf32>
    tpu.vector_store %arg7[%swap3A_31, %swap3A_32], %add3A_30 {strides = array<i32>} : memref<2000x128xf32, #tpu.memory_space<vmem>>, vector<2000x128xf32>,
    return
  }
  func.func @transform_0(%arg0: i32) -> (i32, i32) {
    %c0_i32 = arith.constant 0 : i32
    %c0_i32_0 = arith.constant 0 : i32
    return %arg0, %c0_i32 : i32, i32
  }
  func.func @transform_1(%arg0: i32) -> (i32, i32) {
    %c0_i32 = arith.constant 0 : i32
    %c0_i32_0 = arith.constant 0 : i32
    %c0_i32_1 = arith.constant 0 : i32
    return %c0_i32, %c0_i32_0 : i32, i32
  }
  func.func @transform_2(%arg0: i32) -> (i32, i32) {
    %c0_i32 = arith.constant 0 : i32
    %c0_i32_0 = arith.constant 0 : i32
    %c0_i32_1 = arith.constant 0 : i32
    return %c0_i32, %c0_i32_0 : i32, i32
  }
  func.func @transform_3(%arg0: i32) -> (i32, i32) {
    %c0_i32 = arith.constant 0 : i32
    %c0_i32_0 = arith.constant 0 : i32
    %c0_i32_1 = arith.constant 0 : i32
    return %c0_i32, %c0_i32_0 : i32, i32
  }
  func.func @transform_4(%arg0: i32) -> (i32, i32, i32) {
    %c0_i32 = arith.constant 0 : i32
    %c0_i32_0 = arith.constant 0 : i32
    %c0_i32_1 = arith.constant 0 : i32
    return %c0_i32, %arg0, %c0_i32_0 : i32, i32, i32
  }
  func.func @transform_5(%arg0: i32) -> (i32, i32) {
    %c0_i32 = arith.constant 0 : i32
    %c0_i32_0 = arith.constant 0 : i32
    return %arg0, %c0_i32 : i32, i32
  }
  func.func @transform_6(%arg0: i32) -> (i32, i32) {
    %c0_i32 = arith.constant 0 : i32
    %c0_i32_0 = arith.constant 0 : i32
    return %arg0, %c0_i32 : i32, i32
  }
}

module attributes {stable_mosaic.version = 14 : i64} {
  func.func @_tc2_body(%arg0: i32, %arg1: memref<2x2000x128xf32, #tpu.memory_space<vmem>>, %arg2: memref<2000x128xf32, #tpu.memory_space<vmem>>, %arg3: memref<2x2000x16xf32, #tpu.memory_space<vmem>>, %arg4: memref<1x128xf32, #tpu.memory_space<vmem>>, %arg5: memref<128x128xf32, #tpu.memory_space<vmem>>, %arg6: memref<2000x128xf32, #tpu.memory_space<vmem>>) attributes {dimension_semantics = [#tpu.dimension_semantics<arbitrary>], iteration_bounds = array<i64: 5>, scalar_prefetch = 0 : i64, scratch_operands = 0 : i64, tpu.core_type = #tpu.core_type<tc>, window_params = [{transform_indices = @transform_0, window_bounds = array<i64: 2, 2000, 128>}, {transform_indices = @transform_1, window_bounds = array<i64: 2000, 128>}, {transform_indices = @transform_2, window_bounds = array<i64: 2, 2000, 16>}, {pipeline_mode = #tpu.pipeline_mode<synchronous>, transform_indices = @transform_3, window_bounds = array<i64: 1, 128>}, {pipeline_mode = #tpu.pipeline_mode<synchronous>, transform_indices = @transform_4, window_bounds = array<i64: 128, 128>}, {transform_indices = @transform_5, window_bounds = array<i64: 2000, 128>}]} {
    %get3A = arith.constant 0 : index
    %get3A_0 = arith.constant 0 : index
    %get3A_1 = arith.constant 0 : index
    %get3A_2 = vector.load %arg3[%get3A, %get3A_0, %get3A_1] : memref<2x2000x16xf32, #tpu.memory_space<vmem>>, vector<1x2000x1xf32>
    %get3A_3 = vector.shape_cast %get3A_2 : vector<1x2000x1xf32> to vector<2000x1xf32>
    %get3A_4 = arith.constant 1 : index
    %get3A_5 = arith.constant 0 : index
    %get3A_6 = arith.constant 0 : index
    %get3A_7 = vector.load %arg3[%get3A_4, %get3A_5, %get3A_6] : memref<2x2000x16xf32, #tpu.memory_space<vmem>>, vector<1x2000x1xf32>
    %get3A_8 = vector.shape_cast %get3A_7 : vector<1x2000x1xf32> to vector<2000x1xf32>
    %add3A = arith.addf %get3A_3, %get3A_8 : vector<2000x1xf32>
    %sub3A = arith.constant 1.000000e+00 : f32
    %sub3A_9 = vector.broadcast %sub3A : f32 to vector<2000x1xf32>
    %sub3A_10 = arith.subf %add3A, %sub3A_9 : vector<2000x1xf32>
    %rsqrt3A = math.rsqrt %sub3A_10 : vector<2000x1xf32>
    %get3A_11 = arith.constant 0 : index
    %get3A_12 = arith.constant 0 : index
    %get3A_13 = arith.constant 0 : index
    %get3A_14 = vector.load %arg1[%get3A_11, %get3A_12, %get3A_13] : memref<2x2000x128xf32, #tpu.memory_space<vmem>>, vector<1x2000x128xf32>
    %get3A_15 = vector.shape_cast %get3A_14 : vector<1x2000x128xf32> to vector<2000x128xf32>
    %get3A_16 = arith.constant 1 : index
    %get3A_17 = arith.constant 0 : index
    %get3A_18 = arith.constant 0 : index
    %get3A_19 = vector.load %arg1[%get3A_16, %get3A_17, %get3A_18] : memref<2x2000x128xf32, #tpu.memory_space<vmem>>, vector<1x2000x128xf32>
    %get3A_20 = vector.shape_cast %get3A_19 : vector<1x2000x128xf32> to vector<2000x128xf32>
    %add3A_21 = arith.addf %get3A_15, %get3A_20 : vector<2000x128xf32>
    %get3A_22 = arith.constant 0 : index
    %get3A_23 = arith.constant 0 : index
    %get3A_24 = vector.load %arg2[%get3A_22, %get3A_23] : memref<2000x128xf32, #tpu.memory_space<vmem>>, vector<2000x128xf32>
    %sub3A_25 = arith.subf %add3A_21, %get3A_24 : vector<2000x128xf32>
    %mul3A = vector.broadcast %rsqrt3A : vector<2000x1xf32> to vector<2000x128xf32>
    %mul3A_26 = arith.mulf %mul3A, %sub3A_25 : vector<2000x128xf32>
    %get3A_27 = arith.constant 0 : index
    %get3A_28 = arith.constant 0 : index
    %get3A_29 = vector.load %arg4[%get3A_27, %get3A_28] : memref<1x128xf32, #tpu.memory_space<vmem>>, vector<1x128xf32>
    %add3A_30 = vector.broadcast %get3A_29 : vector<1x128xf32> to vector<2000x128xf32>
    %add3A_31 = arith.addf %mul3A_26, %add3A_30 : vector<2000x128xf32>
    %max3A = arith.constant 0.000000e+00 : f32
    %max3A_32 = vector.broadcast %max3A : f32 to vector<2000x128xf32>
    %max3A_33 = arith.maximumf %add3A_31, %max3A_32 : vector<2000x128xf32>
    %get3A_34 = arith.constant 0 : index
    %get3A_35 = arith.constant 0 : index
    %get3A_36 = vector.load %arg5[%get3A_34, %get3A_35] : memref<128x128xf32, #tpu.memory_space<vmem>>, vector<128x128xf32>
    %dot_general3A = arith.constant dense<0.000000e+00> : vector<2000x128xf32>
    %dot_general3A_37 = tpu.matmul %max3A_33, %get3A_36, %dot_general3A {dimension_numbers = #tpu.dot_dimension_numbers<[1], [0], [0], [1], [0, 0, 1, 1], [], []>, transpose_lhs_hint = false} : vector<2000x128xf32>, vector<128x128xf32>, vector<2000x128xf32> -> vector<2000x128xf32>
    %mul3A_38 = vector.broadcast %rsqrt3A : vector<2000x1xf32> to vector<2000x128xf32>
    %mul3A_39 = arith.mulf %mul3A_38, %dot_general3A_37 : vector<2000x128xf32>
    %swap3A = arith.constant 0 : index
    %swap3A_40 = arith.constant 0 : index
    %swap3A_41 = vector.load %arg6[%swap3A, %swap3A_40] : memref<2000x128xf32, #tpu.memory_space<vmem>>, vector<2000x128xf32>
    tpu.vector_store %arg6[%swap3A, %swap3A_40], %mul3A_39 {strides = array<i32>} : memref<2000x128xf32, #tpu.memory_space<vmem>>, vector<2000x128xf32>,
    return
  }
  func.func @transform_0(%arg0: i32) -> (i32, i32, i32) {
    %c0_i32 = arith.constant 0 : i32
    %c0_i32_0 = arith.constant 0 : i32
    %c0_i32_1 = arith.constant 0 : i32
    return %c0_i32, %arg0, %c0_i32_0 : i32, i32, i32
  }
  func.func @transform_1(%arg0: i32) -> (i32, i32) {
    %c0_i32 = arith.constant 0 : i32
    %c0_i32_0 = arith.constant 0 : i32
    return %arg0, %c0_i32 : i32, i32
  }
  func.func @transform_2(%arg0: i32) -> (i32, i32, i32) {
    %c0_i32 = arith.constant 0 : i32
    %c0_i32_0 = arith.constant 0 : i32
    %c0_i32_1 = arith.constant 0 : i32
    return %c0_i32, %arg0, %c0_i32_0 : i32, i32, i32
  }
  func.func @transform_3(%arg0: i32) -> (i32, i32) {
    %c0_i32 = arith.constant 0 : i32
    %c0_i32_0 = arith.constant 0 : i32
    %c0_i32_1 = arith.constant 0 : i32
    return %c0_i32, %c0_i32_0 : i32, i32
  }
  func.func @transform_4(%arg0: i32) -> (i32, i32) {
    %c0_i32 = arith.constant 0 : i32
    %c0_i32_0 = arith.constant 0 : i32
    %c0_i32_1 = arith.constant 0 : i32
    return %c0_i32, %c0_i32_0 : i32, i32
  }
  func.func @transform_5(%arg0: i32) -> (i32, i32) {
    %c0_i32 = arith.constant 0 : i32
    %c0_i32_0 = arith.constant 0 : i32
    return %arg0, %c0_i32 : i32, i32
  }
}

module attributes {stable_mosaic.version = 14 : i64} {
  func.func @_tc3_body(%arg0: i32, %arg1: memref<2x2000x128xf32, #tpu.memory_space<vmem>>, %arg2: memref<2000x128xf32, #tpu.memory_space<vmem>>, %arg3: memref<2x2000x16xf32, #tpu.memory_space<vmem>>, %arg4: memref<1x128xf32, #tpu.memory_space<vmem>>, %arg5: memref<2000x128xf32, #tpu.memory_space<vmem>>, %arg6: memref<128x42xf32, #tpu.memory_space<vmem>>, %arg7: memref<1x42xf32, #tpu.memory_space<vmem>>, %arg8: memref<2000x40xf32, #tpu.memory_space<vmem>>, %arg9: memref<2000x1xf32, #tpu.memory_space<vmem>>, %arg10: memref<2000x1xf32, #tpu.memory_space<vmem>>) attributes {dimension_semantics = [#tpu.dimension_semantics<arbitrary>], iteration_bounds = array<i64: 5>, scalar_prefetch = 0 : i64, scratch_operands = 0 : i64, tpu.core_type = #tpu.core_type<tc>, window_params = [{transform_indices = @transform_0, window_bounds = array<i64: 2, 2000, 128>}, {transform_indices = @transform_1, window_bounds = array<i64: 2000, 128>}, {transform_indices = @transform_2, window_bounds = array<i64: 2, 2000, 16>}, {pipeline_mode = #tpu.pipeline_mode<synchronous>, transform_indices = @transform_3, window_bounds = array<i64: 1, 128>}, {transform_indices = @transform_4, window_bounds = array<i64: 2000, 128>}, {pipeline_mode = #tpu.pipeline_mode<synchronous>, transform_indices = @transform_5, window_bounds = array<i64: 128, 42>}, {pipeline_mode = #tpu.pipeline_mode<synchronous>, transform_indices = @transform_6, window_bounds = array<i64: 1, 42>}, {transform_indices = @transform_7, window_bounds = array<i64: 2000, 40>}, {transform_indices = @transform_8, window_bounds = array<i64: 2000, 1>}, {transform_indices = @transform_9, window_bounds = array<i64: 2000, 1>}]} {
    %get3A = arith.constant 0 : index
    %get3A_0 = arith.constant 0 : index
    %get3A_1 = arith.constant 0 : index
    %get3A_2 = vector.load %arg3[%get3A, %get3A_0, %get3A_1] : memref<2x2000x16xf32, #tpu.memory_space<vmem>>, vector<1x2000x1xf32>
    %get3A_3 = vector.shape_cast %get3A_2 : vector<1x2000x1xf32> to vector<2000x1xf32>
    %get3A_4 = arith.constant 1 : index
    %get3A_5 = arith.constant 0 : index
    %get3A_6 = arith.constant 0 : index
    %get3A_7 = vector.load %arg3[%get3A_4, %get3A_5, %get3A_6] : memref<2x2000x16xf32, #tpu.memory_space<vmem>>, vector<1x2000x1xf32>
    %get3A_8 = vector.shape_cast %get3A_7 : vector<1x2000x1xf32> to vector<2000x1xf32>
    %add3A = arith.addf %get3A_3, %get3A_8 : vector<2000x1xf32>
    %sub3A = arith.constant 1.000000e+00 : f32
    %sub3A_9 = vector.broadcast %sub3A : f32 to vector<2000x1xf32>
    %sub3A_10 = arith.subf %add3A, %sub3A_9 : vector<2000x1xf32>
    %rsqrt3A = math.rsqrt %sub3A_10 : vector<2000x1xf32>
    %get3A_11 = arith.constant 0 : index
    %get3A_12 = arith.constant 0 : index
    %get3A_13 = arith.constant 0 : index
    %get3A_14 = vector.load %arg1[%get3A_11, %get3A_12, %get3A_13] : memref<2x2000x128xf32, #tpu.memory_space<vmem>>, vector<1x2000x128xf32>
    %get3A_15 = vector.shape_cast %get3A_14 : vector<1x2000x128xf32> to vector<2000x128xf32>
    %get3A_16 = arith.constant 1 : index
    %get3A_17 = arith.constant 0 : index
    %get3A_18 = arith.constant 0 : index
    %get3A_19 = vector.load %arg1[%get3A_16, %get3A_17, %get3A_18] : memref<2x2000x128xf32, #tpu.memory_space<vmem>>, vector<1x2000x128xf32>
    %get3A_20 = vector.shape_cast %get3A_19 : vector<1x2000x128xf32> to vector<2000x128xf32>
    %add3A_21 = arith.addf %get3A_15, %get3A_20 : vector<2000x128xf32>
    %get3A_22 = arith.constant 0 : index
    %get3A_23 = arith.constant 0 : index
    %get3A_24 = vector.load %arg2[%get3A_22, %get3A_23] : memref<2000x128xf32, #tpu.memory_space<vmem>>, vector<2000x128xf32>
    %sub3A_25 = arith.subf %add3A_21, %get3A_24 : vector<2000x128xf32>
    %mul3A = vector.broadcast %rsqrt3A : vector<2000x1xf32> to vector<2000x128xf32>
    %mul3A_26 = arith.mulf %mul3A, %sub3A_25 : vector<2000x128xf32>
    %get3A_27 = arith.constant 0 : index
    %get3A_28 = arith.constant 0 : index
    %get3A_29 = vector.load %arg4[%get3A_27, %get3A_28] : memref<1x128xf32, #tpu.memory_space<vmem>>, vector<1x128xf32>
    %add3A_30 = vector.broadcast %get3A_29 : vector<1x128xf32> to vector<2000x128xf32>
    %add3A_31 = arith.addf %mul3A_26, %add3A_30 : vector<2000x128xf32>
    %get3A_32 = arith.constant 0 : index
    %get3A_33 = arith.constant 0 : index
    %get3A_34 = vector.load %arg5[%get3A_32, %get3A_33] : memref<2000x128xf32, #tpu.memory_space<vmem>>, vector<2000x128xf32>
    %add3A_35 = arith.addf %add3A_31, %get3A_34 : vector<2000x128xf32>
    %get3A_36 = arith.constant 0 : index
    %get3A_37 = arith.constant 0 : index
    %get3A_38 = vector.load %arg6[%get3A_36, %get3A_37] : memref<128x42xf32, #tpu.memory_space<vmem>>, vector<128x42xf32>
    %dot_general3A = arith.constant dense<0.000000e+00> : vector<2000x42xf32>
    %dot_general3A_39 = tpu.matmul %add3A_35, %get3A_38, %dot_general3A {dimension_numbers = #tpu.dot_dimension_numbers<[1], [0], [0], [1], [0, 0, 1, 1], [], []>, transpose_lhs_hint = false} : vector<2000x128xf32>, vector<128x42xf32>, vector<2000x42xf32> -> vector<2000x42xf32>
    %get3A_40 = arith.constant 0 : index
    %get3A_41 = arith.constant 0 : index
    %get3A_42 = vector.load %arg7[%get3A_40, %get3A_41] : memref<1x42xf32, #tpu.memory_space<vmem>>, vector<1x42xf32>
    %add3A_43 = vector.broadcast %get3A_42 : vector<1x42xf32> to vector<2000x42xf32>
    %add3A_44 = arith.addf %dot_general3A_39, %add3A_43 : vector<2000x42xf32>
    %slice3A = vector.extract_strided_slice %add3A_44 {offsets = [0, 0], sizes = [2000, 40], strides = [1, 1]} : vector<2000x42xf32> to vector<2000x40xf32>
    %reduce_max3A = arith.constant dense<0xFF800000> : vector<2000xf32>
    %reduce_max3A_45 = vector.multi_reduction <maximumf>, %slice3A, %reduce_max3A [1] : vector<2000x40xf32> to vector<2000xf32>
    %broadcast_in_dim3A = vector.shape_cast %reduce_max3A_45 : vector<2000xf32> to vector<2000x1xf32>
    %sub3A_46 = vector.broadcast %broadcast_in_dim3A : vector<2000x1xf32> to vector<2000x40xf32>
    %sub3A_47 = arith.subf %slice3A, %sub3A_46 : vector<2000x40xf32>
    %sub3A_48 = vector.broadcast %broadcast_in_dim3A : vector<2000x1xf32> to vector<2000x40xf32>
    %sub3A_49 = arith.subf %slice3A, %sub3A_48 : vector<2000x40xf32>
    %exp3A = math.exp %sub3A_49 : vector<2000x40xf32>
    %reduce_sum3A = arith.constant dense<0.000000e+00> : vector<2000xf32>
    %reduce_sum3A_50 = vector.multi_reduction <add>, %exp3A, %reduce_sum3A [1] : vector<2000x40xf32> to vector<2000xf32>
    %broadcast_in_dim3A_51 = vector.shape_cast %reduce_sum3A_50 : vector<2000xf32> to vector<2000x1xf32>
    %log3A = math.log %broadcast_in_dim3A_51 : vector<2000x1xf32>
    %sub3A_52 = vector.broadcast %log3A : vector<2000x1xf32> to vector<2000x40xf32>
    %sub3A_53 = arith.subf %sub3A_47, %sub3A_52 : vector<2000x40xf32>
    %swap3A = arith.constant 0 : index
    %swap3A_54 = arith.constant 0 : index
    %swap3A_55 = vector.load %arg8[%swap3A, %swap3A_54] : memref<2000x40xf32, #tpu.memory_space<vmem>>, vector<2000x40xf32>
    tpu.vector_store %arg8[%swap3A, %swap3A_54], %sub3A_53 {strides = array<i32>} : memref<2000x40xf32, #tpu.memory_space<vmem>>, vector<2000x40xf32>,
    %slice3A_56 = vector.extract_strided_slice %add3A_44 {offsets = [0, 40], sizes = [2000, 1], strides = [1, 1]} : vector<2000x42xf32> to vector<2000x1xf32>
    %swap3A_57 = arith.constant 0 : index
    %swap3A_58 = arith.constant 0 : index
    %swap3A_59 = vector.load %arg9[%swap3A_57, %swap3A_58] : memref<2000x1xf32, #tpu.memory_space<vmem>>, vector<2000x1xf32>
    tpu.vector_store %arg9[%swap3A_57, %swap3A_58], %slice3A_56 {strides = array<i32>} : memref<2000x1xf32, #tpu.memory_space<vmem>>, vector<2000x1xf32>,
    %slice3A_60 = vector.extract_strided_slice %add3A_44 {offsets = [0, 41], sizes = [2000, 1], strides = [1, 1]} : vector<2000x42xf32> to vector<2000x1xf32>
    %swap3A_61 = arith.constant 0 : index
    %swap3A_62 = arith.constant 0 : index
    %swap3A_63 = vector.load %arg10[%swap3A_61, %swap3A_62] : memref<2000x1xf32, #tpu.memory_space<vmem>>, vector<2000x1xf32>
    tpu.vector_store %arg10[%swap3A_61, %swap3A_62], %slice3A_60 {strides = array<i32>} : memref<2000x1xf32, #tpu.memory_space<vmem>>, vector<2000x1xf32>,
    return
  }
  func.func @transform_0(%arg0: i32) -> (i32, i32, i32) {
    %c0_i32 = arith.constant 0 : i32
    %c0_i32_0 = arith.constant 0 : i32
    %c0_i32_1 = arith.constant 0 : i32
    return %c0_i32, %arg0, %c0_i32_0 : i32, i32, i32
  }
  func.func @transform_1(%arg0: i32) -> (i32, i32) {
    %c0_i32 = arith.constant 0 : i32
    %c0_i32_0 = arith.constant 0 : i32
    return %arg0, %c0_i32 : i32, i32
  }
  func.func @transform_2(%arg0: i32) -> (i32, i32, i32) {
    %c0_i32 = arith.constant 0 : i32
    %c0_i32_0 = arith.constant 0 : i32
    %c0_i32_1 = arith.constant 0 : i32
    return %c0_i32, %arg0, %c0_i32_0 : i32, i32, i32
  }
  func.func @transform_3(%arg0: i32) -> (i32, i32) {
    %c0_i32 = arith.constant 0 : i32
    %c0_i32_0 = arith.constant 0 : i32
    %c0_i32_1 = arith.constant 0 : i32
    return %c0_i32, %c0_i32_0 : i32, i32
  }
  func.func @transform_4(%arg0: i32) -> (i32, i32) {
    %c0_i32 = arith.constant 0 : i32
    %c0_i32_0 = arith.constant 0 : i32
    return %arg0, %c0_i32 : i32, i32
  }
  func.func @transform_5(%arg0: i32) -> (i32, i32) {
    %c0_i32 = arith.constant 0 : i32
    %c0_i32_0 = arith.constant 0 : i32
    %c0_i32_1 = arith.constant 0 : i32
    return %c0_i32, %c0_i32_0 : i32, i32
  }
  func.func @transform_6(%arg0: i32) -> (i32, i32) {
    %c0_i32 = arith.constant 0 : i32
    %c0_i32_0 = arith.constant 0 : i32
    %c0_i32_1 = arith.constant 0 : i32
    return %c0_i32, %c0_i32_0 : i32, i32
  }
  func.func @transform_7(%arg0: i32) -> (i32, i32) {
    %c0_i32 = arith.constant 0 : i32
    %c0_i32_0 = arith.constant 0 : i32
    return %arg0, %c0_i32 : i32, i32
  }
  func.func @transform_8(%arg0: i32) -> (i32, i32) {
    %c0_i32 = arith.constant 0 : i32
    %c0_i32_0 = arith.constant 0 : i32
    return %arg0, %c0_i32 : i32, i32
  }
  func.func @transform_9(%arg0: i32) -> (i32, i32) {
    %c0_i32 = arith.constant 0 : i32
    %c0_i32_0 = arith.constant 0 : i32
    return %arg0, %c0_i32 : i32, i32
  }
}

</mosaic_0001>

<sc_bundles>
// kernel: kernel.11.cloned.1.call-start
scs
__scs_entry_jumppad:
0x0: {  	(pc) =	sbr.rel $0x88, $3  }
0x1: {  	(tag) =	ssettag $0x0;
	lr =	simm.s32 $0x1  }
0x2: {  	[smem:$0x3F93] =	sst lr;
	_ =	strace $0xD0000000  }
0x3: {  	_ = 	snop  }
0x4: {  	_ = 	snop  }
0x5: {  	_ = 	snop  }
0x6: {  	_ = 	snop  }
0x7: {  	_ = 	snop  }
__scs_overlays_trampoline_lowered:
0x8: {  	[smem:$0x3FA2] =	sst s0  }
0x9: {  	[smem:$0x3FA3] =	sst s1  }
0xa: {  	[smem:$0x3FA4] =	sst s2  }
0xb: {  	[smem:$0x3FA5] =	sst s3  }
0xc: {  	[smem:$0x3FA6] =	sst s4  }
0xd: {  	[smem:$0x3FA7] =	sst s5  }
0xe: {  	[smem:$0x3FA8] =	sst s6  }
0xf: {  	[smem:$0x3FA9] =	sst s7  }
0x10: {  	[smem:$0x3FAA] =	sst s8  }
0x11: {  	[smem:$0x3FAB] =	sst s9;
	s0 =	simm.s32 @!p0 $0x0  }
0x12: {  	s1 =	sld [smem:$0x3F91];
	s0 =	simm.s32 @p0 $0x1  }
0x13: {  	[smem:$0x3FAC] =	sst s0;
	s0 =	simm.s32 @!p1 $0x0  }
0x14: {  	s2 =	sld [smem:$0x3F90];
	s0 =	simm.s32 @p1 $0x1  }
0x15: {  	[smem:$0x3FAD] =	sst s0;
	s0 =	simm.s32 @!p2 $0x0  }
0x16: {  	s3 =	sld [smem:$0x3FDB];
	s0 =	simm.s32 @p2 $0x1  }
0x17: {  	s4 =	simm.s32 $0x1BF5;
	[smem:$0x3FAF] =	sst s0  }
0x18: {  	s0 =	sld [smem:$0x3F92];
	_ =	swait.ge [sflag:s4], $0x0  }
0x19: {  	s7 =	sld [smem:$0x3F93]  }
0x1a: {  	s8 =	sadd.s32 $0xFFFFE003, lr  }
0x1b: {  	s9 =	sadd.s32 $0xFFFFFEF7, lr;
	s5 =	simm.s32 $0xFFFFFFFF;
	p2 =	slt.u32 s8, $0xFFFFF086  }
0x1c: {  	p1 =	slt.u32 s9, $0xF7A;
	s5 =	simm.s32 @!p2 $0x0  }
0x1d: {  	s5 =	simm.s32 @p1 $0x1;
	p0 =	seq.s32 s7, s2  }
0x1e: {  	s7 =	smul.u32 @!p0 $0xF7A, s2;
	p2 =	seq.s32 @!p0 s5, $0x0  }
0x1f: {  	s9 =	smul.u32 $0xF7A, s1;
	s8 =	simm.s32 @!p0 $0x1BF5;
	p2 =	por !p2, p0  }
0x20: {  	[sflag:s8] =	ssyncset.s32 @!p0 $0xFFFFF086;
	s6 =	sadd.s32 @!p0 s3, s7;
	s7 =	simm.s32 @!p0 $0x108  }
0x21: {  	s3 =	sadd.s32 s3, s9;
	s6 =	sadd.s32 @!p0 $0x88, s6;
	s7 =	simm.s32 @p2 $0x1082  }
0x22: {  	[simem:s7], [sflag:s8] =	dma.local @!p0 [hbm:s6], $0xF7A  }
0x23: {  	s9 =	sor.u32 $0xD0000000, s2;
	s6 =	simm.s32 $0x108;
	_ =	swait.ge @!p0 [sflag:s8], $0x0  }
0x24: {  	s3 =	sadd.s32 $0x88, s3;
	s6 =	simm.s32 @!p1 $0x1082;
	[sflag:s4] =	ssyncset.s32 $0xFFFFF086  }
0x25: {  	[simem:s6], [sflag:s4] =	dma.local [hbm:s3], $0xF7A  }
0x26: {  	[smem:$0x3F93] =	sst s1;
	(tag) =	ssettag s2;
	_ =	strace s9  }
0x27: {  	s1 =	sld [smem:$0x3FA3]  }
0x28: {  	s2 =	sld [smem:$0x3FA4]  }
0x29: {  	s4 =	sld [smem:$0x3FA6]  }
0x2a: {  	p0 =	seq.s32 s5, $0x0;
	s5 =	sld [smem:$0x3FA7]  }
0x2b: {  	s6 =	sld [smem:$0x3FA8]  }
0x2c: {  	s7 =	sld [smem:$0x3FA9]  }
0x2d: {  	s3 =	simm.s32 $0x108;
	s8 =	sld [smem:$0x3FAA]  }
0x2e: {  	s3 =	simm.s32 @!p0 $0x1082;
	s9 =	sld [smem:$0x3FAB]  }
0x2f: {  	lr =	sadd.s32 s0, s3;
	s0 =	sld [smem:$0x3FA2]  }
0x30: {  	s3 =	sld [smem:$0x3FA5]  }
0x31: {  	[smem:$0x3FAE] =	sst s10  }
0x32: {  	s10 =	sld [smem:$0x3FAC];
	_ =	sdelay $0x3  }
0x33: {  	p0 =	seq.s32 s10, $0x1;
	s10 =	sld [smem:$0x3FAE];
	_ =	sdelay $0x3  }
0x34: {  	[smem:$0x3FAE] =	sst s10  }
0x35: {  	s10 =	sld [smem:$0x3FAD];
	_ =	sdelay $0x3  }
0x36: {  	p1 =	seq.s32 s10, $0x1;
	s10 =	sld [smem:$0x3FAE];
	_ =	sdelay $0x3  }
0x37: {  	[smem:$0x3FAE] =	sst s10  }
0x38: {  	s10 =	sld [smem:$0x3FAF]  }
0x39: {  	_ = 	snop;
	(pc) =	sbr.ind lr, $3  }
0x3a: {  	_ = 	snop  }
0x3b: {  	_ = 	snop  }
0x3c: {  	p2 =	seq.s32 s10, $0x1;
	s10 =	sld [smem:$0x3FAE]  }
0x3d: {  	_ =	shalt  }
0x3e: {  	_ =	shalt  }
0x3f: {  	_ =	shalt  }
0x40: {  	_ =	shalt  }
0x41: {  	_ =	shalt  }
0x42: {  	_ =	shalt  }
0x43: {  	_ =	shalt  }
0x44: {  	_ =	shalt  }
0x45: {  	_ =	shalt  }
0x46: {  	_ =	shalt  }
0x47: {  	_ =	shalt  }
0x48: {  	_ =	shalt  }
0x49: {  	_ =	shalt  }
0x4a: {  	_ =	shalt  }
0x4b: {  	_ =	shalt  }
0x4c: {  	_ =	shalt  }
0x4d: {  	_ =	shalt  }
0x4e: {  	_ =	shalt  }
0x4f: {  	_ =	shalt  }
0x50: {  	_ =	shalt  }
0x51: {  	_ =	shalt  }
0x52: {  	_ =	shalt  }
0x53: {  	_ =	shalt  }
0x54: {  	_ =	shalt  }
0x55: {  	_ =	shalt  }
0x56: {  	_ =	shalt  }
0x57: {  	_ =	shalt  }
0x58: {  	_ =	shalt  }
0x59: {  	_ =	shalt  }
0x5a: {  	_ =	shalt  }
0x5b: {  	_ =	shalt  }
0x5c: {  	_ =	shalt  }
0x5d: {  	_ =	shalt  }
0x5e: {  	_ =	shalt  }
0x5f: {  	_ =	shalt  }
0x60: {  	_ =	shalt  }
0x61: {  	_ =	shalt  }
0x62: {  	_ =	shalt  }
0x63: {  	_ =	shalt  }
0x64: {  	_ =	shalt  }
0x65: {  	_ =	shalt  }
0x66: {  	_ =	shalt  }
0x67: {  	_ =	shalt  }
0x68: {  	_ =	shalt  }
0x69: {  	_ =	shalt  }
0x6a: {  	_ =	shalt  }
0x6b: {  	_ =	shalt  }
0x6c: {  	_ =	shalt  }
0x6d: {  	_ =	shalt  }
0x6e: {  	_ =	shalt  }
0x6f: {  	_ =	shalt  }
0x70: {  	_ =	shalt  }
0x71: {  	_ =	shalt  }
0x72: {  	_ =	shalt  }
0x73: {  	_ =	shalt  }
0x74: {  	_ =	shalt  }
0x75: {  	_ =	shalt  }
0x76: {  	_ =	shalt  }
0x77: {  	_ =	shalt  }
0x78: {  	_ =	shalt  }
0x79: {  	_ =	shalt  }
0x7a: {  	_ =	shalt  }
0x7b: {  	_ =	shalt  }
0x7c: {  	_ =	shalt  }
0x7d: {  	_ =	shalt  }
0x7e: {  	_ =	shalt  }
0x7f: {  	_ =	shalt  }
0x80: {  	_ =	shalt  }
0x81: {  	_ =	shalt  }
0x82: {  	_ =	shalt  }
0x83: {  	_ =	shalt  }
0x84: {  	_ =	shalt  }
0x85: {  	_ =	shalt  }
0x86: {  	_ =	shalt  }
0x87: {  	_ =	shalt  }
.Lfunc_end0:
.L_simem_size_0:
called_computation.1_lowered:
.L_overlay_start_0:
0x88: {  	s2 =	sld [smem:$0x3FD9]  }
0x89: {  	s3 =	sld [smem:$0x3FFE];
	_ =	sdelay $0x1  }
0x8a: {  	s1 =	srdreg.scid  }
0x8b: {  	s0 =	sand.u32 $0x1, s1  }
0x8c: {  	s14 =	sshll.u32 s0, $0xA;
	s2 =	sadd.s32 s3, s2  }
0x8d: {  	s2 =	sadd.s32 s2, s14  }
0x8e: {  	[smem:$0x3FBA] =	sst s2  }
0x8f: {  	_ = 	snop  }
0x90: {  	s2 =	sld [smem:$0x3FD0];
	_ =	sdelay $0x2  }
0x91: {  	s15 =	simm.s32 $0xA;
	s4 =	simm.s32 $0x10  }
0x92: {  	[smem:s4], [sflag:s15] =	dma.local [hbm:s2], $0x1  }
0x93: {  	_ =	swait.eq [sflag:s15], $0x1  }
0x94: {  	[sflag:s15] =	ssyncset.done $0x0  }
0x95: {  	[sflag:s15] =	ssyncadd.s32 $0xFFFFFFFF  }
0x96: {  	s16 =	sld [smem:$0x10];
	(tm) =	ssettm $0x1  }
0x97: {  	s17 =	sld [smem:$0x3FFB];
	_ =	sdelay $0x3  }
0x98: {  	_ =	strace s17  }
0x99: {  	s3 =	sld [smem:$0x3FFC];
	_ =	sdelay $0x3  }
0x9a: {  	_ =	strace s3  }
0x9b: {  	s3 =	sld [smem:$0x3FFD];
	_ =	sdelay $0x3  }
0x9c: {  	_ =	strace s3  }
0x9d: {  	_ =	strace $0x8FFFFFFF  }
0x9e: {  	s18 =	sld [smem:$0x3FDB];
	_ =	sdelay $0x1  }
0x9f: {  	s19 =	simm.s32 $_scs_section_size  }
0xa0: {  	s5 =	simm.s32 $_size__tile_overlayer_lowered;
	s6 =	simm.s32 $_tile_overlayer_lowered  }
0xa1: {  	s22 =	simm.s32 $0x1BFF;
	s21 =	sshll.u32 s6, $0x1;
	s3 =	sadd.s32 s19, s18  }
0xa2: {  	s7 =	simm.s32 $0x0;
	s20 =	sshll.u32 s5, $0x1;
	s5 =	sadd.s32 s21, s3  }
0xa3: {  	[timem:s7], [sflag:s22] =	dma.local [hbm:s5], s20  }
0xa4: {  	_ =	swait.ge [sflag:s22], s20  }
0xa5: {  	s4 =	ssub.s32 $0x0, s20;
	[sflag:s22] =	ssyncset.done $0x0  }
0xa6: {  	[sflag:s22] =	ssyncadd.s32 s4;
	_ =	sdelay $0x1  }
0xa7: {  	s23 =	simm.s32 $0x1B8B  }
0xa8: {  	_ =	swait.ge [sflag:s23], $0x1  }
0xa9: {  	[sflag:s23] =	ssyncset.done $0x0  }
0xaa: {  	s25 =	simm.s32 $0x1B8E;
	s24 =	sld [smem:$0x3FFE];
	[sflag:s23] =	ssyncadd.s32 $0xFFFFFFFF  }
0xab: {  	s26 =	simm.s32 $execute0_lowered;
	[smem:$0x3FD2] =	sst s25  }
0xac: {  	s5 =	sshll.u32 s26, $0x1;
	_ =	strace $0x80000049;
	[dreg:$0x1] =	wrdreg $0xFFFFFFFF  }
0xad: {  	s28 =	simm.s32 $_size_execute0_lowered;
	s3 =	sadd.s32 s3, s5;
	[dreg:$0x0] =	wrdreg $0x0  }
0xae: {  	s5 =	sshll.u32 s28, $0x1;
	[dreg:$0x2] =	wrdreg s3  }
0xaf: {  	[dreg:$0x3] =	wrdreg s5  }
0xb0: {  	[dreg:$0x4] =	wrdreg $0xC0  }
0xb1: {  	_ =	task [dreg:s7], $0x5FFFF  }
0xb2: {  	[dreg:$0x1] =	wrdreg $0xFFFFFFFF  }
0xb3: {  	[dreg:$0x0] =	wrdreg $0x60  }
0xb4: {  	[dreg:$0x2] =	wrdreg s24  }
0xb5: {  	[dreg:$0x3] =	wrdreg s16  }
0xb6: {  	[dreg:$0x4] =	wrdreg $0xAC800  }
0xb7: {  	[dreg:$0x5] =	wrdreg $0x9  }
0xb8: {  	_ =	task.clear_ibuf [dreg:s7], $0x6FFFF;
	_ =	strace $0x90000049  }
0xb9: {  	s29 =	simm.s32 $0x9;
	_ =	strace $0x8000004B  }
0xba: {  	_ =	swait.ge [sflag:s29], $0x1  }
0xbb: {  	[sflag:s29] =	ssyncadd.s32 $0xFFFFFFFF  }
0xbc: {  	_ =	strace $0x9000004B  }
0xbd: {  	_ =	sfence  }
0xbe: {  	s30 =	sld [smem:$0x0];
	_ =	sdelay $0x2  }
0xbf: {  	s31 =	sshll.u32 s1, $0xD;
	s1 =	sshrl.u32 s1, $0x2  }
0xc0: {  	s3 =	sand.u32 $0x4000, s31;
	s1 =	sadd.s32 s1, s30  }
0xc1: {  	s0 =	sor.u32 s3, s0;
	s1 =	sshll.u32 s1, $0x11  }
0xc2: {  	s0 =	sor.u32 s1, s0  }
0xc3: {  	s0 =	sadd.s32 $0x8F2B, s0  }
0xc4: {  	[sflag:s0] =	ssyncadd.remote.s32 $0x1  }
0xc5: {  	_ =	sfence.sel $0xFFFF  }
0xc6: {  	[dreg:$0x0] =	wrdreg $0xFFFFFFFF;
	(pc) =	sbr.abs _section_cstart, $3  }
0xc7: {  	[dreg:$0x1] =	wrdreg $0xFFFFFFFF  }
0xc8: {  	_ =	task.clear_ibuf [dreg:s7], $0x2FFFF;
	_ =	strace $0x9FFFFFFF  }
0xc9: {  	(tm) =	ssettm $0x7FFFFFFF  }
tec
execute0_lowered:
.L_overlay_start_1:
0x0: {  	(tag) =	ssettag $0x1  }
0x1: {  	s0 =	rddreg [dreg:$0x0]  }
0x2: {  	s2 =	rddreg [dreg:$0x1]  }
0x3: {  	s1 =	rddreg [dreg:$0x2]  }
0x4: {  	s3 =	srdreg.scid;
	s5 =	simm.s32 $0x0;
	s11 =	stileid.u32  }
0x5: {  	s17 =	simm.s32 $0x40;
	s28 =	simm.s32 $0x2B00;
	s29 =	simm.s32 $0x2A00  }
0x6: {  	s30 =	simm.s32 $0x8C80;
	s31 =	simm.s32 $0x3;
	s12 =	simm.s32 $0x6  }
0x7: {  	s3 =	sand.u32 $0x1, s3;
	[smem:$0x7FF] =	sst s5;
	s8 =	smul.u32 $0x4E000, s11  }
0x8: {  	s6 =	sshll.u32 s11, $0x7;
	s19 =	smul.u32 $0x13800, s11;
	s10 =	sadd.s32 $0xABC00, s0  }
0x9: {  	p0 =	sne.s32 s11, $0xF;
	s26 =	sshll.u32 s11, $0x6;
	s4 =	sshll.u32 s3, $0x4  }
0xa: {  	_ =	strace $0x8000004A;
	s7 =	ssub.s32 $0x2, s3;
	s6 =	sand.u32 $0x380, s6  }
0xb: {  	s3 =	smul.u32 $0x138800, s3;
	s14 =	sor.u32 $0x1C09, s26;
	s26 =	simm.s32 $0x2  }
0xc: {  	s4 =	sor.u32 s11, s4;
	s9 =	sshrl.u32 s7, $0x1;
	s8 =	sshrl.u32 s8, $0x2  }
0xd: {  	s20 =	sshrl.u32 s19, $0x3;
	s11 =	simm.s32 $0x2C00;
	s18 =	sshrl.u32 s4, $0x3  }
0xe: {  	s4 =	sadd.s32 $0x5D800, s0;
	s7 =	ssub.s32 s7, s9;
	s21 =	sadd.s32 s8, s1  }
0xf: {  	s0 =	sadd.s32 $0x84800, s0;
	s5 =	smul.u32 $0x14400, s18;
	s22 =	sadd.s32 s4, s20  }
0x10: {  	[dreg:$0x6] =	wrdreg s0;
	s25 =	smax.u32 s7, $0x1;
	s15 =	sshrl.u32 s21, $0x3  }
0x11: {  	s18 =	simm.s32 $0x2880;
	s20 =	simm.s32 $0x2900;
	[dreg:$0x5] =	wrdreg s22  }
0x12: {  	s21 =	simm.s32 $0x4C80;
	s7 =	simm.s32 $0x0;
	[dreg:$0x9] =	wrdreg s25  }
0x13: {  	s22 =	simm.s32 $0x1;
	s25 =	simm.s32 $0x6C80;
	s5 =	sor.u32 s6, s5  }
0x14: {  	s6 =	sadd.s32 s19, s3;
	s3 =	sshrl.u32 s3, $0x3;
	s19 =	simm.s32 $0x2C80  }
0x15: {  	s5 =	sshrl.u32 s5, $0x3;
	s23 =	sshrl.u32 s6, $0x3;
	s3 =	sadd.s32 s10, s3  }
0x16: {  	s6 =	simm.s32 $0x8;
	s2 =	sadd.s32 s2, s5;
	s5 =	sadd.s32 $0x138000, s1  }
0x17: {  	s0 =	sadd.s32 s10, s23;
	s24 =	sadd.s32 $0x27000, s3;
	[dreg:$0x4] =	wrdreg s2  }
0x18: {  	s23 =	simm.s32 $0x2A80;
	s3 =	simm.s32 $0x4;
	[dreg:$0x7] =	wrdreg s0  }
0x19: {  	[dreg:$0x8] =	wrdreg s24;
	s16 =	sshrl.u32 @!p0 s5, $0x3;
	s24 =	simm.s32 $0x2980  }
0x1a: {  	s0 =	simm.s32 $0x2B80;
	s2 =	simm.s32 $0x5;
	s5 =	simm.s32 $0x7  }
.LBB2_1:
0x1b: {  	s8 =	simm.s32 $0x0  }
0x1c: {  	s9 =	rddreg [dreg:$0x4];
	s10 =	simm.s32 $0x80;
	s13 =	smov.u32 s14  }
0x1d: {  	s14 =	smov.u32 s16;
	s16 =	smov.u32 s15;
	s15 =	simm.s32 $0x400  }
0x1e: {  	[tilespmem:s8], [sflag:$0x9] =	stream.strided.gather [hbm4b:s9+s10], $0x2880, s15, s10, $0x38;
	[tilespmem:$0x1E580] =	vst v63  }
0x1f: {  	s15 =	smov.u32 s16  }
0x20: {  	s16 =	smov.u32 s14;
	s14 =	smov.u32 s13;
	s13 =	simm.s32 $0x9  }
0x21: {  	_ =	swait.ge [sflag:s13], $0x2880  }
0x22: {  	[sflag:s13] =	ssyncset.done $0x0  }
0x23: {  	s10 =	rddreg [dreg:$0x5];
	[sflag:s13] =	ssyncadd.s32 $0xFFFFD780  }
0x24: {  	[spmem:s15], [sflag:s14] =	dma.local [hbm:s10], $0x2700  }
0x25: {  	_ =	swait.ge [sflag:s13], $0x2700  }
0x26: {  	[sflag:s13] =	ssyncset.done $0x0  }
0x27: {  	s8 =	rddreg [dreg:$0x6];
	[sflag:s13] =	ssyncadd.s32 $0xFFFFD900  }
0x28: {  	[spmem:s16], [sflag:s14] =	dma.local @!p0 [hbm:s8], $0x100  }
0x29: {  	s8 =	simm.s32 @!p0 $0x9  }
0x2a: {  	_ =	swait.ge @!p0 [sflag:s8], $0x100  }
0x2b: {  	[sflag:s8] =	ssyncset.done @!p0 $0x0  }
0x2c: {  	[sflag:s8] =	ssyncadd.s32 @!p0 $0xFFFFFF00  }
0x2d: {  	[bflag:$0x0] =	sbarrier.arrive $0xFFFF  }
0x2e: {  	v0 =	vld [tilespmem:$0x0];
	_ =	sdelay $0x1  }
0x2f: {  	v1 =	vld [tilespmem:$0x10];
	_ =	sdelay $0x1  }
0x30: {  	v2 =	vld [tilespmem:$0x20]  }
0x31: {  	v3 =	vand.u32 $0xFFFF, v0  }
0x32: {  	v42 =	vld [tilespmem:$0x30];
	v0 =	vshra.s32 v0, $0x10;
	[tilespmem:$0x2880] =	vst v3  }
0x33: {  	v43 =	vand.u32 $0xFFFF, v1;
	[tilespmem:$0x2A80] =	vst v0  }
0x34: {  	v44 =	vshra.s32 v1, $0x10;
	[tilespmem:$0x2890] =	vst v43  }
0x35: {  	v45 =	vand.u32 $0xFFFF, v2;
	[tilespmem:$0x2A90] =	vst v44  }
0x36: {  	v46 =	vshra.s32 v2, $0x10;
	[tilespmem:$0x28A0] =	vst v45  }
0x37: {  	v47 =	vand.u32 $0xFFFF, v42;
	[tilespmem:$0x2AA0] =	vst v46  }
0x38: {  	v48 =	vshra.s32 v42, $0x10;
	[tilespmem:$0x28B0] =	vst v47  }
0x39: {  	[tilespmem:$0x2AB0] =	vst v48  }
0x3a: {  	[tilespmem:s19], [sflag:$0x1] =	stream.indirect.gather [hbm4b:s4+s17], $0x80, s18, s17, $0xb8;
	[tilespmem:$0x1E580] =	vst v63  }
0x3b: {  	v49 =	vld [tilespmem:$0x40];
	_ =	sdelay $0x1  }
0x3c: {  	v50 =	vld [tilespmem:$0x50];
	_ =	sdelay $0x1  }
0x3d: {  	v51 =	vld [tilespmem:$0x60]  }
0x3e: {  	v52 =	vand.u32 $0xFFFF, v49  }
0x3f: {  	v53 =	vld [tilespmem:$0x70];
	v0 =	vshra.s32 v49, $0x10;
	[tilespmem:$0x2900] =	vst v52  }
0x40: {  	v54 =	vand.u32 $0xFFFF, v50;
	[tilespmem:$0x2B00] =	vst v0  }
0x41: {  	v55 =	vshra.s32 v50, $0x10;
	[tilespmem:$0x2910] =	vst v54  }
0x42: {  	v56 =	vand.u32 $0xFFFF, v51;
	[tilespmem:$0x2B10] =	vst v55  }
0x43: {  	v57 =	vshra.s32 v51, $0x10;
	[tilespmem:$0x2920] =	vst v56  }
0x44: {  	v58 =	vand.u32 $0xFFFF, v53;
	[tilespmem:$0x2B20] =	vst v57  }
0x45: {  	v59 =	vshra.s32 v53, $0x10;
	[tilespmem:$0x2930] =	vst v58  }
0x46: {  	[tilespmem:$0x2B30] =	vst v59  }
0x47: {  	[tilespmem:s21], [sflag:$0x2] =	stream.indirect.gather [hbm4b:s4+s17], $0x80, s20, s17, $0xb8;
	[tilespmem:$0x1E580] =	vst v63  }
0x48: {  	_ =	swait.ge [sflag:s22], $0x2000  }
0x49: {  	[sflag:s22] =	ssyncset.done $0x0  }
0x4a: {  	[sflag:s22] =	ssyncadd.s32 $0xFFFFE000  }
0x4b: {  	[spmem:s1] =	stream.indirect.scatter.add.f32 [tilespmem:s19], [sflag:$0x5], $0x80, s23, s17, $0xb8;
	[tilespmem:$0x1E580] =	vst v63  }
0x4c: {  	v60 =	vld [tilespmem:$0x80];
	_ =	sdelay $0x1  }
0x4d: {  	v61 =	vld [tilespmem:$0x90];
	_ =	sdelay $0x1  }
0x4e: {  	v62 =	vld [tilespmem:$0xA0]  }
0x4f: {  	v63 =	vand.u32 $0xFFFF, v60  }
0x50: {  	v6 =	vld [tilespmem:$0xB0];
	v0 =	vshra.s32 v60, $0x10;
	[tilespmem:$0x2980] =	vst v63  }
0x51: {  	v7 =	vand.u32 $0xFFFF, v61;
	[tilespmem:$0x2B80] =	vst v0  }
0x52: {  	v8 =	vshra.s32 v61, $0x10;
	[tilespmem:$0x2990] =	vst v7  }
0x53: {  	v9 =	vand.u32 $0xFFFF, v62;
	[tilespmem:$0x2B90] =	vst v8  }
0x54: {  	v10 =	vshra.s32 v62, $0x10;
	[tilespmem:$0x29A0] =	vst v9  }
0x55: {  	v11 =	vand.u32 $0xFFFF, v6;
	[tilespmem:$0x2BA0] =	vst v10  }
0x56: {  	v12 =	vshra.s32 v6, $0x10;
	[tilespmem:$0x29B0] =	vst v11  }
0x57: {  	[tilespmem:$0x2BB0] =	vst v12  }
0x58: {  	[tilespmem:s25], [sflag:$0x3] =	stream.indirect.gather [hbm4b:s4+s17], $0x80, s24, s17, $0xb8;
	[tilespmem:$0x1E580] =	vst v63  }
0x59: {  	_ =	swait.ge [sflag:s26], $0x2000  }
0x5a: {  	[sflag:s26] =	ssyncset.done $0x0  }
0x5b: {  	[sflag:s26] =	ssyncadd.s32 $0xFFFFE000  }
0x5c: {  	[spmem:s1] =	stream.indirect.scatter.add.f32 [tilespmem:s21], [sflag:$0x6], $0x80, s28, s17, $0xb8;
	[tilespmem:$0x1E580] =	vst v63  }
0x5d: {  	v13 =	vld [tilespmem:$0xC0];
	_ =	sdelay $0x1  }
0x5e: {  	v14 =	vld [tilespmem:$0xD0];
	_ =	sdelay $0x1  }
0x5f: {  	v15 =	vld [tilespmem:$0xE0]  }
0x60: {  	v16 =	vand.u32 $0xFFFF, v13  }
0x61: {  	v17 =	vld [tilespmem:$0xF0];
	v0 =	vshra.s32 v13, $0x10;
	[tilespmem:$0x2A00] =	vst v16  }
0x62: {  	v18 =	vand.u32 $0xFFFF, v14;
	[tilespmem:$0x2C00] =	vst v0  }
0x63: {  	v19 =	vshra.s32 v14, $0x10;
	[tilespmem:$0x2A10] =	vst v18  }
0x64: {  	v20 =	vand.u32 $0xFFFF, v15;
	[tilespmem:$0x2C10] =	vst v19  }
0x65: {  	v21 =	vshra.s32 v15, $0x10;
	[tilespmem:$0x2A20] =	vst v20  }
0x66: {  	v22 =	vand.u32 $0xFFFF, v17;
	[tilespmem:$0x2C20] =	vst v21  }
0x67: {  	v23 =	vshra.s32 v17, $0x10;
	[tilespmem:$0x2A30] =	vst v22  }
0x68: {  	[tilespmem:$0x2C30] =	vst v23  }
0x69: {  	[tilespmem:s30], [sflag:$0x4] =	stream.indirect.gather [hbm4b:s4+s17], $0x80, s29, s17, $0xb8;
	[tilespmem:$0x1E580] =	vst v63  }
0x6a: {  	_ =	swait.ge [sflag:s31], $0x2000  }
0x6b: {  	[sflag:s31] =	ssyncset.done $0x0  }
0x6c: {  	[sflag:s31] =	ssyncadd.s32 $0xFFFFE000  }
0x6d: {  	[spmem:s1] =	stream.indirect.scatter.add.f32 [tilespmem:s25], [sflag:$0x7], $0x80, s0, s17, $0xb8;
	[tilespmem:$0x1E580] =	vst v63  }
0x6e: {  	_ =	swait.ge [sflag:s2], $0x2000  }
0x6f: {  	[sflag:s2] =	ssyncset.done $0x0  }
0x70: {  	[sflag:s2] =	ssyncadd.s32 $0xFFFFE000  }
0x71: {  	v24 =	vld [tilespmem:$0x100];
	_ =	sdelay $0x1  }
0x72: {  	v25 =	vld [tilespmem:$0x110];
	_ =	sdelay $0x1  }
0x73: {  	v26 =	vld [tilespmem:$0x120]  }
0x74: {  	v27 =	vand.u32 $0xFFFF, v24  }
0x75: {  	v28 =	vld [tilespmem:$0x130];
	v0 =	vshra.s32 v24, $0x10;
	[tilespmem:$0x2880] =	vst v27  }
0x76: {  	v29 =	vand.u32 $0xFFFF, v25;
	[tilespmem:$0x2A80] =	vst v0  }
0x77: {  	v30 =	vshra.s32 v25, $0x10;
	[tilespmem:$0x2890] =	vst v29  }
0x78: {  	v31 =	vand.u32 $0xFFFF, v26;
	[tilespmem:$0x2A90] =	vst v30  }
0x79: {  	v32 =	vshra.s32 v26, $0x10;
	[tilespmem:$0x28A0] =	vst v31  }
0x7a: {  	v33 =	vand.u32 $0xFFFF, v28;
	[tilespmem:$0x2AA0] =	vst v32  }
0x7b: {  	v34 =	vshra.s32 v28, $0x10;
	[tilespmem:$0x28B0] =	vst v33  }
0x7c: {  	[tilespmem:$0x2AB0] =	vst v34  }
0x7d: {  	[tilespmem:s19], [sflag:$0x1] =	stream.indirect.gather [hbm4b:s4+s17], $0x80, s18, s17, $0xb8;
	[tilespmem:$0x1E580] =	vst v63  }
0x7e: {  	_ =	swait.ge [sflag:s3], $0x2000  }
0x7f: {  	[sflag:s3] =	ssyncset.done $0x0  }
0x80: {  	[sflag:s3] =	ssyncadd.s32 $0xFFFFE000  }
0x81: {  	[spmem:s1] =	stream.indirect.scatter.add.f32 [tilespmem:s30], [sflag:$0x8], $0x80, s11, s17, $0xb8;
	[tilespmem:$0x1E580] =	vst v63  }
0x82: {  	_ =	swait.ge [sflag:s12], $0x2000  }
0x83: {  	[sflag:s12] =	ssyncset.done $0x0  }
0x84: {  	[sflag:s12] =	ssyncadd.s32 $0xFFFFE000  }
0x85: {  	v35 =	vld [tilespmem:$0x140];
	_ =	sdelay $0x1  }
0x86: {  	v36 =	vld [tilespmem:$0x150];
	_ =	sdelay $0x1  }
0x87: {  	v37 =	vld [tilespmem:$0x160]  }
0x88: {  	v38 =	vand.u32 $0xFFFF, v35  }
0x89: {  	v39 =	vld [tilespmem:$0x170];
	v0 =	vshra.s32 v35, $0x10;
	[tilespmem:$0x2900] =	vst v38  }
0x8a: {  	v40 =	vand.u32 $0xFFFF, v36;
	[tilespmem:$0x2B00] =	vst v0  }
0x8b: {  	v41 =	vshra.s32 v36, $0x10;
	[tilespmem:$0x2910] =	vst v40  }
0x8c: {  	v42 =	vand.u32 $0xFFFF, v37;
	[tilespmem:$0x2B10] =	vst v41  }
0x8d: {  	v43 =	vshra.s32 v37, $0x10;
	[tilespmem:$0x2920] =	vst v42  }
0x8e: {  	v44 =	vand.u32 $0xFFFF, v39;
	[tilespmem:$0x2B20] =	vst v43  }
0x8f: {  	v45 =	vshra.s32 v39, $0x10;
	[tilespmem:$0x2930] =	vst v44  }
0x90: {  	[tilespmem:$0x2B30] =	vst v45  }
0x91: {  	[tilespmem:s21], [sflag:$0x2] =	stream.indirect.gather [hbm4b:s4+s17], $0x80, s20, s17, $0xb8;
	[tilespmem:$0x1E580] =	vst v63  }
0x92: {  	_ =	swait.ge [sflag:s22], $0x2000  }
0x93: {  	[sflag:s22] =	ssyncset.done $0x0  }
0x94: {  	[sflag:s22] =	ssyncadd.s32 $0xFFFFE000  }
0x95: {  	[spmem:s1] =	stream.indirect.scatter.add.f32 [tilespmem:s19], [sflag:$0x5], $0x80, s23, s17, $0xb8;
	[tilespmem:$0x1E580] =	vst v63  }
0x96: {  	_ =	swait.ge [sflag:s5], $0x2000  }
0x97: {  	[sflag:s5] =	ssyncset.done $0x0  }
0x98: {  	s8 =	simm.s32 $0x270;
	[sflag:s5] =	ssyncadd.s32 $0xFFFFE000  }
0x99: {  	v46 =	vld [tilespmem:s8+$0xFFFFFF10];
	_ =	sdelay $0x4  }
0x9a: {  	v47 =	vand.u32 $0xFFFF, v46  }
0x9b: {  	v0 =	vshra.s32 v46, $0x10;
	[tilespmem:$0x2980] =	vst v47  }
0x9c: {  	[tilespmem:$0x2B80] =	vst v0  }
0x9d: {  	v0 =	vld [tilespmem:s8+$0xFFFFFF20];
	_ =	sdelay $0x4  }
0x9e: {  	v48 =	vand.u32 $0xFFFF, v0  }
0x9f: {  	v0 =	vshra.s32 v0, $0x10;
	[tilespmem:$0x2990] =	vst v48  }
0xa0: {  	[tilespmem:$0x2B90] =	vst v0  }
0xa1: {  	v0 =	vld [tilespmem:s8+$0xFFFFFF30];
	_ =	sdelay $0x4  }
0xa2: {  	v49 =	vand.u32 $0xFFFF, v0  }
0xa3: {  	v0 =	vshra.s32 v0, $0x10;
	[tilespmem:$0x29A0] =	vst v49  }
0xa4: {  	[tilespmem:$0x2BA0] =	vst v0  }
0xa5: {  	v0 =	vld [tilespmem:s8+$0xFFFFFF40];
	_ =	sdelay $0x4  }
0xa6: {  	v50 =	vand.u32 $0xFFFF, v0  }
0xa7: {  	v0 =	vshra.s32 v0, $0x10;
	[tilespmem:$0x29B0] =	vst v50  }
0xa8: {  	[tilespmem:$0x2BB0] =	vst v0  }
0xa9: {  	[tilespmem:s25], [sflag:$0x3] =	stream.indirect.gather [hbm4b:s4+s17], $0x80, s24, s17, $0xb8;
	[tilespmem:$0x1E580] =	vst v63  }
0xaa: {  	_ =	swait.ge [sflag:s26], $0x2000  }
0xab: {  	[sflag:s26] =	ssyncset.done $0x0  }
0xac: {  	[sflag:s26] =	ssyncadd.s32 $0xFFFFE000  }
0xad: {  	[spmem:s1] =	stream.indirect.scatter.add.f32 [tilespmem:s21], [sflag:$0x6], $0x80, s28, s17, $0xb8;
	[tilespmem:$0x1E580] =	vst v63  }
0xae: {  	_ =	swait.ge [sflag:s6], $0x2000  }
0xaf: {  	[sflag:s6] =	ssyncset.done $0x0  }
0xb0: {  	[sflag:s6] =	ssyncadd.s32 $0xFFFFE000  }
0xb1: {  	v51 =	vld [tilespmem:s8+$0xFFFFFF50];
	_ =	sdelay $0x4  }
0xb2: {  	v52 =	vand.u32 $0xFFFF, v51  }
0xb3: {  	v0 =	vshra.s32 v51, $0x10;
	[tilespmem:$0x2A00] =	vst v52  }
0xb4: {  	[tilespmem:$0x2C00] =	vst v0  }
0xb5: {  	v0 =	vld [tilespmem:s8+$0xFFFFFF60];
	_ =	sdelay $0x4  }
0xb6: {  	v53 =	vand.u32 $0xFFFF, v0  }
0xb7: {  	v0 =	vshra.s32 v0, $0x10;
	[tilespmem:$0x2A10] =	vst v53  }
0xb8: {  	[tilespmem:$0x2C10] =	vst v0  }
0xb9: {  	v0 =	vld [tilespmem:s8+$0xFFFFFF70];
	_ =	sdelay $0x4  }
0xba: {  	v54 =	vand.u32 $0xFFFF, v0  }
0xbb: {  	v0 =	vshra.s32 v0, $0x10;
	[tilespmem:$0x2A20] =	vst v54  }
0xbc: {  	[tilespmem:$0x2C20] =	vst v0  }
0xbd: {  	v0 =	vld [tilespmem:s8+$0xFFFFFF80];
	_ =	sdelay $0x4  }
0xbe: {  	v55 =	vand.u32 $0xFFFF, v0  }
0xbf: {  	v0 =	vshra.s32 v0, $0x10;
	[tilespmem:$0x2A30] =	vst v55  }
0xc0: {  	[tilespmem:$0x2C30] =	vst v0  }
0xc1: {  	[tilespmem:s30], [sflag:$0x4] =	stream.indirect.gather [hbm4b:s4+s17], $0x80, s29, s17, $0xb8;
	[tilespmem:$0x1E580] =	vst v63  }
0xc2: {  	_ =	swait.ge [sflag:s31], $0x2000  }
0xc3: {  	[sflag:s31] =	ssyncset.done $0x0  }
0xc4: {  	[sflag:s31] =	ssyncadd.s32 $0xFFFFE000  }
0xc5: {  	[spmem:s1] =	stream.indirect.scatter.add.f32 [tilespmem:s25], [sflag:$0x7], $0x80, s0, s17, $0xb8;
	[tilespmem:$0x1E580] =	vst v63  }
0xc6: {  	_ =	swait.ge [sflag:s2], $0x2000  }
0xc7: {  	[sflag:s2] =	ssyncset.done $0x0  }
0xc8: {  	[sflag:s2] =	ssyncadd.s32 $0xFFFFE000  }
0xc9: {  	v56 =	vld [tilespmem:s8+$0xFFFFFF90];
	_ =	sdelay $0x4  }
0xca: {  	v57 =	vand.u32 $0xFFFF, v56  }
0xcb: {  	v0 =	vshra.s32 v56, $0x10;
	[tilespmem:$0x2880] =	vst v57  }
0xcc: {  	[tilespmem:$0x2A80] =	vst v0  }
0xcd: {  	v0 =	vld [tilespmem:s8+$0xFFFFFFA0];
	_ =	sdelay $0x4  }
0xce: {  	v58 =	vand.u32 $0xFFFF, v0  }
0xcf: {  	v0 =	vshra.s32 v0, $0x10;
	[tilespmem:$0x2890] =	vst v58  }
0xd0: {  	[tilespmem:$0x2A90] =	vst v0  }
0xd1: {  	v0 =	vld [tilespmem:s8+$0xFFFFFFB0];
	_ =	sdelay $0x4  }
0xd2: {  	v59 =	vand.u32 $0xFFFF, v0  }
0xd3: {  	v0 =	vshra.s32 v0, $0x10;
	[tilespmem:$0x28A0] =	vst v59  }
0xd4: {  	[tilespmem:$0x2AA0] =	vst v0  }
0xd5: {  	v0 =	vld [tilespmem:s8+$0xFFFFFFC0];
	_ =	sdelay $0x4  }
0xd6: {  	v60 =	vand.u32 $0xFFFF, v0  }
0xd7: {  	v0 =	vshra.s32 v0, $0x10;
	[tilespmem:$0x28B0] =	vst v60  }
0xd8: {  	[tilespmem:$0x2AB0] =	vst v0  }
0xd9: {  	[tilespmem:s19], [sflag:$0x1] =	stream.indirect.gather [hbm4b:s4+s17], $0x80, s18, s17, $0xb8;
	[tilespmem:$0x1E580] =	vst v63  }
0xda: {  	_ =	swait.ge [sflag:s3], $0x2000  }
0xdb: {  	[sflag:s3] =	ssyncset.done $0x0  }
0xdc: {  	[sflag:s3] =	ssyncadd.s32 $0xFFFFE000  }
0xdd: {  	[spmem:s1] =	stream.indirect.scatter.add.f32 [tilespmem:s30], [sflag:$0x8], $0x80, s11, s17, $0xb8;
	[tilespmem:$0x1E580] =	vst v63  }
0xde: {  	_ =	swait.ge [sflag:s12], $0x2000  }
0xdf: {  	[sflag:s12] =	ssyncset.done $0x0  }
0xe0: {  	[sflag:s12] =	ssyncadd.s32 $0xFFFFE000  }
0xe1: {  	v61 =	vld [tilespmem:s8+$0xFFFFFFD0];
	_ =	sdelay $0x4  }
0xe2: {  	v62 =	vand.u32 $0xFFFF, v61  }
0xe3: {  	v0 =	vshra.s32 v61, $0x10;
	[tilespmem:$0x2900] =	vst v62  }
0xe4: {  	[tilespmem:$0x2B00] =	vst v0  }
0xe5: {  	v0 =	vld [tilespmem:s8+$0xFFFFFFE0];
	_ =	sdelay $0x4  }
0xe6: {  	v63 =	vand.u32 $0xFFFF, v0  }
0xe7: {  	v0 =	vshra.s32 v0, $0x10;
	[tilespmem:$0x2910] =	vst v63  }
0xe8: {  	s9 =	simm.s32 $0xDC0;
	[tilespmem:$0x2B10] =	vst v0  }
.LBB2_2:
0xe9: {  	p1 =	sne.s32 s9, $0xA1C0;
	v0 =	vld [tilespmem:s8+$0xFFFFFFF0];
	s10 =	smov.u32 s9;
	s9 =	sadd.s32 $0x400, s9  }
0xea: {  	_ =	sdelay $0x3  }
0xeb: {  	v1 =	vand.u32 $0xFFFF, v0;
	v0 =	vshra.s32 v0, $0x10  }
0xec: {  	[tilespmem:$0x2920] =	vst v1  }
0xed: {  	[tilespmem:$0x2B20] =	vst v0  }
0xee: {  	v0 =	vld [tilespmem:s8+$0x0];
	_ =	sdelay $0x4  }
0xef: {  	v1 =	vand.u32 $0xFFFF, v0;
	v0 =	vshra.s32 v0, $0x10  }
0xf0: {  	[tilespmem:$0x2930] =	vst v1  }
0xf1: {  	[tilespmem:$0x2B30] =	vst v0  }
0xf2: {  	[tilespmem:s21], [sflag:$0x2] =	stream.indirect.gather [hbm4b:s4+s17], $0x80, s20, s17, $0xb8;
	[tilespmem:$0x1E580] =	vst v63  }
0xf3: {  	_ =	swait.ge [sflag:s22], $0x2000  }
0xf4: {  	[sflag:s22] =	ssyncset.done $0x0  }
0xf5: {  	[sflag:s22] =	ssyncadd.s32 $0xFFFFE000  }
0xf6: {  	[spmem:s1] =	stream.indirect.scatter.add.f32 [tilespmem:s19], [sflag:$0x5], $0x80, s23, s17, $0xb8;
	[tilespmem:$0x1E580] =	vst v63  }
0xf7: {  	_ =	swait.ge [sflag:s5], $0x2000  }
0xf8: {  	[sflag:s5] =	ssyncset.done $0x0  }
0xf9: {  	s8 =	sshra.s32 s10, $0x2;
	[sflag:s5] =	ssyncadd.s32 $0xFFFFE000  }
0xfa: {  	v0 =	vld [tilespmem:s8+$0xFFFFFF10];
	_ =	sdelay $0x4  }
0xfb: {  	v1 =	vand.u32 $0xFFFF, v0;
	v0 =	vshra.s32 v0, $0x10  }
0xfc: {  	[tilespmem:$0x2980] =	vst v1  }
0xfd: {  	[tilespmem:$0x2B80] =	vst v0  }
0xfe: {  	v0 =	vld [tilespmem:s8+$0xFFFFFF20];
	_ =	sdelay $0x4  }
0xff: {  	v1 =	vand.u32 $0xFFFF, v0;
	v0 =	vshra.s32 v0, $0x10  }
0x100: {  	[tilespmem:$0x2990] =	vst v1  }
0x101: {  	[tilespmem:$0x2B90] =	vst v0  }
0x102: {  	v0 =	vld [tilespmem:s8+$0xFFFFFF30];
	_ =	sdelay $0x4  }
0x103: {  	v1 =	vand.u32 $0xFFFF, v0;
	v0 =	vshra.s32 v0, $0x10  }
0x104: {  	[tilespmem:$0x29A0] =	vst v1  }
0x105: {  	[tilespmem:$0x2BA0] =	vst v0  }
0x106: {  	v0 =	vld [tilespmem:s8+$0xFFFFFF40];
	_ =	sdelay $0x4  }
0x107: {  	v1 =	vand.u32 $0xFFFF, v0;
	v0 =	vshra.s32 v0, $0x10  }
0x108: {  	[tilespmem:$0x29B0] =	vst v1  }
0x109: {  	[tilespmem:$0x2BB0] =	vst v0  }
0x10a: {  	[tilespmem:s25], [sflag:$0x3] =	stream.indirect.gather [hbm4b:s4+s17], $0x80, s24, s17, $0xb8;
	[tilespmem:$0x1E580] =	vst v63  }
0x10b: {  	_ =	swait.ge [sflag:s26], $0x2000  }
0x10c: {  	[sflag:s26] =	ssyncset.done $0x0  }
0x10d: {  	[sflag:s26] =	ssyncadd.s32 $0xFFFFE000  }
0x10e: {  	[spmem:s1] =	stream.indirect.scatter.add.f32 [tilespmem:s21], [sflag:$0x6], $0x80, s28, s17, $0xb8;
	[tilespmem:$0x1E580] =	vst v63  }
0x10f: {  	_ =	swait.ge [sflag:s6], $0x2000  }
0x110: {  	[sflag:s6] =	ssyncset.done $0x0  }
0x111: {  	[sflag:s6] =	ssyncadd.s32 $0xFFFFE000  }
0x112: {  	v0 =	vld [tilespmem:s8+$0xFFFFFF50];
	_ =	sdelay $0x4  }
0x113: {  	v1 =	vand.u32 $0xFFFF, v0;
	v0 =	vshra.s32 v0, $0x10  }
0x114: {  	[tilespmem:$0x2A00] =	vst v1  }
0x115: {  	[tilespmem:$0x2C00] =	vst v0  }
0x116: {  	v0 =	vld [tilespmem:s8+$0xFFFFFF60];
	_ =	sdelay $0x4  }
0x117: {  	v1 =	vand.u32 $0xFFFF, v0;
	v0 =	vshra.s32 v0, $0x10  }
0x118: {  	[tilespmem:$0x2A10] =	vst v1  }
0x119: {  	[tilespmem:$0x2C10] =	vst v0  }
0x11a: {  	v0 =	vld [tilespmem:s8+$0xFFFFFF70];
	_ =	sdelay $0x4  }
0x11b: {  	v1 =	vand.u32 $0xFFFF, v0;
	v0 =	vshra.s32 v0, $0x10  }
0x11c: {  	[tilespmem:$0x2A20] =	vst v1  }
0x11d: {  	[tilespmem:$0x2C20] =	vst v0  }
0x11e: {  	v0 =	vld [tilespmem:s8+$0xFFFFFF80];
	_ =	sdelay $0x4  }
0x11f: {  	v1 =	vand.u32 $0xFFFF, v0;
	v0 =	vshra.s32 v0, $0x10  }
0x120: {  	[tilespmem:$0x2A30] =	vst v1  }
0x121: {  	[tilespmem:$0x2C30] =	vst v0  }
0x122: {  	[tilespmem:s30], [sflag:$0x4] =	stream.indirect.gather [hbm4b:s4+s17], $0x80, s29, s17, $0xb8;
	[tilespmem:$0x1E580] =	vst v63  }
0x123: {  	_ =	swait.ge [sflag:s31], $0x2000  }
0x124: {  	[sflag:s31] =	ssyncset.done $0x0  }
0x125: {  	[sflag:s31] =	ssyncadd.s32 $0xFFFFE000  }
0x126: {  	[spmem:s1] =	stream.indirect.scatter.add.f32 [tilespmem:s25], [sflag:$0x7], $0x80, s0, s17, $0xb8;
	[tilespmem:$0x1E580] =	vst v63  }
0x127: {  	_ =	swait.ge [sflag:s2], $0x2000  }
0x128: {  	[sflag:s2] =	ssyncset.done $0x0  }
0x129: {  	[sflag:s2] =	ssyncadd.s32 $0xFFFFE000  }
0x12a: {  	v0 =	vld [tilespmem:s8+$0xFFFFFF90];
	_ =	sdelay $0x4  }
0x12b: {  	v1 =	vand.u32 $0xFFFF, v0;
	v0 =	vshra.s32 v0, $0x10  }
0x12c: {  	[tilespmem:$0x2880] =	vst v1  }
0x12d: {  	[tilespmem:$0x2A80] =	vst v0  }
0x12e: {  	v0 =	vld [tilespmem:s8+$0xFFFFFFA0];
	_ =	sdelay $0x4  }
0x12f: {  	v1 =	vand.u32 $0xFFFF, v0;
	v0 =	vshra.s32 v0, $0x10  }
0x130: {  	[tilespmem:$0x2890] =	vst v1  }
0x131: {  	[tilespmem:$0x2A90] =	vst v0  }
0x132: {  	v0 =	vld [tilespmem:s8+$0xFFFFFFB0];
	_ =	sdelay $0x4  }
0x133: {  	v1 =	vand.u32 $0xFFFF, v0;
	v0 =	vshra.s32 v0, $0x10  }
0x134: {  	[tilespmem:$0x28A0] =	vst v1  }
0x135: {  	[tilespmem:$0x2AA0] =	vst v0  }
0x136: {  	v0 =	vld [tilespmem:s8+$0xFFFFFFC0];
	_ =	sdelay $0x4  }
0x137: {  	v1 =	vand.u32 $0xFFFF, v0;
	v0 =	vshra.s32 v0, $0x10  }
0x138: {  	[tilespmem:$0x28B0] =	vst v1  }
0x139: {  	[tilespmem:$0x2AB0] =	vst v0  }
0x13a: {  	[tilespmem:s19], [sflag:$0x1] =	stream.indirect.gather [hbm4b:s4+s17], $0x80, s18, s17, $0xb8;
	[tilespmem:$0x1E580] =	vst v63  }
0x13b: {  	_ =	swait.ge [sflag:s3], $0x2000  }
0x13c: {  	[sflag:s3] =	ssyncset.done $0x0  }
0x13d: {  	[sflag:s3] =	ssyncadd.s32 $0xFFFFE000  }
0x13e: {  	[spmem:s1] =	stream.indirect.scatter.add.f32 [tilespmem:s30], [sflag:$0x8], $0x80, s11, s17, $0xb8;
	[tilespmem:$0x1E580] =	vst v63  }
0x13f: {  	_ =	swait.ge [sflag:s12], $0x2000  }
0x140: {  	[sflag:s12] =	ssyncset.done $0x0  }
0x141: {  	[sflag:s12] =	ssyncadd.s32 $0xFFFFE000  }
0x142: {  	v0 =	vld [tilespmem:s8+$0xFFFFFFD0];
	_ =	sdelay $0x4  }
0x143: {  	v1 =	vand.u32 $0xFFFF, v0;
	v0 =	vshra.s32 v0, $0x10  }
0x144: {  	[tilespmem:$0x2900] =	vst v1  }
0x145: {  	[tilespmem:$0x2B00] =	vst v0  }
0x146: {  	v0 =	vld [tilespmem:s8+$0xFFFFFFE0];
	_ =	sdelay $0x2  }
.Ltmp0:
0x147: {  	(pc) =	sbr.rel @p1 .LBB2_2-.Ltmp0, $4  }
0x148: {  	_ = 	snop  }
0x149: {  	v1 =	vand.u32 $0xFFFF, v0;
	v0 =	vshra.s32 v0, $0x10  }
0x14a: {  	[tilespmem:$0x2910] =	vst v1  }
0x14b: {  	[tilespmem:$0x2B10] =	vst v0  }
0x14c: {  	v0 =	vld [tilespmem:s8+$0xFFFFFFF0];
	_ =	sdelay $0x4  }
0x14d: {  	v1 =	vand.u32 $0xFFFF, v0  }
0x14e: {  	v0 =	vshra.s32 v0, $0x10;
	[tilespmem:$0x2920] =	vst v1  }
0x14f: {  	[tilespmem:$0x2B20] =	vst v0  }
0x150: {  	v0 =	vld [tilespmem:s8+$0x0];
	_ =	sdelay $0x4  }
0x151: {  	v63 =	vand.u32 $0xFFFF, v0  }
0x152: {  	v0 =	vshra.s32 v0, $0x10;
	[tilespmem:$0x2930] =	vst v63  }
0x153: {  	[tilespmem:$0x2B30] =	vst v0  }
0x154: {  	[tilespmem:s21], [sflag:$0x2] =	stream.indirect.gather [hbm4b:s4+s17], $0x80, s20, s17, $0xb8;
	[tilespmem:$0x1E580] =	vst v63  }
0x155: {  	_ =	swait.ge [sflag:s5], $0x2000  }
0x156: {  	[sflag:s5] =	ssyncset.done $0x0  }
0x157: {  	[sflag:s5] =	ssyncadd.s32 $0xFFFFE000  }
0x158: {  	_ =	swait.ge [sflag:s6], $0x2000  }
0x159: {  	[sflag:s6] =	ssyncset.done $0x0  }
0x15a: {  	[sflag:s6] =	ssyncadd.s32 $0xFFFFE000  }
0x15b: {  	_ =	swait.ge [sflag:s22], $0x2000  }
0x15c: {  	[sflag:s22] =	ssyncset.done $0x0  }
0x15d: {  	[sflag:s22] =	ssyncadd.s32 $0xFFFFE000  }
0x15e: {  	_ =	swait.ge [sflag:s26], $0x2000  }
0x15f: {  	[sflag:s26] =	ssyncset.done $0x0  }
0x160: {  	[sflag:s26] =	ssyncadd.s32 $0xFFFFE000  }
0x161: {  	[bflag:$0x0] =	sbarrier.arrive $0xFFFF  }
0x162: {  	s10 =	rddreg [dreg:$0x7]  }
0x163: {  	[hbm:s10], [sflag:s14] =	dma.local [spmem:s15], $0x2700  }
0x164: {  	_ =	swait.ge [sflag:s13], $0x2700  }
0x165: {  	[sflag:s13] =	ssyncset.done $0x0  }
0x166: {  	s8 =	rddreg [dreg:$0x8];
	[sflag:s13] =	ssyncadd.s32 $0xFFFFD900  }
0x167: {  	[hbm:s8], [sflag:s14] =	dma.local @!p0 [spmem:s16], $0x100  }
0x168: {  	s8 =	simm.s32 @!p0 $0x9  }
0x169: {  	_ =	swait.ge @!p0 [sflag:s8], $0x100  }
0x16a: {  	s7 =	sadd.s32 $0x1, s7;
	s9 =	rddreg [dreg:$0x9]  }
0x16b: {  	p1 =	sne.s32 s7, s9  }
.Ltmp1:
0x16c: {  	_ = 	snop;
	(pc) =	sbr.rel @p1 .LBB2_1-.Ltmp1, $3  }
0x16d: {  	_ =	sdelay $0x1  }
0x16e: {  	[sflag:s8] =	ssyncset.done @!p0 $0x0  }
0x16f: {  	[sflag:s8] =	ssyncadd.s32 @!p0 $0xFFFFFF00  }
0x170: {  	_ =	sfence.sel $0x180000  }
0x171: {  	[bflag:$0x0] =	sbarrier.arrive $0xFFFF  }
0x172: {  	_ =	strace $0x9000004A  }
0x173: {  	s0 =	stileid.u32;
	[bflag:$0x2] =	sbarrier.arrive $0xFFFF  }
0x174: {  	p0 =	sne.s32 s0, $0x0;
	s0 =	rddreg [dreg:$0x3]  }
0x175: {  	s0 =	sadd.s32 @!p0 $0x100000, s0  }
0x176: {  	[sflag:s0] =	ssyncadd.tile.s32 @!p0 $0x1;
	_ =	shalt  }
.Lfunc_end2:
_tile_overlayer_lowered:
.L_overlay_start_2:
0x177: {  	(tag) =	ssettag $0x2  }
0x178: {  	s0 =	rddreg [dreg:$0x0];
	s2 =	stileid.u32  }
0x179: {  	s1 =	rddreg [dreg:$0x1];
	p0 =	sne.s32 s2, $0x0  }
0x17a: {  	s3 =	rddreg [dreg:$0x2];
	[bflag:$0x3] =	sbarrier.arrive $0xFFFF;
	s2 =	simm.s32 @!p0 $0x1C09  }
0x17b: {  	[timem:s3], [sflag:s2] =	dma.local @!p0 [hbm:s0], s1  }
0x17c: {  	s0 =	simm.s32 @!p0 $0x9  }
0x17d: {  	_ =	swait.ge @!p0 [sflag:s0], s1  }
0x17e: {  	s1 =	ssub.s32 @!p0 $0x0, s1;
	[sflag:s0] =	ssyncset.done @!p0 $0x0  }
0x17f: {  	[sflag:s0] =	ssyncadd.s32 @!p0 s1  }
0x180: {  	[bflag:$0x3] =	sbarrier.arrive $0xFFFF  }
0x181: {  	_ =	shalt  }

// kernel: kernel.14.cloned.1.call-start
scs
__scs_entry_jumppad:
0x0: {  	(pc) =	sbr.rel $0x88, $3  }
0x1: {  	(tag) =	ssettag $0x0;
	lr =	simm.s32 $0x1  }
0x2: {  	[smem:$0x3F93] =	sst lr;
	_ =	strace $0xD0000000  }
0x3: {  	_ = 	snop  }
0x4: {  	_ = 	snop  }
0x5: {  	_ = 	snop  }
0x6: {  	_ = 	snop  }
0x7: {  	_ = 	snop  }
__scs_overlays_trampoline_lowered:
0x8: {  	[smem:$0x3FA2] =	sst s0  }
0x9: {  	[smem:$0x3FA3] =	sst s1  }
0xa: {  	[smem:$0x3FA4] =	sst s2  }
0xb: {  	[smem:$0x3FA5] =	sst s3  }
0xc: {  	[smem:$0x3FA6] =	sst s4  }
0xd: {  	[smem:$0x3FA7] =	sst s5  }
0xe: {  	[smem:$0x3FA8] =	sst s6  }
0xf: {  	[smem:$0x3FA9] =	sst s7  }
0x10: {  	[smem:$0x3FAA] =	sst s8  }
0x11: {  	[smem:$0x3FAB] =	sst s9;
	s0 =	simm.s32 @!p0 $0x0  }
0x12: {  	s1 =	sld [smem:$0x3F91];
	s0 =	simm.s32 @p0 $0x1  }
0x13: {  	[smem:$0x3FAC] =	sst s0;
	s0 =	simm.s32 @!p1 $0x0  }
0x14: {  	s2 =	sld [smem:$0x3F90];
	s0 =	simm.s32 @p1 $0x1  }
0x15: {  	[smem:$0x3FAD] =	sst s0;
	s0 =	simm.s32 @!p2 $0x0  }
0x16: {  	s3 =	sld [smem:$0x3FDB];
	s0 =	simm.s32 @p2 $0x1  }
0x17: {  	s4 =	simm.s32 $0x1BF5;
	[smem:$0x3FAF] =	sst s0  }
0x18: {  	s0 =	sld [smem:$0x3F92];
	_ =	swait.ge [sflag:s4], $0x0  }
0x19: {  	s7 =	sld [smem:$0x3F93]  }
0x1a: {  	s8 =	sadd.s32 $0xFFFFE003, lr  }
0x1b: {  	s9 =	sadd.s32 $0xFFFFFEF7, lr;
	s5 =	simm.s32 $0xFFFFFFFF;
	p2 =	slt.u32 s8, $0xFFFFF086  }
0x1c: {  	p1 =	slt.u32 s9, $0xF7A;
	s5 =	simm.s32 @!p2 $0x0  }
0x1d: {  	s5 =	simm.s32 @p1 $0x1;
	p0 =	seq.s32 s7, s2  }
0x1e: {  	s7 =	smul.u32 @!p0 $0xF7A, s2;
	p2 =	seq.s32 @!p0 s5, $0x0  }
0x1f: {  	s9 =	smul.u32 $0xF7A, s1;
	s8 =	simm.s32 @!p0 $0x1BF5;
	p2 =	por !p2, p0  }
0x20: {  	[sflag:s8] =	ssyncset.s32 @!p0 $0xFFFFF086;
	s6 =	sadd.s32 @!p0 s3, s7;
	s7 =	simm.s32 @!p0 $0x108  }
0x21: {  	s3 =	sadd.s32 s3, s9;
	s6 =	sadd.s32 @!p0 $0x88, s6;
	s7 =	simm.s32 @p2 $0x1082  }
0x22: {  	[simem:s7], [sflag:s8] =	dma.local @!p0 [hbm:s6], $0xF7A  }
0x23: {  	s9 =	sor.u32 $0xD0000000, s2;
	s6 =	simm.s32 $0x108;
	_ =	swait.ge @!p0 [sflag:s8], $0x0  }
0x24: {  	s3 =	sadd.s32 $0x88, s3;
	s6 =	simm.s32 @!p1 $0x1082;
	[sflag:s4] =	ssyncset.s32 $0xFFFFF086  }
0x25: {  	[simem:s6], [sflag:s4] =	dma.local [hbm:s3], $0xF7A  }
0x26: {  	[smem:$0x3F93] =	sst s1;
	(tag) =	ssettag s2;
	_ =	strace s9  }
0x27: {  	s1 =	sld [smem:$0x3FA3]  }
0x28: {  	s2 =	sld [smem:$0x3FA4]  }
0x29: {  	s4 =	sld [smem:$0x3FA6]  }
0x2a: {  	p0 =	seq.s32 s5, $0x0;
	s5 =	sld [smem:$0x3FA7]  }
0x2b: {  	s6 =	sld [smem:$0x3FA8]  }
0x2c: {  	s7 =	sld [smem:$0x3FA9]  }
0x2d: {  	s3 =	simm.s32 $0x108;
	s8 =	sld [smem:$0x3FAA]  }
0x2e: {  	s3 =	simm.s32 @!p0 $0x1082;
	s9 =	sld [smem:$0x3FAB]  }
0x2f: {  	lr =	sadd.s32 s0, s3;
	s0 =	sld [smem:$0x3FA2]  }
0x30: {  	s3 =	sld [smem:$0x3FA5]  }
0x31: {  	[smem:$0x3FAE] =	sst s10  }
0x32: {  	s10 =	sld [smem:$0x3FAC];
	_ =	sdelay $0x3  }
0x33: {  	p0 =	seq.s32 s10, $0x1;
	s10 =	sld [smem:$0x3FAE];
	_ =	sdelay $0x3  }
0x34: {  	[smem:$0x3FAE] =	sst s10  }
0x35: {  	s10 =	sld [smem:$0x3FAD];
	_ =	sdelay $0x3  }
0x36: {  	p1 =	seq.s32 s10, $0x1;
	s10 =	sld [smem:$0x3FAE];
	_ =	sdelay $0x3  }
0x37: {  	[smem:$0x3FAE] =	sst s10  }
0x38: {  	s10 =	sld [smem:$0x3FAF]  }
0x39: {  	_ = 	snop;
	(pc) =	sbr.ind lr, $3  }
0x3a: {  	_ = 	snop  }
0x3b: {  	_ = 	snop  }
0x3c: {  	p2 =	seq.s32 s10, $0x1;
	s10 =	sld [smem:$0x3FAE]  }
0x3d: {  	_ =	shalt  }
0x3e: {  	_ =	shalt  }
0x3f: {  	_ =	shalt  }
0x40: {  	_ =	shalt  }
0x41: {  	_ =	shalt  }
0x42: {  	_ =	shalt  }
0x43: {  	_ =	shalt  }
0x44: {  	_ =	shalt  }
0x45: {  	_ =	shalt  }
0x46: {  	_ =	shalt  }
0x47: {  	_ =	shalt  }
0x48: {  	_ =	shalt  }
0x49: {  	_ =	shalt  }
0x4a: {  	_ =	shalt  }
0x4b: {  	_ =	shalt  }
0x4c: {  	_ =	shalt  }
0x4d: {  	_ =	shalt  }
0x4e: {  	_ =	shalt  }
0x4f: {  	_ =	shalt  }
0x50: {  	_ =	shalt  }
0x51: {  	_ =	shalt  }
0x52: {  	_ =	shalt  }
0x53: {  	_ =	shalt  }
0x54: {  	_ =	shalt  }
0x55: {  	_ =	shalt  }
0x56: {  	_ =	shalt  }
0x57: {  	_ =	shalt  }
0x58: {  	_ =	shalt  }
0x59: {  	_ =	shalt  }
0x5a: {  	_ =	shalt  }
0x5b: {  	_ =	shalt  }
0x5c: {  	_ =	shalt  }
0x5d: {  	_ =	shalt  }
0x5e: {  	_ =	shalt  }
0x5f: {  	_ =	shalt  }
0x60: {  	_ =	shalt  }
0x61: {  	_ =	shalt  }
0x62: {  	_ =	shalt  }
0x63: {  	_ =	shalt  }
0x64: {  	_ =	shalt  }
0x65: {  	_ =	shalt  }
0x66: {  	_ =	shalt  }
0x67: {  	_ =	shalt  }
0x68: {  	_ =	shalt  }
0x69: {  	_ =	shalt  }
0x6a: {  	_ =	shalt  }
0x6b: {  	_ =	shalt  }
0x6c: {  	_ =	shalt  }
0x6d: {  	_ =	shalt  }
0x6e: {  	_ =	shalt  }
0x6f: {  	_ =	shalt  }
0x70: {  	_ =	shalt  }
0x71: {  	_ =	shalt  }
0x72: {  	_ =	shalt  }
0x73: {  	_ =	shalt  }
0x74: {  	_ =	shalt  }
0x75: {  	_ =	shalt  }
0x76: {  	_ =	shalt  }
0x77: {  	_ =	shalt  }
0x78: {  	_ =	shalt  }
0x79: {  	_ =	shalt  }
0x7a: {  	_ =	shalt  }
0x7b: {  	_ =	shalt  }
0x7c: {  	_ =	shalt  }
0x7d: {  	_ =	shalt  }
0x7e: {  	_ =	shalt  }
0x7f: {  	_ =	shalt  }
0x80: {  	_ =	shalt  }
0x81: {  	_ =	shalt  }
0x82: {  	_ =	shalt  }
0x83: {  	_ =	shalt  }
0x84: {  	_ =	shalt  }
0x85: {  	_ =	shalt  }
0x86: {  	_ =	shalt  }
0x87: {  	_ =	shalt  }
.Lfunc_end0:
.L_simem_size_0:
called_computation.2_lowered:
.L_overlay_start_0:
0x88: {  	s2 =	sld [smem:$0x3FD9]  }
0x89: {  	s3 =	sld [smem:$0x3FFE];
	_ =	sdelay $0x1  }
0x8a: {  	s1 =	srdreg.scid  }
0x8b: {  	s0 =	sand.u32 $0x1, s1  }
0x8c: {  	s14 =	sshll.u32 s0, $0xA;
	s2 =	sadd.s32 s3, s2  }
0x8d: {  	s2 =	sadd.s32 s2, s14  }
0x8e: {  	[smem:$0x3FBA] =	sst s2  }
0x8f: {  	_ = 	snop  }
0x90: {  	s2 =	sld [smem:$0x3FD0];
	_ =	sdelay $0x2  }
0x91: {  	s15 =	simm.s32 $0xA;
	s4 =	simm.s32 $0x10  }
0x92: {  	[smem:s4], [sflag:s15] =	dma.local [hbm:s2], $0x1  }
0x93: {  	_ =	swait.eq [sflag:s15], $0x1  }
0x94: {  	[sflag:s15] =	ssyncset.done $0x0  }
0x95: {  	[sflag:s15] =	ssyncadd.s32 $0xFFFFFFFF  }
0x96: {  	s16 =	sld [smem:$0x10];
	(tm) =	ssettm $0x1  }
0x97: {  	s17 =	sld [smem:$0x3FFB];
	_ =	sdelay $0x3  }
0x98: {  	_ =	strace s17  }
0x99: {  	s3 =	sld [smem:$0x3FFC];
	_ =	sdelay $0x3  }
0x9a: {  	_ =	strace s3  }
0x9b: {  	s3 =	sld [smem:$0x3FFD];
	_ =	sdelay $0x3  }
0x9c: {  	_ =	strace s3  }
0x9d: {  	_ =	strace $0x8FFFFFFF  }
0x9e: {  	s18 =	sld [smem:$0x3FDB];
	_ =	sdelay $0x1  }
0x9f: {  	s19 =	simm.s32 $_scs_section_size  }
0xa0: {  	s5 =	simm.s32 $_size__tile_overlayer_lowered;
	s6 =	simm.s32 $_tile_overlayer_lowered  }
0xa1: {  	s22 =	simm.s32 $0x1BFF;
	s21 =	sshll.u32 s6, $0x1;
	s3 =	sadd.s32 s19, s18  }
0xa2: {  	s7 =	simm.s32 $0x0;
	s20 =	sshll.u32 s5, $0x1;
	s5 =	sadd.s32 s21, s3  }
0xa3: {  	[timem:s7], [sflag:s22] =	dma.local [hbm:s5], s20  }
0xa4: {  	_ =	swait.ge [sflag:s22], s20  }
0xa5: {  	s4 =	ssub.s32 $0x0, s20;
	[sflag:s22] =	ssyncset.done $0x0  }
0xa6: {  	[sflag:s22] =	ssyncadd.s32 s4;
	_ =	sdelay $0x1  }
0xa7: {  	s23 =	simm.s32 $0x1B8B  }
0xa8: {  	_ =	swait.ge [sflag:s23], $0x1  }
0xa9: {  	[sflag:s23] =	ssyncset.done $0x0  }
0xaa: {  	s25 =	simm.s32 $0x1B8E;
	s24 =	sld [smem:$0x3FFE];
	[sflag:s23] =	ssyncadd.s32 $0xFFFFFFFF  }
0xab: {  	s26 =	simm.s32 $execute0_lowered;
	[smem:$0x3FD2] =	sst s25  }
0xac: {  	s5 =	sshll.u32 s26, $0x1;
	_ =	strace $0x8000004C;
	[dreg:$0x1] =	wrdreg $0xFFFFFFFF  }
0xad: {  	s28 =	simm.s32 $_size_execute0_lowered;
	s3 =	sadd.s32 s3, s5;
	[dreg:$0x0] =	wrdreg $0x0  }
0xae: {  	s5 =	sshll.u32 s28, $0x1;
	[dreg:$0x2] =	wrdreg s3  }
0xaf: {  	[dreg:$0x3] =	wrdreg s5  }
0xb0: {  	[dreg:$0x4] =	wrdreg $0xC0  }
0xb1: {  	_ =	task [dreg:s7], $0x5FFFF  }
0xb2: {  	[dreg:$0x1] =	wrdreg $0xFFFFFFFF  }
0xb3: {  	[dreg:$0x0] =	wrdreg $0x60  }
0xb4: {  	[dreg:$0x2] =	wrdreg s24  }
0xb5: {  	[dreg:$0x3] =	wrdreg s16  }
0xb6: {  	[dreg:$0x4] =	wrdreg $0xAC800  }
0xb7: {  	[dreg:$0x5] =	wrdreg $0x9  }
0xb8: {  	_ =	task.clear_ibuf [dreg:s7], $0x6FFFF;
	_ =	strace $0x9000004C  }
0xb9: {  	s29 =	simm.s32 $0x9;
	_ =	strace $0x8000004E  }
0xba: {  	_ =	swait.ge [sflag:s29], $0x1  }
0xbb: {  	[sflag:s29] =	ssyncadd.s32 $0xFFFFFFFF  }
0xbc: {  	_ =	strace $0x9000004E  }
0xbd: {  	_ =	sfence  }
0xbe: {  	s30 =	sld [smem:$0x0];
	_ =	sdelay $0x2  }
0xbf: {  	s31 =	sshll.u32 s1, $0xD;
	s1 =	sshrl.u32 s1, $0x2  }
0xc0: {  	s3 =	sand.u32 $0x4000, s31;
	s1 =	sadd.s32 s1, s30  }
0xc1: {  	s0 =	sor.u32 s3, s0;
	s1 =	sshll.u32 s1, $0x11  }
0xc2: {  	s0 =	sor.u32 s1, s0  }
0xc3: {  	s0 =	sadd.s32 $0x8F2B, s0  }
0xc4: {  	[sflag:s0] =	ssyncadd.remote.s32 $0x1  }
0xc5: {  	_ =	sfence.sel $0xFFFF  }
0xc6: {  	[dreg:$0x0] =	wrdreg $0xFFFFFFFF;
	(pc) =	sbr.abs _section_cstart, $3  }
0xc7: {  	[dreg:$0x1] =	wrdreg $0xFFFFFFFF  }
0xc8: {  	_ =	task.clear_ibuf [dreg:s7], $0x2FFFF;
	_ =	strace $0x9FFFFFFF  }
0xc9: {  	(tm) =	ssettm $0x7FFFFFFF  }
tec
execute0_lowered:
.L_overlay_start_1:
0x0: {  	(tag) =	ssettag $0x1  }
0x1: {  	s0 =	rddreg [dreg:$0x0]  }
0x2: {  	s2 =	rddreg [dreg:$0x1]  }
0x3: {  	s1 =	rddreg [dreg:$0x2]  }
0x4: {  	s3 =	srdreg.scid;
	s5 =	simm.s32 $0x0;
	s11 =	stileid.u32  }
0x5: {  	s17 =	simm.s32 $0x40;
	s28 =	simm.s32 $0x2B00;
	s29 =	simm.s32 $0x2A00  }
0x6: {  	s30 =	simm.s32 $0x8C80;
	s31 =	simm.s32 $0x3;
	s12 =	simm.s32 $0x6  }
0x7: {  	s3 =	sand.u32 $0x1, s3;
	[smem:$0x7FF] =	sst s5;
	s8 =	smul.u32 $0x4E000, s11  }
0x8: {  	s6 =	sshll.u32 s11, $0x7;
	s19 =	smul.u32 $0x13800, s11;
	s10 =	sadd.s32 $0xABC00, s0  }
0x9: {  	p0 =	sne.s32 s11, $0xF;
	s26 =	sshll.u32 s11, $0x6;
	s4 =	sshll.u32 s3, $0x4  }
0xa: {  	_ =	strace $0x8000004D;
	s7 =	ssub.s32 $0x2, s3;
	s6 =	sand.u32 $0x380, s6  }
0xb: {  	s3 =	smul.u32 $0x138800, s3;
	s14 =	sor.u32 $0x1C09, s26;
	s26 =	simm.s32 $0x2  }
0xc: {  	s4 =	sor.u32 s11, s4;
	s9 =	sshrl.u32 s7, $0x1;
	s8 =	sshrl.u32 s8, $0x2  }
0xd: {  	s20 =	sshrl.u32 s19, $0x3;
	s11 =	simm.s32 $0x2C00;
	s18 =	sshrl.u32 s4, $0x3  }
0xe: {  	s4 =	sadd.s32 $0x5D800, s0;
	s7 =	ssub.s32 s7, s9;
	s21 =	sadd.s32 s8, s1  }
0xf: {  	s0 =	sadd.s32 $0x84800, s0;
	s5 =	smul.u32 $0x14400, s18;
	s22 =	sadd.s32 s4, s20  }
0x10: {  	[dreg:$0x6] =	wrdreg s0;
	s25 =	smax.u32 s7, $0x1;
	s15 =	sshrl.u32 s21, $0x3  }
0x11: {  	s18 =	simm.s32 $0x2880;
	s20 =	simm.s32 $0x2900;
	[dreg:$0x5] =	wrdreg s22  }
0x12: {  	s21 =	simm.s32 $0x4C80;
	s7 =	simm.s32 $0x0;
	[dreg:$0x9] =	wrdreg s25  }
0x13: {  	s22 =	simm.s32 $0x1;
	s25 =	simm.s32 $0x6C80;
	s5 =	sor.u32 s6, s5  }
0x14: {  	s6 =	sadd.s32 s19, s3;
	s3 =	sshrl.u32 s3, $0x3;
	s19 =	simm.s32 $0x2C80  }
0x15: {  	s5 =	sshrl.u32 s5, $0x3;
	s23 =	sshrl.u32 s6, $0x3;
	s3 =	sadd.s32 s10, s3  }
0x16: {  	s6 =	simm.s32 $0x8;
	s2 =	sadd.s32 s2, s5;
	s5 =	sadd.s32 $0x138000, s1  }
0x17: {  	s0 =	sadd.s32 s10, s23;
	s24 =	sadd.s32 $0x27000, s3;
	[dreg:$0x4] =	wrdreg s2  }
0x18: {  	s23 =	simm.s32 $0x2A80;
	s3 =	simm.s32 $0x4;
	[dreg:$0x7] =	wrdreg s0  }
0x19: {  	[dreg:$0x8] =	wrdreg s24;
	s16 =	sshrl.u32 @!p0 s5, $0x3;
	s24 =	simm.s32 $0x2980  }
0x1a: {  	s0 =	simm.s32 $0x2B80;
	s2 =	simm.s32 $0x5;
	s5 =	simm.s32 $0x7  }
.LBB2_1:
0x1b: {  	s8 =	simm.s32 $0x0  }
0x1c: {  	s9 =	rddreg [dreg:$0x4];
	s10 =	simm.s32 $0x80;
	s13 =	smov.u32 s14  }
0x1d: {  	s14 =	smov.u32 s16;
	s16 =	smov.u32 s15;
	s15 =	simm.s32 $0x400  }
0x1e: {  	[tilespmem:s8], [sflag:$0x9] =	stream.strided.gather [hbm4b:s9+s10], $0x2880, s15, s10, $0x38;
	[tilespmem:$0x1E580] =	vst v63  }
0x1f: {  	s15 =	smov.u32 s16  }
0x20: {  	s16 =	smov.u32 s14;
	s14 =	smov.u32 s13;
	s13 =	simm.s32 $0x9  }
0x21: {  	_ =	swait.ge [sflag:s13], $0x2880  }
0x22: {  	[sflag:s13] =	ssyncset.done $0x0  }
0x23: {  	s10 =	rddreg [dreg:$0x5];
	[sflag:s13] =	ssyncadd.s32 $0xFFFFD780  }
0x24: {  	[spmem:s15], [sflag:s14] =	dma.local [hbm:s10], $0x2700  }
0x25: {  	_ =	swait.ge [sflag:s13], $0x2700  }
0x26: {  	[sflag:s13] =	ssyncset.done $0x0  }
0x27: {  	s8 =	rddreg [dreg:$0x6];
	[sflag:s13] =	ssyncadd.s32 $0xFFFFD900  }
0x28: {  	[spmem:s16], [sflag:s14] =	dma.local @!p0 [hbm:s8], $0x100  }
0x29: {  	s8 =	simm.s32 @!p0 $0x9  }
0x2a: {  	_ =	swait.ge @!p0 [sflag:s8], $0x100  }
0x2b: {  	[sflag:s8] =	ssyncset.done @!p0 $0x0  }
0x2c: {  	[sflag:s8] =	ssyncadd.s32 @!p0 $0xFFFFFF00  }
0x2d: {  	[bflag:$0x0] =	sbarrier.arrive $0xFFFF  }
0x2e: {  	v0 =	vld [tilespmem:$0x0];
	_ =	sdelay $0x1  }
0x2f: {  	v1 =	vld [tilespmem:$0x10];
	_ =	sdelay $0x1  }
0x30: {  	v2 =	vld [tilespmem:$0x20]  }
0x31: {  	v3 =	vand.u32 $0xFFFF, v0  }
0x32: {  	v42 =	vld [tilespmem:$0x30];
	v0 =	vshra.s32 v0, $0x10;
	[tilespmem:$0x2880] =	vst v3  }
0x33: {  	v43 =	vand.u32 $0xFFFF, v1;
	[tilespmem:$0x2A80] =	vst v0  }
0x34: {  	v44 =	vshra.s32 v1, $0x10;
	[tilespmem:$0x2890] =	vst v43  }
0x35: {  	v45 =	vand.u32 $0xFFFF, v2;
	[tilespmem:$0x2A90] =	vst v44  }
0x36: {  	v46 =	vshra.s32 v2, $0x10;
	[tilespmem:$0x28A0] =	vst v45  }
0x37: {  	v47 =	vand.u32 $0xFFFF, v42;
	[tilespmem:$0x2AA0] =	vst v46  }
0x38: {  	v48 =	vshra.s32 v42, $0x10;
	[tilespmem:$0x28B0] =	vst v47  }
0x39: {  	[tilespmem:$0x2AB0] =	vst v48  }
0x3a: {  	[tilespmem:s19], [sflag:$0x1] =	stream.indirect.gather [hbm4b:s4+s17], $0x80, s18, s17, $0xb8;
	[tilespmem:$0x1E580] =	vst v63  }
0x3b: {  	v49 =	vld [tilespmem:$0x40];
	_ =	sdelay $0x1  }
0x3c: {  	v50 =	vld [tilespmem:$0x50];
	_ =	sdelay $0x1  }
0x3d: {  	v51 =	vld [tilespmem:$0x60]  }
0x3e: {  	v52 =	vand.u32 $0xFFFF, v49  }
0x3f: {  	v53 =	vld [tilespmem:$0x70];
	v0 =	vshra.s32 v49, $0x10;
	[tilespmem:$0x2900] =	vst v52  }
0x40: {  	v54 =	vand.u32 $0xFFFF, v50;
	[tilespmem:$0x2B00] =	vst v0  }
0x41: {  	v55 =	vshra.s32 v50, $0x10;
	[tilespmem:$0x2910] =	vst v54  }
0x42: {  	v56 =	vand.u32 $0xFFFF, v51;
	[tilespmem:$0x2B10] =	vst v55  }
0x43: {  	v57 =	vshra.s32 v51, $0x10;
	[tilespmem:$0x2920] =	vst v56  }
0x44: {  	v58 =	vand.u32 $0xFFFF, v53;
	[tilespmem:$0x2B20] =	vst v57  }
0x45: {  	v59 =	vshra.s32 v53, $0x10;
	[tilespmem:$0x2930] =	vst v58  }
0x46: {  	[tilespmem:$0x2B30] =	vst v59  }
0x47: {  	[tilespmem:s21], [sflag:$0x2] =	stream.indirect.gather [hbm4b:s4+s17], $0x80, s20, s17, $0xb8;
	[tilespmem:$0x1E580] =	vst v63  }
0x48: {  	_ =	swait.ge [sflag:s22], $0x2000  }
0x49: {  	[sflag:s22] =	ssyncset.done $0x0  }
0x4a: {  	[sflag:s22] =	ssyncadd.s32 $0xFFFFE000  }
0x4b: {  	[spmem:s1] =	stream.indirect.scatter.add.f32 [tilespmem:s19], [sflag:$0x5], $0x80, s23, s17, $0xb8;
	[tilespmem:$0x1E580] =	vst v63  }
0x4c: {  	v60 =	vld [tilespmem:$0x80];
	_ =	sdelay $0x1  }
0x4d: {  	v61 =	vld [tilespmem:$0x90];
	_ =	sdelay $0x1  }
0x4e: {  	v62 =	vld [tilespmem:$0xA0]  }
0x4f: {  	v63 =	vand.u32 $0xFFFF, v60  }
0x50: {  	v6 =	vld [tilespmem:$0xB0];
	v0 =	vshra.s32 v60, $0x10;
	[tilespmem:$0x2980] =	vst v63  }
0x51: {  	v7 =	vand.u32 $0xFFFF, v61;
	[tilespmem:$0x2B80] =	vst v0  }
0x52: {  	v8 =	vshra.s32 v61, $0x10;
	[tilespmem:$0x2990] =	vst v7  }
0x53: {  	v9 =	vand.u32 $0xFFFF, v62;
	[tilespmem:$0x2B90] =	vst v8  }
0x54: {  	v10 =	vshra.s32 v62, $0x10;
	[tilespmem:$0x29A0] =	vst v9  }
0x55: {  	v11 =	vand.u32 $0xFFFF, v6;
	[tilespmem:$0x2BA0] =	vst v10  }
0x56: {  	v12 =	vshra.s32 v6, $0x10;
	[tilespmem:$0x29B0] =	vst v11  }
0x57: {  	[tilespmem:$0x2BB0] =	vst v12  }
0x58: {  	[tilespmem:s25], [sflag:$0x3] =	stream.indirect.gather [hbm4b:s4+s17], $0x80, s24, s17, $0xb8;
	[tilespmem:$0x1E580] =	vst v63  }
0x59: {  	_ =	swait.ge [sflag:s26], $0x2000  }
0x5a: {  	[sflag:s26] =	ssyncset.done $0x0  }
0x5b: {  	[sflag:s26] =	ssyncadd.s32 $0xFFFFE000  }
0x5c: {  	[spmem:s1] =	stream.indirect.scatter.add.f32 [tilespmem:s21], [sflag:$0x6], $0x80, s28, s17, $0xb8;
	[tilespmem:$0x1E580] =	vst v63  }
0x5d: {  	v13 =	vld [tilespmem:$0xC0];
	_ =	sdelay $0x1  }
0x5e: {  	v14 =	vld [tilespmem:$0xD0];
	_ =	sdelay $0x1  }
0x5f: {  	v15 =	vld [tilespmem:$0xE0]  }
0x60: {  	v16 =	vand.u32 $0xFFFF, v13  }
0x61: {  	v17 =	vld [tilespmem:$0xF0];
	v0 =	vshra.s32 v13, $0x10;
	[tilespmem:$0x2A00] =	vst v16  }
0x62: {  	v18 =	vand.u32 $0xFFFF, v14;
	[tilespmem:$0x2C00] =	vst v0  }
0x63: {  	v19 =	vshra.s32 v14, $0x10;
	[tilespmem:$0x2A10] =	vst v18  }
0x64: {  	v20 =	vand.u32 $0xFFFF, v15;
	[tilespmem:$0x2C10] =	vst v19  }
0x65: {  	v21 =	vshra.s32 v15, $0x10;
	[tilespmem:$0x2A20] =	vst v20  }
0x66: {  	v22 =	vand.u32 $0xFFFF, v17;
	[tilespmem:$0x2C20] =	vst v21  }
0x67: {  	v23 =	vshra.s32 v17, $0x10;
	[tilespmem:$0x2A30] =	vst v22  }
0x68: {  	[tilespmem:$0x2C30] =	vst v23  }
0x69: {  	[tilespmem:s30], [sflag:$0x4] =	stream.indirect.gather [hbm4b:s4+s17], $0x80, s29, s17, $0xb8;
	[tilespmem:$0x1E580] =	vst v63  }
0x6a: {  	_ =	swait.ge [sflag:s31], $0x2000  }
0x6b: {  	[sflag:s31] =	ssyncset.done $0x0  }
0x6c: {  	[sflag:s31] =	ssyncadd.s32 $0xFFFFE000  }
0x6d: {  	[spmem:s1] =	stream.indirect.scatter.add.f32 [tilespmem:s25], [sflag:$0x7], $0x80, s0, s17, $0xb8;
	[tilespmem:$0x1E580] =	vst v63  }
0x6e: {  	_ =	swait.ge [sflag:s2], $0x2000  }
0x6f: {  	[sflag:s2] =	ssyncset.done $0x0  }
0x70: {  	[sflag:s2] =	ssyncadd.s32 $0xFFFFE000  }
0x71: {  	v24 =	vld [tilespmem:$0x100];
	_ =	sdelay $0x1  }
0x72: {  	v25 =	vld [tilespmem:$0x110];
	_ =	sdelay $0x1  }
0x73: {  	v26 =	vld [tilespmem:$0x120]  }
0x74: {  	v27 =	vand.u32 $0xFFFF, v24  }
0x75: {  	v28 =	vld [tilespmem:$0x130];
	v0 =	vshra.s32 v24, $0x10;
	[tilespmem:$0x2880] =	vst v27  }
0x76: {  	v29 =	vand.u32 $0xFFFF, v25;
	[tilespmem:$0x2A80] =	vst v0  }
0x77: {  	v30 =	vshra.s32 v25, $0x10;
	[tilespmem:$0x2890] =	vst v29  }
0x78: {  	v31 =	vand.u32 $0xFFFF, v26;
	[tilespmem:$0x2A90] =	vst v30  }
0x79: {  	v32 =	vshra.s32 v26, $0x10;
	[tilespmem:$0x28A0] =	vst v31  }
0x7a: {  	v33 =	vand.u32 $0xFFFF, v28;
	[tilespmem:$0x2AA0] =	vst v32  }
0x7b: {  	v34 =	vshra.s32 v28, $0x10;
	[tilespmem:$0x28B0] =	vst v33  }
0x7c: {  	[tilespmem:$0x2AB0] =	vst v34  }
0x7d: {  	[tilespmem:s19], [sflag:$0x1] =	stream.indirect.gather [hbm4b:s4+s17], $0x80, s18, s17, $0xb8;
	[tilespmem:$0x1E580] =	vst v63  }
0x7e: {  	_ =	swait.ge [sflag:s3], $0x2000  }
0x7f: {  	[sflag:s3] =	ssyncset.done $0x0  }
0x80: {  	[sflag:s3] =	ssyncadd.s32 $0xFFFFE000  }
0x81: {  	[spmem:s1] =	stream.indirect.scatter.add.f32 [tilespmem:s30], [sflag:$0x8], $0x80, s11, s17, $0xb8;
	[tilespmem:$0x1E580] =	vst v63  }
0x82: {  	_ =	swait.ge [sflag:s12], $0x2000  }
0x83: {  	[sflag:s12] =	ssyncset.done $0x0  }
0x84: {  	[sflag:s12] =	ssyncadd.s32 $0xFFFFE000  }
0x85: {  	v35 =	vld [tilespmem:$0x140];
	_ =	sdelay $0x1  }
0x86: {  	v36 =	vld [tilespmem:$0x150];
	_ =	sdelay $0x1  }
0x87: {  	v37 =	vld [tilespmem:$0x160]  }
0x88: {  	v38 =	vand.u32 $0xFFFF, v35  }
0x89: {  	v39 =	vld [tilespmem:$0x170];
	v0 =	vshra.s32 v35, $0x10;
	[tilespmem:$0x2900] =	vst v38  }
0x8a: {  	v40 =	vand.u32 $0xFFFF, v36;
	[tilespmem:$0x2B00] =	vst v0  }
0x8b: {  	v41 =	vshra.s32 v36, $0x10;
	[tilespmem:$0x2910] =	vst v40  }
0x8c: {  	v42 =	vand.u32 $0xFFFF, v37;
	[tilespmem:$0x2B10] =	vst v41  }
0x8d: {  	v43 =	vshra.s32 v37, $0x10;
	[tilespmem:$0x2920] =	vst v42  }
0x8e: {  	v44 =	vand.u32 $0xFFFF, v39;
	[tilespmem:$0x2B20] =	vst v43  }
0x8f: {  	v45 =	vshra.s32 v39, $0x10;
	[tilespmem:$0x2930] =	vst v44  }
0x90: {  	[tilespmem:$0x2B30] =	vst v45  }
0x91: {  	[tilespmem:s21], [sflag:$0x2] =	stream.indirect.gather [hbm4b:s4+s17], $0x80, s20, s17, $0xb8;
	[tilespmem:$0x1E580] =	vst v63  }
0x92: {  	_ =	swait.ge [sflag:s22], $0x2000  }
0x93: {  	[sflag:s22] =	ssyncset.done $0x0  }
0x94: {  	[sflag:s22] =	ssyncadd.s32 $0xFFFFE000  }
0x95: {  	[spmem:s1] =	stream.indirect.scatter.add.f32 [tilespmem:s19], [sflag:$0x5], $0x80, s23, s17, $0xb8;
	[tilespmem:$0x1E580] =	vst v63  }
0x96: {  	_ =	swait.ge [sflag:s5], $0x2000  }
0x97: {  	[sflag:s5] =	ssyncset.done $0x0  }
0x98: {  	s8 =	simm.s32 $0x270;
	[sflag:s5] =	ssyncadd.s32 $0xFFFFE000  }
0x99: {  	v46 =	vld [tilespmem:s8+$0xFFFFFF10];
	_ =	sdelay $0x4  }
0x9a: {  	v47 =	vand.u32 $0xFFFF, v46  }
0x9b: {  	v0 =	vshra.s32 v46, $0x10;
	[tilespmem:$0x2980] =	vst v47  }
0x9c: {  	[tilespmem:$0x2B80] =	vst v0  }
0x9d: {  	v0 =	vld [tilespmem:s8+$0xFFFFFF20];
	_ =	sdelay $0x4  }
0x9e: {  	v48 =	vand.u32 $0xFFFF, v0  }
0x9f: {  	v0 =	vshra.s32 v0, $0x10;
	[tilespmem:$0x2990] =	vst v48  }
0xa0: {  	[tilespmem:$0x2B90] =	vst v0  }
0xa1: {  	v0 =	vld [tilespmem:s8+$0xFFFFFF30];
	_ =	sdelay $0x4  }
0xa2: {  	v49 =	vand.u32 $0xFFFF, v0  }
0xa3: {  	v0 =	vshra.s32 v0, $0x10;
	[tilespmem:$0x29A0] =	vst v49  }
0xa4: {  	[tilespmem:$0x2BA0] =	vst v0  }
0xa5: {  	v0 =	vld [tilespmem:s8+$0xFFFFFF40];
	_ =	sdelay $0x4  }
0xa6: {  	v50 =	vand.u32 $0xFFFF, v0  }
0xa7: {  	v0 =	vshra.s32 v0, $0x10;
	[tilespmem:$0x29B0] =	vst v50  }
0xa8: {  	[tilespmem:$0x2BB0] =	vst v0  }
0xa9: {  	[tilespmem:s25], [sflag:$0x3] =	stream.indirect.gather [hbm4b:s4+s17], $0x80, s24, s17, $0xb8;
	[tilespmem:$0x1E580] =	vst v63  }
0xaa: {  	_ =	swait.ge [sflag:s26], $0x2000  }
0xab: {  	[sflag:s26] =	ssyncset.done $0x0  }
0xac: {  	[sflag:s26] =	ssyncadd.s32 $0xFFFFE000  }
0xad: {  	[spmem:s1] =	stream.indirect.scatter.add.f32 [tilespmem:s21], [sflag:$0x6], $0x80, s28, s17, $0xb8;
	[tilespmem:$0x1E580] =	vst v63  }
0xae: {  	_ =	swait.ge [sflag:s6], $0x2000  }
0xaf: {  	[sflag:s6] =	ssyncset.done $0x0  }
0xb0: {  	[sflag:s6] =	ssyncadd.s32 $0xFFFFE000  }
0xb1: {  	v51 =	vld [tilespmem:s8+$0xFFFFFF50];
	_ =	sdelay $0x4  }
0xb2: {  	v52 =	vand.u32 $0xFFFF, v51  }
0xb3: {  	v0 =	vshra.s32 v51, $0x10;
	[tilespmem:$0x2A00] =	vst v52  }
0xb4: {  	[tilespmem:$0x2C00] =	vst v0  }
0xb5: {  	v0 =	vld [tilespmem:s8+$0xFFFFFF60];
	_ =	sdelay $0x4  }
0xb6: {  	v53 =	vand.u32 $0xFFFF, v0  }
0xb7: {  	v0 =	vshra.s32 v0, $0x10;
	[tilespmem:$0x2A10] =	vst v53  }
0xb8: {  	[tilespmem:$0x2C10] =	vst v0  }
0xb9: {  	v0 =	vld [tilespmem:s8+$0xFFFFFF70];
	_ =	sdelay $0x4  }
0xba: {  	v54 =	vand.u32 $0xFFFF, v0  }
0xbb: {  	v0 =	vshra.s32 v0, $0x10;
	[tilespmem:$0x2A20] =	vst v54  }
0xbc: {  	[tilespmem:$0x2C20] =	vst v0  }
0xbd: {  	v0 =	vld [tilespmem:s8+$0xFFFFFF80];
	_ =	sdelay $0x4  }
0xbe: {  	v55 =	vand.u32 $0xFFFF, v0  }
0xbf: {  	v0 =	vshra.s32 v0, $0x10;
	[tilespmem:$0x2A30] =	vst v55  }
0xc0: {  	[tilespmem:$0x2C30] =	vst v0  }
0xc1: {  	[tilespmem:s30], [sflag:$0x4] =	stream.indirect.gather [hbm4b:s4+s17], $0x80, s29, s17, $0xb8;
	[tilespmem:$0x1E580] =	vst v63  }
0xc2: {  	_ =	swait.ge [sflag:s31], $0x2000  }
0xc3: {  	[sflag:s31] =	ssyncset.done $0x0  }
0xc4: {  	[sflag:s31] =	ssyncadd.s32 $0xFFFFE000  }
0xc5: {  	[spmem:s1] =	stream.indirect.scatter.add.f32 [tilespmem:s25], [sflag:$0x7], $0x80, s0, s17, $0xb8;
	[tilespmem:$0x1E580] =	vst v63  }
0xc6: {  	_ =	swait.ge [sflag:s2], $0x2000  }
0xc7: {  	[sflag:s2] =	ssyncset.done $0x0  }
0xc8: {  	[sflag:s2] =	ssyncadd.s32 $0xFFFFE000  }
0xc9: {  	v56 =	vld [tilespmem:s8+$0xFFFFFF90];
	_ =	sdelay $0x4  }
0xca: {  	v57 =	vand.u32 $0xFFFF, v56  }
0xcb: {  	v0 =	vshra.s32 v56, $0x10;
	[tilespmem:$0x2880] =	vst v57  }
0xcc: {  	[tilespmem:$0x2A80] =	vst v0  }
0xcd: {  	v0 =	vld [tilespmem:s8+$0xFFFFFFA0];
	_ =	sdelay $0x4  }
0xce: {  	v58 =	vand.u32 $0xFFFF, v0  }
0xcf: {  	v0 =	vshra.s32 v0, $0x10;
	[tilespmem:$0x2890] =	vst v58  }
0xd0: {  	[tilespmem:$0x2A90] =	vst v0  }
0xd1: {  	v0 =	vld [tilespmem:s8+$0xFFFFFFB0];
	_ =	sdelay $0x4  }
0xd2: {  	v59 =	vand.u32 $0xFFFF, v0  }
0xd3: {  	v0 =	vshra.s32 v0, $0x10;
	[tilespmem:$0x28A0] =	vst v59  }
0xd4: {  	[tilespmem:$0x2AA0] =	vst v0  }
0xd5: {  	v0 =	vld [tilespmem:s8+$0xFFFFFFC0];
	_ =	sdelay $0x4  }
0xd6: {  	v60 =	vand.u32 $0xFFFF, v0  }
0xd7: {  	v0 =	vshra.s32 v0, $0x10;
	[tilespmem:$0x28B0] =	vst v60  }
0xd8: {  	[tilespmem:$0x2AB0] =	vst v0  }
0xd9: {  	[tilespmem:s19], [sflag:$0x1] =	stream.indirect.gather [hbm4b:s4+s17], $0x80, s18, s17, $0xb8;
	[tilespmem:$0x1E580] =	vst v63  }
0xda: {  	_ =	swait.ge [sflag:s3], $0x2000  }
0xdb: {  	[sflag:s3] =	ssyncset.done $0x0  }
0xdc: {  	[sflag:s3] =	ssyncadd.s32 $0xFFFFE000  }
0xdd: {  	[spmem:s1] =	stream.indirect.scatter.add.f32 [tilespmem:s30], [sflag:$0x8], $0x80, s11, s17, $0xb8;
	[tilespmem:$0x1E580] =	vst v63  }
0xde: {  	_ =	swait.ge [sflag:s12], $0x2000  }
0xdf: {  	[sflag:s12] =	ssyncset.done $0x0  }
0xe0: {  	[sflag:s12] =	ssyncadd.s32 $0xFFFFE000  }
0xe1: {  	v61 =	vld [tilespmem:s8+$0xFFFFFFD0];
	_ =	sdelay $0x4  }
0xe2: {  	v62 =	vand.u32 $0xFFFF, v61  }
0xe3: {  	v0 =	vshra.s32 v61, $0x10;
	[tilespmem:$0x2900] =	vst v62  }
0xe4: {  	[tilespmem:$0x2B00] =	vst v0  }
0xe5: {  	v0 =	vld [tilespmem:s8+$0xFFFFFFE0];
	_ =	sdelay $0x4  }
0xe6: {  	v63 =	vand.u32 $0xFFFF, v0  }
0xe7: {  	v0 =	vshra.s32 v0, $0x10;
	[tilespmem:$0x2910] =	vst v63  }
0xe8: {  	s9 =	simm.s32 $0xDC0;
	[tilespmem:$0x2B10] =	vst v0  }
.LBB2_2:
0xe9: {  	p1 =	sne.s32 s9, $0xA1C0;
	v0 =	vld [tilespmem:s8+$0xFFFFFFF0];
	s10 =	smov.u32 s9;
	s9 =	sadd.s32 $0x400, s9  }
0xea: {  	_ =	sdelay $0x3  }
0xeb: {  	v1 =	vand.u32 $0xFFFF, v0;
	v0 =	vshra.s32 v0, $0x10  }
0xec: {  	[tilespmem:$0x2920] =	vst v1  }
0xed: {  	[tilespmem:$0x2B20] =	vst v0  }
0xee: {  	v0 =	vld [tilespmem:s8+$0x0];
	_ =	sdelay $0x4  }
0xef: {  	v1 =	vand.u32 $0xFFFF, v0;
	v0 =	vshra.s32 v0, $0x10  }
0xf0: {  	[tilespmem:$0x2930] =	vst v1  }
0xf1: {  	[tilespmem:$0x2B30] =	vst v0  }
0xf2: {  	[tilespmem:s21], [sflag:$0x2] =	stream.indirect.gather [hbm4b:s4+s17], $0x80, s20, s17, $0xb8;
	[tilespmem:$0x1E580] =	vst v63  }
0xf3: {  	_ =	swait.ge [sflag:s22], $0x2000  }
0xf4: {  	[sflag:s22] =	ssyncset.done $0x0  }
0xf5: {  	[sflag:s22] =	ssyncadd.s32 $0xFFFFE000  }
0xf6: {  	[spmem:s1] =	stream.indirect.scatter.add.f32 [tilespmem:s19], [sflag:$0x5], $0x80, s23, s17, $0xb8;
	[tilespmem:$0x1E580] =	vst v63  }
0xf7: {  	_ =	swait.ge [sflag:s5], $0x2000  }
0xf8: {  	[sflag:s5] =	ssyncset.done $0x0  }
0xf9: {  	s8 =	sshra.s32 s10, $0x2;
	[sflag:s5] =	ssyncadd.s32 $0xFFFFE000  }
0xfa: {  	v0 =	vld [tilespmem:s8+$0xFFFFFF10];
	_ =	sdelay $0x4  }
0xfb: {  	v1 =	vand.u32 $0xFFFF, v0;
	v0 =	vshra.s32 v0, $0x10  }
0xfc: {  	[tilespmem:$0x2980] =	vst v1  }
0xfd: {  	[tilespmem:$0x2B80] =	vst v0  }
0xfe: {  	v0 =	vld [tilespmem:s8+$0xFFFFFF20];
	_ =	sdelay $0x4  }
0xff: {  	v1 =	vand.u32 $0xFFFF, v0;
	v0 =	vshra.s32 v0, $0x10  }
0x100: {  	[tilespmem:$0x2990] =	vst v1  }
0x101: {  	[tilespmem:$0x2B90] =	vst v0  }
0x102: {  	v0 =	vld [tilespmem:s8+$0xFFFFFF30];
	_ =	sdelay $0x4  }
0x103: {  	v1 =	vand.u32 $0xFFFF, v0;
	v0 =	vshra.s32 v0, $0x10  }
0x104: {  	[tilespmem:$0x29A0] =	vst v1  }
0x105: {  	[tilespmem:$0x2BA0] =	vst v0  }
0x106: {  	v0 =	vld [tilespmem:s8+$0xFFFFFF40];
	_ =	sdelay $0x4  }
0x107: {  	v1 =	vand.u32 $0xFFFF, v0;
	v0 =	vshra.s32 v0, $0x10  }
0x108: {  	[tilespmem:$0x29B0] =	vst v1  }
0x109: {  	[tilespmem:$0x2BB0] =	vst v0  }
0x10a: {  	[tilespmem:s25], [sflag:$0x3] =	stream.indirect.gather [hbm4b:s4+s17], $0x80, s24, s17, $0xb8;
	[tilespmem:$0x1E580] =	vst v63  }
0x10b: {  	_ =	swait.ge [sflag:s26], $0x2000  }
0x10c: {  	[sflag:s26] =	ssyncset.done $0x0  }
0x10d: {  	[sflag:s26] =	ssyncadd.s32 $0xFFFFE000  }
0x10e: {  	[spmem:s1] =	stream.indirect.scatter.add.f32 [tilespmem:s21], [sflag:$0x6], $0x80, s28, s17, $0xb8;
	[tilespmem:$0x1E580] =	vst v63  }
0x10f: {  	_ =	swait.ge [sflag:s6], $0x2000  }
0x110: {  	[sflag:s6] =	ssyncset.done $0x0  }
0x111: {  	[sflag:s6] =	ssyncadd.s32 $0xFFFFE000  }
0x112: {  	v0 =	vld [tilespmem:s8+$0xFFFFFF50];
	_ =	sdelay $0x4  }
0x113: {  	v1 =	vand.u32 $0xFFFF, v0;
	v0 =	vshra.s32 v0, $0x10  }
0x114: {  	[tilespmem:$0x2A00] =	vst v1  }
0x115: {  	[tilespmem:$0x2C00] =	vst v0  }
0x116: {  	v0 =	vld [tilespmem:s8+$0xFFFFFF60];
	_ =	sdelay $0x4  }
0x117: {  	v1 =	vand.u32 $0xFFFF, v0;
	v0 =	vshra.s32 v0, $0x10  }
0x118: {  	[tilespmem:$0x2A10] =	vst v1  }
0x119: {  	[tilespmem:$0x2C10] =	vst v0  }
0x11a: {  	v0 =	vld [tilespmem:s8+$0xFFFFFF70];
	_ =	sdelay $0x4  }
0x11b: {  	v1 =	vand.u32 $0xFFFF, v0;
	v0 =	vshra.s32 v0, $0x10  }
0x11c: {  	[tilespmem:$0x2A20] =	vst v1  }
0x11d: {  	[tilespmem:$0x2C20] =	vst v0  }
0x11e: {  	v0 =	vld [tilespmem:s8+$0xFFFFFF80];
	_ =	sdelay $0x4  }
0x11f: {  	v1 =	vand.u32 $0xFFFF, v0;
	v0 =	vshra.s32 v0, $0x10  }
0x120: {  	[tilespmem:$0x2A30] =	vst v1  }
0x121: {  	[tilespmem:$0x2C30] =	vst v0  }
0x122: {  	[tilespmem:s30], [sflag:$0x4] =	stream.indirect.gather [hbm4b:s4+s17], $0x80, s29, s17, $0xb8;
	[tilespmem:$0x1E580] =	vst v63  }
0x123: {  	_ =	swait.ge [sflag:s31], $0x2000  }
0x124: {  	[sflag:s31] =	ssyncset.done $0x0  }
0x125: {  	[sflag:s31] =	ssyncadd.s32 $0xFFFFE000  }
0x126: {  	[spmem:s1] =	stream.indirect.scatter.add.f32 [tilespmem:s25], [sflag:$0x7], $0x80, s0, s17, $0xb8;
	[tilespmem:$0x1E580] =	vst v63  }
0x127: {  	_ =	swait.ge [sflag:s2], $0x2000  }
0x128: {  	[sflag:s2] =	ssyncset.done $0x0  }
0x129: {  	[sflag:s2] =	ssyncadd.s32 $0xFFFFE000  }
0x12a: {  	v0 =	vld [tilespmem:s8+$0xFFFFFF90];
	_ =	sdelay $0x4  }
0x12b: {  	v1 =	vand.u32 $0xFFFF, v0;
	v0 =	vshra.s32 v0, $0x10  }
0x12c: {  	[tilespmem:$0x2880] =	vst v1  }
0x12d: {  	[tilespmem:$0x2A80] =	vst v0  }
0x12e: {  	v0 =	vld [tilespmem:s8+$0xFFFFFFA0];
	_ =	sdelay $0x4  }
0x12f: {  	v1 =	vand.u32 $0xFFFF, v0;
	v0 =	vshra.s32 v0, $0x10  }
0x130: {  	[tilespmem:$0x2890] =	vst v1  }
0x131: {  	[tilespmem:$0x2A90] =	vst v0  }
0x132: {  	v0 =	vld [tilespmem:s8+$0xFFFFFFB0];
	_ =	sdelay $0x4  }
0x133: {  	v1 =	vand.u32 $0xFFFF, v0;
	v0 =	vshra.s32 v0, $0x10  }
0x134: {  	[tilespmem:$0x28A0] =	vst v1  }
0x135: {  	[tilespmem:$0x2AA0] =	vst v0  }
0x136: {  	v0 =	vld [tilespmem:s8+$0xFFFFFFC0];
	_ =	sdelay $0x4  }
0x137: {  	v1 =	vand.u32 $0xFFFF, v0;
	v0 =	vshra.s32 v0, $0x10  }
0x138: {  	[tilespmem:$0x28B0] =	vst v1  }
0x139: {  	[tilespmem:$0x2AB0] =	vst v0  }
0x13a: {  	[tilespmem:s19], [sflag:$0x1] =	stream.indirect.gather [hbm4b:s4+s17], $0x80, s18, s17, $0xb8;
	[tilespmem:$0x1E580] =	vst v63  }
0x13b: {  	_ =	swait.ge [sflag:s3], $0x2000  }
0x13c: {  	[sflag:s3] =	ssyncset.done $0x0  }
0x13d: {  	[sflag:s3] =	ssyncadd.s32 $0xFFFFE000  }
0x13e: {  	[spmem:s1] =	stream.indirect.scatter.add.f32 [tilespmem:s30], [sflag:$0x8], $0x80, s11, s17, $0xb8;
	[tilespmem:$0x1E580] =	vst v63  }
0x13f: {  	_ =	swait.ge [sflag:s12], $0x2000  }
0x140: {  	[sflag:s12] =	ssyncset.done $0x0  }
0x141: {  	[sflag:s12] =	ssyncadd.s32 $0xFFFFE000  }
0x142: {  	v0 =	vld [tilespmem:s8+$0xFFFFFFD0];
	_ =	sdelay $0x4  }
0x143: {  	v1 =	vand.u32 $0xFFFF, v0;
	v0 =	vshra.s32 v0, $0x10  }
0x144: {  	[tilespmem:$0x2900] =	vst v1  }
0x145: {  	[tilespmem:$0x2B00] =	vst v0  }
0x146: {  	v0 =	vld [tilespmem:s8+$0xFFFFFFE0];
	_ =	sdelay $0x2  }
.Ltmp0:
0x147: {  	(pc) =	sbr.rel @p1 .LBB2_2-.Ltmp0, $4  }
0x148: {  	_ = 	snop  }
0x149: {  	v1 =	vand.u32 $0xFFFF, v0;
	v0 =	vshra.s32 v0, $0x10  }
0x14a: {  	[tilespmem:$0x2910] =	vst v1  }
0x14b: {  	[tilespmem:$0x2B10] =	vst v0  }
0x14c: {  	v0 =	vld [tilespmem:s8+$0xFFFFFFF0];
	_ =	sdelay $0x4  }
0x14d: {  	v1 =	vand.u32 $0xFFFF, v0  }
0x14e: {  	v0 =	vshra.s32 v0, $0x10;
	[tilespmem:$0x2920] =	vst v1  }
0x14f: {  	[tilespmem:$0x2B20] =	vst v0  }
0x150: {  	v0 =	vld [tilespmem:s8+$0x0];
	_ =	sdelay $0x4  }
0x151: {  	v63 =	vand.u32 $0xFFFF, v0  }
0x152: {  	v0 =	vshra.s32 v0, $0x10;
	[tilespmem:$0x2930] =	vst v63  }
0x153: {  	[tilespmem:$0x2B30] =	vst v0  }
0x154: {  	[tilespmem:s21], [sflag:$0x2] =	stream.indirect.gather [hbm4b:s4+s17], $0x80, s20, s17, $0xb8;
	[tilespmem:$0x1E580] =	vst v63  }
0x155: {  	_ =	swait.ge [sflag:s5], $0x2000  }
0x156: {  	[sflag:s5] =	ssyncset.done $0x0  }
0x157: {  	[sflag:s5] =	ssyncadd.s32 $0xFFFFE000  }
0x158: {  	_ =	swait.ge [sflag:s6], $0x2000  }
0x159: {  	[sflag:s6] =	ssyncset.done $0x0  }
0x15a: {  	[sflag:s6] =	ssyncadd.s32 $0xFFFFE000  }
0x15b: {  	_ =	swait.ge [sflag:s22], $0x2000  }
0x15c: {  	[sflag:s22] =	ssyncset.done $0x0  }
0x15d: {  	[sflag:s22] =	ssyncadd.s32 $0xFFFFE000  }
0x15e: {  	_ =	swait.ge [sflag:s26], $0x2000  }
0x15f: {  	[sflag:s26] =	ssyncset.done $0x0  }
0x160: {  	[sflag:s26] =	ssyncadd.s32 $0xFFFFE000  }
0x161: {  	[bflag:$0x0] =	sbarrier.arrive $0xFFFF  }
0x162: {  	s10 =	rddreg [dreg:$0x7]  }
0x163: {  	[hbm:s10], [sflag:s14] =	dma.local [spmem:s15], $0x2700  }
0x164: {  	_ =	swait.ge [sflag:s13], $0x2700  }
0x165: {  	[sflag:s13] =	ssyncset.done $0x0  }
0x166: {  	s8 =	rddreg [dreg:$0x8];
	[sflag:s13] =	ssyncadd.s32 $0xFFFFD900  }
0x167: {  	[hbm:s8], [sflag:s14] =	dma.local @!p0 [spmem:s16], $0x100  }
0x168: {  	s8 =	simm.s32 @!p0 $0x9  }
0x169: {  	_ =	swait.ge @!p0 [sflag:s8], $0x100  }
0x16a: {  	s7 =	sadd.s32 $0x1, s7;
	s9 =	rddreg [dreg:$0x9]  }
0x16b: {  	p1 =	sne.s32 s7, s9  }
.Ltmp1:
0x16c: {  	_ = 	snop;
	(pc) =	sbr.rel @p1 .LBB2_1-.Ltmp1, $3  }
0x16d: {  	_ =	sdelay $0x1  }
0x16e: {  	[sflag:s8] =	ssyncset.done @!p0 $0x0  }
0x16f: {  	[sflag:s8] =	ssyncadd.s32 @!p0 $0xFFFFFF00  }
0x170: {  	_ =	sfence.sel $0x180000  }
0x171: {  	[bflag:$0x0] =	sbarrier.arrive $0xFFFF  }
0x172: {  	_ =	strace $0x9000004D  }
0x173: {  	s0 =	stileid.u32;
	[bflag:$0x2] =	sbarrier.arrive $0xFFFF  }
0x174: {  	p0 =	sne.s32 s0, $0x0;
	s0 =	rddreg [dreg:$0x3]  }
0x175: {  	s0 =	sadd.s32 @!p0 $0x100000, s0  }
0x176: {  	[sflag:s0] =	ssyncadd.tile.s32 @!p0 $0x1;
	_ =	shalt  }
.Lfunc_end2:
_tile_overlayer_lowered:
.L_overlay_start_2:
0x177: {  	(tag) =	ssettag $0x2  }
0x178: {  	s0 =	rddreg [dreg:$0x0];
	s2 =	stileid.u32  }
0x179: {  	s1 =	rddreg [dreg:$0x1];
	p0 =	sne.s32 s2, $0x0  }
0x17a: {  	s3 =	rddreg [dreg:$0x2];
	[bflag:$0x3] =	sbarrier.arrive $0xFFFF;
	s2 =	simm.s32 @!p0 $0x1C09  }
0x17b: {  	[timem:s3], [sflag:s2] =	dma.local @!p0 [hbm:s0], s1  }
0x17c: {  	s0 =	simm.s32 @!p0 $0x9  }
0x17d: {  	_ =	swait.ge @!p0 [sflag:s0], s1  }
0x17e: {  	s1 =	ssub.s32 @!p0 $0x0, s1;
	[sflag:s0] =	ssyncset.done @!p0 $0x0  }
0x17f: {  	[sflag:s0] =	ssyncadd.s32 @!p0 s1  }
0x180: {  	[bflag:$0x3] =	sbarrier.arrive $0xFFFF  }
0x181: {  	_ =	shalt  }

// kernel: kernel.8.cloned.1.call-start
scs
__scs_entry_jumppad:
0x0: {  	(pc) =	sbr.rel $0x88, $3  }
0x1: {  	(tag) =	ssettag $0x0;
	lr =	simm.s32 $0x1  }
0x2: {  	[smem:$0x3F93] =	sst lr;
	_ =	strace $0xD0000000  }
0x3: {  	_ = 	snop  }
0x4: {  	_ = 	snop  }
0x5: {  	_ = 	snop  }
0x6: {  	_ = 	snop  }
0x7: {  	_ = 	snop  }
__scs_overlays_trampoline_lowered:
0x8: {  	[smem:$0x3FA2] =	sst s0  }
0x9: {  	[smem:$0x3FA3] =	sst s1  }
0xa: {  	[smem:$0x3FA4] =	sst s2  }
0xb: {  	[smem:$0x3FA5] =	sst s3  }
0xc: {  	[smem:$0x3FA6] =	sst s4  }
0xd: {  	[smem:$0x3FA7] =	sst s5  }
0xe: {  	[smem:$0x3FA8] =	sst s6  }
0xf: {  	[smem:$0x3FA9] =	sst s7  }
0x10: {  	[smem:$0x3FAA] =	sst s8  }
0x11: {  	[smem:$0x3FAB] =	sst s9;
	s0 =	simm.s32 @!p0 $0x0  }
0x12: {  	s1 =	sld [smem:$0x3F91];
	s0 =	simm.s32 @p0 $0x1  }
0x13: {  	[smem:$0x3FAC] =	sst s0;
	s0 =	simm.s32 @!p1 $0x0  }
0x14: {  	s2 =	sld [smem:$0x3F90];
	s0 =	simm.s32 @p1 $0x1  }
0x15: {  	[smem:$0x3FAD] =	sst s0;
	s0 =	simm.s32 @!p2 $0x0  }
0x16: {  	s3 =	sld [smem:$0x3FDB];
	s0 =	simm.s32 @p2 $0x1  }
0x17: {  	s4 =	simm.s32 $0x1BF5;
	[smem:$0x3FAF] =	sst s0  }
0x18: {  	s0 =	sld [smem:$0x3F92];
	_ =	swait.ge [sflag:s4], $0x0  }
0x19: {  	s7 =	sld [smem:$0x3F93]  }
0x1a: {  	s8 =	sadd.s32 $0xFFFFE003, lr  }
0x1b: {  	s9 =	sadd.s32 $0xFFFFFEF7, lr;
	s5 =	simm.s32 $0xFFFFFFFF;
	p2 =	slt.u32 s8, $0xFFFFF086  }
0x1c: {  	p1 =	slt.u32 s9, $0xF7A;
	s5 =	simm.s32 @!p2 $0x0  }
0x1d: {  	s5 =	simm.s32 @p1 $0x1;
	p0 =	seq.s32 s7, s2  }
0x1e: {  	s7 =	smul.u32 @!p0 $0xF7A, s2;
	p2 =	seq.s32 @!p0 s5, $0x0  }
0x1f: {  	s9 =	smul.u32 $0xF7A, s1;
	s8 =	simm.s32 @!p0 $0x1BF5;
	p2 =	por !p2, p0  }
0x20: {  	[sflag:s8] =	ssyncset.s32 @!p0 $0xFFFFF086;
	s6 =	sadd.s32 @!p0 s3, s7;
	s7 =	simm.s32 @!p0 $0x108  }
0x21: {  	s3 =	sadd.s32 s3, s9;
	s6 =	sadd.s32 @!p0 $0x88, s6;
	s7 =	simm.s32 @p2 $0x1082  }
0x22: {  	[simem:s7], [sflag:s8] =	dma.local @!p0 [hbm:s6], $0xF7A  }
0x23: {  	s9 =	sor.u32 $0xD0000000, s2;
	s6 =	simm.s32 $0x108;
	_ =	swait.ge @!p0 [sflag:s8], $0x0  }
0x24: {  	s3 =	sadd.s32 $0x88, s3;
	s6 =	simm.s32 @!p1 $0x1082;
	[sflag:s4] =	ssyncset.s32 $0xFFFFF086  }
0x25: {  	[simem:s6], [sflag:s4] =	dma.local [hbm:s3], $0xF7A  }
0x26: {  	[smem:$0x3F93] =	sst s1;
	(tag) =	ssettag s2;
	_ =	strace s9  }
0x27: {  	s1 =	sld [smem:$0x3FA3]  }
0x28: {  	s2 =	sld [smem:$0x3FA4]  }
0x29: {  	s4 =	sld [smem:$0x3FA6]  }
0x2a: {  	p0 =	seq.s32 s5, $0x0;
	s5 =	sld [smem:$0x3FA7]  }
0x2b: {  	s6 =	sld [smem:$0x3FA8]  }
0x2c: {  	s7 =	sld [smem:$0x3FA9]  }
0x2d: {  	s3 =	simm.s32 $0x108;
	s8 =	sld [smem:$0x3FAA]  }
0x2e: {  	s3 =	simm.s32 @!p0 $0x1082;
	s9 =	sld [smem:$0x3FAB]  }
0x2f: {  	lr =	sadd.s32 s0, s3;
	s0 =	sld [smem:$0x3FA2]  }
0x30: {  	s3 =	sld [smem:$0x3FA5]  }
0x31: {  	[smem:$0x3FAE] =	sst s10  }
0x32: {  	s10 =	sld [smem:$0x3FAC];
	_ =	sdelay $0x3  }
0x33: {  	p0 =	seq.s32 s10, $0x1;
	s10 =	sld [smem:$0x3FAE];
	_ =	sdelay $0x3  }
0x34: {  	[smem:$0x3FAE] =	sst s10  }
0x35: {  	s10 =	sld [smem:$0x3FAD];
	_ =	sdelay $0x3  }
0x36: {  	p1 =	seq.s32 s10, $0x1;
	s10 =	sld [smem:$0x3FAE];
	_ =	sdelay $0x3  }
0x37: {  	[smem:$0x3FAE] =	sst s10  }
0x38: {  	s10 =	sld [smem:$0x3FAF]  }
0x39: {  	_ = 	snop;
	(pc) =	sbr.ind lr, $3  }
0x3a: {  	_ = 	snop  }
0x3b: {  	_ = 	snop  }
0x3c: {  	p2 =	seq.s32 s10, $0x1;
	s10 =	sld [smem:$0x3FAE]  }
0x3d: {  	_ =	shalt  }
0x3e: {  	_ =	shalt  }
0x3f: {  	_ =	shalt  }
0x40: {  	_ =	shalt  }
0x41: {  	_ =	shalt  }
0x42: {  	_ =	shalt  }
0x43: {  	_ =	shalt  }
0x44: {  	_ =	shalt  }
0x45: {  	_ =	shalt  }
0x46: {  	_ =	shalt  }
0x47: {  	_ =	shalt  }
0x48: {  	_ =	shalt  }
0x49: {  	_ =	shalt  }
0x4a: {  	_ =	shalt  }
0x4b: {  	_ =	shalt  }
0x4c: {  	_ =	shalt  }
0x4d: {  	_ =	shalt  }
0x4e: {  	_ =	shalt  }
0x4f: {  	_ =	shalt  }
0x50: {  	_ =	shalt  }
0x51: {  	_ =	shalt  }
0x52: {  	_ =	shalt  }
0x53: {  	_ =	shalt  }
0x54: {  	_ =	shalt  }
0x55: {  	_ =	shalt  }
0x56: {  	_ =	shalt  }
0x57: {  	_ =	shalt  }
0x58: {  	_ =	shalt  }
0x59: {  	_ =	shalt  }
0x5a: {  	_ =	shalt  }
0x5b: {  	_ =	shalt  }
0x5c: {  	_ =	shalt  }
0x5d: {  	_ =	shalt  }
0x5e: {  	_ =	shalt  }
0x5f: {  	_ =	shalt  }
0x60: {  	_ =	shalt  }
0x61: {  	_ =	shalt  }
0x62: {  	_ =	shalt  }
0x63: {  	_ =	shalt  }
0x64: {  	_ =	shalt  }
0x65: {  	_ =	shalt  }
0x66: {  	_ =	shalt  }
0x67: {  	_ =	shalt  }
0x68: {  	_ =	shalt  }
0x69: {  	_ =	shalt  }
0x6a: {  	_ =	shalt  }
0x6b: {  	_ =	shalt  }
0x6c: {  	_ =	shalt  }
0x6d: {  	_ =	shalt  }
0x6e: {  	_ =	shalt  }
0x6f: {  	_ =	shalt  }
0x70: {  	_ =	shalt  }
0x71: {  	_ =	shalt  }
0x72: {  	_ =	shalt  }
0x73: {  	_ =	shalt  }
0x74: {  	_ =	shalt  }
0x75: {  	_ =	shalt  }
0x76: {  	_ =	shalt  }
0x77: {  	_ =	shalt  }
0x78: {  	_ =	shalt  }
0x79: {  	_ =	shalt  }
0x7a: {  	_ =	shalt  }
0x7b: {  	_ =	shalt  }
0x7c: {  	_ =	shalt  }
0x7d: {  	_ =	shalt  }
0x7e: {  	_ =	shalt  }
0x7f: {  	_ =	shalt  }
0x80: {  	_ =	shalt  }
0x81: {  	_ =	shalt  }
0x82: {  	_ =	shalt  }
0x83: {  	_ =	shalt  }
0x84: {  	_ =	shalt  }
0x85: {  	_ =	shalt  }
0x86: {  	_ =	shalt  }
0x87: {  	_ =	shalt  }
.Lfunc_end0:
.L_simem_size_0:
called_computation_lowered:
.L_overlay_start_0:
0x88: {  	s2 =	sld [smem:$0x3FD9]  }
0x89: {  	s3 =	sld [smem:$0x3FFE];
	_ =	sdelay $0x1  }
0x8a: {  	s1 =	srdreg.scid  }
0x8b: {  	s0 =	sand.u32 $0x1, s1  }
0x8c: {  	s16 =	sshll.u32 s0, $0xA;
	s2 =	sadd.s32 s3, s2  }
0x8d: {  	s2 =	sadd.s32 s2, s16  }
0x8e: {  	[smem:$0x3FBA] =	sst s2  }
0x8f: {  	_ = 	snop  }
0x90: {  	(tm) =	ssettm $0x1  }
0x91: {  	s17 =	sld [smem:$0x3FFB];
	_ =	sdelay $0x3  }
0x92: {  	_ =	strace s17  }
0x93: {  	s2 =	sld [smem:$0x3FFC];
	_ =	sdelay $0x3  }
0x94: {  	_ =	strace s2  }
0x95: {  	s2 =	sld [smem:$0x3FFD];
	_ =	sdelay $0x3  }
0x96: {  	_ =	strace s2  }
0x97: {  	_ =	strace $0x8FFFFFFF  }
0x98: {  	s18 =	sld [smem:$0x3FDB];
	_ =	sdelay $0x1  }
0x99: {  	s19 =	simm.s32 $_scs_section_size  }
0x9a: {  	s4 =	simm.s32 $_size__tile_overlayer_lowered;
	s5 =	simm.s32 $_tile_overlayer_lowered  }
0x9b: {  	s22 =	simm.s32 $0x1BFF;
	s21 =	sshll.u32 s5, $0x1;
	s2 =	sadd.s32 s19, s18  }
0x9c: {  	s6 =	simm.s32 $0x0;
	s20 =	sshll.u32 s4, $0x1;
	s4 =	sadd.s32 s21, s2  }
0x9d: {  	[timem:s6], [sflag:s22] =	dma.local [hbm:s4], s20  }
0x9e: {  	_ =	swait.ge [sflag:s22], s20  }
0x9f: {  	s3 =	ssub.s32 $0x0, s20;
	[sflag:s22] =	ssyncset.done $0x0  }
0xa0: {  	[sflag:s22] =	ssyncadd.s32 s3;
	_ =	sdelay $0x1  }
0xa1: {  	s23 =	simm.s32 $0x1B8B  }
0xa2: {  	_ =	swait.ge [sflag:s23], $0x1  }
0xa3: {  	[sflag:s23] =	ssyncset.done $0x0  }
0xa4: {  	s25 =	simm.s32 $0x1B8E;
	s24 =	sld [smem:$0x3FFE];
	[sflag:s23] =	ssyncadd.s32 $0xFFFFFFFF  }
0xa5: {  	s26 =	simm.s32 $execute0_lowered;
	[smem:$0x3FD2] =	sst s25  }
0xa6: {  	s4 =	sshll.u32 s26, $0x1;
	_ =	strace $0x80000046;
	[dreg:$0x1] =	wrdreg $0xFFFFFFFF  }
0xa7: {  	s28 =	simm.s32 $_size_execute0_lowered;
	s2 =	sadd.s32 s2, s4;
	[dreg:$0x0] =	wrdreg $0x0  }
0xa8: {  	s4 =	sshll.u32 s28, $0x1;
	[dreg:$0x2] =	wrdreg s2  }
0xa9: {  	[dreg:$0x3] =	wrdreg s4  }
0xaa: {  	[dreg:$0x4] =	wrdreg $0xC0  }
0xab: {  	_ =	task [dreg:s6], $0x5FFFF  }
0xac: {  	[dreg:$0x1] =	wrdreg $0xFFFFFFFF  }
0xad: {  	[dreg:$0x0] =	wrdreg $0x60  }
0xae: {  	[dreg:$0x2] =	wrdreg s24  }
0xaf: {  	[dreg:$0x3] =	wrdreg $0x68000  }
0xb0: {  	[dreg:$0x4] =	wrdreg $0x9  }
0xb1: {  	_ =	task.clear_ibuf [dreg:s6], $0x5FFFF;
	_ =	strace $0x90000046  }
0xb2: {  	s29 =	simm.s32 $0x9;
	_ =	strace $0x80000048  }
0xb3: {  	_ =	swait.ge [sflag:s29], $0x1  }
0xb4: {  	[sflag:s29] =	ssyncadd.s32 $0xFFFFFFFF  }
0xb5: {  	_ =	strace $0x90000048  }
0xb6: {  	_ =	sfence  }
0xb7: {  	s30 =	sld [smem:$0x0];
	_ =	sdelay $0x2  }
0xb8: {  	s31 =	sshll.u32 s1, $0xD;
	s1 =	sshrl.u32 s1, $0x2  }
0xb9: {  	s3 =	sand.u32 $0x4000, s31;
	s1 =	sadd.s32 s1, s30  }
0xba: {  	s0 =	sor.u32 s3, s0;
	s1 =	sshll.u32 s1, $0x11  }
0xbb: {  	s0 =	sor.u32 s1, s0  }
0xbc: {  	s0 =	sadd.s32 $0x8F2B, s0  }
0xbd: {  	[sflag:s0] =	ssyncadd.remote.s32 $0x1  }
0xbe: {  	_ =	sfence.sel $0xFFFF  }
0xbf: {  	[dreg:$0x0] =	wrdreg $0xFFFFFFFF;
	(pc) =	sbr.abs _section_cstart, $3  }
0xc0: {  	[dreg:$0x1] =	wrdreg $0xFFFFFFFF  }
0xc1: {  	_ =	task.clear_ibuf [dreg:s6], $0x2FFFF;
	_ =	strace $0x9FFFFFFF  }
0xc2: {  	(tm) =	ssettm $0x7FFFFFFF  }
0xc3: {  	_ =	shalt  }
tec
execute0_lowered:
.L_overlay_start_1:
0x0: {  	(tag) =	ssettag $0x1  }
0x1: {  	s5 =	rddreg [dreg:$0x0]  }
0x2: {  	s0 =	srdreg.scid;
	s2 =	rddreg [dreg:$0x1]  }
0x3: {  	s3 =	simm.s32 $0x0;
	s14 =	simm.s32 $0x80;
	s15 =	simm.s32 $0x1  }
0x4: {  	s16 =	simm.s32 $0x0;
	s4 =	sand.u32 $0x1, s0;
	s0 =	stileid.u32  }
0x5: {  	[smem:$0x7FF] =	sst s3;
	s12 =	sadd.s32 $0xF600, s5;
	s7 =	smul.u32 $0x4E000, s0  }
0x6: {  	s13 =	sadd.s32 $0x138000, s2;
	s1 =	sshll.u32 s4, $0x4;
	s9 =	smul.u32 $0x138800, s4  }
0x7: {  	s8 =	ssub.s32 $0x2, s4;
	s4 =	sadd.s32 $0xCE00, s5;
	s11 =	smul.u32 $0x13800, s0  }
0x8: {  	s31 =	sshll.u32 s0, $0x6;
	p0 =	sne.s32 s0, $0xF;
	s6 =	sor.u32 s0, s1  }
0x9: {  	s1 =	rddreg [dreg:$0x2];
	_ =	strace $0x80000047;
	s10 =	sshrl.u32 s8, $0x1  }
0xa: {  	s6 =	smul.u32 $0x500, s6;
	s8 =	ssub.s32 s8, s10;
	s25 =	sshrl.u32 s7, $0x2  }
0xb: {  	s26 =	sadd.s32 s11, s9;
	s30 =	sshrl.u32 s9, $0x3;
	s9 =	simm.s32 $0x2  }
0xc: {  	s10 =	sor.u32 $0x1C02, s31;
	s28 =	sadd.s32 s25, s2;
	s29 =	sshrl.u32 s26, $0x3  }
0xd: {  	s7 =	sadd.s32 s12, s30;
	s8 =	smax.u32 s8, $0x1;
	s6 =	sadd.s32 s6, s5  }
0xe: {  	s7 =	sadd.s32 $0x27000, s7;
	s11 =	sshrl.u32 s28, $0x3;
	s5 =	sadd.s32 $0x2E00, s6  }
0xf: {  	s6 =	sadd.s32 s12, s29;
	s12 =	sshrl.u32 @!p0 s13, $0x3;
	s13 =	simm.s32 $0x2800  }
.LBB2_1:
0x10: {  	[tilespmem:s3], [sflag:$0x2] =	stream.linear.gather [hbm4b:s5+s3], $0x2800, $0x38;
	[tilespmem:$0x8F20] =	vst v63  }
0x11: {  	_ =	swait.ge [sflag:s9], $0x2800  }
0x12: {  	[sflag:s9] =	ssyncset.done $0x0  }
0x13: {  	[sflag:s9] =	ssyncadd.s32 $0xFFFFD800  }
0x14: {  	[spmem:s11], [sflag:s10] =	dma.local [hbm:s4], $0x2700  }
0x15: {  	_ =	swait.ge [sflag:s9], $0x2700  }
0x16: {  	[sflag:s9] =	ssyncset.done $0x0  }
0x17: {  	s17 =	simm.s32 @!p0 $0x2;
	[sflag:s9] =	ssyncadd.s32 $0xFFFFD900  }
0x18: {  	[spmem:s12], [sflag:s10] =	dma.local @!p0 [hbm:s4], $0x100  }
0x19: {  	_ =	swait.ge @!p0 [sflag:s17], $0x100  }
0x1a: {  	[sflag:s17] =	ssyncset.done @!p0 $0x0  }
0x1b: {  	[sflag:s17] =	ssyncadd.s32 @!p0 $0xFFFFFF00  }
0x1c: {  	[tilespmem:s13], [sflag:$0x2] =	stream.linear.gather [hbm4b:s4+s3], $0x4000, $0x38;
	[tilespmem:$0x8F20] =	vst v63  }
0x1d: {  	_ =	swait.ge [sflag:s9], $0x4000  }
0x1e: {  	[sflag:s9] =	ssyncset.done $0x0  }
0x1f: {  	[sflag:s9] =	ssyncadd.s32 $0xFFFFC000  }
0x20: {  	s29 =	simm.s32 $0x0;
	[bflag:$0x0] =	sbarrier.arrive $0xFFFF  }
0x21: {  	[spmem:s2] =	stream.indirect.scatter.add.f32 [tilespmem:s13], [sflag:$0x1], $0x10, s29, s14, $0xb8;
	[tilespmem:$0x8F20] =	vst v63  }
0x22: {  	s30 =	simm.s32 $0x80  }
0x23: {  	[spmem:s2] =	stream.indirect.scatter.add.f32 [tilespmem:s13], [sflag:$0x1], $0x10, s30, s14, $0xb8;
	[tilespmem:$0x8F20] =	vst v63  }
0x24: {  	s31 =	simm.s32 $0x100  }
0x25: {  	[spmem:s2] =	stream.indirect.scatter.add.f32 [tilespmem:s13], [sflag:$0x1], $0x10, s31, s14, $0xb8;
	[tilespmem:$0x8F20] =	vst v63  }
0x26: {  	s18 =	simm.s32 $0x180  }
0x27: {  	[spmem:s2] =	stream.indirect.scatter.add.f32 [tilespmem:s13], [sflag:$0x1], $0x10, s18, s14, $0xb8;
	[tilespmem:$0x8F20] =	vst v63  }
0x28: {  	s19 =	simm.s32 $0x200  }
0x29: {  	[spmem:s2] =	stream.indirect.scatter.add.f32 [tilespmem:s13], [sflag:$0x1], $0x10, s19, s14, $0xb8;
	[tilespmem:$0x8F20] =	vst v63  }
0x2a: {  	s20 =	simm.s32 $0x280  }
0x2b: {  	[spmem:s2] =	stream.indirect.scatter.add.f32 [tilespmem:s13], [sflag:$0x1], $0x10, s20, s14, $0xb8;
	[tilespmem:$0x8F20] =	vst v63  }
0x2c: {  	s21 =	simm.s32 $0x300  }
0x2d: {  	[spmem:s2] =	stream.indirect.scatter.add.f32 [tilespmem:s13], [sflag:$0x1], $0x10, s21, s14, $0xb8;
	[tilespmem:$0x8F20] =	vst v63  }
0x2e: {  	s22 =	simm.s32 $0x380  }
0x2f: {  	[spmem:s2] =	stream.indirect.scatter.add.f32 [tilespmem:s13], [sflag:$0x1], $0x10, s22, s14, $0xb8;
	[tilespmem:$0x8F20] =	vst v63  }
0x30: {  	s23 =	simm.s32 $0x400  }
0x31: {  	[spmem:s2] =	stream.indirect.scatter.add.f32 [tilespmem:s13], [sflag:$0x1], $0x10, s23, s14, $0xb8;
	[tilespmem:$0x8F20] =	vst v63  }
0x32: {  	s24 =	simm.s32 $0x480  }
0x33: {  	[spmem:s2] =	stream.indirect.scatter.add.f32 [tilespmem:s13], [sflag:$0x1], $0x10, s24, s14, $0xb8;
	[tilespmem:$0x8F20] =	vst v63  }
0x34: {  	s25 =	simm.s32 $0x500  }
0x35: {  	[spmem:s2] =	stream.indirect.scatter.add.f32 [tilespmem:s13], [sflag:$0x1], $0x10, s25, s14, $0xb8;
	[tilespmem:$0x8F20] =	vst v63  }
0x36: {  	s26 =	simm.s32 $0x580  }
0x37: {  	[spmem:s2] =	stream.indirect.scatter.add.f32 [tilespmem:s13], [sflag:$0x1], $0x10, s26, s14, $0xb8;
	[tilespmem:$0x8F20] =	vst v63  }
0x38: {  	s28 =	simm.s32 $0x600  }
0x39: {  	[spmem:s2] =	stream.indirect.scatter.add.f32 [tilespmem:s13], [sflag:$0x1], $0x10, s28, s14, $0xb8;
	[tilespmem:$0x8F20] =	vst v63  }
0x3a: {  	s29 =	simm.s32 $0x680  }
0x3b: {  	[spmem:s2] =	stream.indirect.scatter.add.f32 [tilespmem:s13], [sflag:$0x1], $0x10, s29, s14, $0xb8;
	[tilespmem:$0x8F20] =	vst v63  }
0x3c: {  	s30 =	simm.s32 $0x700  }
0x3d: {  	[spmem:s2] =	stream.indirect.scatter.add.f32 [tilespmem:s13], [sflag:$0x1], $0x10, s30, s14, $0xb8;
	[tilespmem:$0x8F20] =	vst v63  }
0x3e: {  	s31 =	simm.s32 $0x780  }
0x3f: {  	[spmem:s2] =	stream.indirect.scatter.add.f32 [tilespmem:s13], [sflag:$0x1], $0x10, s31, s14, $0xb8;
	[tilespmem:$0x8F20] =	vst v63  }
0x40: {  	_ =	swait.ge [sflag:s15], $0x800  }
0x41: {  	[sflag:s15] =	ssyncset.done $0x0  }
0x42: {  	[sflag:s15] =	ssyncadd.s32 $0xFFFFF800  }
0x43: {  	_ =	swait.ge [sflag:s15], $0x800  }
0x44: {  	[sflag:s15] =	ssyncset.done $0x0  }
0x45: {  	[sflag:s15] =	ssyncadd.s32 $0xFFFFF800  }
0x46: {  	_ =	swait.ge [sflag:s15], $0x800  }
0x47: {  	[sflag:s15] =	ssyncset.done $0x0  }
0x48: {  	[sflag:s15] =	ssyncadd.s32 $0xFFFFF800  }
0x49: {  	_ =	swait.ge [sflag:s15], $0x800  }
0x4a: {  	[sflag:s15] =	ssyncset.done $0x0  }
0x4b: {  	[sflag:s15] =	ssyncadd.s32 $0xFFFFF800  }
0x4c: {  	_ =	swait.ge [sflag:s15], $0x800  }
0x4d: {  	[sflag:s15] =	ssyncset.done $0x0  }
0x4e: {  	[sflag:s15] =	ssyncadd.s32 $0xFFFFF800  }
0x4f: {  	_ =	swait.ge [sflag:s15], $0x800  }
0x50: {  	[sflag:s15] =	ssyncset.done $0x0  }
0x51: {  	[sflag:s15] =	ssyncadd.s32 $0xFFFFF800  }
0x52: {  	_ =	swait.ge [sflag:s15], $0x800  }
0x53: {  	[sflag:s15] =	ssyncset.done $0x0  }
0x54: {  	[sflag:s15] =	ssyncadd.s32 $0xFFFFF800  }
0x55: {  	_ =	swait.ge [sflag:s15], $0x800  }
0x56: {  	[sflag:s15] =	ssyncset.done $0x0  }
0x57: {  	[sflag:s15] =	ssyncadd.s32 $0xFFFFF800  }
0x58: {  	_ =	swait.ge [sflag:s15], $0x800  }
0x59: {  	[sflag:s15] =	ssyncset.done $0x0  }
0x5a: {  	[sflag:s15] =	ssyncadd.s32 $0xFFFFF800  }
0x5b: {  	_ =	swait.ge [sflag:s15], $0x800  }
0x5c: {  	[sflag:s15] =	ssyncset.done $0x0  }
0x5d: {  	[sflag:s15] =	ssyncadd.s32 $0xFFFFF800  }
0x5e: {  	_ =	swait.ge [sflag:s15], $0x800  }
0x5f: {  	[sflag:s15] =	ssyncset.done $0x0  }
0x60: {  	[sflag:s15] =	ssyncadd.s32 $0xFFFFF800  }
0x61: {  	_ =	swait.ge [sflag:s15], $0x800  }
0x62: {  	[sflag:s15] =	ssyncset.done $0x0  }
0x63: {  	[sflag:s15] =	ssyncadd.s32 $0xFFFFF800  }
0x64: {  	_ =	swait.ge [sflag:s15], $0x800  }
0x65: {  	[sflag:s15] =	ssyncset.done $0x0  }
0x66: {  	[sflag:s15] =	ssyncadd.s32 $0xFFFFF800  }
0x67: {  	_ =	swait.ge [sflag:s15], $0x800  }
0x68: {  	[sflag:s15] =	ssyncset.done $0x0  }
0x69: {  	[sflag:s15] =	ssyncadd.s32 $0xFFFFF800  }
0x6a: {  	_ =	swait.ge [sflag:s15], $0x800  }
0x6b: {  	[sflag:s15] =	ssyncset.done $0x0  }
0x6c: {  	[sflag:s15] =	ssyncadd.s32 $0xFFFFF800  }
0x6d: {  	_ =	swait.ge [sflag:s15], $0x800  }
0x6e: {  	s17 =	simm.s32 $0x2000;
	s20 =	simm.s32 $0x4000;
	[sflag:s15] =	ssyncset.done $0x0  }
.LBB2_2:
0x6f: {  	s19 =	sshra.s32 s17, $0x2  }
0x70: {  	[sflag:s15] =	ssyncadd.s32 $0xFFFFF800;
	s17 =	smov.u32 s20;
	s18 =	sadd.s32 $0x2000, s20  }
0x71: {  	[spmem:s2] =	stream.indirect.scatter.add.f32 [tilespmem:s13], [sflag:$0x1], $0x10, s19, s14, $0xb8;
	[tilespmem:$0x8F20] =	vst v63  }
0x72: {  	p1 =	sne.s32 s20, $0x8000;
	s20 =	sadd.s32 $0x80, s19  }
0x73: {  	[spmem:s2] =	stream.indirect.scatter.add.f32 [tilespmem:s13], [sflag:$0x1], $0x10, s20, s14, $0xb8;
	[tilespmem:$0x8F20] =	vst v63  }
0x74: {  	s20 =	sadd.s32 $0x100, s19  }
0x75: {  	[spmem:s2] =	stream.indirect.scatter.add.f32 [tilespmem:s13], [sflag:$0x1], $0x10, s20, s14, $0xb8;
	[tilespmem:$0x8F20] =	vst v63  }
0x76: {  	s20 =	sadd.s32 $0x180, s19  }
0x77: {  	[spmem:s2] =	stream.indirect.scatter.add.f32 [tilespmem:s13], [sflag:$0x1], $0x10, s20, s14, $0xb8;
	[tilespmem:$0x8F20] =	vst v63  }
0x78: {  	s20 =	sadd.s32 $0x200, s19  }
0x79: {  	[spmem:s2] =	stream.indirect.scatter.add.f32 [tilespmem:s13], [sflag:$0x1], $0x10, s20, s14, $0xb8;
	[tilespmem:$0x8F20] =	vst v63  }
0x7a: {  	s20 =	sadd.s32 $0x280, s19  }
0x7b: {  	[spmem:s2] =	stream.indirect.scatter.add.f32 [tilespmem:s13], [sflag:$0x1], $0x10, s20, s14, $0xb8;
	[tilespmem:$0x8F20] =	vst v63  }
0x7c: {  	s20 =	sadd.s32 $0x300, s19  }
0x7d: {  	[spmem:s2] =	stream.indirect.scatter.add.f32 [tilespmem:s13], [sflag:$0x1], $0x10, s20, s14, $0xb8;
	[tilespmem:$0x8F20] =	vst v63  }
0x7e: {  	s20 =	sadd.s32 $0x380, s19  }
0x7f: {  	[spmem:s2] =	stream.indirect.scatter.add.f32 [tilespmem:s13], [sflag:$0x1], $0x10, s20, s14, $0xb8;
	[tilespmem:$0x8F20] =	vst v63  }
0x80: {  	s20 =	sadd.s32 $0x400, s19  }
0x81: {  	[spmem:s2] =	stream.indirect.scatter.add.f32 [tilespmem:s13], [sflag:$0x1], $0x10, s20, s14, $0xb8;
	[tilespmem:$0x8F20] =	vst v63  }
0x82: {  	s20 =	sadd.s32 $0x480, s19  }
0x83: {  	[spmem:s2] =	stream.indirect.scatter.add.f32 [tilespmem:s13], [sflag:$0x1], $0x10, s20, s14, $0xb8;
	[tilespmem:$0x8F20] =	vst v63  }
0x84: {  	s20 =	sadd.s32 $0x500, s19  }
0x85: {  	[spmem:s2] =	stream.indirect.scatter.add.f32 [tilespmem:s13], [sflag:$0x1], $0x10, s20, s14, $0xb8;
	[tilespmem:$0x8F20] =	vst v63  }
0x86: {  	s20 =	sadd.s32 $0x580, s19  }
0x87: {  	[spmem:s2] =	stream.indirect.scatter.add.f32 [tilespmem:s13], [sflag:$0x1], $0x10, s20, s14, $0xb8;
	[tilespmem:$0x8F20] =	vst v63  }
0x88: {  	s20 =	sadd.s32 $0x600, s19  }
0x89: {  	[spmem:s2] =	stream.indirect.scatter.add.f32 [tilespmem:s13], [sflag:$0x1], $0x10, s20, s14, $0xb8;
	[tilespmem:$0x8F20] =	vst v63  }
0x8a: {  	s20 =	sadd.s32 $0x680, s19  }
0x8b: {  	[spmem:s2] =	stream.indirect.scatter.add.f32 [tilespmem:s13], [sflag:$0x1], $0x10, s20, s14, $0xb8;
	[tilespmem:$0x8F20] =	vst v63  }
0x8c: {  	s20 =	sadd.s32 $0x700, s19  }
0x8d: {  	[spmem:s2] =	stream.indirect.scatter.add.f32 [tilespmem:s13], [sflag:$0x1], $0x10, s20, s14, $0xb8;
	[tilespmem:$0x8F20] =	vst v63  }
0x8e: {  	s19 =	sadd.s32 $0x780, s19  }
0x8f: {  	[spmem:s2] =	stream.indirect.scatter.add.f32 [tilespmem:s13], [sflag:$0x1], $0x10, s19, s14, $0xb8;
	[tilespmem:$0x8F20] =	vst v63  }
0x90: {  	_ =	swait.ge [sflag:s15], $0x800  }
0x91: {  	[sflag:s15] =	ssyncset.done $0x0  }
0x92: {  	[sflag:s15] =	ssyncadd.s32 $0xFFFFF800  }
0x93: {  	_ =	swait.ge [sflag:s15], $0x800  }
0x94: {  	[sflag:s15] =	ssyncset.done $0x0  }
0x95: {  	[sflag:s15] =	ssyncadd.s32 $0xFFFFF800  }
0x96: {  	_ =	swait.ge [sflag:s15], $0x800  }
0x97: {  	[sflag:s15] =	ssyncset.done $0x0  }
0x98: {  	[sflag:s15] =	ssyncadd.s32 $0xFFFFF800  }
0x99: {  	_ =	swait.ge [sflag:s15], $0x800  }
0x9a: {  	[sflag:s15] =	ssyncset.done $0x0  }
0x9b: {  	[sflag:s15] =	ssyncadd.s32 $0xFFFFF800  }
0x9c: {  	_ =	swait.ge [sflag:s15], $0x800  }
0x9d: {  	[sflag:s15] =	ssyncset.done $0x0  }
0x9e: {  	[sflag:s15] =	ssyncadd.s32 $0xFFFFF800  }
0x9f: {  	_ =	swait.ge [sflag:s15], $0x800  }
0xa0: {  	[sflag:s15] =	ssyncset.done $0x0  }
0xa1: {  	[sflag:s15] =	ssyncadd.s32 $0xFFFFF800  }
0xa2: {  	_ =	swait.ge [sflag:s15], $0x800  }
0xa3: {  	[sflag:s15] =	ssyncset.done $0x0  }
0xa4: {  	[sflag:s15] =	ssyncadd.s32 $0xFFFFF800  }
0xa5: {  	_ =	swait.ge [sflag:s15], $0x800  }
0xa6: {  	[sflag:s15] =	ssyncset.done $0x0  }
0xa7: {  	[sflag:s15] =	ssyncadd.s32 $0xFFFFF800  }
0xa8: {  	_ =	swait.ge [sflag:s15], $0x800  }
0xa9: {  	[sflag:s15] =	ssyncset.done $0x0  }
0xaa: {  	[sflag:s15] =	ssyncadd.s32 $0xFFFFF800  }
0xab: {  	_ =	swait.ge [sflag:s15], $0x800  }
0xac: {  	[sflag:s15] =	ssyncset.done $0x0  }
0xad: {  	[sflag:s15] =	ssyncadd.s32 $0xFFFFF800  }
0xae: {  	_ =	swait.ge [sflag:s15], $0x800  }
0xaf: {  	[sflag:s15] =	ssyncset.done $0x0  }
0xb0: {  	[sflag:s15] =	ssyncadd.s32 $0xFFFFF800  }
0xb1: {  	_ =	swait.ge [sflag:s15], $0x800  }
0xb2: {  	[sflag:s15] =	ssyncset.done $0x0  }
0xb3: {  	[sflag:s15] =	ssyncadd.s32 $0xFFFFF800  }
0xb4: {  	_ =	swait.ge [sflag:s15], $0x800  }
0xb5: {  	[sflag:s15] =	ssyncset.done $0x0  }
0xb6: {  	[sflag:s15] =	ssyncadd.s32 $0xFFFFF800  }
0xb7: {  	_ =	swait.ge [sflag:s15], $0x800  }
0xb8: {  	[sflag:s15] =	ssyncset.done $0x0  }
0xb9: {  	[sflag:s15] =	ssyncadd.s32 $0xFFFFF800  }
.Ltmp0:
0xba: {  	_ =	swait.ge [sflag:s15], $0x800;
	(pc) =	sbr.rel @p1 .LBB2_2-.Ltmp0, $4  }
0xbb: {  	[sflag:s15] =	ssyncset.done $0x0  }
0xbc: {  	[sflag:s15] =	ssyncadd.s32 $0xFFFFF800  }
0xbd: {  	_ =	swait.ge [sflag:s15], $0x800  }
0xbe: {  	s20 =	smov.u32 s18;
	[sflag:s15] =	ssyncset.done $0x0  }
0xbf: {  	s17 =	sshra.s32 s17, $0x2;
	[sflag:s15] =	ssyncadd.s32 $0xFFFFF800  }
0xc0: {  	[spmem:s2] =	stream.indirect.scatter.add.f32 [tilespmem:s13], [sflag:$0x1], $0x10, s17, s14, $0xb8;
	[tilespmem:$0x8F20] =	vst v63  }
0xc1: {  	s18 =	sadd.s32 $0x80, s17  }
0xc2: {  	[spmem:s2] =	stream.indirect.scatter.add.f32 [tilespmem:s13], [sflag:$0x1], $0x10, s18, s14, $0xb8;
	[tilespmem:$0x8F20] =	vst v63  }
0xc3: {  	s31 =	sadd.s32 $0x100, s17  }
0xc4: {  	[spmem:s2] =	stream.indirect.scatter.add.f32 [tilespmem:s13], [sflag:$0x1], $0x10, s31, s14, $0xb8;
	[tilespmem:$0x8F20] =	vst v63  }
0xc5: {  	s19 =	sadd.s32 $0x180, s17  }
0xc6: {  	[spmem:s2] =	stream.indirect.scatter.add.f32 [tilespmem:s13], [sflag:$0x1], $0x10, s19, s14, $0xb8;
	[tilespmem:$0x8F20] =	vst v63  }
0xc7: {  	s20 =	sadd.s32 $0x200, s17  }
0xc8: {  	[spmem:s2] =	stream.indirect.scatter.add.f32 [tilespmem:s13], [sflag:$0x1], $0x10, s20, s14, $0xb8;
	[tilespmem:$0x8F20] =	vst v63  }
0xc9: {  	s21 =	sadd.s32 $0x280, s17  }
0xca: {  	[spmem:s2] =	stream.indirect.scatter.add.f32 [tilespmem:s13], [sflag:$0x1], $0x10, s21, s14, $0xb8;
	[tilespmem:$0x8F20] =	vst v63  }
0xcb: {  	s22 =	sadd.s32 $0x300, s17  }
0xcc: {  	[spmem:s2] =	stream.indirect.scatter.add.f32 [tilespmem:s13], [sflag:$0x1], $0x10, s22, s14, $0xb8;
	[tilespmem:$0x8F20] =	vst v63  }
0xcd: {  	s23 =	sadd.s32 $0x380, s17  }
0xce: {  	[spmem:s2] =	stream.indirect.scatter.add.f32 [tilespmem:s13], [sflag:$0x1], $0x10, s23, s14, $0xb8;
	[tilespmem:$0x8F20] =	vst v63  }
0xcf: {  	s24 =	sadd.s32 $0x400, s17  }
0xd0: {  	[spmem:s2] =	stream.indirect.scatter.add.f32 [tilespmem:s13], [sflag:$0x1], $0x10, s24, s14, $0xb8;
	[tilespmem:$0x8F20] =	vst v63  }
0xd1: {  	s25 =	sadd.s32 $0x480, s17  }
0xd2: {  	[spmem:s2] =	stream.indirect.scatter.add.f32 [tilespmem:s13], [sflag:$0x1], $0x10, s25, s14, $0xb8;
	[tilespmem:$0x8F20] =	vst v63  }
0xd3: {  	s26 =	sadd.s32 $0x500, s17  }
0xd4: {  	[spmem:s2] =	stream.indirect.scatter.add.f32 [tilespmem:s13], [sflag:$0x1], $0x10, s26, s14, $0xb8;
	[tilespmem:$0x8F20] =	vst v63  }
0xd5: {  	s28 =	sadd.s32 $0x580, s17  }
0xd6: {  	[spmem:s2] =	stream.indirect.scatter.add.f32 [tilespmem:s13], [sflag:$0x1], $0x10, s28, s14, $0xb8;
	[tilespmem:$0x8F20] =	vst v63  }
0xd7: {  	s29 =	sadd.s32 $0x600, s17  }
0xd8: {  	[spmem:s2] =	stream.indirect.scatter.add.f32 [tilespmem:s13], [sflag:$0x1], $0x10, s29, s14, $0xb8;
	[tilespmem:$0x8F20] =	vst v63  }
0xd9: {  	s30 =	sadd.s32 $0x680, s17  }
0xda: {  	[spmem:s2] =	stream.indirect.scatter.add.f32 [tilespmem:s13], [sflag:$0x1], $0x10, s30, s14, $0xb8;
	[tilespmem:$0x8F20] =	vst v63  }
0xdb: {  	s31 =	sadd.s32 $0x700, s17  }
0xdc: {  	[spmem:s2] =	stream.indirect.scatter.add.f32 [tilespmem:s13], [sflag:$0x1], $0x10, s31, s14, $0xb8;
	[tilespmem:$0x8F20] =	vst v63  }
0xdd: {  	s17 =	sadd.s32 $0x780, s17  }
0xde: {  	[spmem:s2] =	stream.indirect.scatter.add.f32 [tilespmem:s13], [sflag:$0x1], $0x10, s17, s14, $0xb8;
	[tilespmem:$0x8F20] =	vst v63  }
0xdf: {  	_ =	swait.ge [sflag:s15], $0x800  }
0xe0: {  	[sflag:s15] =	ssyncset.done $0x0  }
0xe1: {  	[sflag:s15] =	ssyncadd.s32 $0xFFFFF800  }
0xe2: {  	_ =	swait.ge [sflag:s15], $0x800  }
0xe3: {  	[sflag:s15] =	ssyncset.done $0x0  }
0xe4: {  	[sflag:s15] =	ssyncadd.s32 $0xFFFFF800  }
0xe5: {  	_ =	swait.ge [sflag:s15], $0x800  }
0xe6: {  	[sflag:s15] =	ssyncset.done $0x0  }
0xe7: {  	[sflag:s15] =	ssyncadd.s32 $0xFFFFF800  }
0xe8: {  	_ =	swait.ge [sflag:s15], $0x800  }
0xe9: {  	[sflag:s15] =	ssyncset.done $0x0  }
0xea: {  	[sflag:s15] =	ssyncadd.s32 $0xFFFFF800  }
0xeb: {  	_ =	swait.ge [sflag:s15], $0x800  }
0xec: {  	[sflag:s15] =	ssyncset.done $0x0  }
0xed: {  	[sflag:s15] =	ssyncadd.s32 $0xFFFFF800  }
0xee: {  	_ =	swait.ge [sflag:s15], $0x800  }
0xef: {  	[sflag:s15] =	ssyncset.done $0x0  }
0xf0: {  	[sflag:s15] =	ssyncadd.s32 $0xFFFFF800  }
0xf1: {  	_ =	swait.ge [sflag:s15], $0x800  }
0xf2: {  	[sflag:s15] =	ssyncset.done $0x0  }
0xf3: {  	[sflag:s15] =	ssyncadd.s32 $0xFFFFF800  }
0xf4: {  	_ =	swait.ge [sflag:s15], $0x800  }
0xf5: {  	[sflag:s15] =	ssyncset.done $0x0  }
0xf6: {  	[sflag:s15] =	ssyncadd.s32 $0xFFFFF800  }
0xf7: {  	_ =	swait.ge [sflag:s15], $0x800  }
0xf8: {  	[sflag:s15] =	ssyncset.done $0x0  }
0xf9: {  	[sflag:s15] =	ssyncadd.s32 $0xFFFFF800  }
0xfa: {  	_ =	swait.ge [sflag:s15], $0x800  }
0xfb: {  	[sflag:s15] =	ssyncset.done $0x0  }
0xfc: {  	[sflag:s15] =	ssyncadd.s32 $0xFFFFF800  }
0xfd: {  	_ =	swait.ge [sflag:s15], $0x800  }
0xfe: {  	[sflag:s15] =	ssyncset.done $0x0  }
0xff: {  	[sflag:s15] =	ssyncadd.s32 $0xFFFFF800  }
0x100: {  	_ =	swait.ge [sflag:s15], $0x800  }
0x101: {  	[sflag:s15] =	ssyncset.done $0x0  }
0x102: {  	[sflag:s15] =	ssyncadd.s32 $0xFFFFF800  }
0x103: {  	_ =	swait.ge [sflag:s15], $0x800  }
0x104: {  	[sflag:s15] =	ssyncset.done $0x0  }
0x105: {  	[sflag:s15] =	ssyncadd.s32 $0xFFFFF800  }
0x106: {  	_ =	swait.ge [sflag:s15], $0x800  }
0x107: {  	[sflag:s15] =	ssyncset.done $0x0  }
0x108: {  	[sflag:s15] =	ssyncadd.s32 $0xFFFFF800  }
0x109: {  	_ =	swait.ge [sflag:s15], $0x800  }
0x10a: {  	[sflag:s15] =	ssyncset.done $0x0  }
0x10b: {  	[sflag:s15] =	ssyncadd.s32 $0xFFFFF800  }
0x10c: {  	_ =	swait.ge [sflag:s15], $0x800  }
0x10d: {  	[sflag:s15] =	ssyncset.done $0x0  }
0x10e: {  	[sflag:s15] =	ssyncadd.s32 $0xFFFFF800  }
0x10f: {  	[bflag:$0x0] =	sbarrier.arrive $0xFFFF  }
0x110: {  	[hbm:s6], [sflag:s10] =	dma.local [spmem:s11], $0x2700  }
0x111: {  	s16 =	sadd.s32 $0x1, s16;
	_ =	swait.ge [sflag:s9], $0x2700  }
0x112: {  	p1 =	sne.s32 s16, s8;
	[sflag:s9] =	ssyncset.done $0x0  }
.Ltmp1:
0x113: {  	s17 =	simm.s32 @!p0 $0x2;
	[sflag:s9] =	ssyncadd.s32 $0xFFFFD900;
	(pc) =	sbr.rel @p1 .LBB2_1-.Ltmp1, $4  }
0x114: {  	[hbm:s7], [sflag:s10] =	dma.local @!p0 [spmem:s12], $0x100  }
0x115: {  	_ =	swait.ge @!p0 [sflag:s17], $0x100  }
0x116: {  	[sflag:s17] =	ssyncset.done @!p0 $0x0  }
0x117: {  	[sflag:s17] =	ssyncadd.s32 @!p0 $0xFFFFFF00  }
0x118: {  	_ =	sfence.sel $0x180000  }
0x119: {  	[bflag:$0x0] =	sbarrier.arrive $0xFFFF  }
0x11a: {  	p0 =	sne.s32 s0, $0x0;
	_ =	strace $0x90000047  }
0x11b: {  	s0 =	sadd.s32 @!p0 $0x100000, s1;
	[bflag:$0x2] =	sbarrier.arrive $0xFFFF  }
0x11c: {  	[sflag:s0] =	ssyncadd.tile.s32 @!p0 $0x1;
	_ =	shalt  }
.Lfunc_end2:
_tile_overlayer_lowered:
.L_overlay_start_2:
0x11d: {  	(tag) =	ssettag $0x2  }
0x11e: {  	s0 =	rddreg [dreg:$0x0];
	s2 =	stileid.u32  }
0x11f: {  	s1 =	rddreg [dreg:$0x1];
	p0 =	sne.s32 s2, $0x0  }
0x120: {  	s3 =	rddreg [dreg:$0x2];
	[bflag:$0x3] =	sbarrier.arrive $0xFFFF;
	s2 =	simm.s32 @!p0 $0x1C02  }
0x121: {  	[timem:s3], [sflag:s2] =	dma.local @!p0 [hbm:s0], s1  }
0x122: {  	s0 =	simm.s32 @!p0 $0x2  }
0x123: {  	_ =	swait.ge @!p0 [sflag:s0], s1  }
0x124: {  	s1 =	ssub.s32 @!p0 $0x0, s1;
	[sflag:s0] =	ssyncset.done @!p0 $0x0  }
0x125: {  	[sflag:s0] =	ssyncadd.s32 @!p0 s1  }
0x126: {  	[bflag:$0x3] =	sbarrier.arrive $0xFFFF  }
0x127: {  	_ =	shalt  }

</sc_bundles>
